<compile_context>
chip_gen: v7x
topology: tpu7x:2x2x1
jax: 0.10.2.dev20260603
libtpu: 0.0.44.dev20260713+nightly
codegen_flags: <defaults>
</compile_context>

<pallas_src>
import functools

import jax
import jax.numpy as jnp
from jax import lax
from jax.experimental import pallas as pl
from jax.experimental.pallas import tpu as pltpu
from jax.experimental.pallas import tpu_sc as plsc

_NC = 2
_NS = 16


def _make_segsum(N, NP, E, w, K, NBUF):
    NW = _NC * _NS
    EPW = E // NW
    C = EPW // K
    assert EPW * NW == E and C * K == EPW and K % 8 == 0 and C >= NBUF
    RPT = NP // _NS
    assert RPT * _NS == NP and RPT % 8 == 0
    mesh = plsc.VectorSubcoreMesh(core_axis_name="c", subcore_axis_name="s")

    @functools.partial(
        pl.kernel,
        out_type=jax.ShapeDtypeStruct((NP, 128), jnp.float32),
        mesh=mesh,
        compiler_params=pltpu.CompilerParams(use_tc_tiling_on_sc=False),
        scratch_types=[
            pltpu.VMEM((C, K), jnp.int32),
            pltpu.VMEM((C, K), jnp.int32),
            pltpu.VMEM((NBUF, K, w), jnp.float32),
            pltpu.VMEM_SHARED((NP, w), jnp.float32),
        ] + [pltpu.SemaphoreType.DMA] * (2 * NBUF),
    )
    def segsum(table, src_idx, dst_idx, zeros, out, src_v, dst_v, rows_v,
               acc_sh, *sems):
        gsem = sems[:NBUF]
        ssem = sems[NBUF:]
        c = lax.axis_index("c")
        s = lax.axis_index("s")
        wid = c * _NS + s
        r0 = s * RPT
        zc = pltpu.async_copy(zeros.at[pl.ds(0, RPT), pl.ds(0, w)],
                              acc_sh.at[pl.ds(r0, RPT)], ssem[0])
        sc0 = pltpu.async_copy(src_idx.at[wid], src_v, gsem[0])
        dc0 = pltpu.async_copy(dst_idx.at[wid], dst_v, gsem[1])
        sc0.wait()
        dc0.wait()

        def gstart(b, i):
            pltpu.async_copy(table.at[src_v.at[i]], rows_v.at[b], gsem[b])

        def swait(b, i):
            pltpu.make_async_copy(rows_v.at[b], acc_sh.at[dst_v.at[i]],
                                  ssem[b]).wait()

        def step(b, i):
            pltpu.make_async_copy(table.at[src_v.at[i]], rows_v.at[b],
                                  gsem[b]).wait()
            pltpu.async_copy(rows_v.at[b], acc_sh.at[dst_v.at[i]],
                             ssem[b], add=True)
            nb = (b + 2) % NBUF

            @pl.when(i + 2 < C)
            def _():
                @pl.when(i >= NBUF - 2)
                def _():
                    swait(nb, i)

                gstart(nb, i + 2)

        gstart(0, 0)
        gstart(1, 1)
        zc.wait()
        plsc.subcore_barrier()

        @pl.loop(0, C // NBUF)
        def _grp(j):
            i0 = NBUF * j
            for t in range(NBUF):
                step(t, i0 + t)

        for t in range(C % NBUF):
            step(t, C - (C % NBUF) + t)

        for b in range(NBUF):
            swait(b, 0)

        plsc.subcore_barrier()
        pltpu.sync_copy(acc_sh.at[pl.ds(r0, RPT)],
                        out.at[pl.ds(r0, RPT), pl.ds(c * w, w)])

    return segsum


_N, _NP, _E = 10000, 10240, 320000
_R = 5000


def _make_l1pre(N, D, dout2, R):
    def body(x, wcat, out):
        out[...] = jnp.dot(x[...], wcat[...],
                           preferred_element_type=jnp.float32)

    return pl.pallas_call(
        body,
        grid=(N // R,),
        in_specs=[
            pl.BlockSpec((R, D), lambda i: (i, 0)),
            pl.BlockSpec((D, dout2), lambda i: (0, 0)),
        ],
        out_specs=pl.BlockSpec((R, dout2), lambda i: (i, 0)),
        out_shape=jax.ShapeDtypeStruct((N, dout2), jnp.float32),
    )


def _make_l1post(N, NP, dout, R):
    def body(a, pr, b, out):
        out[...] = (a[:, :dout] + a[:, dout:2 * dout]
                    + pr[:, dout:2 * dout] + b[...])

    return pl.pallas_call(
        body,
        grid=(N // R,),
        in_specs=[
            pl.BlockSpec((R, 128), lambda i: (i, 0)),
            pl.BlockSpec((R, 2 * dout), lambda i: (i, 0)),
            pl.BlockSpec((1, dout), lambda i: (0, 0)),
        ],
        out_specs=pl.BlockSpec((R, dout), lambda i: (i, 0)),
        out_shape=jax.ShapeDtypeStruct((N, dout), jnp.float32),
    )


def _make_post(N, NP, din, dout, R):
    def body(a, h, wrel2, wroot, b, out):
        out[...] = (jnp.dot(a[:, :2 * din], wrel2[...],
                            preferred_element_type=jnp.float32)
                    + jnp.dot(h[...], wroot[...],
                              preferred_element_type=jnp.float32)
                    + b[...])

    return pl.pallas_call(
        body,
        grid=(N // R,),
        in_specs=[
            pl.BlockSpec((R, 128), lambda i: (i, 0)),
            pl.BlockSpec((R, din), lambda i: (i, 0)),
            pl.BlockSpec((2 * din, dout), lambda i: (0, 0)),
            pl.BlockSpec((din, dout), lambda i: (0, 0)),
            pl.BlockSpec((1, dout), lambda i: (0, 0)),
        ],
        out_specs=pl.BlockSpec((R, dout), lambda i: (i, 0)),
        out_shape=jax.ShapeDtypeStruct((N, dout), jnp.float32),
    )


def _make_post5_pool(N, din, G, C, R):
    nblk = N // R
    D = 2 * din

    def body(a, h, wrel2, wroot, b, batch, wlin, blin, out, acc):
        i = pl.program_id(0)

        @pl.when(i == 0)
        def _():
            acc[...] = jnp.zeros_like(acc)

        h5 = (jnp.dot(a[...], wrel2[...], preferred_element_type=jnp.float32)
              + jnp.dot(h[...], wroot[...],
                        preferred_element_type=jnp.float32)
              + b[...])
        onehot = (lax.broadcasted_iota(jnp.int32, (G, R), 0)
                  == batch[0]).astype(jnp.float32)
        acc[...] += jnp.dot(onehot, h5, preferred_element_type=jnp.float32)

        @pl.when(i == nblk - 1)
        def _():
            out[...] = (jnp.dot(acc[...], wlin[...],
                                preferred_element_type=jnp.float32)
                        + blin[...])

    return pl.pallas_call(
        body,
        grid=(nblk,),
        in_specs=[
            pl.BlockSpec((R, 128), lambda i: (i, 0)),
            pl.BlockSpec((R, din), lambda i: (i, 0)),
            pl.BlockSpec((D, D), lambda i: (0, 0)),
            pl.BlockSpec((din, D), lambda i: (0, 0)),
            pl.BlockSpec((1, D), lambda i: (0, 0)),
            pl.BlockSpec((1, 1, R), lambda i: (i, 0, 0)),
            pl.BlockSpec((D, C), lambda i: (0, 0)),
            pl.BlockSpec((1, C), lambda i: (0, 0)),
        ],
        out_specs=pl.BlockSpec((G, C), lambda i: (0, 0)),
        out_shape=jax.ShapeDtypeStruct((G, C), jnp.float32),
        scratch_shapes=[pltpu.VMEM((G, D), jnp.float32)],
    )
_K_w = {8: (2000, 2), 16: (2000, 2), 32: (1000, 2), 64: (200, 3)}
_segsum_w = {w: _make_segsum(_N, _NP, _E, w, k, nb)
             for w, (k, nb) in _K_w.items()}
_l1pre = _make_l1pre(_N, 128, 16, _R)
_l1post = _make_l1post(_N, _NP, 8, _R)
_post_w = {
    8: _make_post(_N, _NP, 8, 16, _R),
    16: _make_post(_N, _NP, 16, 32, _R),
    32: _make_post(_N, _NP, 32, 64, _R),
}
_post5_pool = _make_post5_pool(_N, 64, 256, 10, _R)


def kernel(x, edge_index, batch, W_rel1, b_rel1, W_root1, W_rel2, b_rel2,
           W_root2, W_rel3, b_rel3, W_root3, W_rel4, b_rel4, W_root4,
           W_rel5, b_rel5, W_root5, W_lin, b_lin):
    idx3 = {}
    for w, (k, _nb) in _K_w.items():
        c = _E // 32 // k
        idx3[w] = (edge_index[0].reshape(32, c, k),
                   edge_index[1].reshape(32, c, k))
    zeros = jnp.zeros((_NP // _NS, 128), jnp.float32)

    pr = _l1pre(x, jnp.concatenate([W_rel1, W_root1], axis=1))
    A = _segsum_w[8](pr[:, :8], idx3[8][0], idx3[8][1], zeros)
    h = _l1post(A, pr, b_rel1.reshape(1, -1))

    for (W_rel, b_rel, W_root) in (
        (W_rel2, b_rel2, W_root2),
        (W_rel3, b_rel3, W_root3),
        (W_rel4, b_rel4, W_root4),
    ):
        w = h.shape[1]
        A = _segsum_w[w](h, idx3[w][0], idx3[w][1], zeros)
        wrel2 = jnp.concatenate([W_rel, W_rel], axis=0)
        h = _post_w[w](A, h, wrel2, W_root, b_rel.reshape(1, -1))

    A = _segsum_w[64](h, idx3[64][0], idx3[64][1], zeros)
    wrel2 = jnp.concatenate([W_rel5, W_rel5], axis=0)
    return _post5_pool(A, h, wrel2, W_root5, b_rel5.reshape(1, -1),
                       batch.reshape(_N // _R, 1, _R), W_lin,
                       b_lin.reshape(1, -1))

# --- scband reference (transcript-rebuilt; emitter-appended) ---
"""Pipeline reference for scband-gcn-15058155340594 (READ-ONLY COPY).

The authoritative reference and input builder live on the scoring server;
editing this copy changes nothing except your own understanding.
"""

import jax, jax.numpy as jnp
import numpy as np

N = 10000
E = 320000
D = 128
H = 8
G = 256
C = 10


def _glorot(k, shape):
    fan_in, fan_out = shape
    s = (6.0 / (fan_in + fan_out)) ** 0.5
    return jax.random.uniform(k, shape, dtype=jnp.float32, minval=-s, maxval=s)


def setup_inputs(seed: int = 0):
    key = jax.random.key(seed)
    ks = jax.random.split(key, 20)
    x = jax.random.normal(ks[0], (N, D), dtype=jnp.float32)
    edge_index = jax.random.randint(ks[1], (2, E), 0, N)
    batch = jnp.sort(jax.random.randint(ks[2], (N,), 0, G))
    dims = [D, H, 2 * H, 4 * H, 8 * H, 16 * H]
    inp = {"x": x, "edge_index": edge_index, "batch": batch}
    for i in range(5):
        din, dout = dims[i], dims[i + 1]
        inp[f"W_rel{i+1}"] = _glorot(ks[3 + 3 * i], (din, dout))
        inp[f"b_rel{i+1}"] = jnp.zeros((dout,), dtype=jnp.float32)
        inp[f"W_root{i+1}"] = _glorot(ks[4 + 3 * i], (din, dout))
    inp["W_lin"] = _glorot(ks[18], (16 * H, C))
    inp["b_lin"] = jnp.zeros((C,), dtype=jnp.float32)
    return inp


def _graph_conv(h, edge_index, W_rel, b_rel, W_root):
    # PyG GraphConv: out = lin_rel(sum_{j in N(i)} x_j) + lin_root(x_i)
    src = edge_index[0]
    dst = edge_index[1]
    agg = jax.ops.segment_sum(h[src], dst, num_segments=h.shape[0])
    return agg @ W_rel + b_rel + h @ W_root


def reference(x, edge_index, batch, W_rel1, b_rel1, W_root1, W_rel2, b_rel2, W_root2, W_rel3, b_rel3, W_root3, W_rel4, b_rel4, W_root4, W_rel5, b_rel5, W_root5, W_lin, b_lin):
    h = _graph_conv(x, edge_index, W_rel1, b_rel1, W_root1)
    h = _graph_conv(h, edge_index, W_rel2, b_rel2, W_root2)
    h = _graph_conv(h, edge_index, W_rel3, b_rel3, W_root3)
    h = _graph_conv(h, edge_index, W_rel4, b_rel4, W_root4)
    h = _graph_conv(h, edge_index, W_rel5, b_rel5, W_root5)
    pooled = jax.ops.segment_sum(h, batch, num_segments=G)
    return pooled @ W_lin + b_lin

if __name__ == "__main__":
    import jax
    _d = setup_inputs()
    print(jax.jit(kernel)(*tuple(_d.values())))

</pallas_src>

<mosaic_0001>
#map = affine_map<(d0, d1) -> (0, 0)>
#map1 = affine_map<(d0, d1) -> (0, 0, 0)>
module attributes {stable_mosaic.version = 14 : i64} {
  func.func @segsum(%arg0: i32, %arg1: i32, %arg2: memref<10000x8xf32, #tpu.memory_space<hbm>>, %arg3: memref<32x5x2000xi32, #tpu.memory_space<hbm>>, %arg4: memref<32x5x2000xi32, #tpu.memory_space<hbm>>, %arg5: memref<640x128xf32, #tpu.memory_space<hbm>>, %arg6: memref<10240x128xf32, #tpu.memory_space<hbm>>, %arg7: memref<5x2000xi32, #tpu.memory_space<vmem>>, %arg8: memref<5x2000xi32, #tpu.memory_space<vmem>>, %arg9: memref<2x2000x8xf32, #tpu.memory_space<vmem>>, %arg10: memref<10240x8xf32, #tpu.memory_space<vmem_shared>>, %arg11: memref<!tpu.dma_semaphore, #tpu.memory_space<semaphore_mem>>, %arg12: memref<!tpu.dma_semaphore, #tpu.memory_space<semaphore_mem>>, %arg13: memref<!tpu.dma_semaphore, #tpu.memory_space<semaphore_mem>>, %arg14: memref<!tpu.dma_semaphore, #tpu.memory_space<semaphore_mem>>) attributes {dimension_semantics = [#tpu.dimension_semantics<core_parallel>, #tpu.dimension_semantics<subcore_parallel>], iteration_bounds = array<i64: 2, 16>, scalar_prefetch = 0 : i64, scratch_operands = 8 : i64, tpu.core_type = #tpu.core_type<sc_vector_subcore>, window_params = [{transform_indices = #map}, {transform_indices = #map1}, {transform_indices = #map1}, {transform_indices = #map}, {transform_indices = #map}]} {
    %mul3A = arith.constant 16 : i32
    %mul3A_0 = arith.muli %arg0, %mul3A : i32
    %add3A = arith.addi %mul3A_0, %arg1 : i32
    %mul3A_1 = arith.constant 640 : i32
    %mul3A_2 = arith.muli %arg1, %mul3A_1 : i32
    %dma_start3A = arith.constant 0 : i32
    %dma_start3A_3 = tpu.memref_slice %arg10[%mul3A_2, %dma_start3A] : memref<10240x8xf32, #tpu.memory_space<vmem_shared>> -> memref<640x8xf32, #tpu.memory_space<vmem_shared>>
    %dma_start3A_4 = arith.constant 0 : i32
    %dma_start3A_5 = arith.constant 0 : i32
    %dma_start3A_6 = tpu.memref_slice %arg5[%dma_start3A_4, %dma_start3A_5] : memref<640x128xf32, #tpu.memory_space<hbm>> -> memref<640x8xf32, #tpu.memory_space<hbm>>
    tpu.enqueue_dma source(%dma_start3A_6 : memref<640x8xf32, #tpu.memory_space<hbm>>) target(%dma_start3A_3 : memref<640x8xf32, #tpu.memory_space<vmem_shared>>) target_semaphore(%arg13 : memref<!tpu.dma_semaphore, #tpu.memory_space<semaphore_mem>>)
    %dma_start3A_7 = arith.constant 0 : i32
    %dma_start3A_8 = arith.constant 0 : i32
    %dma_start3A_9 = tpu.memref_slice %arg3[%add3A, %dma_start3A_7, %dma_start3A_8] : memref<32x5x2000xi32, #tpu.memory_space<hbm>> -> memref<1x5x2000xi32, #tpu.memory_space<hbm>>
    %dma_start3A_10 = tpu.memref_squeeze %dma_start3A_9 : memref<1x5x2000xi32, #tpu.memory_space<hbm>> -> memref<5x2000xi32, #tpu.memory_space<hbm>>
    %dma_start3A_11 = arith.constant 0 : i32
    %dma_start3A_12 = arith.constant 0 : i32
    %dma_start3A_13 = tpu.memref_slice %arg3[%add3A, %dma_start3A_11, %dma_start3A_12] : memref<32x5x2000xi32, #tpu.memory_space<hbm>> -> memref<1x5x2000xi32, #tpu.memory_space<hbm>>
    %dma_start3A_14 = tpu.memref_squeeze %dma_start3A_13 : memref<1x5x2000xi32, #tpu.memory_space<hbm>> -> memref<5x2000xi32, #tpu.memory_space<hbm>>
    tpu.enqueue_dma source(%dma_start3A_14 : memref<5x2000xi32, #tpu.memory_space<hbm>>) target(%arg7 : memref<5x2000xi32, #tpu.memory_space<vmem>>) target_semaphore(%arg11 : memref<!tpu.dma_semaphore, #tpu.memory_space<semaphore_mem>>)
    %dma_start3A_15 = arith.constant 0 : i32
    %dma_start3A_16 = arith.constant 0 : i32
    %dma_start3A_17 = tpu.memref_slice %arg4[%add3A, %dma_start3A_15, %dma_start3A_16] : memref<32x5x2000xi32, #tpu.memory_space<hbm>> -> memref<1x5x2000xi32, #tpu.memory_space<hbm>>
    %dma_start3A_18 = tpu.memref_squeeze %dma_start3A_17 : memref<1x5x2000xi32, #tpu.memory_space<hbm>> -> memref<5x2000xi32, #tpu.memory_space<hbm>>
    %dma_start3A_19 = arith.constant 0 : i32
    %dma_start3A_20 = arith.constant 0 : i32
    %dma_start3A_21 = tpu.memref_slice %arg4[%add3A, %dma_start3A_19, %dma_start3A_20] : memref<32x5x2000xi32, #tpu.memory_space<hbm>> -> memref<1x5x2000xi32, #tpu.memory_space<hbm>>
    %dma_start3A_22 = tpu.memref_squeeze %dma_start3A_21 : memref<1x5x2000xi32, #tpu.memory_space<hbm>> -> memref<5x2000xi32, #tpu.memory_space<hbm>>
    tpu.enqueue_dma source(%dma_start3A_22 : memref<5x2000xi32, #tpu.memory_space<hbm>>) target(%arg8 : memref<5x2000xi32, #tpu.memory_space<vmem>>) target_semaphore(%arg12 : memref<!tpu.dma_semaphore, #tpu.memory_space<semaphore_mem>>)
    %dma_wait3A = arith.constant 0 : i32
    %dma_wait3A_23 = arith.constant 0 : i32
    %dma_wait3A_24 = tpu.memref_slice %arg3[%add3A, %dma_wait3A, %dma_wait3A_23] : memref<32x5x2000xi32, #tpu.memory_space<hbm>> -> memref<1x5x2000xi32, #tpu.memory_space<hbm>>
    %dma_wait3A_25 = tpu.memref_squeeze %dma_wait3A_24 : memref<1x5x2000xi32, #tpu.memory_space<hbm>> -> memref<5x2000xi32, #tpu.memory_space<hbm>>
    %dma_wait3A_26 = arith.constant 0 : i32
    %dma_wait3A_27 = arith.constant 0 : i32
    %dma_wait3A_28 = tpu.memref_slice %arg3[%add3A, %dma_wait3A_26, %dma_wait3A_27] : memref<32x5x2000xi32, #tpu.memory_space<hbm>> -> memref<1x5x2000xi32, #tpu.memory_space<hbm>>
    %dma_wait3A_29 = tpu.memref_squeeze %dma_wait3A_28 : memref<1x5x2000xi32, #tpu.memory_space<hbm>> -> memref<5x2000xi32, #tpu.memory_space<hbm>>
    tpu.wait_dma2 semaphore(%arg11 : memref<!tpu.dma_semaphore, #tpu.memory_space<semaphore_mem>>) src(%dma_wait3A_29 : memref<5x2000xi32, #tpu.memory_space<hbm>>) dst(%arg7 : memref<5x2000xi32, #tpu.memory_space<vmem>>)
    %dma_wait3A_30 = arith.constant 0 : i32
    %dma_wait3A_31 = arith.constant 0 : i32
    %dma_wait3A_32 = tpu.memref_slice %arg4[%add3A, %dma_wait3A_30, %dma_wait3A_31] : memref<32x5x2000xi32, #tpu.memory_space<hbm>> -> memref<1x5x2000xi32, #tpu.memory_space<hbm>>
    %dma_wait3A_33 = tpu.memref_squeeze %dma_wait3A_32 : memref<1x5x2000xi32, #tpu.memory_space<hbm>> -> memref<5x2000xi32, #tpu.memory_space<hbm>>
    %dma_wait3A_34 = arith.constant 0 : i32
    %dma_wait3A_35 = arith.constant 0 : i32
    %dma_wait3A_36 = tpu.memref_slice %arg4[%add3A, %dma_wait3A_34, %dma_wait3A_35] : memref<32x5x2000xi32, #tpu.memory_space<hbm>> -> memref<1x5x2000xi32, #tpu.memory_space<hbm>>
    %dma_wait3A_37 = tpu.memref_squeeze %dma_wait3A_36 : memref<1x5x2000xi32, #tpu.memory_space<hbm>> -> memref<5x2000xi32, #tpu.memory_space<hbm>>
    tpu.wait_dma2 semaphore(%arg12 : memref<!tpu.dma_semaphore, #tpu.memory_space<semaphore_mem>>) src(%dma_wait3A_37 : memref<5x2000xi32, #tpu.memory_space<hbm>>) dst(%arg8 : memref<5x2000xi32, #tpu.memory_space<vmem>>)
    %dma_start3A_38 = arith.constant 0 : i32
    %dma_start3A_39 = arith.constant 0 : i32
    %dma_start3A_40 = arith.constant 0 : i32
    %dma_start3A_41 = arith.constant 0 : i32
    %dma_start3A_42 = tpu.memref_slice %arg9[%dma_start3A_39, %dma_start3A_40, %dma_start3A_41] : memref<2x2000x8xf32, #tpu.memory_space<vmem>> -> memref<1x2000x8xf32, #tpu.memory_space<vmem>>
    %dma_start3A_43 = tpu.memref_squeeze %dma_start3A_42 : memref<1x2000x8xf32, #tpu.memory_space<vmem>> -> memref<2000x8xf32, #tpu.memory_space<vmem>>
    %dma_start3A_44 = arith.constant 0 : i32
    %dma_start3A_45 = tpu.memref_slice %arg7[%dma_start3A_38, %dma_start3A_44] : memref<5x2000xi32, #tpu.memory_space<vmem>> -> memref<1x2000xi32, #tpu.memory_space<vmem>>
    %dma_start3A_46 = tpu.memref_squeeze %dma_start3A_45 : memref<1x2000xi32, #tpu.memory_space<vmem>> -> memref<2000xi32, #tpu.memory_space<vmem>>
    %dma_start3A_47 = arith.constant 0 : i32
    %dma_start3A_48 = arith.constant 0 : i32
    %dma_start3A_49 = tpu.memref_slice %arg2[%dma_start3A_47, %dma_start3A_48] : memref<10000x8xf32, #tpu.memory_space<hbm>> -> memref<10000x8xf32, #tpu.memory_space<hbm>>
    tpu.enqueue_indirect_dma source(%dma_start3A_49 : memref<10000x8xf32, #tpu.memory_space<hbm>>) target(%dma_start3A_43 : memref<2000x8xf32, #tpu.memory_space<vmem>>) offsets(%dma_start3A_46 : memref<2000xi32, #tpu.memory_space<vmem>>) semaphore(%arg11 : memref<!tpu.dma_semaphore, #tpu.memory_space<semaphore_mem>>)
    %dma_start3A_50 = arith.constant 1 : i32
    %dma_start3A_51 = arith.constant 1 : i32
    %dma_start3A_52 = arith.constant 0 : i32
    %dma_start3A_53 = arith.constant 0 : i32
    %dma_start3A_54 = tpu.memref_slice %arg9[%dma_start3A_51, %dma_start3A_52, %dma_start3A_53] : memref<2x2000x8xf32, #tpu.memory_space<vmem>> -> memref<1x2000x8xf32, #tpu.memory_space<vmem>>
    %dma_start3A_55 = tpu.memref_squeeze %dma_start3A_54 : memref<1x2000x8xf32, #tpu.memory_space<vmem>> -> memref<2000x8xf32, #tpu.memory_space<vmem>>
    %dma_start3A_56 = arith.constant 0 : i32
    %dma_start3A_57 = tpu.memref_slice %arg7[%dma_start3A_50, %dma_start3A_56] : memref<5x2000xi32, #tpu.memory_space<vmem>> -> memref<1x2000xi32, #tpu.memory_space<vmem>>
    %dma_start3A_58 = tpu.memref_squeeze %dma_start3A_57 : memref<1x2000xi32, #tpu.memory_space<vmem>> -> memref<2000xi32, #tpu.memory_space<vmem>>
    %dma_start3A_59 = arith.constant 0 : i32
    %dma_start3A_60 = arith.constant 0 : i32
    %dma_start3A_61 = tpu.memref_slice %arg2[%dma_start3A_59, %dma_start3A_60] : memref<10000x8xf32, #tpu.memory_space<hbm>> -> memref<10000x8xf32, #tpu.memory_space<hbm>>
    tpu.enqueue_indirect_dma source(%dma_start3A_61 : memref<10000x8xf32, #tpu.memory_space<hbm>>) target(%dma_start3A_55 : memref<2000x8xf32, #tpu.memory_space<vmem>>) offsets(%dma_start3A_58 : memref<2000xi32, #tpu.memory_space<vmem>>) semaphore(%arg12 : memref<!tpu.dma_semaphore, #tpu.memory_space<semaphore_mem>>)
    %dma_wait3A_62 = arith.constant 0 : i32
    %dma_wait3A_63 = tpu.memref_slice %arg10[%mul3A_2, %dma_wait3A_62] : memref<10240x8xf32, #tpu.memory_space<vmem_shared>> -> memref<640x8xf32, #tpu.memory_space<vmem_shared>>
    %dma_wait3A_64 = arith.constant 0 : i32
    %dma_wait3A_65 = arith.constant 0 : i32
    %dma_wait3A_66 = tpu.memref_slice %arg5[%dma_wait3A_64, %dma_wait3A_65] : memref<640x128xf32, #tpu.memory_space<hbm>> -> memref<640x8xf32, #tpu.memory_space<hbm>>
    tpu.wait_dma2 semaphore(%arg13 : memref<!tpu.dma_semaphore, #tpu.memory_space<semaphore_mem>>) src(%dma_wait3A_66 : memref<640x8xf32, #tpu.memory_space<hbm>>) dst(%dma_wait3A_63 : memref<640x8xf32, #tpu.memory_space<vmem_shared>>)
    %barrier3A = arith.constant 0 : index
    tpu.barrier barrier_id(%barrier3A)
    %scan3A = arith.constant 0 : i32
    %scan3A_67 = arith.constant 2 : i32
    %scan3A_68 = arith.addi %scan3A, %scan3A_67 : i32
    %scan3A_69 = arith.constant 1 : i32
    scf.for %scan3A_122 = %scan3A to %scan3A_68 step %scan3A_69  : i32 {
      %mul3A_123 = arith.constant 1 : i32
      %mul3A_124 = arith.muli %scan3A_122, %mul3A_123 : i32
      %add3A_125 = arith.constant 0 : i32
      %add3A_126 = arith.addi %add3A_125, %mul3A_124 : i32
      %mul3A_127 = arith.constant 2 : i32
      %mul3A_128 = arith.muli %mul3A_127, %add3A_126 : i32
      %add3A_129 = arith.constant 0 : i32
      %add3A_130 = arith.addi %mul3A_128, %add3A_129 : i32
      %dma_wait3A_131 = arith.constant 0 : i32
      %dma_wait3A_132 = arith.constant 0 : i32
      %dma_wait3A_133 = arith.constant 0 : i32
      %dma_wait3A_134 = tpu.memref_slice %arg9[%dma_wait3A_131, %dma_wait3A_132, %dma_wait3A_133] : memref<2x2000x8xf32, #tpu.memory_space<vmem>> -> memref<1x2000x8xf32, #tpu.memory_space<vmem>>
      %dma_wait3A_135 = tpu.memref_squeeze %dma_wait3A_134 : memref<1x2000x8xf32, #tpu.memory_space<vmem>> -> memref<2000x8xf32, #tpu.memory_space<vmem>>
      %dma_wait3A_136 = arith.constant 0 : i32
      %dma_wait3A_137 = tpu.memref_slice %arg7[%add3A_130, %dma_wait3A_136] : memref<5x2000xi32, #tpu.memory_space<vmem>> -> memref<1x2000xi32, #tpu.memory_space<vmem>>
      %dma_wait3A_138 = tpu.memref_squeeze %dma_wait3A_137 : memref<1x2000xi32, #tpu.memory_space<vmem>> -> memref<2000xi32, #tpu.memory_space<vmem>>
      %dma_wait3A_139 = arith.constant 0 : i32
      %dma_wait3A_140 = arith.constant 0 : i32
      %dma_wait3A_141 = tpu.memref_slice %arg2[%dma_wait3A_139, %dma_wait3A_140] : memref<10000x8xf32, #tpu.memory_space<hbm>> -> memref<10000x8xf32, #tpu.memory_space<hbm>>
      tpu.wait_indirect_dma semaphore(%arg11 : memref<!tpu.dma_semaphore, #tpu.memory_space<semaphore_mem>>) src(%dma_wait3A_141 : memref<10000x8xf32, #tpu.memory_space<hbm>>) dst(%dma_wait3A_135 : memref<2000x8xf32, #tpu.memory_space<vmem>>)
      %dma_start3A_142 = arith.constant 0 : i32
      %dma_start3A_143 = arith.constant 0 : i32
      %dma_start3A_144 = arith.constant 0 : i32
      %dma_start3A_145 = tpu.memref_slice %arg9[%dma_start3A_142, %dma_start3A_143, %dma_start3A_144] : memref<2x2000x8xf32, #tpu.memory_space<vmem>> -> memref<1x2000x8xf32, #tpu.memory_space<vmem>>
      %dma_start3A_146 = tpu.memref_squeeze %dma_start3A_145 : memref<1x2000x8xf32, #tpu.memory_space<vmem>> -> memref<2000x8xf32, #tpu.memory_space<vmem>>
      %dma_start3A_147 = arith.constant 0 : i32
      %dma_start3A_148 = tpu.memref_slice %arg8[%add3A_130, %dma_start3A_147] : memref<5x2000xi32, #tpu.memory_space<vmem>> -> memref<1x2000xi32, #tpu.memory_space<vmem>>
      %dma_start3A_149 = tpu.memref_squeeze %dma_start3A_148 : memref<1x2000xi32, #tpu.memory_space<vmem>> -> memref<2000xi32, #tpu.memory_space<vmem>>
      %dma_start3A_150 = arith.constant 0 : i32
      %dma_start3A_151 = arith.constant 0 : i32
      %dma_start3A_152 = tpu.memref_slice %arg10[%dma_start3A_150, %dma_start3A_151] : memref<10240x8xf32, #tpu.memory_space<vmem_shared>> -> memref<10240x8xf32, #tpu.memory_space<vmem_shared>>
      tpu.enqueue_indirect_dma source(%dma_start3A_146 : memref<2000x8xf32, #tpu.memory_space<vmem>>) target(%dma_start3A_152 : memref<10240x8xf32, #tpu.memory_space<vmem_shared>>) offsets(%dma_start3A_149 : memref<2000xi32, #tpu.memory_space<vmem>>) semaphore(%arg13 : memref<!tpu.dma_semaphore, #tpu.memory_space<semaphore_mem>>) {add = true}
      %add3A_153 = arith.constant 2 : i32
      %add3A_154 = arith.addi %add3A_130, %add3A_153 : i32
      %lt3A = arith.constant 5 : i32
      %lt3A_155 = arith.cmpi slt, %add3A_154, %lt3A : i32
      %convert_element_type3A = arith.extui %lt3A_155 : i1 to i32
      %cond3A = arith.constant 0 : i32
      %cond3A_156 = arith.cmpi ne, %convert_element_type3A, %cond3A : i32
      scf.if %cond3A_156 {
        %ge3A = arith.constant 0 : i32
        %ge3A_188 = arith.cmpi sge, %add3A_130, %ge3A : i32
        %convert_element_type3A_189 = arith.extui %ge3A_188 : i1 to i32
        %cond3A_190 = arith.constant 0 : i32
        %cond3A_191 = arith.cmpi ne, %convert_element_type3A_189, %cond3A_190 : i32
        scf.if %cond3A_191 {
          %dma_wait3A_205 = arith.constant 0 : i32
          %dma_wait3A_206 = arith.constant 0 : i32
          %dma_wait3A_207 = arith.constant 0 : i32
          %dma_wait3A_208 = tpu.memref_slice %arg9[%dma_wait3A_205, %dma_wait3A_206, %dma_wait3A_207] : memref<2x2000x8xf32, #tpu.memory_space<vmem>> -> memref<1x2000x8xf32, #tpu.memory_space<vmem>>
          %dma_wait3A_209 = tpu.memref_squeeze %dma_wait3A_208 : memref<1x2000x8xf32, #tpu.memory_space<vmem>> -> memref<2000x8xf32, #tpu.memory_space<vmem>>
          %dma_wait3A_210 = arith.constant 0 : i32
          %dma_wait3A_211 = tpu.memref_slice %arg8[%add3A_130, %dma_wait3A_210] : memref<5x2000xi32, #tpu.memory_space<vmem>> -> memref<1x2000xi32, #tpu.memory_space<vmem>>
          %dma_wait3A_212 = tpu.memref_squeeze %dma_wait3A_211 : memref<1x2000xi32, #tpu.memory_space<vmem>> -> memref<2000xi32, #tpu.memory_space<vmem>>
          %dma_wait3A_213 = arith.constant 0 : i32
          %dma_wait3A_214 = arith.constant 0 : i32
          %dma_wait3A_215 = tpu.memref_slice %arg10[%dma_wait3A_213, %dma_wait3A_214] : memref<10240x8xf32, #tpu.memory_space<vmem_shared>> -> memref<10240x8xf32, #tpu.memory_space<vmem_shared>>
          tpu.wait_indirect_dma semaphore(%arg13 : memref<!tpu.dma_semaphore, #tpu.memory_space<semaphore_mem>>) src(%dma_wait3A_209 : memref<2000x8xf32, #tpu.memory_space<vmem>>) dst(%dma_wait3A_215 : memref<10240x8xf32, #tpu.memory_space<vmem_shared>>)
        } else {
        }
        %add3A_192 = arith.constant 2 : i32
        %add3A_193 = arith.addi %add3A_130, %add3A_192 : i32
        %dma_start3A_194 = arith.constant 0 : i32
        %dma_start3A_195 = arith.constant 0 : i32
        %dma_start3A_196 = arith.constant 0 : i32
        %dma_start3A_197 = tpu.memref_slice %arg9[%dma_start3A_194, %dma_start3A_195, %dma_start3A_196] : memref<2x2000x8xf32, #tpu.memory_space<vmem>> -> memref<1x2000x8xf32, #tpu.memory_space<vmem>>
        %dma_start3A_198 = tpu.memref_squeeze %dma_start3A_197 : memref<1x2000x8xf32, #tpu.memory_space<vmem>> -> memref<2000x8xf32, #tpu.memory_space<vmem>>
        %dma_start3A_199 = arith.constant 0 : i32
        %dma_start3A_200 = tpu.memref_slice %arg7[%add3A_193, %dma_start3A_199] : memref<5x2000xi32, #tpu.memory_space<vmem>> -> memref<1x2000xi32, #tpu.memory_space<vmem>>
        %dma_start3A_201 = tpu.memref_squeeze %dma_start3A_200 : memref<1x2000xi32, #tpu.memory_space<vmem>> -> memref<2000xi32, #tpu.memory_space<vmem>>
        %dma_start3A_202 = arith.constant 0 : i32
        %dma_start3A_203 = arith.constant 0 : i32
        %dma_start3A_204 = tpu.memref_slice %arg2[%dma_start3A_202, %dma_start3A_203] : memref<10000x8xf32, #tpu.memory_space<hbm>> -> memref<10000x8xf32, #tpu.memory_space<hbm>>
        tpu.enqueue_indirect_dma source(%dma_start3A_204 : memref<10000x8xf32, #tpu.memory_space<hbm>>) target(%dma_start3A_198 : memref<2000x8xf32, #tpu.memory_space<vmem>>) offsets(%dma_start3A_201 : memref<2000xi32, #tpu.memory_space<vmem>>) semaphore(%arg11 : memref<!tpu.dma_semaphore, #tpu.memory_space<semaphore_mem>>)
      } else {
      }
      %add3A_157 = arith.constant 1 : i32
      %add3A_158 = arith.addi %mul3A_128, %add3A_157 : i32
      %dma_wait3A_159 = arith.constant 1 : i32
      %dma_wait3A_160 = arith.constant 0 : i32
      %dma_wait3A_161 = arith.constant 0 : i32
      %dma_wait3A_162 = tpu.memref_slice %arg9[%dma_wait3A_159, %dma_wait3A_160, %dma_wait3A_161] : memref<2x2000x8xf32, #tpu.memory_space<vmem>> -> memref<1x2000x8xf32, #tpu.memory_space<vmem>>
      %dma_wait3A_163 = tpu.memref_squeeze %dma_wait3A_162 : memref<1x2000x8xf32, #tpu.memory_space<vmem>> -> memref<2000x8xf32, #tpu.memory_space<vmem>>
      %dma_wait3A_164 = arith.constant 0 : i32
      %dma_wait3A_165 = tpu.memref_slice %arg7[%add3A_158, %dma_wait3A_164] : memref<5x2000xi32, #tpu.memory_space<vmem>> -> memref<1x2000xi32, #tpu.memory_space<vmem>>
      %dma_wait3A_166 = tpu.memref_squeeze %dma_wait3A_165 : memref<1x2000xi32, #tpu.memory_space<vmem>> -> memref<2000xi32, #tpu.memory_space<vmem>>
      %dma_wait3A_167 = arith.constant 0 : i32
      %dma_wait3A_168 = arith.constant 0 : i32
      %dma_wait3A_169 = tpu.memref_slice %arg2[%dma_wait3A_167, %dma_wait3A_168] : memref<10000x8xf32, #tpu.memory_space<hbm>> -> memref<10000x8xf32, #tpu.memory_space<hbm>>
      tpu.wait_indirect_dma semaphore(%arg12 : memref<!tpu.dma_semaphore, #tpu.memory_space<semaphore_mem>>) src(%dma_wait3A_169 : memref<10000x8xf32, #tpu.memory_space<hbm>>) dst(%dma_wait3A_163 : memref<2000x8xf32, #tpu.memory_space<vmem>>)
      %dma_start3A_170 = arith.constant 1 : i32
      %dma_start3A_171 = arith.constant 0 : i32
      %dma_start3A_172 = arith.constant 0 : i32
      %dma_start3A_173 = tpu.memref_slice %arg9[%dma_start3A_170, %dma_start3A_171, %dma_start3A_172] : memref<2x2000x8xf32, #tpu.memory_space<vmem>> -> memref<1x2000x8xf32, #tpu.memory_space<vmem>>
      %dma_start3A_174 = tpu.memref_squeeze %dma_start3A_173 : memref<1x2000x8xf32, #tpu.memory_space<vmem>> -> memref<2000x8xf32, #tpu.memory_space<vmem>>
      %dma_start3A_175 = arith.constant 0 : i32
      %dma_start3A_176 = tpu.memref_slice %arg8[%add3A_158, %dma_start3A_175] : memref<5x2000xi32, #tpu.memory_space<vmem>> -> memref<1x2000xi32, #tpu.memory_space<vmem>>
      %dma_start3A_177 = tpu.memref_squeeze %dma_start3A_176 : memref<1x2000xi32, #tpu.memory_space<vmem>> -> memref<2000xi32, #tpu.memory_space<vmem>>
      %dma_start3A_178 = arith.constant 0 : i32
      %dma_start3A_179 = arith.constant 0 : i32
      %dma_start3A_180 = tpu.memref_slice %arg10[%dma_start3A_178, %dma_start3A_179] : memref<10240x8xf32, #tpu.memory_space<vmem_shared>> -> memref<10240x8xf32, #tpu.memory_space<vmem_shared>>
      tpu.enqueue_indirect_dma source(%dma_start3A_174 : memref<2000x8xf32, #tpu.memory_space<vmem>>) target(%dma_start3A_180 : memref<10240x8xf32, #tpu.memory_space<vmem_shared>>) offsets(%dma_start3A_177 : memref<2000xi32, #tpu.memory_space<vmem>>) semaphore(%arg14 : memref<!tpu.dma_semaphore, #tpu.memory_space<semaphore_mem>>) {add = true}
      %add3A_181 = arith.constant 2 : i32
      %add3A_182 = arith.addi %add3A_158, %add3A_181 : i32
      %lt3A_183 = arith.constant 5 : i32
      %lt3A_184 = arith.cmpi slt, %add3A_182, %lt3A_183 : i32
      %convert_element_type3A_185 = arith.extui %lt3A_184 : i1 to i32
      %cond3A_186 = arith.constant 0 : i32
      %cond3A_187 = arith.cmpi ne, %convert_element_type3A_185, %cond3A_186 : i32
      scf.if %cond3A_187 {
        %ge3A = arith.constant 0 : i32
        %ge3A_188 = arith.cmpi sge, %add3A_158, %ge3A : i32
        %convert_element_type3A_189 = arith.extui %ge3A_188 : i1 to i32
        %cond3A_190 = arith.constant 0 : i32
        %cond3A_191 = arith.cmpi ne, %convert_element_type3A_189, %cond3A_190 : i32
        scf.if %cond3A_191 {
          %dma_wait3A_205 = arith.constant 1 : i32
          %dma_wait3A_206 = arith.constant 0 : i32
          %dma_wait3A_207 = arith.constant 0 : i32
          %dma_wait3A_208 = tpu.memref_slice %arg9[%dma_wait3A_205, %dma_wait3A_206, %dma_wait3A_207] : memref<2x2000x8xf32, #tpu.memory_space<vmem>> -> memref<1x2000x8xf32, #tpu.memory_space<vmem>>
          %dma_wait3A_209 = tpu.memref_squeeze %dma_wait3A_208 : memref<1x2000x8xf32, #tpu.memory_space<vmem>> -> memref<2000x8xf32, #tpu.memory_space<vmem>>
          %dma_wait3A_210 = arith.constant 0 : i32
          %dma_wait3A_211 = tpu.memref_slice %arg8[%add3A_158, %dma_wait3A_210] : memref<5x2000xi32, #tpu.memory_space<vmem>> -> memref<1x2000xi32, #tpu.memory_space<vmem>>
          %dma_wait3A_212 = tpu.memref_squeeze %dma_wait3A_211 : memref<1x2000xi32, #tpu.memory_space<vmem>> -> memref<2000xi32, #tpu.memory_space<vmem>>
          %dma_wait3A_213 = arith.constant 0 : i32
          %dma_wait3A_214 = arith.constant 0 : i32
          %dma_wait3A_215 = tpu.memref_slice %arg10[%dma_wait3A_213, %dma_wait3A_214] : memref<10240x8xf32, #tpu.memory_space<vmem_shared>> -> memref<10240x8xf32, #tpu.memory_space<vmem_shared>>
          tpu.wait_indirect_dma semaphore(%arg14 : memref<!tpu.dma_semaphore, #tpu.memory_space<semaphore_mem>>) src(%dma_wait3A_209 : memref<2000x8xf32, #tpu.memory_space<vmem>>) dst(%dma_wait3A_215 : memref<10240x8xf32, #tpu.memory_space<vmem_shared>>)
        } else {
        }
        %add3A_192 = arith.constant 2 : i32
        %add3A_193 = arith.addi %add3A_158, %add3A_192 : i32
        %dma_start3A_194 = arith.constant 1 : i32
        %dma_start3A_195 = arith.constant 0 : i32
        %dma_start3A_196 = arith.constant 0 : i32
        %dma_start3A_197 = tpu.memref_slice %arg9[%dma_start3A_194, %dma_start3A_195, %dma_start3A_196] : memref<2x2000x8xf32, #tpu.memory_space<vmem>> -> memref<1x2000x8xf32, #tpu.memory_space<vmem>>
        %dma_start3A_198 = tpu.memref_squeeze %dma_start3A_197 : memref<1x2000x8xf32, #tpu.memory_space<vmem>> -> memref<2000x8xf32, #tpu.memory_space<vmem>>
        %dma_start3A_199 = arith.constant 0 : i32
        %dma_start3A_200 = tpu.memref_slice %arg7[%add3A_193, %dma_start3A_199] : memref<5x2000xi32, #tpu.memory_space<vmem>> -> memref<1x2000xi32, #tpu.memory_space<vmem>>
        %dma_start3A_201 = tpu.memref_squeeze %dma_start3A_200 : memref<1x2000xi32, #tpu.memory_space<vmem>> -> memref<2000xi32, #tpu.memory_space<vmem>>
        %dma_start3A_202 = arith.constant 0 : i32
        %dma_start3A_203 = arith.constant 0 : i32
        %dma_start3A_204 = tpu.memref_slice %arg2[%dma_start3A_202, %dma_start3A_203] : memref<10000x8xf32, #tpu.memory_space<hbm>> -> memref<10000x8xf32, #tpu.memory_space<hbm>>
        tpu.enqueue_indirect_dma source(%dma_start3A_204 : memref<10000x8xf32, #tpu.memory_space<hbm>>) target(%dma_start3A_198 : memref<2000x8xf32, #tpu.memory_space<vmem>>) offsets(%dma_start3A_201 : memref<2000xi32, #tpu.memory_space<vmem>>) semaphore(%arg12 : memref<!tpu.dma_semaphore, #tpu.memory_space<semaphore_mem>>)
      } else {
      }
    }
    %scan3A_70 = arith.constant 2 : i32
    %dma_wait3A_71 = arith.constant 4 : i32
    %dma_wait3A_72 = arith.constant 0 : i32
    %dma_wait3A_73 = arith.constant 0 : i32
    %dma_wait3A_74 = arith.constant 0 : i32
    %dma_wait3A_75 = tpu.memref_slice %arg9[%dma_wait3A_72, %dma_wait3A_73, %dma_wait3A_74] : memref<2x2000x8xf32, #tpu.memory_space<vmem>> -> memref<1x2000x8xf32, #tpu.memory_space<vmem>>
    %dma_wait3A_76 = tpu.memref_squeeze %dma_wait3A_75 : memref<1x2000x8xf32, #tpu.memory_space<vmem>> -> memref<2000x8xf32, #tpu.memory_space<vmem>>
    %dma_wait3A_77 = arith.constant 0 : i32
    %dma_wait3A_78 = tpu.memref_slice %arg7[%dma_wait3A_71, %dma_wait3A_77] : memref<5x2000xi32, #tpu.memory_space<vmem>> -> memref<1x2000xi32, #tpu.memory_space<vmem>>
    %dma_wait3A_79 = tpu.memref_squeeze %dma_wait3A_78 : memref<1x2000xi32, #tpu.memory_space<vmem>> -> memref<2000xi32, #tpu.memory_space<vmem>>
    %dma_wait3A_80 = arith.constant 0 : i32
    %dma_wait3A_81 = arith.constant 0 : i32
    %dma_wait3A_82 = tpu.memref_slice %arg2[%dma_wait3A_80, %dma_wait3A_81] : memref<10000x8xf32, #tpu.memory_space<hbm>> -> memref<10000x8xf32, #tpu.memory_space<hbm>>
    tpu.wait_indirect_dma semaphore(%arg11 : memref<!tpu.dma_semaphore, #tpu.memory_space<semaphore_mem>>) src(%dma_wait3A_82 : memref<10000x8xf32, #tpu.memory_space<hbm>>) dst(%dma_wait3A_76 : memref<2000x8xf32, #tpu.memory_space<vmem>>)
    %dma_start3A_83 = arith.constant 0 : i32
    %dma_start3A_84 = arith.constant 4 : i32
    %dma_start3A_85 = arith.constant 0 : i32
    %dma_start3A_86 = arith.constant 0 : i32
    %dma_start3A_87 = tpu.memref_slice %arg9[%dma_start3A_83, %dma_start3A_85, %dma_start3A_86] : memref<2x2000x8xf32, #tpu.memory_space<vmem>> -> memref<1x2000x8xf32, #tpu.memory_space<vmem>>
    %dma_start3A_88 = tpu.memref_squeeze %dma_start3A_87 : memref<1x2000x8xf32, #tpu.memory_space<vmem>> -> memref<2000x8xf32, #tpu.memory_space<vmem>>
    %dma_start3A_89 = arith.constant 0 : i32
    %dma_start3A_90 = tpu.memref_slice %arg8[%dma_start3A_84, %dma_start3A_89] : memref<5x2000xi32, #tpu.memory_space<vmem>> -> memref<1x2000xi32, #tpu.memory_space<vmem>>
    %dma_start3A_91 = tpu.memref_squeeze %dma_start3A_90 : memref<1x2000xi32, #tpu.memory_space<vmem>> -> memref<2000xi32, #tpu.memory_space<vmem>>
    %dma_start3A_92 = arith.constant 0 : i32
    %dma_start3A_93 = arith.constant 0 : i32
    %dma_start3A_94 = tpu.memref_slice %arg10[%dma_start3A_92, %dma_start3A_93] : memref<10240x8xf32, #tpu.memory_space<vmem_shared>> -> memref<10240x8xf32, #tpu.memory_space<vmem_shared>>
    tpu.enqueue_indirect_dma source(%dma_start3A_88 : memref<2000x8xf32, #tpu.memory_space<vmem>>) target(%dma_start3A_94 : memref<10240x8xf32, #tpu.memory_space<vmem_shared>>) offsets(%dma_start3A_91 : memref<2000xi32, #tpu.memory_space<vmem>>) semaphore(%arg13 : memref<!tpu.dma_semaphore, #tpu.memory_space<semaphore_mem>>) {add = true}
    %dma_wait3A_95 = arith.constant 0 : i32
    %dma_wait3A_96 = arith.constant 0 : i32
    %dma_wait3A_97 = arith.constant 0 : i32
    %dma_wait3A_98 = arith.constant 0 : i32
    %dma_wait3A_99 = tpu.memref_slice %arg9[%dma_wait3A_95, %dma_wait3A_97, %dma_wait3A_98] : memref<2x2000x8xf32, #tpu.memory_space<vmem>> -> memref<1x2000x8xf32, #tpu.memory_space<vmem>>
    %dma_wait3A_100 = tpu.memref_squeeze %dma_wait3A_99 : memref<1x2000x8xf32, #tpu.memory_space<vmem>> -> memref<2000x8xf32, #tpu.memory_space<vmem>>
    %dma_wait3A_101 = arith.constant 0 : i32
    %dma_wait3A_102 = tpu.memref_slice %arg8[%dma_wait3A_96, %dma_wait3A_101] : memref<5x2000xi32, #tpu.memory_space<vmem>> -> memref<1x2000xi32, #tpu.memory_space<vmem>>
    %dma_wait3A_103 = tpu.memref_squeeze %dma_wait3A_102 : memref<1x2000xi32, #tpu.memory_space<vmem>> -> memref<2000xi32, #tpu.memory_space<vmem>>
    %dma_wait3A_104 = arith.constant 0 : i32
    %dma_wait3A_105 = arith.constant 0 : i32
    %dma_wait3A_106 = tpu.memref_slice %arg10[%dma_wait3A_104, %dma_wait3A_105] : memref<10240x8xf32, #tpu.memory_space<vmem_shared>> -> memref<10240x8xf32, #tpu.memory_space<vmem_shared>>
    tpu.wait_indirect_dma semaphore(%arg13 : memref<!tpu.dma_semaphore, #tpu.memory_space<semaphore_mem>>) src(%dma_wait3A_100 : memref<2000x8xf32, #tpu.memory_space<vmem>>) dst(%dma_wait3A_106 : memref<10240x8xf32, #tpu.memory_space<vmem_shared>>)
    %dma_wait3A_107 = arith.constant 1 : i32
    %dma_wait3A_108 = arith.constant 0 : i32
    %dma_wait3A_109 = arith.constant 0 : i32
    %dma_wait3A_110 = arith.constant 0 : i32
    %dma_wait3A_111 = tpu.memref_slice %arg9[%dma_wait3A_107, %dma_wait3A_109, %dma_wait3A_110] : memref<2x2000x8xf32, #tpu.memory_space<vmem>> -> memref<1x2000x8xf32, #tpu.memory_space<vmem>>
    %dma_wait3A_112 = tpu.memref_squeeze %dma_wait3A_111 : memref<1x2000x8xf32, #tpu.memory_space<vmem>> -> memref<2000x8xf32, #tpu.memory_space<vmem>>
    %dma_wait3A_113 = arith.constant 0 : i32
    %dma_wait3A_114 = tpu.memref_slice %arg8[%dma_wait3A_108, %dma_wait3A_113] : memref<5x2000xi32, #tpu.memory_space<vmem>> -> memref<1x2000xi32, #tpu.memory_space<vmem>>
    %dma_wait3A_115 = tpu.memref_squeeze %dma_wait3A_114 : memref<1x2000xi32, #tpu.memory_space<vmem>> -> memref<2000xi32, #tpu.memory_space<vmem>>
    %dma_wait3A_116 = arith.constant 0 : i32
    %dma_wait3A_117 = arith.constant 0 : i32
    %dma_wait3A_118 = tpu.memref_slice %arg10[%dma_wait3A_116, %dma_wait3A_117] : memref<10240x8xf32, #tpu.memory_space<vmem_shared>> -> memref<10240x8xf32, #tpu.memory_space<vmem_shared>>
    tpu.wait_indirect_dma semaphore(%arg14 : memref<!tpu.dma_semaphore, #tpu.memory_space<semaphore_mem>>) src(%dma_wait3A_112 : memref<2000x8xf32, #tpu.memory_space<vmem>>) dst(%dma_wait3A_118 : memref<10240x8xf32, #tpu.memory_space<vmem_shared>>)
    %barrier3A_119 = arith.constant 0 : index
    tpu.barrier barrier_id(%barrier3A_119)
    %mul3A_120 = arith.constant 8 : i32
    %mul3A_121 = arith.muli %arg0, %mul3A_120 : i32
    "tpu.region"() ({
      %run_scoped3A = tpu.sem_alloc : memref<!tpu.dma_semaphore, #tpu.memory_space<semaphore_mem>>
      %dma_start3A_122 = tpu.memref_slice %arg6[%mul3A_2, %mul3A_121] : memref<10240x128xf32, #tpu.memory_space<hbm>> -> memref<640x8xf32, #tpu.memory_space<hbm>>
      %dma_start3A_123 = arith.constant 0 : i32
      %dma_start3A_124 = tpu.memref_slice %arg10[%mul3A_2, %dma_start3A_123] : memref<10240x8xf32, #tpu.memory_space<vmem_shared>> -> memref<640x8xf32, #tpu.memory_space<vmem_shared>>
      tpu.enqueue_dma source(%dma_start3A_124 : memref<640x8xf32, #tpu.memory_space<vmem_shared>>) target(%dma_start3A_122 : memref<640x8xf32, #tpu.memory_space<hbm>>) target_semaphore(%run_scoped3A : memref<!tpu.dma_semaphore, #tpu.memory_space<semaphore_mem>>)
      %dma_wait3A_125 = tpu.memref_slice %arg6[%mul3A_2, %mul3A_121] : memref<10240x128xf32, #tpu.memory_space<hbm>> -> memref<640x8xf32, #tpu.memory_space<hbm>>
      %dma_wait3A_126 = arith.constant 0 : i32
      %dma_wait3A_127 = tpu.memref_slice %arg10[%mul3A_2, %dma_wait3A_126] : memref<10240x8xf32, #tpu.memory_space<vmem_shared>> -> memref<640x8xf32, #tpu.memory_space<vmem_shared>>
      tpu.wait_dma2 semaphore(%run_scoped3A : memref<!tpu.dma_semaphore, #tpu.memory_space<semaphore_mem>>) src(%dma_wait3A_127 : memref<640x8xf32, #tpu.memory_space<vmem_shared>>) dst(%dma_wait3A_125 : memref<640x8xf32, #tpu.memory_space<hbm>>)
      tpu.yield
    }) : () -> ()
    return
  }
}

#map = affine_map<(d0, d1) -> (0, 0)>
#map1 = affine_map<(d0, d1) -> (0, 0, 0)>
module attributes {stable_mosaic.version = 14 : i64} {
  func.func @segsum(%arg0: i32, %arg1: i32, %arg2: memref<10000x32xf32, #tpu.memory_space<hbm>>, %arg3: memref<32x10x1000xi32, #tpu.memory_space<hbm>>, %arg4: memref<32x10x1000xi32, #tpu.memory_space<hbm>>, %arg5: memref<640x128xf32, #tpu.memory_space<hbm>>, %arg6: memref<10240x128xf32, #tpu.memory_space<hbm>>, %arg7: memref<10x1000xi32, #tpu.memory_space<vmem>>, %arg8: memref<10x1000xi32, #tpu.memory_space<vmem>>, %arg9: memref<2x1000x32xf32, #tpu.memory_space<vmem>>, %arg10: memref<10240x32xf32, #tpu.memory_space<vmem_shared>>, %arg11: memref<!tpu.dma_semaphore, #tpu.memory_space<semaphore_mem>>, %arg12: memref<!tpu.dma_semaphore, #tpu.memory_space<semaphore_mem>>, %arg13: memref<!tpu.dma_semaphore, #tpu.memory_space<semaphore_mem>>, %arg14: memref<!tpu.dma_semaphore, #tpu.memory_space<semaphore_mem>>) attributes {dimension_semantics = [#tpu.dimension_semantics<core_parallel>, #tpu.dimension_semantics<subcore_parallel>], iteration_bounds = array<i64: 2, 16>, scalar_prefetch = 0 : i64, scratch_operands = 8 : i64, tpu.core_type = #tpu.core_type<sc_vector_subcore>, window_params = [{transform_indices = #map}, {transform_indices = #map1}, {transform_indices = #map1}, {transform_indices = #map}, {transform_indices = #map}]} {
    %mul3A = arith.constant 16 : i32
    %mul3A_0 = arith.muli %arg0, %mul3A : i32
    %add3A = arith.addi %mul3A_0, %arg1 : i32
    %mul3A_1 = arith.constant 640 : i32
    %mul3A_2 = arith.muli %arg1, %mul3A_1 : i32
    %dma_start3A = arith.constant 0 : i32
    %dma_start3A_3 = tpu.memref_slice %arg10[%mul3A_2, %dma_start3A] : memref<10240x32xf32, #tpu.memory_space<vmem_shared>> -> memref<640x32xf32, #tpu.memory_space<vmem_shared>>
    %dma_start3A_4 = arith.constant 0 : i32
    %dma_start3A_5 = arith.constant 0 : i32
    %dma_start3A_6 = tpu.memref_slice %arg5[%dma_start3A_4, %dma_start3A_5] : memref<640x128xf32, #tpu.memory_space<hbm>> -> memref<640x32xf32, #tpu.memory_space<hbm>>
    tpu.enqueue_dma source(%dma_start3A_6 : memref<640x32xf32, #tpu.memory_space<hbm>>) target(%dma_start3A_3 : memref<640x32xf32, #tpu.memory_space<vmem_shared>>) target_semaphore(%arg13 : memref<!tpu.dma_semaphore, #tpu.memory_space<semaphore_mem>>)
    %dma_start3A_7 = arith.constant 0 : i32
    %dma_start3A_8 = arith.constant 0 : i32
    %dma_start3A_9 = tpu.memref_slice %arg3[%add3A, %dma_start3A_7, %dma_start3A_8] : memref<32x10x1000xi32, #tpu.memory_space<hbm>> -> memref<1x10x1000xi32, #tpu.memory_space<hbm>>
    %dma_start3A_10 = tpu.memref_squeeze %dma_start3A_9 : memref<1x10x1000xi32, #tpu.memory_space<hbm>> -> memref<10x1000xi32, #tpu.memory_space<hbm>>
    %dma_start3A_11 = arith.constant 0 : i32
    %dma_start3A_12 = arith.constant 0 : i32
    %dma_start3A_13 = tpu.memref_slice %arg3[%add3A, %dma_start3A_11, %dma_start3A_12] : memref<32x10x1000xi32, #tpu.memory_space<hbm>> -> memref<1x10x1000xi32, #tpu.memory_space<hbm>>
    %dma_start3A_14 = tpu.memref_squeeze %dma_start3A_13 : memref<1x10x1000xi32, #tpu.memory_space<hbm>> -> memref<10x1000xi32, #tpu.memory_space<hbm>>
    tpu.enqueue_dma source(%dma_start3A_14 : memref<10x1000xi32, #tpu.memory_space<hbm>>) target(%arg7 : memref<10x1000xi32, #tpu.memory_space<vmem>>) target_semaphore(%arg11 : memref<!tpu.dma_semaphore, #tpu.memory_space<semaphore_mem>>)
    %dma_start3A_15 = arith.constant 0 : i32
    %dma_start3A_16 = arith.constant 0 : i32
    %dma_start3A_17 = tpu.memref_slice %arg4[%add3A, %dma_start3A_15, %dma_start3A_16] : memref<32x10x1000xi32, #tpu.memory_space<hbm>> -> memref<1x10x1000xi32, #tpu.memory_space<hbm>>
    %dma_start3A_18 = tpu.memref_squeeze %dma_start3A_17 : memref<1x10x1000xi32, #tpu.memory_space<hbm>> -> memref<10x1000xi32, #tpu.memory_space<hbm>>
    %dma_start3A_19 = arith.constant 0 : i32
    %dma_start3A_20 = arith.constant 0 : i32
    %dma_start3A_21 = tpu.memref_slice %arg4[%add3A, %dma_start3A_19, %dma_start3A_20] : memref<32x10x1000xi32, #tpu.memory_space<hbm>> -> memref<1x10x1000xi32, #tpu.memory_space<hbm>>
    %dma_start3A_22 = tpu.memref_squeeze %dma_start3A_21 : memref<1x10x1000xi32, #tpu.memory_space<hbm>> -> memref<10x1000xi32, #tpu.memory_space<hbm>>
    tpu.enqueue_dma source(%dma_start3A_22 : memref<10x1000xi32, #tpu.memory_space<hbm>>) target(%arg8 : memref<10x1000xi32, #tpu.memory_space<vmem>>) target_semaphore(%arg12 : memref<!tpu.dma_semaphore, #tpu.memory_space<semaphore_mem>>)
    %dma_wait3A = arith.constant 0 : i32
    %dma_wait3A_23 = arith.constant 0 : i32
    %dma_wait3A_24 = tpu.memref_slice %arg3[%add3A, %dma_wait3A, %dma_wait3A_23] : memref<32x10x1000xi32, #tpu.memory_space<hbm>> -> memref<1x10x1000xi32, #tpu.memory_space<hbm>>
    %dma_wait3A_25 = tpu.memref_squeeze %dma_wait3A_24 : memref<1x10x1000xi32, #tpu.memory_space<hbm>> -> memref<10x1000xi32, #tpu.memory_space<hbm>>
    %dma_wait3A_26 = arith.constant 0 : i32
    %dma_wait3A_27 = arith.constant 0 : i32
    %dma_wait3A_28 = tpu.memref_slice %arg3[%add3A, %dma_wait3A_26, %dma_wait3A_27] : memref<32x10x1000xi32, #tpu.memory_space<hbm>> -> memref<1x10x1000xi32, #tpu.memory_space<hbm>>
    %dma_wait3A_29 = tpu.memref_squeeze %dma_wait3A_28 : memref<1x10x1000xi32, #tpu.memory_space<hbm>> -> memref<10x1000xi32, #tpu.memory_space<hbm>>
    tpu.wait_dma2 semaphore(%arg11 : memref<!tpu.dma_semaphore, #tpu.memory_space<semaphore_mem>>) src(%dma_wait3A_29 : memref<10x1000xi32, #tpu.memory_space<hbm>>) dst(%arg7 : memref<10x1000xi32, #tpu.memory_space<vmem>>)
    %dma_wait3A_30 = arith.constant 0 : i32
    %dma_wait3A_31 = arith.constant 0 : i32
    %dma_wait3A_32 = tpu.memref_slice %arg4[%add3A, %dma_wait3A_30, %dma_wait3A_31] : memref<32x10x1000xi32, #tpu.memory_space<hbm>> -> memref<1x10x1000xi32, #tpu.memory_space<hbm>>
    %dma_wait3A_33 = tpu.memref_squeeze %dma_wait3A_32 : memref<1x10x1000xi32, #tpu.memory_space<hbm>> -> memref<10x1000xi32, #tpu.memory_space<hbm>>
    %dma_wait3A_34 = arith.constant 0 : i32
    %dma_wait3A_35 = arith.constant 0 : i32
    %dma_wait3A_36 = tpu.memref_slice %arg4[%add3A, %dma_wait3A_34, %dma_wait3A_35] : memref<32x10x1000xi32, #tpu.memory_space<hbm>> -> memref<1x10x1000xi32, #tpu.memory_space<hbm>>
    %dma_wait3A_37 = tpu.memref_squeeze %dma_wait3A_36 : memref<1x10x1000xi32, #tpu.memory_space<hbm>> -> memref<10x1000xi32, #tpu.memory_space<hbm>>
    tpu.wait_dma2 semaphore(%arg12 : memref<!tpu.dma_semaphore, #tpu.memory_space<semaphore_mem>>) src(%dma_wait3A_37 : memref<10x1000xi32, #tpu.memory_space<hbm>>) dst(%arg8 : memref<10x1000xi32, #tpu.memory_space<vmem>>)
    %dma_start3A_38 = arith.constant 0 : i32
    %dma_start3A_39 = arith.constant 0 : i32
    %dma_start3A_40 = arith.constant 0 : i32
    %dma_start3A_41 = arith.constant 0 : i32
    %dma_start3A_42 = tpu.memref_slice %arg9[%dma_start3A_39, %dma_start3A_40, %dma_start3A_41] : memref<2x1000x32xf32, #tpu.memory_space<vmem>> -> memref<1x1000x32xf32, #tpu.memory_space<vmem>>
    %dma_start3A_43 = tpu.memref_squeeze %dma_start3A_42 : memref<1x1000x32xf32, #tpu.memory_space<vmem>> -> memref<1000x32xf32, #tpu.memory_space<vmem>>
    %dma_start3A_44 = arith.constant 0 : i32
    %dma_start3A_45 = tpu.memref_slice %arg7[%dma_start3A_38, %dma_start3A_44] : memref<10x1000xi32, #tpu.memory_space<vmem>> -> memref<1x1000xi32, #tpu.memory_space<vmem>>
    %dma_start3A_46 = tpu.memref_squeeze %dma_start3A_45 : memref<1x1000xi32, #tpu.memory_space<vmem>> -> memref<1000xi32, #tpu.memory_space<vmem>>
    %dma_start3A_47 = arith.constant 0 : i32
    %dma_start3A_48 = arith.constant 0 : i32
    %dma_start3A_49 = tpu.memref_slice %arg2[%dma_start3A_47, %dma_start3A_48] : memref<10000x32xf32, #tpu.memory_space<hbm>> -> memref<10000x32xf32, #tpu.memory_space<hbm>>
    tpu.enqueue_indirect_dma source(%dma_start3A_49 : memref<10000x32xf32, #tpu.memory_space<hbm>>) target(%dma_start3A_43 : memref<1000x32xf32, #tpu.memory_space<vmem>>) offsets(%dma_start3A_46 : memref<1000xi32, #tpu.memory_space<vmem>>) semaphore(%arg11 : memref<!tpu.dma_semaphore, #tpu.memory_space<semaphore_mem>>)
    %dma_start3A_50 = arith.constant 1 : i32
    %dma_start3A_51 = arith.constant 1 : i32
    %dma_start3A_52 = arith.constant 0 : i32
    %dma_start3A_53 = arith.constant 0 : i32
    %dma_start3A_54 = tpu.memref_slice %arg9[%dma_start3A_51, %dma_start3A_52, %dma_start3A_53] : memref<2x1000x32xf32, #tpu.memory_space<vmem>> -> memref<1x1000x32xf32, #tpu.memory_space<vmem>>
    %dma_start3A_55 = tpu.memref_squeeze %dma_start3A_54 : memref<1x1000x32xf32, #tpu.memory_space<vmem>> -> memref<1000x32xf32, #tpu.memory_space<vmem>>
    %dma_start3A_56 = arith.constant 0 : i32
    %dma_start3A_57 = tpu.memref_slice %arg7[%dma_start3A_50, %dma_start3A_56] : memref<10x1000xi32, #tpu.memory_space<vmem>> -> memref<1x1000xi32, #tpu.memory_space<vmem>>
    %dma_start3A_58 = tpu.memref_squeeze %dma_start3A_57 : memref<1x1000xi32, #tpu.memory_space<vmem>> -> memref<1000xi32, #tpu.memory_space<vmem>>
    %dma_start3A_59 = arith.constant 0 : i32
    %dma_start3A_60 = arith.constant 0 : i32
    %dma_start3A_61 = tpu.memref_slice %arg2[%dma_start3A_59, %dma_start3A_60] : memref<10000x32xf32, #tpu.memory_space<hbm>> -> memref<10000x32xf32, #tpu.memory_space<hbm>>
    tpu.enqueue_indirect_dma source(%dma_start3A_61 : memref<10000x32xf32, #tpu.memory_space<hbm>>) target(%dma_start3A_55 : memref<1000x32xf32, #tpu.memory_space<vmem>>) offsets(%dma_start3A_58 : memref<1000xi32, #tpu.memory_space<vmem>>) semaphore(%arg12 : memref<!tpu.dma_semaphore, #tpu.memory_space<semaphore_mem>>)
    %dma_wait3A_62 = arith.constant 0 : i32
    %dma_wait3A_63 = tpu.memref_slice %arg10[%mul3A_2, %dma_wait3A_62] : memref<10240x32xf32, #tpu.memory_space<vmem_shared>> -> memref<640x32xf32, #tpu.memory_space<vmem_shared>>
    %dma_wait3A_64 = arith.constant 0 : i32
    %dma_wait3A_65 = arith.constant 0 : i32
    %dma_wait3A_66 = tpu.memref_slice %arg5[%dma_wait3A_64, %dma_wait3A_65] : memref<640x128xf32, #tpu.memory_space<hbm>> -> memref<640x32xf32, #tpu.memory_space<hbm>>
    tpu.wait_dma2 semaphore(%arg13 : memref<!tpu.dma_semaphore, #tpu.memory_space<semaphore_mem>>) src(%dma_wait3A_66 : memref<640x32xf32, #tpu.memory_space<hbm>>) dst(%dma_wait3A_63 : memref<640x32xf32, #tpu.memory_space<vmem_shared>>)
    %barrier3A = arith.constant 0 : index
    tpu.barrier barrier_id(%barrier3A)
    %scan3A = arith.constant 0 : i32
    %scan3A_67 = arith.constant 5 : i32
    %scan3A_68 = arith.addi %scan3A, %scan3A_67 : i32
    %scan3A_69 = arith.constant 1 : i32
    scf.for %scan3A_98 = %scan3A to %scan3A_68 step %scan3A_69  : i32 {
      %mul3A_99 = arith.constant 1 : i32
      %mul3A_100 = arith.muli %scan3A_98, %mul3A_99 : i32
      %add3A_101 = arith.constant 0 : i32
      %add3A_102 = arith.addi %add3A_101, %mul3A_100 : i32
      %mul3A_103 = arith.constant 2 : i32
      %mul3A_104 = arith.muli %mul3A_103, %add3A_102 : i32
      %add3A_105 = arith.constant 0 : i32
      %add3A_106 = arith.addi %mul3A_104, %add3A_105 : i32
      %dma_wait3A_107 = arith.constant 0 : i32
      %dma_wait3A_108 = arith.constant 0 : i32
      %dma_wait3A_109 = arith.constant 0 : i32
      %dma_wait3A_110 = tpu.memref_slice %arg9[%dma_wait3A_107, %dma_wait3A_108, %dma_wait3A_109] : memref<2x1000x32xf32, #tpu.memory_space<vmem>> -> memref<1x1000x32xf32, #tpu.memory_space<vmem>>
      %dma_wait3A_111 = tpu.memref_squeeze %dma_wait3A_110 : memref<1x1000x32xf32, #tpu.memory_space<vmem>> -> memref<1000x32xf32, #tpu.memory_space<vmem>>
      %dma_wait3A_112 = arith.constant 0 : i32
      %dma_wait3A_113 = tpu.memref_slice %arg7[%add3A_106, %dma_wait3A_112] : memref<10x1000xi32, #tpu.memory_space<vmem>> -> memref<1x1000xi32, #tpu.memory_space<vmem>>
      %dma_wait3A_114 = tpu.memref_squeeze %dma_wait3A_113 : memref<1x1000xi32, #tpu.memory_space<vmem>> -> memref<1000xi32, #tpu.memory_space<vmem>>
      %dma_wait3A_115 = arith.constant 0 : i32
      %dma_wait3A_116 = arith.constant 0 : i32
      %dma_wait3A_117 = tpu.memref_slice %arg2[%dma_wait3A_115, %dma_wait3A_116] : memref<10000x32xf32, #tpu.memory_space<hbm>> -> memref<10000x32xf32, #tpu.memory_space<hbm>>
      tpu.wait_indirect_dma semaphore(%arg11 : memref<!tpu.dma_semaphore, #tpu.memory_space<semaphore_mem>>) src(%dma_wait3A_117 : memref<10000x32xf32, #tpu.memory_space<hbm>>) dst(%dma_wait3A_111 : memref<1000x32xf32, #tpu.memory_space<vmem>>)
      %dma_start3A_118 = arith.constant 0 : i32
      %dma_start3A_119 = arith.constant 0 : i32
      %dma_start3A_120 = arith.constant 0 : i32
      %dma_start3A_121 = tpu.memref_slice %arg9[%dma_start3A_118, %dma_start3A_119, %dma_start3A_120] : memref<2x1000x32xf32, #tpu.memory_space<vmem>> -> memref<1x1000x32xf32, #tpu.memory_space<vmem>>
      %dma_start3A_122 = tpu.memref_squeeze %dma_start3A_121 : memref<1x1000x32xf32, #tpu.memory_space<vmem>> -> memref<1000x32xf32, #tpu.memory_space<vmem>>
      %dma_start3A_123 = arith.constant 0 : i32
      %dma_start3A_124 = tpu.memref_slice %arg8[%add3A_106, %dma_start3A_123] : memref<10x1000xi32, #tpu.memory_space<vmem>> -> memref<1x1000xi32, #tpu.memory_space<vmem>>
      %dma_start3A_125 = tpu.memref_squeeze %dma_start3A_124 : memref<1x1000xi32, #tpu.memory_space<vmem>> -> memref<1000xi32, #tpu.memory_space<vmem>>
      %dma_start3A_126 = arith.constant 0 : i32
      %dma_start3A_127 = arith.constant 0 : i32
      %dma_start3A_128 = tpu.memref_slice %arg10[%dma_start3A_126, %dma_start3A_127] : memref<10240x32xf32, #tpu.memory_space<vmem_shared>> -> memref<10240x32xf32, #tpu.memory_space<vmem_shared>>
      tpu.enqueue_indirect_dma source(%dma_start3A_122 : memref<1000x32xf32, #tpu.memory_space<vmem>>) target(%dma_start3A_128 : memref<10240x32xf32, #tpu.memory_space<vmem_shared>>) offsets(%dma_start3A_125 : memref<1000xi32, #tpu.memory_space<vmem>>) semaphore(%arg13 : memref<!tpu.dma_semaphore, #tpu.memory_space<semaphore_mem>>) {add = true}
      %add3A_129 = arith.constant 2 : i32
      %add3A_130 = arith.addi %add3A_106, %add3A_129 : i32
      %lt3A = arith.constant 10 : i32
      %lt3A_131 = arith.cmpi slt, %add3A_130, %lt3A : i32
      %convert_element_type3A = arith.extui %lt3A_131 : i1 to i32
      %cond3A = arith.constant 0 : i32
      %cond3A_132 = arith.cmpi ne, %convert_element_type3A, %cond3A : i32
      scf.if %cond3A_132 {
        %ge3A = arith.constant 0 : i32
        %ge3A_164 = arith.cmpi sge, %add3A_106, %ge3A : i32
        %convert_element_type3A_165 = arith.extui %ge3A_164 : i1 to i32
        %cond3A_166 = arith.constant 0 : i32
        %cond3A_167 = arith.cmpi ne, %convert_element_type3A_165, %cond3A_166 : i32
        scf.if %cond3A_167 {
          %dma_wait3A_181 = arith.constant 0 : i32
          %dma_wait3A_182 = arith.constant 0 : i32
          %dma_wait3A_183 = arith.constant 0 : i32
          %dma_wait3A_184 = tpu.memref_slice %arg9[%dma_wait3A_181, %dma_wait3A_182, %dma_wait3A_183] : memref<2x1000x32xf32, #tpu.memory_space<vmem>> -> memref<1x1000x32xf32, #tpu.memory_space<vmem>>
          %dma_wait3A_185 = tpu.memref_squeeze %dma_wait3A_184 : memref<1x1000x32xf32, #tpu.memory_space<vmem>> -> memref<1000x32xf32, #tpu.memory_space<vmem>>
          %dma_wait3A_186 = arith.constant 0 : i32
          %dma_wait3A_187 = tpu.memref_slice %arg8[%add3A_106, %dma_wait3A_186] : memref<10x1000xi32, #tpu.memory_space<vmem>> -> memref<1x1000xi32, #tpu.memory_space<vmem>>
          %dma_wait3A_188 = tpu.memref_squeeze %dma_wait3A_187 : memref<1x1000xi32, #tpu.memory_space<vmem>> -> memref<1000xi32, #tpu.memory_space<vmem>>
          %dma_wait3A_189 = arith.constant 0 : i32
          %dma_wait3A_190 = arith.constant 0 : i32
          %dma_wait3A_191 = tpu.memref_slice %arg10[%dma_wait3A_189, %dma_wait3A_190] : memref<10240x32xf32, #tpu.memory_space<vmem_shared>> -> memref<10240x32xf32, #tpu.memory_space<vmem_shared>>
          tpu.wait_indirect_dma semaphore(%arg13 : memref<!tpu.dma_semaphore, #tpu.memory_space<semaphore_mem>>) src(%dma_wait3A_185 : memref<1000x32xf32, #tpu.memory_space<vmem>>) dst(%dma_wait3A_191 : memref<10240x32xf32, #tpu.memory_space<vmem_shared>>)
        } else {
        }
        %add3A_168 = arith.constant 2 : i32
        %add3A_169 = arith.addi %add3A_106, %add3A_168 : i32
        %dma_start3A_170 = arith.constant 0 : i32
        %dma_start3A_171 = arith.constant 0 : i32
        %dma_start3A_172 = arith.constant 0 : i32
        %dma_start3A_173 = tpu.memref_slice %arg9[%dma_start3A_170, %dma_start3A_171, %dma_start3A_172] : memref<2x1000x32xf32, #tpu.memory_space<vmem>> -> memref<1x1000x32xf32, #tpu.memory_space<vmem>>
        %dma_start3A_174 = tpu.memref_squeeze %dma_start3A_173 : memref<1x1000x32xf32, #tpu.memory_space<vmem>> -> memref<1000x32xf32, #tpu.memory_space<vmem>>
        %dma_start3A_175 = arith.constant 0 : i32
        %dma_start3A_176 = tpu.memref_slice %arg7[%add3A_169, %dma_start3A_175] : memref<10x1000xi32, #tpu.memory_space<vmem>> -> memref<1x1000xi32, #tpu.memory_space<vmem>>
        %dma_start3A_177 = tpu.memref_squeeze %dma_start3A_176 : memref<1x1000xi32, #tpu.memory_space<vmem>> -> memref<1000xi32, #tpu.memory_space<vmem>>
        %dma_start3A_178 = arith.constant 0 : i32
        %dma_start3A_179 = arith.constant 0 : i32
        %dma_start3A_180 = tpu.memref_slice %arg2[%dma_start3A_178, %dma_start3A_179] : memref<10000x32xf32, #tpu.memory_space<hbm>> -> memref<10000x32xf32, #tpu.memory_space<hbm>>
        tpu.enqueue_indirect_dma source(%dma_start3A_180 : memref<10000x32xf32, #tpu.memory_space<hbm>>) target(%dma_start3A_174 : memref<1000x32xf32, #tpu.memory_space<vmem>>) offsets(%dma_start3A_177 : memref<1000xi32, #tpu.memory_space<vmem>>) semaphore(%arg11 : memref<!tpu.dma_semaphore, #tpu.memory_space<semaphore_mem>>)
      } else {
      }
      %add3A_133 = arith.constant 1 : i32
      %add3A_134 = arith.addi %mul3A_104, %add3A_133 : i32
      %dma_wait3A_135 = arith.constant 1 : i32
      %dma_wait3A_136 = arith.constant 0 : i32
      %dma_wait3A_137 = arith.constant 0 : i32
      %dma_wait3A_138 = tpu.memref_slice %arg9[%dma_wait3A_135, %dma_wait3A_136, %dma_wait3A_137] : memref<2x1000x32xf32, #tpu.memory_space<vmem>> -> memref<1x1000x32xf32, #tpu.memory_space<vmem>>
      %dma_wait3A_139 = tpu.memref_squeeze %dma_wait3A_138 : memref<1x1000x32xf32, #tpu.memory_space<vmem>> -> memref<1000x32xf32, #tpu.memory_space<vmem>>
      %dma_wait3A_140 = arith.constant 0 : i32
      %dma_wait3A_141 = tpu.memref_slice %arg7[%add3A_134, %dma_wait3A_140] : memref<10x1000xi32, #tpu.memory_space<vmem>> -> memref<1x1000xi32, #tpu.memory_space<vmem>>
      %dma_wait3A_142 = tpu.memref_squeeze %dma_wait3A_141 : memref<1x1000xi32, #tpu.memory_space<vmem>> -> memref<1000xi32, #tpu.memory_space<vmem>>
      %dma_wait3A_143 = arith.constant 0 : i32
      %dma_wait3A_144 = arith.constant 0 : i32
      %dma_wait3A_145 = tpu.memref_slice %arg2[%dma_wait3A_143, %dma_wait3A_144] : memref<10000x32xf32, #tpu.memory_space<hbm>> -> memref<10000x32xf32, #tpu.memory_space<hbm>>
      tpu.wait_indirect_dma semaphore(%arg12 : memref<!tpu.dma_semaphore, #tpu.memory_space<semaphore_mem>>) src(%dma_wait3A_145 : memref<10000x32xf32, #tpu.memory_space<hbm>>) dst(%dma_wait3A_139 : memref<1000x32xf32, #tpu.memory_space<vmem>>)
      %dma_start3A_146 = arith.constant 1 : i32
      %dma_start3A_147 = arith.constant 0 : i32
      %dma_start3A_148 = arith.constant 0 : i32
      %dma_start3A_149 = tpu.memref_slice %arg9[%dma_start3A_146, %dma_start3A_147, %dma_start3A_148] : memref<2x1000x32xf32, #tpu.memory_space<vmem>> -> memref<1x1000x32xf32, #tpu.memory_space<vmem>>
      %dma_start3A_150 = tpu.memref_squeeze %dma_start3A_149 : memref<1x1000x32xf32, #tpu.memory_space<vmem>> -> memref<1000x32xf32, #tpu.memory_space<vmem>>
      %dma_start3A_151 = arith.constant 0 : i32
      %dma_start3A_152 = tpu.memref_slice %arg8[%add3A_134, %dma_start3A_151] : memref<10x1000xi32, #tpu.memory_space<vmem>> -> memref<1x1000xi32, #tpu.memory_space<vmem>>
      %dma_start3A_153 = tpu.memref_squeeze %dma_start3A_152 : memref<1x1000xi32, #tpu.memory_space<vmem>> -> memref<1000xi32, #tpu.memory_space<vmem>>
      %dma_start3A_154 = arith.constant 0 : i32
      %dma_start3A_155 = arith.constant 0 : i32
      %dma_start3A_156 = tpu.memref_slice %arg10[%dma_start3A_154, %dma_start3A_155] : memref<10240x32xf32, #tpu.memory_space<vmem_shared>> -> memref<10240x32xf32, #tpu.memory_space<vmem_shared>>
      tpu.enqueue_indirect_dma source(%dma_start3A_150 : memref<1000x32xf32, #tpu.memory_space<vmem>>) target(%dma_start3A_156 : memref<10240x32xf32, #tpu.memory_space<vmem_shared>>) offsets(%dma_start3A_153 : memref<1000xi32, #tpu.memory_space<vmem>>) semaphore(%arg14 : memref<!tpu.dma_semaphore, #tpu.memory_space<semaphore_mem>>) {add = true}
      %add3A_157 = arith.constant 2 : i32
      %add3A_158 = arith.addi %add3A_134, %add3A_157 : i32
      %lt3A_159 = arith.constant 10 : i32
      %lt3A_160 = arith.cmpi slt, %add3A_158, %lt3A_159 : i32
      %convert_element_type3A_161 = arith.extui %lt3A_160 : i1 to i32
      %cond3A_162 = arith.constant 0 : i32
      %cond3A_163 = arith.cmpi ne, %convert_element_type3A_161, %cond3A_162 : i32
      scf.if %cond3A_163 {
        %ge3A = arith.constant 0 : i32
        %ge3A_164 = arith.cmpi sge, %add3A_134, %ge3A : i32
        %convert_element_type3A_165 = arith.extui %ge3A_164 : i1 to i32
        %cond3A_166 = arith.constant 0 : i32
        %cond3A_167 = arith.cmpi ne, %convert_element_type3A_165, %cond3A_166 : i32
        scf.if %cond3A_167 {
          %dma_wait3A_181 = arith.constant 1 : i32
          %dma_wait3A_182 = arith.constant 0 : i32
          %dma_wait3A_183 = arith.constant 0 : i32
          %dma_wait3A_184 = tpu.memref_slice %arg9[%dma_wait3A_181, %dma_wait3A_182, %dma_wait3A_183] : memref<2x1000x32xf32, #tpu.memory_space<vmem>> -> memref<1x1000x32xf32, #tpu.memory_space<vmem>>
          %dma_wait3A_185 = tpu.memref_squeeze %dma_wait3A_184 : memref<1x1000x32xf32, #tpu.memory_space<vmem>> -> memref<1000x32xf32, #tpu.memory_space<vmem>>
          %dma_wait3A_186 = arith.constant 0 : i32
          %dma_wait3A_187 = tpu.memref_slice %arg8[%add3A_134, %dma_wait3A_186] : memref<10x1000xi32, #tpu.memory_space<vmem>> -> memref<1x1000xi32, #tpu.memory_space<vmem>>
          %dma_wait3A_188 = tpu.memref_squeeze %dma_wait3A_187 : memref<1x1000xi32, #tpu.memory_space<vmem>> -> memref<1000xi32, #tpu.memory_space<vmem>>
          %dma_wait3A_189 = arith.constant 0 : i32
          %dma_wait3A_190 = arith.constant 0 : i32
          %dma_wait3A_191 = tpu.memref_slice %arg10[%dma_wait3A_189, %dma_wait3A_190] : memref<10240x32xf32, #tpu.memory_space<vmem_shared>> -> memref<10240x32xf32, #tpu.memory_space<vmem_shared>>
          tpu.wait_indirect_dma semaphore(%arg14 : memref<!tpu.dma_semaphore, #tpu.memory_space<semaphore_mem>>) src(%dma_wait3A_185 : memref<1000x32xf32, #tpu.memory_space<vmem>>) dst(%dma_wait3A_191 : memref<10240x32xf32, #tpu.memory_space<vmem_shared>>)
        } else {
        }
        %add3A_168 = arith.constant 2 : i32
        %add3A_169 = arith.addi %add3A_134, %add3A_168 : i32
        %dma_start3A_170 = arith.constant 1 : i32
        %dma_start3A_171 = arith.constant 0 : i32
        %dma_start3A_172 = arith.constant 0 : i32
        %dma_start3A_173 = tpu.memref_slice %arg9[%dma_start3A_170, %dma_start3A_171, %dma_start3A_172] : memref<2x1000x32xf32, #tpu.memory_space<vmem>> -> memref<1x1000x32xf32, #tpu.memory_space<vmem>>
        %dma_start3A_174 = tpu.memref_squeeze %dma_start3A_173 : memref<1x1000x32xf32, #tpu.memory_space<vmem>> -> memref<1000x32xf32, #tpu.memory_space<vmem>>
        %dma_start3A_175 = arith.constant 0 : i32
        %dma_start3A_176 = tpu.memref_slice %arg7[%add3A_169, %dma_start3A_175] : memref<10x1000xi32, #tpu.memory_space<vmem>> -> memref<1x1000xi32, #tpu.memory_space<vmem>>
        %dma_start3A_177 = tpu.memref_squeeze %dma_start3A_176 : memref<1x1000xi32, #tpu.memory_space<vmem>> -> memref<1000xi32, #tpu.memory_space<vmem>>
        %dma_start3A_178 = arith.constant 0 : i32
        %dma_start3A_179 = arith.constant 0 : i32
        %dma_start3A_180 = tpu.memref_slice %arg2[%dma_start3A_178, %dma_start3A_179] : memref<10000x32xf32, #tpu.memory_space<hbm>> -> memref<10000x32xf32, #tpu.memory_space<hbm>>
        tpu.enqueue_indirect_dma source(%dma_start3A_180 : memref<10000x32xf32, #tpu.memory_space<hbm>>) target(%dma_start3A_174 : memref<1000x32xf32, #tpu.memory_space<vmem>>) offsets(%dma_start3A_177 : memref<1000xi32, #tpu.memory_space<vmem>>) semaphore(%arg12 : memref<!tpu.dma_semaphore, #tpu.memory_space<semaphore_mem>>)
      } else {
      }
    }
    %scan3A_70 = arith.constant 5 : i32
    %dma_wait3A_71 = arith.constant 0 : i32
    %dma_wait3A_72 = arith.constant 0 : i32
    %dma_wait3A_73 = arith.constant 0 : i32
    %dma_wait3A_74 = arith.constant 0 : i32
    %dma_wait3A_75 = tpu.memref_slice %arg9[%dma_wait3A_71, %dma_wait3A_73, %dma_wait3A_74] : memref<2x1000x32xf32, #tpu.memory_space<vmem>> -> memref<1x1000x32xf32, #tpu.memory_space<vmem>>
    %dma_wait3A_76 = tpu.memref_squeeze %dma_wait3A_75 : memref<1x1000x32xf32, #tpu.memory_space<vmem>> -> memref<1000x32xf32, #tpu.memory_space<vmem>>
    %dma_wait3A_77 = arith.constant 0 : i32
    %dma_wait3A_78 = tpu.memref_slice %arg8[%dma_wait3A_72, %dma_wait3A_77] : memref<10x1000xi32, #tpu.memory_space<vmem>> -> memref<1x1000xi32, #tpu.memory_space<vmem>>
    %dma_wait3A_79 = tpu.memref_squeeze %dma_wait3A_78 : memref<1x1000xi32, #tpu.memory_space<vmem>> -> memref<1000xi32, #tpu.memory_space<vmem>>
    %dma_wait3A_80 = arith.constant 0 : i32
    %dma_wait3A_81 = arith.constant 0 : i32
    %dma_wait3A_82 = tpu.memref_slice %arg10[%dma_wait3A_80, %dma_wait3A_81] : memref<10240x32xf32, #tpu.memory_space<vmem_shared>> -> memref<10240x32xf32, #tpu.memory_space<vmem_shared>>
    tpu.wait_indirect_dma semaphore(%arg13 : memref<!tpu.dma_semaphore, #tpu.memory_space<semaphore_mem>>) src(%dma_wait3A_76 : memref<1000x32xf32, #tpu.memory_space<vmem>>) dst(%dma_wait3A_82 : memref<10240x32xf32, #tpu.memory_space<vmem_shared>>)
    %dma_wait3A_83 = arith.constant 1 : i32
    %dma_wait3A_84 = arith.constant 0 : i32
    %dma_wait3A_85 = arith.constant 0 : i32
    %dma_wait3A_86 = arith.constant 0 : i32
    %dma_wait3A_87 = tpu.memref_slice %arg9[%dma_wait3A_83, %dma_wait3A_85, %dma_wait3A_86] : memref<2x1000x32xf32, #tpu.memory_space<vmem>> -> memref<1x1000x32xf32, #tpu.memory_space<vmem>>
    %dma_wait3A_88 = tpu.memref_squeeze %dma_wait3A_87 : memref<1x1000x32xf32, #tpu.memory_space<vmem>> -> memref<1000x32xf32, #tpu.memory_space<vmem>>
    %dma_wait3A_89 = arith.constant 0 : i32
    %dma_wait3A_90 = tpu.memref_slice %arg8[%dma_wait3A_84, %dma_wait3A_89] : memref<10x1000xi32, #tpu.memory_space<vmem>> -> memref<1x1000xi32, #tpu.memory_space<vmem>>
    %dma_wait3A_91 = tpu.memref_squeeze %dma_wait3A_90 : memref<1x1000xi32, #tpu.memory_space<vmem>> -> memref<1000xi32, #tpu.memory_space<vmem>>
    %dma_wait3A_92 = arith.constant 0 : i32
    %dma_wait3A_93 = arith.constant 0 : i32
    %dma_wait3A_94 = tpu.memref_slice %arg10[%dma_wait3A_92, %dma_wait3A_93] : memref<10240x32xf32, #tpu.memory_space<vmem_shared>> -> memref<10240x32xf32, #tpu.memory_space<vmem_shared>>
    tpu.wait_indirect_dma semaphore(%arg14 : memref<!tpu.dma_semaphore, #tpu.memory_space<semaphore_mem>>) src(%dma_wait3A_88 : memref<1000x32xf32, #tpu.memory_space<vmem>>) dst(%dma_wait3A_94 : memref<10240x32xf32, #tpu.memory_space<vmem_shared>>)
    %barrier3A_95 = arith.constant 0 : index
    tpu.barrier barrier_id(%barrier3A_95)
    %mul3A_96 = arith.constant 32 : i32
    %mul3A_97 = arith.muli %arg0, %mul3A_96 : i32
    "tpu.region"() ({
      %run_scoped3A = tpu.sem_alloc : memref<!tpu.dma_semaphore, #tpu.memory_space<semaphore_mem>>
      %dma_start3A_98 = tpu.memref_slice %arg6[%mul3A_2, %mul3A_97] : memref<10240x128xf32, #tpu.memory_space<hbm>> -> memref<640x32xf32, #tpu.memory_space<hbm>>
      %dma_start3A_99 = arith.constant 0 : i32
      %dma_start3A_100 = tpu.memref_slice %arg10[%mul3A_2, %dma_start3A_99] : memref<10240x32xf32, #tpu.memory_space<vmem_shared>> -> memref<640x32xf32, #tpu.memory_space<vmem_shared>>
      tpu.enqueue_dma source(%dma_start3A_100 : memref<640x32xf32, #tpu.memory_space<vmem_shared>>) target(%dma_start3A_98 : memref<640x32xf32, #tpu.memory_space<hbm>>) target_semaphore(%run_scoped3A : memref<!tpu.dma_semaphore, #tpu.memory_space<semaphore_mem>>)
      %dma_wait3A_101 = tpu.memref_slice %arg6[%mul3A_2, %mul3A_97] : memref<10240x128xf32, #tpu.memory_space<hbm>> -> memref<640x32xf32, #tpu.memory_space<hbm>>
      %dma_wait3A_102 = arith.constant 0 : i32
      %dma_wait3A_103 = tpu.memref_slice %arg10[%mul3A_2, %dma_wait3A_102] : memref<10240x32xf32, #tpu.memory_space<vmem_shared>> -> memref<640x32xf32, #tpu.memory_space<vmem_shared>>
      tpu.wait_dma2 semaphore(%run_scoped3A : memref<!tpu.dma_semaphore, #tpu.memory_space<semaphore_mem>>) src(%dma_wait3A_103 : memref<640x32xf32, #tpu.memory_space<vmem_shared>>) dst(%dma_wait3A_101 : memref<640x32xf32, #tpu.memory_space<hbm>>)
      tpu.yield
    }) : () -> ()
    return
  }
}

#map = affine_map<(d0, d1) -> (0, 0)>
#map1 = affine_map<(d0, d1) -> (0, 0, 0)>
module attributes {stable_mosaic.version = 14 : i64} {
  func.func @segsum(%arg0: i32, %arg1: i32, %arg2: memref<10000x8xf32, #tpu.memory_space<hbm>>, %arg3: memref<32x5x2000xi32, #tpu.memory_space<hbm>>, %arg4: memref<32x5x2000xi32, #tpu.memory_space<hbm>>, %arg5: memref<640x128xf32, #tpu.memory_space<hbm>>, %arg6: memref<10240x128xf32, #tpu.memory_space<hbm>>, %arg7: memref<5x2000xi32, #tpu.memory_space<vmem>>, %arg8: memref<5x2000xi32, #tpu.memory_space<vmem>>, %arg9: memref<2x2000x8xf32, #tpu.memory_space<vmem>>, %arg10: memref<10240x8xf32, #tpu.memory_space<vmem_shared>>, %arg11: memref<!tpu.dma_semaphore, #tpu.memory_space<semaphore_mem>>, %arg12: memref<!tpu.dma_semaphore, #tpu.memory_space<semaphore_mem>>, %arg13: memref<!tpu.dma_semaphore, #tpu.memory_space<semaphore_mem>>, %arg14: memref<!tpu.dma_semaphore, #tpu.memory_space<semaphore_mem>>) attributes {dimension_semantics = [#tpu.dimension_semantics<core_parallel>, #tpu.dimension_semantics<subcore_parallel>], iteration_bounds = array<i64: 2, 16>, scalar_prefetch = 0 : i64, scratch_operands = 8 : i64, tpu.core_type = #tpu.core_type<sc_vector_subcore>, window_params = [{transform_indices = #map}, {transform_indices = #map1}, {transform_indices = #map1}, {transform_indices = #map}, {transform_indices = #map}]} {
    %mul3A = arith.constant 16 : i32
    %mul3A_0 = arith.muli %arg0, %mul3A : i32
    %add3A = arith.addi %mul3A_0, %arg1 : i32
    %mul3A_1 = arith.constant 640 : i32
    %mul3A_2 = arith.muli %arg1, %mul3A_1 : i32
    %dma_start3A = arith.constant 0 : i32
    %dma_start3A_3 = tpu.memref_slice %arg10[%mul3A_2, %dma_start3A] : memref<10240x8xf32, #tpu.memory_space<vmem_shared>> -> memref<640x8xf32, #tpu.memory_space<vmem_shared>>
    %dma_start3A_4 = arith.constant 0 : i32
    %dma_start3A_5 = arith.constant 0 : i32
    %dma_start3A_6 = tpu.memref_slice %arg5[%dma_start3A_4, %dma_start3A_5] : memref<640x128xf32, #tpu.memory_space<hbm>> -> memref<640x8xf32, #tpu.memory_space<hbm>>
    tpu.enqueue_dma source(%dma_start3A_6 : memref<640x8xf32, #tpu.memory_space<hbm>>) target(%dma_start3A_3 : memref<640x8xf32, #tpu.memory_space<vmem_shared>>) target_semaphore(%arg13 : memref<!tpu.dma_semaphore, #tpu.memory_space<semaphore_mem>>)
    %dma_start3A_7 = arith.constant 0 : i32
    %dma_start3A_8 = arith.constant 0 : i32
    %dma_start3A_9 = tpu.memref_slice %arg3[%add3A, %dma_start3A_7, %dma_start3A_8] : memref<32x5x2000xi32, #tpu.memory_space<hbm>> -> memref<1x5x2000xi32, #tpu.memory_space<hbm>>
    %dma_start3A_10 = tpu.memref_squeeze %dma_start3A_9 : memref<1x5x2000xi32, #tpu.memory_space<hbm>> -> memref<5x2000xi32, #tpu.memory_space<hbm>>
    %dma_start3A_11 = arith.constant 0 : i32
    %dma_start3A_12 = arith.constant 0 : i32
    %dma_start3A_13 = tpu.memref_slice %arg3[%add3A, %dma_start3A_11, %dma_start3A_12] : memref<32x5x2000xi32, #tpu.memory_space<hbm>> -> memref<1x5x2000xi32, #tpu.memory_space<hbm>>
    %dma_start3A_14 = tpu.memref_squeeze %dma_start3A_13 : memref<1x5x2000xi32, #tpu.memory_space<hbm>> -> memref<5x2000xi32, #tpu.memory_space<hbm>>
    tpu.enqueue_dma source(%dma_start3A_14 : memref<5x2000xi32, #tpu.memory_space<hbm>>) target(%arg7 : memref<5x2000xi32, #tpu.memory_space<vmem>>) target_semaphore(%arg11 : memref<!tpu.dma_semaphore, #tpu.memory_space<semaphore_mem>>)
    %dma_start3A_15 = arith.constant 0 : i32
    %dma_start3A_16 = arith.constant 0 : i32
    %dma_start3A_17 = tpu.memref_slice %arg4[%add3A, %dma_start3A_15, %dma_start3A_16] : memref<32x5x2000xi32, #tpu.memory_space<hbm>> -> memref<1x5x2000xi32, #tpu.memory_space<hbm>>
    %dma_start3A_18 = tpu.memref_squeeze %dma_start3A_17 : memref<1x5x2000xi32, #tpu.memory_space<hbm>> -> memref<5x2000xi32, #tpu.memory_space<hbm>>
    %dma_start3A_19 = arith.constant 0 : i32
    %dma_start3A_20 = arith.constant 0 : i32
    %dma_start3A_21 = tpu.memref_slice %arg4[%add3A, %dma_start3A_19, %dma_start3A_20] : memref<32x5x2000xi32, #tpu.memory_space<hbm>> -> memref<1x5x2000xi32, #tpu.memory_space<hbm>>
    %dma_start3A_22 = tpu.memref_squeeze %dma_start3A_21 : memref<1x5x2000xi32, #tpu.memory_space<hbm>> -> memref<5x2000xi32, #tpu.memory_space<hbm>>
    tpu.enqueue_dma source(%dma_start3A_22 : memref<5x2000xi32, #tpu.memory_space<hbm>>) target(%arg8 : memref<5x2000xi32, #tpu.memory_space<vmem>>) target_semaphore(%arg12 : memref<!tpu.dma_semaphore, #tpu.memory_space<semaphore_mem>>)
    %dma_wait3A = arith.constant 0 : i32
    %dma_wait3A_23 = arith.constant 0 : i32
    %dma_wait3A_24 = tpu.memref_slice %arg3[%add3A, %dma_wait3A, %dma_wait3A_23] : memref<32x5x2000xi32, #tpu.memory_space<hbm>> -> memref<1x5x2000xi32, #tpu.memory_space<hbm>>
    %dma_wait3A_25 = tpu.memref_squeeze %dma_wait3A_24 : memref<1x5x2000xi32, #tpu.memory_space<hbm>> -> memref<5x2000xi32, #tpu.memory_space<hbm>>
    %dma_wait3A_26 = arith.constant 0 : i32
    %dma_wait3A_27 = arith.constant 0 : i32
    %dma_wait3A_28 = tpu.memref_slice %arg3[%add3A, %dma_wait3A_26, %dma_wait3A_27] : memref<32x5x2000xi32, #tpu.memory_space<hbm>> -> memref<1x5x2000xi32, #tpu.memory_space<hbm>>
    %dma_wait3A_29 = tpu.memref_squeeze %dma_wait3A_28 : memref<1x5x2000xi32, #tpu.memory_space<hbm>> -> memref<5x2000xi32, #tpu.memory_space<hbm>>
    tpu.wait_dma2 semaphore(%arg11 : memref<!tpu.dma_semaphore, #tpu.memory_space<semaphore_mem>>) src(%dma_wait3A_29 : memref<5x2000xi32, #tpu.memory_space<hbm>>) dst(%arg7 : memref<5x2000xi32, #tpu.memory_space<vmem>>)
    %dma_wait3A_30 = arith.constant 0 : i32
    %dma_wait3A_31 = arith.constant 0 : i32
    %dma_wait3A_32 = tpu.memref_slice %arg4[%add3A, %dma_wait3A_30, %dma_wait3A_31] : memref<32x5x2000xi32, #tpu.memory_space<hbm>> -> memref<1x5x2000xi32, #tpu.memory_space<hbm>>
    %dma_wait3A_33 = tpu.memref_squeeze %dma_wait3A_32 : memref<1x5x2000xi32, #tpu.memory_space<hbm>> -> memref<5x2000xi32, #tpu.memory_space<hbm>>
    %dma_wait3A_34 = arith.constant 0 : i32
    %dma_wait3A_35 = arith.constant 0 : i32
    %dma_wait3A_36 = tpu.memref_slice %arg4[%add3A, %dma_wait3A_34, %dma_wait3A_35] : memref<32x5x2000xi32, #tpu.memory_space<hbm>> -> memref<1x5x2000xi32, #tpu.memory_space<hbm>>
    %dma_wait3A_37 = tpu.memref_squeeze %dma_wait3A_36 : memref<1x5x2000xi32, #tpu.memory_space<hbm>> -> memref<5x2000xi32, #tpu.memory_space<hbm>>
    tpu.wait_dma2 semaphore(%arg12 : memref<!tpu.dma_semaphore, #tpu.memory_space<semaphore_mem>>) src(%dma_wait3A_37 : memref<5x2000xi32, #tpu.memory_space<hbm>>) dst(%arg8 : memref<5x2000xi32, #tpu.memory_space<vmem>>)
    %dma_start3A_38 = arith.constant 0 : i32
    %dma_start3A_39 = arith.constant 0 : i32
    %dma_start3A_40 = arith.constant 0 : i32
    %dma_start3A_41 = arith.constant 0 : i32
    %dma_start3A_42 = tpu.memref_slice %arg9[%dma_start3A_39, %dma_start3A_40, %dma_start3A_41] : memref<2x2000x8xf32, #tpu.memory_space<vmem>> -> memref<1x2000x8xf32, #tpu.memory_space<vmem>>
    %dma_start3A_43 = tpu.memref_squeeze %dma_start3A_42 : memref<1x2000x8xf32, #tpu.memory_space<vmem>> -> memref<2000x8xf32, #tpu.memory_space<vmem>>
    %dma_start3A_44 = arith.constant 0 : i32
    %dma_start3A_45 = tpu.memref_slice %arg7[%dma_start3A_38, %dma_start3A_44] : memref<5x2000xi32, #tpu.memory_space<vmem>> -> memref<1x2000xi32, #tpu.memory_space<vmem>>
    %dma_start3A_46 = tpu.memref_squeeze %dma_start3A_45 : memref<1x2000xi32, #tpu.memory_space<vmem>> -> memref<2000xi32, #tpu.memory_space<vmem>>
    %dma_start3A_47 = arith.constant 0 : i32
    %dma_start3A_48 = arith.constant 0 : i32
    %dma_start3A_49 = tpu.memref_slice %arg2[%dma_start3A_47, %dma_start3A_48] : memref<10000x8xf32, #tpu.memory_space<hbm>> -> memref<10000x8xf32, #tpu.memory_space<hbm>>
    tpu.enqueue_indirect_dma source(%dma_start3A_49 : memref<10000x8xf32, #tpu.memory_space<hbm>>) target(%dma_start3A_43 : memref<2000x8xf32, #tpu.memory_space<vmem>>) offsets(%dma_start3A_46 : memref<2000xi32, #tpu.memory_space<vmem>>) semaphore(%arg11 : memref<!tpu.dma_semaphore, #tpu.memory_space<semaphore_mem>>)
    %dma_start3A_50 = arith.constant 1 : i32
    %dma_start3A_51 = arith.constant 1 : i32
    %dma_start3A_52 = arith.constant 0 : i32
    %dma_start3A_53 = arith.constant 0 : i32
    %dma_start3A_54 = tpu.memref_slice %arg9[%dma_start3A_51, %dma_start3A_52, %dma_start3A_53] : memref<2x2000x8xf32, #tpu.memory_space<vmem>> -> memref<1x2000x8xf32, #tpu.memory_space<vmem>>
    %dma_start3A_55 = tpu.memref_squeeze %dma_start3A_54 : memref<1x2000x8xf32, #tpu.memory_space<vmem>> -> memref<2000x8xf32, #tpu.memory_space<vmem>>
    %dma_start3A_56 = arith.constant 0 : i32
    %dma_start3A_57 = tpu.memref_slice %arg7[%dma_start3A_50, %dma_start3A_56] : memref<5x2000xi32, #tpu.memory_space<vmem>> -> memref<1x2000xi32, #tpu.memory_space<vmem>>
    %dma_start3A_58 = tpu.memref_squeeze %dma_start3A_57 : memref<1x2000xi32, #tpu.memory_space<vmem>> -> memref<2000xi32, #tpu.memory_space<vmem>>
    %dma_start3A_59 = arith.constant 0 : i32
    %dma_start3A_60 = arith.constant 0 : i32
    %dma_start3A_61 = tpu.memref_slice %arg2[%dma_start3A_59, %dma_start3A_60] : memref<10000x8xf32, #tpu.memory_space<hbm>> -> memref<10000x8xf32, #tpu.memory_space<hbm>>
    tpu.enqueue_indirect_dma source(%dma_start3A_61 : memref<10000x8xf32, #tpu.memory_space<hbm>>) target(%dma_start3A_55 : memref<2000x8xf32, #tpu.memory_space<vmem>>) offsets(%dma_start3A_58 : memref<2000xi32, #tpu.memory_space<vmem>>) semaphore(%arg12 : memref<!tpu.dma_semaphore, #tpu.memory_space<semaphore_mem>>)
    %dma_wait3A_62 = arith.constant 0 : i32
    %dma_wait3A_63 = tpu.memref_slice %arg10[%mul3A_2, %dma_wait3A_62] : memref<10240x8xf32, #tpu.memory_space<vmem_shared>> -> memref<640x8xf32, #tpu.memory_space<vmem_shared>>
    %dma_wait3A_64 = arith.constant 0 : i32
    %dma_wait3A_65 = arith.constant 0 : i32
    %dma_wait3A_66 = tpu.memref_slice %arg5[%dma_wait3A_64, %dma_wait3A_65] : memref<640x128xf32, #tpu.memory_space<hbm>> -> memref<640x8xf32, #tpu.memory_space<hbm>>
    tpu.wait_dma2 semaphore(%arg13 : memref<!tpu.dma_semaphore, #tpu.memory_space<semaphore_mem>>) src(%dma_wait3A_66 : memref<640x8xf32, #tpu.memory_space<hbm>>) dst(%dma_wait3A_63 : memref<640x8xf32, #tpu.memory_space<vmem_shared>>)
    %barrier3A = arith.constant 0 : index
    tpu.barrier barrier_id(%barrier3A)
    %scan3A = arith.constant 0 : i32
    %scan3A_67 = arith.constant 2 : i32
    %scan3A_68 = arith.addi %scan3A, %scan3A_67 : i32
    %scan3A_69 = arith.constant 1 : i32
    scf.for %scan3A_122 = %scan3A to %scan3A_68 step %scan3A_69  : i32 {
      %mul3A_123 = arith.constant 1 : i32
      %mul3A_124 = arith.muli %scan3A_122, %mul3A_123 : i32
      %add3A_125 = arith.constant 0 : i32
      %add3A_126 = arith.addi %add3A_125, %mul3A_124 : i32
      %mul3A_127 = arith.constant 2 : i32
      %mul3A_128 = arith.muli %mul3A_127, %add3A_126 : i32
      %add3A_129 = arith.constant 0 : i32
      %add3A_130 = arith.addi %mul3A_128, %add3A_129 : i32
      %dma_wait3A_131 = arith.constant 0 : i32
      %dma_wait3A_132 = arith.constant 0 : i32
      %dma_wait3A_133 = arith.constant 0 : i32
      %dma_wait3A_134 = tpu.memref_slice %arg9[%dma_wait3A_131, %dma_wait3A_132, %dma_wait3A_133] : memref<2x2000x8xf32, #tpu.memory_space<vmem>> -> memref<1x2000x8xf32, #tpu.memory_space<vmem>>
      %dma_wait3A_135 = tpu.memref_squeeze %dma_wait3A_134 : memref<1x2000x8xf32, #tpu.memory_space<vmem>> -> memref<2000x8xf32, #tpu.memory_space<vmem>>
      %dma_wait3A_136 = arith.constant 0 : i32
      %dma_wait3A_137 = tpu.memref_slice %arg7[%add3A_130, %dma_wait3A_136] : memref<5x2000xi32, #tpu.memory_space<vmem>> -> memref<1x2000xi32, #tpu.memory_space<vmem>>
      %dma_wait3A_138 = tpu.memref_squeeze %dma_wait3A_137 : memref<1x2000xi32, #tpu.memory_space<vmem>> -> memref<2000xi32, #tpu.memory_space<vmem>>
      %dma_wait3A_139 = arith.constant 0 : i32
      %dma_wait3A_140 = arith.constant 0 : i32
      %dma_wait3A_141 = tpu.memref_slice %arg2[%dma_wait3A_139, %dma_wait3A_140] : memref<10000x8xf32, #tpu.memory_space<hbm>> -> memref<10000x8xf32, #tpu.memory_space<hbm>>
      tpu.wait_indirect_dma semaphore(%arg11 : memref<!tpu.dma_semaphore, #tpu.memory_space<semaphore_mem>>) src(%dma_wait3A_141 : memref<10000x8xf32, #tpu.memory_space<hbm>>) dst(%dma_wait3A_135 : memref<2000x8xf32, #tpu.memory_space<vmem>>)
      %dma_start3A_142 = arith.constant 0 : i32
      %dma_start3A_143 = arith.constant 0 : i32
      %dma_start3A_144 = arith.constant 0 : i32
      %dma_start3A_145 = tpu.memref_slice %arg9[%dma_start3A_142, %dma_start3A_143, %dma_start3A_144] : memref<2x2000x8xf32, #tpu.memory_space<vmem>> -> memref<1x2000x8xf32, #tpu.memory_space<vmem>>
      %dma_start3A_146 = tpu.memref_squeeze %dma_start3A_145 : memref<1x2000x8xf32, #tpu.memory_space<vmem>> -> memref<2000x8xf32, #tpu.memory_space<vmem>>
      %dma_start3A_147 = arith.constant 0 : i32
      %dma_start3A_148 = tpu.memref_slice %arg8[%add3A_130, %dma_start3A_147] : memref<5x2000xi32, #tpu.memory_space<vmem>> -> memref<1x2000xi32, #tpu.memory_space<vmem>>
      %dma_start3A_149 = tpu.memref_squeeze %dma_start3A_148 : memref<1x2000xi32, #tpu.memory_space<vmem>> -> memref<2000xi32, #tpu.memory_space<vmem>>
      %dma_start3A_150 = arith.constant 0 : i32
      %dma_start3A_151 = arith.constant 0 : i32
      %dma_start3A_152 = tpu.memref_slice %arg10[%dma_start3A_150, %dma_start3A_151] : memref<10240x8xf32, #tpu.memory_space<vmem_shared>> -> memref<10240x8xf32, #tpu.memory_space<vmem_shared>>
      tpu.enqueue_indirect_dma source(%dma_start3A_146 : memref<2000x8xf32, #tpu.memory_space<vmem>>) target(%dma_start3A_152 : memref<10240x8xf32, #tpu.memory_space<vmem_shared>>) offsets(%dma_start3A_149 : memref<2000xi32, #tpu.memory_space<vmem>>) semaphore(%arg13 : memref<!tpu.dma_semaphore, #tpu.memory_space<semaphore_mem>>) {add = true}
      %add3A_153 = arith.constant 2 : i32
      %add3A_154 = arith.addi %add3A_130, %add3A_153 : i32
      %lt3A = arith.constant 5 : i32
      %lt3A_155 = arith.cmpi slt, %add3A_154, %lt3A : i32
      %convert_element_type3A = arith.extui %lt3A_155 : i1 to i32
      %cond3A = arith.constant 0 : i32
      %cond3A_156 = arith.cmpi ne, %convert_element_type3A, %cond3A : i32
      scf.if %cond3A_156 {
        %ge3A = arith.constant 0 : i32
        %ge3A_188 = arith.cmpi sge, %add3A_130, %ge3A : i32
        %convert_element_type3A_189 = arith.extui %ge3A_188 : i1 to i32
        %cond3A_190 = arith.constant 0 : i32
        %cond3A_191 = arith.cmpi ne, %convert_element_type3A_189, %cond3A_190 : i32
        scf.if %cond3A_191 {
          %dma_wait3A_205 = arith.constant 0 : i32
          %dma_wait3A_206 = arith.constant 0 : i32
          %dma_wait3A_207 = arith.constant 0 : i32
          %dma_wait3A_208 = tpu.memref_slice %arg9[%dma_wait3A_205, %dma_wait3A_206, %dma_wait3A_207] : memref<2x2000x8xf32, #tpu.memory_space<vmem>> -> memref<1x2000x8xf32, #tpu.memory_space<vmem>>
          %dma_wait3A_209 = tpu.memref_squeeze %dma_wait3A_208 : memref<1x2000x8xf32, #tpu.memory_space<vmem>> -> memref<2000x8xf32, #tpu.memory_space<vmem>>
          %dma_wait3A_210 = arith.constant 0 : i32
          %dma_wait3A_211 = tpu.memref_slice %arg8[%add3A_130, %dma_wait3A_210] : memref<5x2000xi32, #tpu.memory_space<vmem>> -> memref<1x2000xi32, #tpu.memory_space<vmem>>
          %dma_wait3A_212 = tpu.memref_squeeze %dma_wait3A_211 : memref<1x2000xi32, #tpu.memory_space<vmem>> -> memref<2000xi32, #tpu.memory_space<vmem>>
          %dma_wait3A_213 = arith.constant 0 : i32
          %dma_wait3A_214 = arith.constant 0 : i32
          %dma_wait3A_215 = tpu.memref_slice %arg10[%dma_wait3A_213, %dma_wait3A_214] : memref<10240x8xf32, #tpu.memory_space<vmem_shared>> -> memref<10240x8xf32, #tpu.memory_space<vmem_shared>>
          tpu.wait_indirect_dma semaphore(%arg13 : memref<!tpu.dma_semaphore, #tpu.memory_space<semaphore_mem>>) src(%dma_wait3A_209 : memref<2000x8xf32, #tpu.memory_space<vmem>>) dst(%dma_wait3A_215 : memref<10240x8xf32, #tpu.memory_space<vmem_shared>>)
        } else {
        }
        %add3A_192 = arith.constant 2 : i32
        %add3A_193 = arith.addi %add3A_130, %add3A_192 : i32
        %dma_start3A_194 = arith.constant 0 : i32
        %dma_start3A_195 = arith.constant 0 : i32
        %dma_start3A_196 = arith.constant 0 : i32
        %dma_start3A_197 = tpu.memref_slice %arg9[%dma_start3A_194, %dma_start3A_195, %dma_start3A_196] : memref<2x2000x8xf32, #tpu.memory_space<vmem>> -> memref<1x2000x8xf32, #tpu.memory_space<vmem>>
        %dma_start3A_198 = tpu.memref_squeeze %dma_start3A_197 : memref<1x2000x8xf32, #tpu.memory_space<vmem>> -> memref<2000x8xf32, #tpu.memory_space<vmem>>
        %dma_start3A_199 = arith.constant 0 : i32
        %dma_start3A_200 = tpu.memref_slice %arg7[%add3A_193, %dma_start3A_199] : memref<5x2000xi32, #tpu.memory_space<vmem>> -> memref<1x2000xi32, #tpu.memory_space<vmem>>
        %dma_start3A_201 = tpu.memref_squeeze %dma_start3A_200 : memref<1x2000xi32, #tpu.memory_space<vmem>> -> memref<2000xi32, #tpu.memory_space<vmem>>
        %dma_start3A_202 = arith.constant 0 : i32
        %dma_start3A_203 = arith.constant 0 : i32
        %dma_start3A_204 = tpu.memref_slice %arg2[%dma_start3A_202, %dma_start3A_203] : memref<10000x8xf32, #tpu.memory_space<hbm>> -> memref<10000x8xf32, #tpu.memory_space<hbm>>
        tpu.enqueue_indirect_dma source(%dma_start3A_204 : memref<10000x8xf32, #tpu.memory_space<hbm>>) target(%dma_start3A_198 : memref<2000x8xf32, #tpu.memory_space<vmem>>) offsets(%dma_start3A_201 : memref<2000xi32, #tpu.memory_space<vmem>>) semaphore(%arg11 : memref<!tpu.dma_semaphore, #tpu.memory_space<semaphore_mem>>)
      } else {
      }
      %add3A_157 = arith.constant 1 : i32
      %add3A_158 = arith.addi %mul3A_128, %add3A_157 : i32
      %dma_wait3A_159 = arith.constant 1 : i32
      %dma_wait3A_160 = arith.constant 0 : i32
      %dma_wait3A_161 = arith.constant 0 : i32
      %dma_wait3A_162 = tpu.memref_slice %arg9[%dma_wait3A_159, %dma_wait3A_160, %dma_wait3A_161] : memref<2x2000x8xf32, #tpu.memory_space<vmem>> -> memref<1x2000x8xf32, #tpu.memory_space<vmem>>
      %dma_wait3A_163 = tpu.memref_squeeze %dma_wait3A_162 : memref<1x2000x8xf32, #tpu.memory_space<vmem>> -> memref<2000x8xf32, #tpu.memory_space<vmem>>
      %dma_wait3A_164 = arith.constant 0 : i32
      %dma_wait3A_165 = tpu.memref_slice %arg7[%add3A_158, %dma_wait3A_164] : memref<5x2000xi32, #tpu.memory_space<vmem>> -> memref<1x2000xi32, #tpu.memory_space<vmem>>
      %dma_wait3A_166 = tpu.memref_squeeze %dma_wait3A_165 : memref<1x2000xi32, #tpu.memory_space<vmem>> -> memref<2000xi32, #tpu.memory_space<vmem>>
      %dma_wait3A_167 = arith.constant 0 : i32
      %dma_wait3A_168 = arith.constant 0 : i32
      %dma_wait3A_169 = tpu.memref_slice %arg2[%dma_wait3A_167, %dma_wait3A_168] : memref<10000x8xf32, #tpu.memory_space<hbm>> -> memref<10000x8xf32, #tpu.memory_space<hbm>>
      tpu.wait_indirect_dma semaphore(%arg12 : memref<!tpu.dma_semaphore, #tpu.memory_space<semaphore_mem>>) src(%dma_wait3A_169 : memref<10000x8xf32, #tpu.memory_space<hbm>>) dst(%dma_wait3A_163 : memref<2000x8xf32, #tpu.memory_space<vmem>>)
      %dma_start3A_170 = arith.constant 1 : i32
      %dma_start3A_171 = arith.constant 0 : i32
      %dma_start3A_172 = arith.constant 0 : i32
      %dma_start3A_173 = tpu.memref_slice %arg9[%dma_start3A_170, %dma_start3A_171, %dma_start3A_172] : memref<2x2000x8xf32, #tpu.memory_space<vmem>> -> memref<1x2000x8xf32, #tpu.memory_space<vmem>>
      %dma_start3A_174 = tpu.memref_squeeze %dma_start3A_173 : memref<1x2000x8xf32, #tpu.memory_space<vmem>> -> memref<2000x8xf32, #tpu.memory_space<vmem>>
      %dma_start3A_175 = arith.constant 0 : i32
      %dma_start3A_176 = tpu.memref_slice %arg8[%add3A_158, %dma_start3A_175] : memref<5x2000xi32, #tpu.memory_space<vmem>> -> memref<1x2000xi32, #tpu.memory_space<vmem>>
      %dma_start3A_177 = tpu.memref_squeeze %dma_start3A_176 : memref<1x2000xi32, #tpu.memory_space<vmem>> -> memref<2000xi32, #tpu.memory_space<vmem>>
      %dma_start3A_178 = arith.constant 0 : i32
      %dma_start3A_179 = arith.constant 0 : i32
      %dma_start3A_180 = tpu.memref_slice %arg10[%dma_start3A_178, %dma_start3A_179] : memref<10240x8xf32, #tpu.memory_space<vmem_shared>> -> memref<10240x8xf32, #tpu.memory_space<vmem_shared>>
      tpu.enqueue_indirect_dma source(%dma_start3A_174 : memref<2000x8xf32, #tpu.memory_space<vmem>>) target(%dma_start3A_180 : memref<10240x8xf32, #tpu.memory_space<vmem_shared>>) offsets(%dma_start3A_177 : memref<2000xi32, #tpu.memory_space<vmem>>) semaphore(%arg14 : memref<!tpu.dma_semaphore, #tpu.memory_space<semaphore_mem>>) {add = true}
      %add3A_181 = arith.constant 2 : i32
      %add3A_182 = arith.addi %add3A_158, %add3A_181 : i32
      %lt3A_183 = arith.constant 5 : i32
      %lt3A_184 = arith.cmpi slt, %add3A_182, %lt3A_183 : i32
      %convert_element_type3A_185 = arith.extui %lt3A_184 : i1 to i32
      %cond3A_186 = arith.constant 0 : i32
      %cond3A_187 = arith.cmpi ne, %convert_element_type3A_185, %cond3A_186 : i32
      scf.if %cond3A_187 {
        %ge3A = arith.constant 0 : i32
        %ge3A_188 = arith.cmpi sge, %add3A_158, %ge3A : i32
        %convert_element_type3A_189 = arith.extui %ge3A_188 : i1 to i32
        %cond3A_190 = arith.constant 0 : i32
        %cond3A_191 = arith.cmpi ne, %convert_element_type3A_189, %cond3A_190 : i32
        scf.if %cond3A_191 {
          %dma_wait3A_205 = arith.constant 1 : i32
          %dma_wait3A_206 = arith.constant 0 : i32
          %dma_wait3A_207 = arith.constant 0 : i32
          %dma_wait3A_208 = tpu.memref_slice %arg9[%dma_wait3A_205, %dma_wait3A_206, %dma_wait3A_207] : memref<2x2000x8xf32, #tpu.memory_space<vmem>> -> memref<1x2000x8xf32, #tpu.memory_space<vmem>>
          %dma_wait3A_209 = tpu.memref_squeeze %dma_wait3A_208 : memref<1x2000x8xf32, #tpu.memory_space<vmem>> -> memref<2000x8xf32, #tpu.memory_space<vmem>>
          %dma_wait3A_210 = arith.constant 0 : i32
          %dma_wait3A_211 = tpu.memref_slice %arg8[%add3A_158, %dma_wait3A_210] : memref<5x2000xi32, #tpu.memory_space<vmem>> -> memref<1x2000xi32, #tpu.memory_space<vmem>>
          %dma_wait3A_212 = tpu.memref_squeeze %dma_wait3A_211 : memref<1x2000xi32, #tpu.memory_space<vmem>> -> memref<2000xi32, #tpu.memory_space<vmem>>
          %dma_wait3A_213 = arith.constant 0 : i32
          %dma_wait3A_214 = arith.constant 0 : i32
          %dma_wait3A_215 = tpu.memref_slice %arg10[%dma_wait3A_213, %dma_wait3A_214] : memref<10240x8xf32, #tpu.memory_space<vmem_shared>> -> memref<10240x8xf32, #tpu.memory_space<vmem_shared>>
          tpu.wait_indirect_dma semaphore(%arg14 : memref<!tpu.dma_semaphore, #tpu.memory_space<semaphore_mem>>) src(%dma_wait3A_209 : memref<2000x8xf32, #tpu.memory_space<vmem>>) dst(%dma_wait3A_215 : memref<10240x8xf32, #tpu.memory_space<vmem_shared>>)
        } else {
        }
        %add3A_192 = arith.constant 2 : i32
        %add3A_193 = arith.addi %add3A_158, %add3A_192 : i32
        %dma_start3A_194 = arith.constant 1 : i32
        %dma_start3A_195 = arith.constant 0 : i32
        %dma_start3A_196 = arith.constant 0 : i32
        %dma_start3A_197 = tpu.memref_slice %arg9[%dma_start3A_194, %dma_start3A_195, %dma_start3A_196] : memref<2x2000x8xf32, #tpu.memory_space<vmem>> -> memref<1x2000x8xf32, #tpu.memory_space<vmem>>
        %dma_start3A_198 = tpu.memref_squeeze %dma_start3A_197 : memref<1x2000x8xf32, #tpu.memory_space<vmem>> -> memref<2000x8xf32, #tpu.memory_space<vmem>>
        %dma_start3A_199 = arith.constant 0 : i32
        %dma_start3A_200 = tpu.memref_slice %arg7[%add3A_193, %dma_start3A_199] : memref<5x2000xi32, #tpu.memory_space<vmem>> -> memref<1x2000xi32, #tpu.memory_space<vmem>>
        %dma_start3A_201 = tpu.memref_squeeze %dma_start3A_200 : memref<1x2000xi32, #tpu.memory_space<vmem>> -> memref<2000xi32, #tpu.memory_space<vmem>>
        %dma_start3A_202 = arith.constant 0 : i32
        %dma_start3A_203 = arith.constant 0 : i32
        %dma_start3A_204 = tpu.memref_slice %arg2[%dma_start3A_202, %dma_start3A_203] : memref<10000x8xf32, #tpu.memory_space<hbm>> -> memref<10000x8xf32, #tpu.memory_space<hbm>>
        tpu.enqueue_indirect_dma source(%dma_start3A_204 : memref<10000x8xf32, #tpu.memory_space<hbm>>) target(%dma_start3A_198 : memref<2000x8xf32, #tpu.memory_space<vmem>>) offsets(%dma_start3A_201 : memref<2000xi32, #tpu.memory_space<vmem>>) semaphore(%arg12 : memref<!tpu.dma_semaphore, #tpu.memory_space<semaphore_mem>>)
      } else {
      }
    }
    %scan3A_70 = arith.constant 2 : i32
    %dma_wait3A_71 = arith.constant 4 : i32
    %dma_wait3A_72 = arith.constant 0 : i32
    %dma_wait3A_73 = arith.constant 0 : i32
    %dma_wait3A_74 = arith.constant 0 : i32
    %dma_wait3A_75 = tpu.memref_slice %arg9[%dma_wait3A_72, %dma_wait3A_73, %dma_wait3A_74] : memref<2x2000x8xf32, #tpu.memory_space<vmem>> -> memref<1x2000x8xf32, #tpu.memory_space<vmem>>
    %dma_wait3A_76 = tpu.memref_squeeze %dma_wait3A_75 : memref<1x2000x8xf32, #tpu.memory_space<vmem>> -> memref<2000x8xf32, #tpu.memory_space<vmem>>
    %dma_wait3A_77 = arith.constant 0 : i32
    %dma_wait3A_78 = tpu.memref_slice %arg7[%dma_wait3A_71, %dma_wait3A_77] : memref<5x2000xi32, #tpu.memory_space<vmem>> -> memref<1x2000xi32, #tpu.memory_space<vmem>>
    %dma_wait3A_79 = tpu.memref_squeeze %dma_wait3A_78 : memref<1x2000xi32, #tpu.memory_space<vmem>> -> memref<2000xi32, #tpu.memory_space<vmem>>
    %dma_wait3A_80 = arith.constant 0 : i32
    %dma_wait3A_81 = arith.constant 0 : i32
    %dma_wait3A_82 = tpu.memref_slice %arg2[%dma_wait3A_80, %dma_wait3A_81] : memref<10000x8xf32, #tpu.memory_space<hbm>> -> memref<10000x8xf32, #tpu.memory_space<hbm>>
    tpu.wait_indirect_dma semaphore(%arg11 : memref<!tpu.dma_semaphore, #tpu.memory_space<semaphore_mem>>) src(%dma_wait3A_82 : memref<10000x8xf32, #tpu.memory_space<hbm>>) dst(%dma_wait3A_76 : memref<2000x8xf32, #tpu.memory_space<vmem>>)
    %dma_start3A_83 = arith.constant 0 : i32
    %dma_start3A_84 = arith.constant 4 : i32
    %dma_start3A_85 = arith.constant 0 : i32
    %dma_start3A_86 = arith.constant 0 : i32
    %dma_start3A_87 = tpu.memref_slice %arg9[%dma_start3A_83, %dma_start3A_85, %dma_start3A_86] : memref<2x2000x8xf32, #tpu.memory_space<vmem>> -> memref<1x2000x8xf32, #tpu.memory_space<vmem>>
    %dma_start3A_88 = tpu.memref_squeeze %dma_start3A_87 : memref<1x2000x8xf32, #tpu.memory_space<vmem>> -> memref<2000x8xf32, #tpu.memory_space<vmem>>
    %dma_start3A_89 = arith.constant 0 : i32
    %dma_start3A_90 = tpu.memref_slice %arg8[%dma_start3A_84, %dma_start3A_89] : memref<5x2000xi32, #tpu.memory_space<vmem>> -> memref<1x2000xi32, #tpu.memory_space<vmem>>
    %dma_start3A_91 = tpu.memref_squeeze %dma_start3A_90 : memref<1x2000xi32, #tpu.memory_space<vmem>> -> memref<2000xi32, #tpu.memory_space<vmem>>
    %dma_start3A_92 = arith.constant 0 : i32
    %dma_start3A_93 = arith.constant 0 : i32
    %dma_start3A_94 = tpu.memref_slice %arg10[%dma_start3A_92, %dma_start3A_93] : memref<10240x8xf32, #tpu.memory_space<vmem_shared>> -> memref<10240x8xf32, #tpu.memory_space<vmem_shared>>
    tpu.enqueue_indirect_dma source(%dma_start3A_88 : memref<2000x8xf32, #tpu.memory_space<vmem>>) target(%dma_start3A_94 : memref<10240x8xf32, #tpu.memory_space<vmem_shared>>) offsets(%dma_start3A_91 : memref<2000xi32, #tpu.memory_space<vmem>>) semaphore(%arg13 : memref<!tpu.dma_semaphore, #tpu.memory_space<semaphore_mem>>) {add = true}
    %dma_wait3A_95 = arith.constant 0 : i32
    %dma_wait3A_96 = arith.constant 0 : i32
    %dma_wait3A_97 = arith.constant 0 : i32
    %dma_wait3A_98 = arith.constant 0 : i32
    %dma_wait3A_99 = tpu.memref_slice %arg9[%dma_wait3A_95, %dma_wait3A_97, %dma_wait3A_98] : memref<2x2000x8xf32, #tpu.memory_space<vmem>> -> memref<1x2000x8xf32, #tpu.memory_space<vmem>>
    %dma_wait3A_100 = tpu.memref_squeeze %dma_wait3A_99 : memref<1x2000x8xf32, #tpu.memory_space<vmem>> -> memref<2000x8xf32, #tpu.memory_space<vmem>>
    %dma_wait3A_101 = arith.constant 0 : i32
    %dma_wait3A_102 = tpu.memref_slice %arg8[%dma_wait3A_96, %dma_wait3A_101] : memref<5x2000xi32, #tpu.memory_space<vmem>> -> memref<1x2000xi32, #tpu.memory_space<vmem>>
    %dma_wait3A_103 = tpu.memref_squeeze %dma_wait3A_102 : memref<1x2000xi32, #tpu.memory_space<vmem>> -> memref<2000xi32, #tpu.memory_space<vmem>>
    %dma_wait3A_104 = arith.constant 0 : i32
    %dma_wait3A_105 = arith.constant 0 : i32
    %dma_wait3A_106 = tpu.memref_slice %arg10[%dma_wait3A_104, %dma_wait3A_105] : memref<10240x8xf32, #tpu.memory_space<vmem_shared>> -> memref<10240x8xf32, #tpu.memory_space<vmem_shared>>
    tpu.wait_indirect_dma semaphore(%arg13 : memref<!tpu.dma_semaphore, #tpu.memory_space<semaphore_mem>>) src(%dma_wait3A_100 : memref<2000x8xf32, #tpu.memory_space<vmem>>) dst(%dma_wait3A_106 : memref<10240x8xf32, #tpu.memory_space<vmem_shared>>)
    %dma_wait3A_107 = arith.constant 1 : i32
    %dma_wait3A_108 = arith.constant 0 : i32
    %dma_wait3A_109 = arith.constant 0 : i32
    %dma_wait3A_110 = arith.constant 0 : i32
    %dma_wait3A_111 = tpu.memref_slice %arg9[%dma_wait3A_107, %dma_wait3A_109, %dma_wait3A_110] : memref<2x2000x8xf32, #tpu.memory_space<vmem>> -> memref<1x2000x8xf32, #tpu.memory_space<vmem>>
    %dma_wait3A_112 = tpu.memref_squeeze %dma_wait3A_111 : memref<1x2000x8xf32, #tpu.memory_space<vmem>> -> memref<2000x8xf32, #tpu.memory_space<vmem>>
    %dma_wait3A_113 = arith.constant 0 : i32
    %dma_wait3A_114 = tpu.memref_slice %arg8[%dma_wait3A_108, %dma_wait3A_113] : memref<5x2000xi32, #tpu.memory_space<vmem>> -> memref<1x2000xi32, #tpu.memory_space<vmem>>
    %dma_wait3A_115 = tpu.memref_squeeze %dma_wait3A_114 : memref<1x2000xi32, #tpu.memory_space<vmem>> -> memref<2000xi32, #tpu.memory_space<vmem>>
    %dma_wait3A_116 = arith.constant 0 : i32
    %dma_wait3A_117 = arith.constant 0 : i32
    %dma_wait3A_118 = tpu.memref_slice %arg10[%dma_wait3A_116, %dma_wait3A_117] : memref<10240x8xf32, #tpu.memory_space<vmem_shared>> -> memref<10240x8xf32, #tpu.memory_space<vmem_shared>>
    tpu.wait_indirect_dma semaphore(%arg14 : memref<!tpu.dma_semaphore, #tpu.memory_space<semaphore_mem>>) src(%dma_wait3A_112 : memref<2000x8xf32, #tpu.memory_space<vmem>>) dst(%dma_wait3A_118 : memref<10240x8xf32, #tpu.memory_space<vmem_shared>>)
    %barrier3A_119 = arith.constant 0 : index
    tpu.barrier barrier_id(%barrier3A_119)
    %mul3A_120 = arith.constant 8 : i32
    %mul3A_121 = arith.muli %arg0, %mul3A_120 : i32
    "tpu.region"() ({
      %run_scoped3A = tpu.sem_alloc : memref<!tpu.dma_semaphore, #tpu.memory_space<semaphore_mem>>
      %dma_start3A_122 = tpu.memref_slice %arg6[%mul3A_2, %mul3A_121] : memref<10240x128xf32, #tpu.memory_space<hbm>> -> memref<640x8xf32, #tpu.memory_space<hbm>>
      %dma_start3A_123 = arith.constant 0 : i32
      %dma_start3A_124 = tpu.memref_slice %arg10[%mul3A_2, %dma_start3A_123] : memref<10240x8xf32, #tpu.memory_space<vmem_shared>> -> memref<640x8xf32, #tpu.memory_space<vmem_shared>>
      tpu.enqueue_dma source(%dma_start3A_124 : memref<640x8xf32, #tpu.memory_space<vmem_shared>>) target(%dma_start3A_122 : memref<640x8xf32, #tpu.memory_space<hbm>>) target_semaphore(%run_scoped3A : memref<!tpu.dma_semaphore, #tpu.memory_space<semaphore_mem>>)
      %dma_wait3A_125 = tpu.memref_slice %arg6[%mul3A_2, %mul3A_121] : memref<10240x128xf32, #tpu.memory_space<hbm>> -> memref<640x8xf32, #tpu.memory_space<hbm>>
      %dma_wait3A_126 = arith.constant 0 : i32
      %dma_wait3A_127 = tpu.memref_slice %arg10[%mul3A_2, %dma_wait3A_126] : memref<10240x8xf32, #tpu.memory_space<vmem_shared>> -> memref<640x8xf32, #tpu.memory_space<vmem_shared>>
      tpu.wait_dma2 semaphore(%run_scoped3A : memref<!tpu.dma_semaphore, #tpu.memory_space<semaphore_mem>>) src(%dma_wait3A_127 : memref<640x8xf32, #tpu.memory_space<vmem_shared>>) dst(%dma_wait3A_125 : memref<640x8xf32, #tpu.memory_space<hbm>>)
      tpu.yield
    }) : () -> ()
    return
  }
}

#map = affine_map<(d0, d1) -> (0, 0)>
#map1 = affine_map<(d0, d1) -> (0, 0, 0)>
module attributes {stable_mosaic.version = 14 : i64} {
  func.func @segsum(%arg0: i32, %arg1: i32, %arg2: memref<10000x16xf32, #tpu.memory_space<hbm>>, %arg3: memref<32x5x2000xi32, #tpu.memory_space<hbm>>, %arg4: memref<32x5x2000xi32, #tpu.memory_space<hbm>>, %arg5: memref<640x128xf32, #tpu.memory_space<hbm>>, %arg6: memref<10240x128xf32, #tpu.memory_space<hbm>>, %arg7: memref<5x2000xi32, #tpu.memory_space<vmem>>, %arg8: memref<5x2000xi32, #tpu.memory_space<vmem>>, %arg9: memref<2x2000x16xf32, #tpu.memory_space<vmem>>, %arg10: memref<10240x16xf32, #tpu.memory_space<vmem_shared>>, %arg11: memref<!tpu.dma_semaphore, #tpu.memory_space<semaphore_mem>>, %arg12: memref<!tpu.dma_semaphore, #tpu.memory_space<semaphore_mem>>, %arg13: memref<!tpu.dma_semaphore, #tpu.memory_space<semaphore_mem>>, %arg14: memref<!tpu.dma_semaphore, #tpu.memory_space<semaphore_mem>>) attributes {dimension_semantics = [#tpu.dimension_semantics<core_parallel>, #tpu.dimension_semantics<subcore_parallel>], iteration_bounds = array<i64: 2, 16>, scalar_prefetch = 0 : i64, scratch_operands = 8 : i64, tpu.core_type = #tpu.core_type<sc_vector_subcore>, window_params = [{transform_indices = #map}, {transform_indices = #map1}, {transform_indices = #map1}, {transform_indices = #map}, {transform_indices = #map}]} {
    %mul3A = arith.constant 16 : i32
    %mul3A_0 = arith.muli %arg0, %mul3A : i32
    %add3A = arith.addi %mul3A_0, %arg1 : i32
    %mul3A_1 = arith.constant 640 : i32
    %mul3A_2 = arith.muli %arg1, %mul3A_1 : i32
    %dma_start3A = arith.constant 0 : i32
    %dma_start3A_3 = tpu.memref_slice %arg10[%mul3A_2, %dma_start3A] : memref<10240x16xf32, #tpu.memory_space<vmem_shared>> -> memref<640x16xf32, #tpu.memory_space<vmem_shared>>
    %dma_start3A_4 = arith.constant 0 : i32
    %dma_start3A_5 = arith.constant 0 : i32
    %dma_start3A_6 = tpu.memref_slice %arg5[%dma_start3A_4, %dma_start3A_5] : memref<640x128xf32, #tpu.memory_space<hbm>> -> memref<640x16xf32, #tpu.memory_space<hbm>>
    tpu.enqueue_dma source(%dma_start3A_6 : memref<640x16xf32, #tpu.memory_space<hbm>>) target(%dma_start3A_3 : memref<640x16xf32, #tpu.memory_space<vmem_shared>>) target_semaphore(%arg13 : memref<!tpu.dma_semaphore, #tpu.memory_space<semaphore_mem>>)
    %dma_start3A_7 = arith.constant 0 : i32
    %dma_start3A_8 = arith.constant 0 : i32
    %dma_start3A_9 = tpu.memref_slice %arg3[%add3A, %dma_start3A_7, %dma_start3A_8] : memref<32x5x2000xi32, #tpu.memory_space<hbm>> -> memref<1x5x2000xi32, #tpu.memory_space<hbm>>
    %dma_start3A_10 = tpu.memref_squeeze %dma_start3A_9 : memref<1x5x2000xi32, #tpu.memory_space<hbm>> -> memref<5x2000xi32, #tpu.memory_space<hbm>>
    %dma_start3A_11 = arith.constant 0 : i32
    %dma_start3A_12 = arith.constant 0 : i32
    %dma_start3A_13 = tpu.memref_slice %arg3[%add3A, %dma_start3A_11, %dma_start3A_12] : memref<32x5x2000xi32, #tpu.memory_space<hbm>> -> memref<1x5x2000xi32, #tpu.memory_space<hbm>>
    %dma_start3A_14 = tpu.memref_squeeze %dma_start3A_13 : memref<1x5x2000xi32, #tpu.memory_space<hbm>> -> memref<5x2000xi32, #tpu.memory_space<hbm>>
    tpu.enqueue_dma source(%dma_start3A_14 : memref<5x2000xi32, #tpu.memory_space<hbm>>) target(%arg7 : memref<5x2000xi32, #tpu.memory_space<vmem>>) target_semaphore(%arg11 : memref<!tpu.dma_semaphore, #tpu.memory_space<semaphore_mem>>)
    %dma_start3A_15 = arith.constant 0 : i32
    %dma_start3A_16 = arith.constant 0 : i32
    %dma_start3A_17 = tpu.memref_slice %arg4[%add3A, %dma_start3A_15, %dma_start3A_16] : memref<32x5x2000xi32, #tpu.memory_space<hbm>> -> memref<1x5x2000xi32, #tpu.memory_space<hbm>>
    %dma_start3A_18 = tpu.memref_squeeze %dma_start3A_17 : memref<1x5x2000xi32, #tpu.memory_space<hbm>> -> memref<5x2000xi32, #tpu.memory_space<hbm>>
    %dma_start3A_19 = arith.constant 0 : i32
    %dma_start3A_20 = arith.constant 0 : i32
    %dma_start3A_21 = tpu.memref_slice %arg4[%add3A, %dma_start3A_19, %dma_start3A_20] : memref<32x5x2000xi32, #tpu.memory_space<hbm>> -> memref<1x5x2000xi32, #tpu.memory_space<hbm>>
    %dma_start3A_22 = tpu.memref_squeeze %dma_start3A_21 : memref<1x5x2000xi32, #tpu.memory_space<hbm>> -> memref<5x2000xi32, #tpu.memory_space<hbm>>
    tpu.enqueue_dma source(%dma_start3A_22 : memref<5x2000xi32, #tpu.memory_space<hbm>>) target(%arg8 : memref<5x2000xi32, #tpu.memory_space<vmem>>) target_semaphore(%arg12 : memref<!tpu.dma_semaphore, #tpu.memory_space<semaphore_mem>>)
    %dma_wait3A = arith.constant 0 : i32
    %dma_wait3A_23 = arith.constant 0 : i32
    %dma_wait3A_24 = tpu.memref_slice %arg3[%add3A, %dma_wait3A, %dma_wait3A_23] : memref<32x5x2000xi32, #tpu.memory_space<hbm>> -> memref<1x5x2000xi32, #tpu.memory_space<hbm>>
    %dma_wait3A_25 = tpu.memref_squeeze %dma_wait3A_24 : memref<1x5x2000xi32, #tpu.memory_space<hbm>> -> memref<5x2000xi32, #tpu.memory_space<hbm>>
    %dma_wait3A_26 = arith.constant 0 : i32
    %dma_wait3A_27 = arith.constant 0 : i32
    %dma_wait3A_28 = tpu.memref_slice %arg3[%add3A, %dma_wait3A_26, %dma_wait3A_27] : memref<32x5x2000xi32, #tpu.memory_space<hbm>> -> memref<1x5x2000xi32, #tpu.memory_space<hbm>>
    %dma_wait3A_29 = tpu.memref_squeeze %dma_wait3A_28 : memref<1x5x2000xi32, #tpu.memory_space<hbm>> -> memref<5x2000xi32, #tpu.memory_space<hbm>>
    tpu.wait_dma2 semaphore(%arg11 : memref<!tpu.dma_semaphore, #tpu.memory_space<semaphore_mem>>) src(%dma_wait3A_29 : memref<5x2000xi32, #tpu.memory_space<hbm>>) dst(%arg7 : memref<5x2000xi32, #tpu.memory_space<vmem>>)
    %dma_wait3A_30 = arith.constant 0 : i32
    %dma_wait3A_31 = arith.constant 0 : i32
    %dma_wait3A_32 = tpu.memref_slice %arg4[%add3A, %dma_wait3A_30, %dma_wait3A_31] : memref<32x5x2000xi32, #tpu.memory_space<hbm>> -> memref<1x5x2000xi32, #tpu.memory_space<hbm>>
    %dma_wait3A_33 = tpu.memref_squeeze %dma_wait3A_32 : memref<1x5x2000xi32, #tpu.memory_space<hbm>> -> memref<5x2000xi32, #tpu.memory_space<hbm>>
    %dma_wait3A_34 = arith.constant 0 : i32
    %dma_wait3A_35 = arith.constant 0 : i32
    %dma_wait3A_36 = tpu.memref_slice %arg4[%add3A, %dma_wait3A_34, %dma_wait3A_35] : memref<32x5x2000xi32, #tpu.memory_space<hbm>> -> memref<1x5x2000xi32, #tpu.memory_space<hbm>>
    %dma_wait3A_37 = tpu.memref_squeeze %dma_wait3A_36 : memref<1x5x2000xi32, #tpu.memory_space<hbm>> -> memref<5x2000xi32, #tpu.memory_space<hbm>>
    tpu.wait_dma2 semaphore(%arg12 : memref<!tpu.dma_semaphore, #tpu.memory_space<semaphore_mem>>) src(%dma_wait3A_37 : memref<5x2000xi32, #tpu.memory_space<hbm>>) dst(%arg8 : memref<5x2000xi32, #tpu.memory_space<vmem>>)
    %dma_start3A_38 = arith.constant 0 : i32
    %dma_start3A_39 = arith.constant 0 : i32
    %dma_start3A_40 = arith.constant 0 : i32
    %dma_start3A_41 = arith.constant 0 : i32
    %dma_start3A_42 = tpu.memref_slice %arg9[%dma_start3A_39, %dma_start3A_40, %dma_start3A_41] : memref<2x2000x16xf32, #tpu.memory_space<vmem>> -> memref<1x2000x16xf32, #tpu.memory_space<vmem>>
    %dma_start3A_43 = tpu.memref_squeeze %dma_start3A_42 : memref<1x2000x16xf32, #tpu.memory_space<vmem>> -> memref<2000x16xf32, #tpu.memory_space<vmem>>
    %dma_start3A_44 = arith.constant 0 : i32
    %dma_start3A_45 = tpu.memref_slice %arg7[%dma_start3A_38, %dma_start3A_44] : memref<5x2000xi32, #tpu.memory_space<vmem>> -> memref<1x2000xi32, #tpu.memory_space<vmem>>
    %dma_start3A_46 = tpu.memref_squeeze %dma_start3A_45 : memref<1x2000xi32, #tpu.memory_space<vmem>> -> memref<2000xi32, #tpu.memory_space<vmem>>
    %dma_start3A_47 = arith.constant 0 : i32
    %dma_start3A_48 = arith.constant 0 : i32
    %dma_start3A_49 = tpu.memref_slice %arg2[%dma_start3A_47, %dma_start3A_48] : memref<10000x16xf32, #tpu.memory_space<hbm>> -> memref<10000x16xf32, #tpu.memory_space<hbm>>
    tpu.enqueue_indirect_dma source(%dma_start3A_49 : memref<10000x16xf32, #tpu.memory_space<hbm>>) target(%dma_start3A_43 : memref<2000x16xf32, #tpu.memory_space<vmem>>) offsets(%dma_start3A_46 : memref<2000xi32, #tpu.memory_space<vmem>>) semaphore(%arg11 : memref<!tpu.dma_semaphore, #tpu.memory_space<semaphore_mem>>)
    %dma_start3A_50 = arith.constant 1 : i32
    %dma_start3A_51 = arith.constant 1 : i32
    %dma_start3A_52 = arith.constant 0 : i32
    %dma_start3A_53 = arith.constant 0 : i32
    %dma_start3A_54 = tpu.memref_slice %arg9[%dma_start3A_51, %dma_start3A_52, %dma_start3A_53] : memref<2x2000x16xf32, #tpu.memory_space<vmem>> -> memref<1x2000x16xf32, #tpu.memory_space<vmem>>
    %dma_start3A_55 = tpu.memref_squeeze %dma_start3A_54 : memref<1x2000x16xf32, #tpu.memory_space<vmem>> -> memref<2000x16xf32, #tpu.memory_space<vmem>>
    %dma_start3A_56 = arith.constant 0 : i32
    %dma_start3A_57 = tpu.memref_slice %arg7[%dma_start3A_50, %dma_start3A_56] : memref<5x2000xi32, #tpu.memory_space<vmem>> -> memref<1x2000xi32, #tpu.memory_space<vmem>>
    %dma_start3A_58 = tpu.memref_squeeze %dma_start3A_57 : memref<1x2000xi32, #tpu.memory_space<vmem>> -> memref<2000xi32, #tpu.memory_space<vmem>>
    %dma_start3A_59 = arith.constant 0 : i32
    %dma_start3A_60 = arith.constant 0 : i32
    %dma_start3A_61 = tpu.memref_slice %arg2[%dma_start3A_59, %dma_start3A_60] : memref<10000x16xf32, #tpu.memory_space<hbm>> -> memref<10000x16xf32, #tpu.memory_space<hbm>>
    tpu.enqueue_indirect_dma source(%dma_start3A_61 : memref<10000x16xf32, #tpu.memory_space<hbm>>) target(%dma_start3A_55 : memref<2000x16xf32, #tpu.memory_space<vmem>>) offsets(%dma_start3A_58 : memref<2000xi32, #tpu.memory_space<vmem>>) semaphore(%arg12 : memref<!tpu.dma_semaphore, #tpu.memory_space<semaphore_mem>>)
    %dma_wait3A_62 = arith.constant 0 : i32
    %dma_wait3A_63 = tpu.memref_slice %arg10[%mul3A_2, %dma_wait3A_62] : memref<10240x16xf32, #tpu.memory_space<vmem_shared>> -> memref<640x16xf32, #tpu.memory_space<vmem_shared>>
    %dma_wait3A_64 = arith.constant 0 : i32
    %dma_wait3A_65 = arith.constant 0 : i32
    %dma_wait3A_66 = tpu.memref_slice %arg5[%dma_wait3A_64, %dma_wait3A_65] : memref<640x128xf32, #tpu.memory_space<hbm>> -> memref<640x16xf32, #tpu.memory_space<hbm>>
    tpu.wait_dma2 semaphore(%arg13 : memref<!tpu.dma_semaphore, #tpu.memory_space<semaphore_mem>>) src(%dma_wait3A_66 : memref<640x16xf32, #tpu.memory_space<hbm>>) dst(%dma_wait3A_63 : memref<640x16xf32, #tpu.memory_space<vmem_shared>>)
    %barrier3A = arith.constant 0 : index
    tpu.barrier barrier_id(%barrier3A)
    %scan3A = arith.constant 0 : i32
    %scan3A_67 = arith.constant 2 : i32
    %scan3A_68 = arith.addi %scan3A, %scan3A_67 : i32
    %scan3A_69 = arith.constant 1 : i32
    scf.for %scan3A_122 = %scan3A to %scan3A_68 step %scan3A_69  : i32 {
      %mul3A_123 = arith.constant 1 : i32
      %mul3A_124 = arith.muli %scan3A_122, %mul3A_123 : i32
      %add3A_125 = arith.constant 0 : i32
      %add3A_126 = arith.addi %add3A_125, %mul3A_124 : i32
      %mul3A_127 = arith.constant 2 : i32
      %mul3A_128 = arith.muli %mul3A_127, %add3A_126 : i32
      %add3A_129 = arith.constant 0 : i32
      %add3A_130 = arith.addi %mul3A_128, %add3A_129 : i32
      %dma_wait3A_131 = arith.constant 0 : i32
      %dma_wait3A_132 = arith.constant 0 : i32
      %dma_wait3A_133 = arith.constant 0 : i32
      %dma_wait3A_134 = tpu.memref_slice %arg9[%dma_wait3A_131, %dma_wait3A_132, %dma_wait3A_133] : memref<2x2000x16xf32, #tpu.memory_space<vmem>> -> memref<1x2000x16xf32, #tpu.memory_space<vmem>>
      %dma_wait3A_135 = tpu.memref_squeeze %dma_wait3A_134 : memref<1x2000x16xf32, #tpu.memory_space<vmem>> -> memref<2000x16xf32, #tpu.memory_space<vmem>>
      %dma_wait3A_136 = arith.constant 0 : i32
      %dma_wait3A_137 = tpu.memref_slice %arg7[%add3A_130, %dma_wait3A_136] : memref<5x2000xi32, #tpu.memory_space<vmem>> -> memref<1x2000xi32, #tpu.memory_space<vmem>>
      %dma_wait3A_138 = tpu.memref_squeeze %dma_wait3A_137 : memref<1x2000xi32, #tpu.memory_space<vmem>> -> memref<2000xi32, #tpu.memory_space<vmem>>
      %dma_wait3A_139 = arith.constant 0 : i32
      %dma_wait3A_140 = arith.constant 0 : i32
      %dma_wait3A_141 = tpu.memref_slice %arg2[%dma_wait3A_139, %dma_wait3A_140] : memref<10000x16xf32, #tpu.memory_space<hbm>> -> memref<10000x16xf32, #tpu.memory_space<hbm>>
      tpu.wait_indirect_dma semaphore(%arg11 : memref<!tpu.dma_semaphore, #tpu.memory_space<semaphore_mem>>) src(%dma_wait3A_141 : memref<10000x16xf32, #tpu.memory_space<hbm>>) dst(%dma_wait3A_135 : memref<2000x16xf32, #tpu.memory_space<vmem>>)
      %dma_start3A_142 = arith.constant 0 : i32
      %dma_start3A_143 = arith.constant 0 : i32
      %dma_start3A_144 = arith.constant 0 : i32
      %dma_start3A_145 = tpu.memref_slice %arg9[%dma_start3A_142, %dma_start3A_143, %dma_start3A_144] : memref<2x2000x16xf32, #tpu.memory_space<vmem>> -> memref<1x2000x16xf32, #tpu.memory_space<vmem>>
      %dma_start3A_146 = tpu.memref_squeeze %dma_start3A_145 : memref<1x2000x16xf32, #tpu.memory_space<vmem>> -> memref<2000x16xf32, #tpu.memory_space<vmem>>
      %dma_start3A_147 = arith.constant 0 : i32
      %dma_start3A_148 = tpu.memref_slice %arg8[%add3A_130, %dma_start3A_147] : memref<5x2000xi32, #tpu.memory_space<vmem>> -> memref<1x2000xi32, #tpu.memory_space<vmem>>
      %dma_start3A_149 = tpu.memref_squeeze %dma_start3A_148 : memref<1x2000xi32, #tpu.memory_space<vmem>> -> memref<2000xi32, #tpu.memory_space<vmem>>
      %dma_start3A_150 = arith.constant 0 : i32
      %dma_start3A_151 = arith.constant 0 : i32
      %dma_start3A_152 = tpu.memref_slice %arg10[%dma_start3A_150, %dma_start3A_151] : memref<10240x16xf32, #tpu.memory_space<vmem_shared>> -> memref<10240x16xf32, #tpu.memory_space<vmem_shared>>
      tpu.enqueue_indirect_dma source(%dma_start3A_146 : memref<2000x16xf32, #tpu.memory_space<vmem>>) target(%dma_start3A_152 : memref<10240x16xf32, #tpu.memory_space<vmem_shared>>) offsets(%dma_start3A_149 : memref<2000xi32, #tpu.memory_space<vmem>>) semaphore(%arg13 : memref<!tpu.dma_semaphore, #tpu.memory_space<semaphore_mem>>) {add = true}
      %add3A_153 = arith.constant 2 : i32
      %add3A_154 = arith.addi %add3A_130, %add3A_153 : i32
      %lt3A = arith.constant 5 : i32
      %lt3A_155 = arith.cmpi slt, %add3A_154, %lt3A : i32
      %convert_element_type3A = arith.extui %lt3A_155 : i1 to i32
      %cond3A = arith.constant 0 : i32
      %cond3A_156 = arith.cmpi ne, %convert_element_type3A, %cond3A : i32
      scf.if %cond3A_156 {
        %ge3A = arith.constant 0 : i32
        %ge3A_188 = arith.cmpi sge, %add3A_130, %ge3A : i32
        %convert_element_type3A_189 = arith.extui %ge3A_188 : i1 to i32
        %cond3A_190 = arith.constant 0 : i32
        %cond3A_191 = arith.cmpi ne, %convert_element_type3A_189, %cond3A_190 : i32
        scf.if %cond3A_191 {
          %dma_wait3A_205 = arith.constant 0 : i32
          %dma_wait3A_206 = arith.constant 0 : i32
          %dma_wait3A_207 = arith.constant 0 : i32
          %dma_wait3A_208 = tpu.memref_slice %arg9[%dma_wait3A_205, %dma_wait3A_206, %dma_wait3A_207] : memref<2x2000x16xf32, #tpu.memory_space<vmem>> -> memref<1x2000x16xf32, #tpu.memory_space<vmem>>
          %dma_wait3A_209 = tpu.memref_squeeze %dma_wait3A_208 : memref<1x2000x16xf32, #tpu.memory_space<vmem>> -> memref<2000x16xf32, #tpu.memory_space<vmem>>
          %dma_wait3A_210 = arith.constant 0 : i32
          %dma_wait3A_211 = tpu.memref_slice %arg8[%add3A_130, %dma_wait3A_210] : memref<5x2000xi32, #tpu.memory_space<vmem>> -> memref<1x2000xi32, #tpu.memory_space<vmem>>
          %dma_wait3A_212 = tpu.memref_squeeze %dma_wait3A_211 : memref<1x2000xi32, #tpu.memory_space<vmem>> -> memref<2000xi32, #tpu.memory_space<vmem>>
          %dma_wait3A_213 = arith.constant 0 : i32
          %dma_wait3A_214 = arith.constant 0 : i32
          %dma_wait3A_215 = tpu.memref_slice %arg10[%dma_wait3A_213, %dma_wait3A_214] : memref<10240x16xf32, #tpu.memory_space<vmem_shared>> -> memref<10240x16xf32, #tpu.memory_space<vmem_shared>>
          tpu.wait_indirect_dma semaphore(%arg13 : memref<!tpu.dma_semaphore, #tpu.memory_space<semaphore_mem>>) src(%dma_wait3A_209 : memref<2000x16xf32, #tpu.memory_space<vmem>>) dst(%dma_wait3A_215 : memref<10240x16xf32, #tpu.memory_space<vmem_shared>>)
        } else {
        }
        %add3A_192 = arith.constant 2 : i32
        %add3A_193 = arith.addi %add3A_130, %add3A_192 : i32
        %dma_start3A_194 = arith.constant 0 : i32
        %dma_start3A_195 = arith.constant 0 : i32
        %dma_start3A_196 = arith.constant 0 : i32
        %dma_start3A_197 = tpu.memref_slice %arg9[%dma_start3A_194, %dma_start3A_195, %dma_start3A_196] : memref<2x2000x16xf32, #tpu.memory_space<vmem>> -> memref<1x2000x16xf32, #tpu.memory_space<vmem>>
        %dma_start3A_198 = tpu.memref_squeeze %dma_start3A_197 : memref<1x2000x16xf32, #tpu.memory_space<vmem>> -> memref<2000x16xf32, #tpu.memory_space<vmem>>
        %dma_start3A_199 = arith.constant 0 : i32
        %dma_start3A_200 = tpu.memref_slice %arg7[%add3A_193, %dma_start3A_199] : memref<5x2000xi32, #tpu.memory_space<vmem>> -> memref<1x2000xi32, #tpu.memory_space<vmem>>
        %dma_start3A_201 = tpu.memref_squeeze %dma_start3A_200 : memref<1x2000xi32, #tpu.memory_space<vmem>> -> memref<2000xi32, #tpu.memory_space<vmem>>
        %dma_start3A_202 = arith.constant 0 : i32
        %dma_start3A_203 = arith.constant 0 : i32
        %dma_start3A_204 = tpu.memref_slice %arg2[%dma_start3A_202, %dma_start3A_203] : memref<10000x16xf32, #tpu.memory_space<hbm>> -> memref<10000x16xf32, #tpu.memory_space<hbm>>
        tpu.enqueue_indirect_dma source(%dma_start3A_204 : memref<10000x16xf32, #tpu.memory_space<hbm>>) target(%dma_start3A_198 : memref<2000x16xf32, #tpu.memory_space<vmem>>) offsets(%dma_start3A_201 : memref<2000xi32, #tpu.memory_space<vmem>>) semaphore(%arg11 : memref<!tpu.dma_semaphore, #tpu.memory_space<semaphore_mem>>)
      } else {
      }
      %add3A_157 = arith.constant 1 : i32
      %add3A_158 = arith.addi %mul3A_128, %add3A_157 : i32
      %dma_wait3A_159 = arith.constant 1 : i32
      %dma_wait3A_160 = arith.constant 0 : i32
      %dma_wait3A_161 = arith.constant 0 : i32
      %dma_wait3A_162 = tpu.memref_slice %arg9[%dma_wait3A_159, %dma_wait3A_160, %dma_wait3A_161] : memref<2x2000x16xf32, #tpu.memory_space<vmem>> -> memref<1x2000x16xf32, #tpu.memory_space<vmem>>
      %dma_wait3A_163 = tpu.memref_squeeze %dma_wait3A_162 : memref<1x2000x16xf32, #tpu.memory_space<vmem>> -> memref<2000x16xf32, #tpu.memory_space<vmem>>
      %dma_wait3A_164 = arith.constant 0 : i32
      %dma_wait3A_165 = tpu.memref_slice %arg7[%add3A_158, %dma_wait3A_164] : memref<5x2000xi32, #tpu.memory_space<vmem>> -> memref<1x2000xi32, #tpu.memory_space<vmem>>
      %dma_wait3A_166 = tpu.memref_squeeze %dma_wait3A_165 : memref<1x2000xi32, #tpu.memory_space<vmem>> -> memref<2000xi32, #tpu.memory_space<vmem>>
      %dma_wait3A_167 = arith.constant 0 : i32
      %dma_wait3A_168 = arith.constant 0 : i32
      %dma_wait3A_169 = tpu.memref_slice %arg2[%dma_wait3A_167, %dma_wait3A_168] : memref<10000x16xf32, #tpu.memory_space<hbm>> -> memref<10000x16xf32, #tpu.memory_space<hbm>>
      tpu.wait_indirect_dma semaphore(%arg12 : memref<!tpu.dma_semaphore, #tpu.memory_space<semaphore_mem>>) src(%dma_wait3A_169 : memref<10000x16xf32, #tpu.memory_space<hbm>>) dst(%dma_wait3A_163 : memref<2000x16xf32, #tpu.memory_space<vmem>>)
      %dma_start3A_170 = arith.constant 1 : i32
      %dma_start3A_171 = arith.constant 0 : i32
      %dma_start3A_172 = arith.constant 0 : i32
      %dma_start3A_173 = tpu.memref_slice %arg9[%dma_start3A_170, %dma_start3A_171, %dma_start3A_172] : memref<2x2000x16xf32, #tpu.memory_space<vmem>> -> memref<1x2000x16xf32, #tpu.memory_space<vmem>>
      %dma_start3A_174 = tpu.memref_squeeze %dma_start3A_173 : memref<1x2000x16xf32, #tpu.memory_space<vmem>> -> memref<2000x16xf32, #tpu.memory_space<vmem>>
      %dma_start3A_175 = arith.constant 0 : i32
      %dma_start3A_176 = tpu.memref_slice %arg8[%add3A_158, %dma_start3A_175] : memref<5x2000xi32, #tpu.memory_space<vmem>> -> memref<1x2000xi32, #tpu.memory_space<vmem>>
      %dma_start3A_177 = tpu.memref_squeeze %dma_start3A_176 : memref<1x2000xi32, #tpu.memory_space<vmem>> -> memref<2000xi32, #tpu.memory_space<vmem>>
      %dma_start3A_178 = arith.constant 0 : i32
      %dma_start3A_179 = arith.constant 0 : i32
      %dma_start3A_180 = tpu.memref_slice %arg10[%dma_start3A_178, %dma_start3A_179] : memref<10240x16xf32, #tpu.memory_space<vmem_shared>> -> memref<10240x16xf32, #tpu.memory_space<vmem_shared>>
      tpu.enqueue_indirect_dma source(%dma_start3A_174 : memref<2000x16xf32, #tpu.memory_space<vmem>>) target(%dma_start3A_180 : memref<10240x16xf32, #tpu.memory_space<vmem_shared>>) offsets(%dma_start3A_177 : memref<2000xi32, #tpu.memory_space<vmem>>) semaphore(%arg14 : memref<!tpu.dma_semaphore, #tpu.memory_space<semaphore_mem>>) {add = true}
      %add3A_181 = arith.constant 2 : i32
      %add3A_182 = arith.addi %add3A_158, %add3A_181 : i32
      %lt3A_183 = arith.constant 5 : i32
      %lt3A_184 = arith.cmpi slt, %add3A_182, %lt3A_183 : i32
      %convert_element_type3A_185 = arith.extui %lt3A_184 : i1 to i32
      %cond3A_186 = arith.constant 0 : i32
      %cond3A_187 = arith.cmpi ne, %convert_element_type3A_185, %cond3A_186 : i32
      scf.if %cond3A_187 {
        %ge3A = arith.constant 0 : i32
        %ge3A_188 = arith.cmpi sge, %add3A_158, %ge3A : i32
        %convert_element_type3A_189 = arith.extui %ge3A_188 : i1 to i32
        %cond3A_190 = arith.constant 0 : i32
        %cond3A_191 = arith.cmpi ne, %convert_element_type3A_189, %cond3A_190 : i32
        scf.if %cond3A_191 {
          %dma_wait3A_205 = arith.constant 1 : i32
          %dma_wait3A_206 = arith.constant 0 : i32
          %dma_wait3A_207 = arith.constant 0 : i32
          %dma_wait3A_208 = tpu.memref_slice %arg9[%dma_wait3A_205, %dma_wait3A_206, %dma_wait3A_207] : memref<2x2000x16xf32, #tpu.memory_space<vmem>> -> memref<1x2000x16xf32, #tpu.memory_space<vmem>>
          %dma_wait3A_209 = tpu.memref_squeeze %dma_wait3A_208 : memref<1x2000x16xf32, #tpu.memory_space<vmem>> -> memref<2000x16xf32, #tpu.memory_space<vmem>>
          %dma_wait3A_210 = arith.constant 0 : i32
          %dma_wait3A_211 = tpu.memref_slice %arg8[%add3A_158, %dma_wait3A_210] : memref<5x2000xi32, #tpu.memory_space<vmem>> -> memref<1x2000xi32, #tpu.memory_space<vmem>>
          %dma_wait3A_212 = tpu.memref_squeeze %dma_wait3A_211 : memref<1x2000xi32, #tpu.memory_space<vmem>> -> memref<2000xi32, #tpu.memory_space<vmem>>
          %dma_wait3A_213 = arith.constant 0 : i32
          %dma_wait3A_214 = arith.constant 0 : i32
          %dma_wait3A_215 = tpu.memref_slice %arg10[%dma_wait3A_213, %dma_wait3A_214] : memref<10240x16xf32, #tpu.memory_space<vmem_shared>> -> memref<10240x16xf32, #tpu.memory_space<vmem_shared>>
          tpu.wait_indirect_dma semaphore(%arg14 : memref<!tpu.dma_semaphore, #tpu.memory_space<semaphore_mem>>) src(%dma_wait3A_209 : memref<2000x16xf32, #tpu.memory_space<vmem>>) dst(%dma_wait3A_215 : memref<10240x16xf32, #tpu.memory_space<vmem_shared>>)
        } else {
        }
        %add3A_192 = arith.constant 2 : i32
        %add3A_193 = arith.addi %add3A_158, %add3A_192 : i32
        %dma_start3A_194 = arith.constant 1 : i32
        %dma_start3A_195 = arith.constant 0 : i32
        %dma_start3A_196 = arith.constant 0 : i32
        %dma_start3A_197 = tpu.memref_slice %arg9[%dma_start3A_194, %dma_start3A_195, %dma_start3A_196] : memref<2x2000x16xf32, #tpu.memory_space<vmem>> -> memref<1x2000x16xf32, #tpu.memory_space<vmem>>
        %dma_start3A_198 = tpu.memref_squeeze %dma_start3A_197 : memref<1x2000x16xf32, #tpu.memory_space<vmem>> -> memref<2000x16xf32, #tpu.memory_space<vmem>>
        %dma_start3A_199 = arith.constant 0 : i32
        %dma_start3A_200 = tpu.memref_slice %arg7[%add3A_193, %dma_start3A_199] : memref<5x2000xi32, #tpu.memory_space<vmem>> -> memref<1x2000xi32, #tpu.memory_space<vmem>>
        %dma_start3A_201 = tpu.memref_squeeze %dma_start3A_200 : memref<1x2000xi32, #tpu.memory_space<vmem>> -> memref<2000xi32, #tpu.memory_space<vmem>>
        %dma_start3A_202 = arith.constant 0 : i32
        %dma_start3A_203 = arith.constant 0 : i32
        %dma_start3A_204 = tpu.memref_slice %arg2[%dma_start3A_202, %dma_start3A_203] : memref<10000x16xf32, #tpu.memory_space<hbm>> -> memref<10000x16xf32, #tpu.memory_space<hbm>>
        tpu.enqueue_indirect_dma source(%dma_start3A_204 : memref<10000x16xf32, #tpu.memory_space<hbm>>) target(%dma_start3A_198 : memref<2000x16xf32, #tpu.memory_space<vmem>>) offsets(%dma_start3A_201 : memref<2000xi32, #tpu.memory_space<vmem>>) semaphore(%arg12 : memref<!tpu.dma_semaphore, #tpu.memory_space<semaphore_mem>>)
      } else {
      }
    }
    %scan3A_70 = arith.constant 2 : i32
    %dma_wait3A_71 = arith.constant 4 : i32
    %dma_wait3A_72 = arith.constant 0 : i32
    %dma_wait3A_73 = arith.constant 0 : i32
    %dma_wait3A_74 = arith.constant 0 : i32
    %dma_wait3A_75 = tpu.memref_slice %arg9[%dma_wait3A_72, %dma_wait3A_73, %dma_wait3A_74] : memref<2x2000x16xf32, #tpu.memory_space<vmem>> -> memref<1x2000x16xf32, #tpu.memory_space<vmem>>
    %dma_wait3A_76 = tpu.memref_squeeze %dma_wait3A_75 : memref<1x2000x16xf32, #tpu.memory_space<vmem>> -> memref<2000x16xf32, #tpu.memory_space<vmem>>
    %dma_wait3A_77 = arith.constant 0 : i32
    %dma_wait3A_78 = tpu.memref_slice %arg7[%dma_wait3A_71, %dma_wait3A_77] : memref<5x2000xi32, #tpu.memory_space<vmem>> -> memref<1x2000xi32, #tpu.memory_space<vmem>>
    %dma_wait3A_79 = tpu.memref_squeeze %dma_wait3A_78 : memref<1x2000xi32, #tpu.memory_space<vmem>> -> memref<2000xi32, #tpu.memory_space<vmem>>
    %dma_wait3A_80 = arith.constant 0 : i32
    %dma_wait3A_81 = arith.constant 0 : i32
    %dma_wait3A_82 = tpu.memref_slice %arg2[%dma_wait3A_80, %dma_wait3A_81] : memref<10000x16xf32, #tpu.memory_space<hbm>> -> memref<10000x16xf32, #tpu.memory_space<hbm>>
    tpu.wait_indirect_dma semaphore(%arg11 : memref<!tpu.dma_semaphore, #tpu.memory_space<semaphore_mem>>) src(%dma_wait3A_82 : memref<10000x16xf32, #tpu.memory_space<hbm>>) dst(%dma_wait3A_76 : memref<2000x16xf32, #tpu.memory_space<vmem>>)
    %dma_start3A_83 = arith.constant 0 : i32
    %dma_start3A_84 = arith.constant 4 : i32
    %dma_start3A_85 = arith.constant 0 : i32
    %dma_start3A_86 = arith.constant 0 : i32
    %dma_start3A_87 = tpu.memref_slice %arg9[%dma_start3A_83, %dma_start3A_85, %dma_start3A_86] : memref<2x2000x16xf32, #tpu.memory_space<vmem>> -> memref<1x2000x16xf32, #tpu.memory_space<vmem>>
    %dma_start3A_88 = tpu.memref_squeeze %dma_start3A_87 : memref<1x2000x16xf32, #tpu.memory_space<vmem>> -> memref<2000x16xf32, #tpu.memory_space<vmem>>
    %dma_start3A_89 = arith.constant 0 : i32
    %dma_start3A_90 = tpu.memref_slice %arg8[%dma_start3A_84, %dma_start3A_89] : memref<5x2000xi32, #tpu.memory_space<vmem>> -> memref<1x2000xi32, #tpu.memory_space<vmem>>
    %dma_start3A_91 = tpu.memref_squeeze %dma_start3A_90 : memref<1x2000xi32, #tpu.memory_space<vmem>> -> memref<2000xi32, #tpu.memory_space<vmem>>
    %dma_start3A_92 = arith.constant 0 : i32
    %dma_start3A_93 = arith.constant 0 : i32
    %dma_start3A_94 = tpu.memref_slice %arg10[%dma_start3A_92, %dma_start3A_93] : memref<10240x16xf32, #tpu.memory_space<vmem_shared>> -> memref<10240x16xf32, #tpu.memory_space<vmem_shared>>
    tpu.enqueue_indirect_dma source(%dma_start3A_88 : memref<2000x16xf32, #tpu.memory_space<vmem>>) target(%dma_start3A_94 : memref<10240x16xf32, #tpu.memory_space<vmem_shared>>) offsets(%dma_start3A_91 : memref<2000xi32, #tpu.memory_space<vmem>>) semaphore(%arg13 : memref<!tpu.dma_semaphore, #tpu.memory_space<semaphore_mem>>) {add = true}
    %dma_wait3A_95 = arith.constant 0 : i32
    %dma_wait3A_96 = arith.constant 0 : i32
    %dma_wait3A_97 = arith.constant 0 : i32
    %dma_wait3A_98 = arith.constant 0 : i32
    %dma_wait3A_99 = tpu.memref_slice %arg9[%dma_wait3A_95, %dma_wait3A_97, %dma_wait3A_98] : memref<2x2000x16xf32, #tpu.memory_space<vmem>> -> memref<1x2000x16xf32, #tpu.memory_space<vmem>>
    %dma_wait3A_100 = tpu.memref_squeeze %dma_wait3A_99 : memref<1x2000x16xf32, #tpu.memory_space<vmem>> -> memref<2000x16xf32, #tpu.memory_space<vmem>>
    %dma_wait3A_101 = arith.constant 0 : i32
    %dma_wait3A_102 = tpu.memref_slice %arg8[%dma_wait3A_96, %dma_wait3A_101] : memref<5x2000xi32, #tpu.memory_space<vmem>> -> memref<1x2000xi32, #tpu.memory_space<vmem>>
    %dma_wait3A_103 = tpu.memref_squeeze %dma_wait3A_102 : memref<1x2000xi32, #tpu.memory_space<vmem>> -> memref<2000xi32, #tpu.memory_space<vmem>>
    %dma_wait3A_104 = arith.constant 0 : i32
    %dma_wait3A_105 = arith.constant 0 : i32
    %dma_wait3A_106 = tpu.memref_slice %arg10[%dma_wait3A_104, %dma_wait3A_105] : memref<10240x16xf32, #tpu.memory_space<vmem_shared>> -> memref<10240x16xf32, #tpu.memory_space<vmem_shared>>
    tpu.wait_indirect_dma semaphore(%arg13 : memref<!tpu.dma_semaphore, #tpu.memory_space<semaphore_mem>>) src(%dma_wait3A_100 : memref<2000x16xf32, #tpu.memory_space<vmem>>) dst(%dma_wait3A_106 : memref<10240x16xf32, #tpu.memory_space<vmem_shared>>)
    %dma_wait3A_107 = arith.constant 1 : i32
    %dma_wait3A_108 = arith.constant 0 : i32
    %dma_wait3A_109 = arith.constant 0 : i32
    %dma_wait3A_110 = arith.constant 0 : i32
    %dma_wait3A_111 = tpu.memref_slice %arg9[%dma_wait3A_107, %dma_wait3A_109, %dma_wait3A_110] : memref<2x2000x16xf32, #tpu.memory_space<vmem>> -> memref<1x2000x16xf32, #tpu.memory_space<vmem>>
    %dma_wait3A_112 = tpu.memref_squeeze %dma_wait3A_111 : memref<1x2000x16xf32, #tpu.memory_space<vmem>> -> memref<2000x16xf32, #tpu.memory_space<vmem>>
    %dma_wait3A_113 = arith.constant 0 : i32
    %dma_wait3A_114 = tpu.memref_slice %arg8[%dma_wait3A_108, %dma_wait3A_113] : memref<5x2000xi32, #tpu.memory_space<vmem>> -> memref<1x2000xi32, #tpu.memory_space<vmem>>
    %dma_wait3A_115 = tpu.memref_squeeze %dma_wait3A_114 : memref<1x2000xi32, #tpu.memory_space<vmem>> -> memref<2000xi32, #tpu.memory_space<vmem>>
    %dma_wait3A_116 = arith.constant 0 : i32
    %dma_wait3A_117 = arith.constant 0 : i32
    %dma_wait3A_118 = tpu.memref_slice %arg10[%dma_wait3A_116, %dma_wait3A_117] : memref<10240x16xf32, #tpu.memory_space<vmem_shared>> -> memref<10240x16xf32, #tpu.memory_space<vmem_shared>>
    tpu.wait_indirect_dma semaphore(%arg14 : memref<!tpu.dma_semaphore, #tpu.memory_space<semaphore_mem>>) src(%dma_wait3A_112 : memref<2000x16xf32, #tpu.memory_space<vmem>>) dst(%dma_wait3A_118 : memref<10240x16xf32, #tpu.memory_space<vmem_shared>>)
    %barrier3A_119 = arith.constant 0 : index
    tpu.barrier barrier_id(%barrier3A_119)
    %mul3A_120 = arith.constant 16 : i32
    %mul3A_121 = arith.muli %arg0, %mul3A_120 : i32
    "tpu.region"() ({
      %run_scoped3A = tpu.sem_alloc : memref<!tpu.dma_semaphore, #tpu.memory_space<semaphore_mem>>
      %dma_start3A_122 = tpu.memref_slice %arg6[%mul3A_2, %mul3A_121] : memref<10240x128xf32, #tpu.memory_space<hbm>> -> memref<640x16xf32, #tpu.memory_space<hbm>>
      %dma_start3A_123 = arith.constant 0 : i32
      %dma_start3A_124 = tpu.memref_slice %arg10[%mul3A_2, %dma_start3A_123] : memref<10240x16xf32, #tpu.memory_space<vmem_shared>> -> memref<640x16xf32, #tpu.memory_space<vmem_shared>>
      tpu.enqueue_dma source(%dma_start3A_124 : memref<640x16xf32, #tpu.memory_space<vmem_shared>>) target(%dma_start3A_122 : memref<640x16xf32, #tpu.memory_space<hbm>>) target_semaphore(%run_scoped3A : memref<!tpu.dma_semaphore, #tpu.memory_space<semaphore_mem>>)
      %dma_wait3A_125 = tpu.memref_slice %arg6[%mul3A_2, %mul3A_121] : memref<10240x128xf32, #tpu.memory_space<hbm>> -> memref<640x16xf32, #tpu.memory_space<hbm>>
      %dma_wait3A_126 = arith.constant 0 : i32
      %dma_wait3A_127 = tpu.memref_slice %arg10[%mul3A_2, %dma_wait3A_126] : memref<10240x16xf32, #tpu.memory_space<vmem_shared>> -> memref<640x16xf32, #tpu.memory_space<vmem_shared>>
      tpu.wait_dma2 semaphore(%run_scoped3A : memref<!tpu.dma_semaphore, #tpu.memory_space<semaphore_mem>>) src(%dma_wait3A_127 : memref<640x16xf32, #tpu.memory_space<vmem_shared>>) dst(%dma_wait3A_125 : memref<640x16xf32, #tpu.memory_space<hbm>>)
      tpu.yield
    }) : () -> ()
    return
  }
}

#map = affine_map<(d0, d1) -> (0, 0)>
#map1 = affine_map<(d0, d1) -> (0, 0, 0)>
module attributes {stable_mosaic.version = 14 : i64} {
  func.func @segsum(%arg0: i32, %arg1: i32, %arg2: memref<10000x64xf32, #tpu.memory_space<hbm>>, %arg3: memref<32x50x200xi32, #tpu.memory_space<hbm>>, %arg4: memref<32x50x200xi32, #tpu.memory_space<hbm>>, %arg5: memref<640x128xf32, #tpu.memory_space<hbm>>, %arg6: memref<10240x128xf32, #tpu.memory_space<hbm>>, %arg7: memref<50x200xi32, #tpu.memory_space<vmem>>, %arg8: memref<50x200xi32, #tpu.memory_space<vmem>>, %arg9: memref<3x200x64xf32, #tpu.memory_space<vmem>>, %arg10: memref<10240x64xf32, #tpu.memory_space<vmem_shared>>, %arg11: memref<!tpu.dma_semaphore, #tpu.memory_space<semaphore_mem>>, %arg12: memref<!tpu.dma_semaphore, #tpu.memory_space<semaphore_mem>>, %arg13: memref<!tpu.dma_semaphore, #tpu.memory_space<semaphore_mem>>, %arg14: memref<!tpu.dma_semaphore, #tpu.memory_space<semaphore_mem>>, %arg15: memref<!tpu.dma_semaphore, #tpu.memory_space<semaphore_mem>>, %arg16: memref<!tpu.dma_semaphore, #tpu.memory_space<semaphore_mem>>) attributes {dimension_semantics = [#tpu.dimension_semantics<core_parallel>, #tpu.dimension_semantics<subcore_parallel>], iteration_bounds = array<i64: 2, 16>, scalar_prefetch = 0 : i64, scratch_operands = 10 : i64, tpu.core_type = #tpu.core_type<sc_vector_subcore>, window_params = [{transform_indices = #map}, {transform_indices = #map1}, {transform_indices = #map1}, {transform_indices = #map}, {transform_indices = #map}]} {
    %mul3A = arith.constant 16 : i32
    %mul3A_0 = arith.muli %arg0, %mul3A : i32
    %add3A = arith.addi %mul3A_0, %arg1 : i32
    %mul3A_1 = arith.constant 640 : i32
    %mul3A_2 = arith.muli %arg1, %mul3A_1 : i32
    %dma_start3A = arith.constant 0 : i32
    %dma_start3A_3 = tpu.memref_slice %arg10[%mul3A_2, %dma_start3A] : memref<10240x64xf32, #tpu.memory_space<vmem_shared>> -> memref<640x64xf32, #tpu.memory_space<vmem_shared>>
    %dma_start3A_4 = arith.constant 0 : i32
    %dma_start3A_5 = arith.constant 0 : i32
    %dma_start3A_6 = tpu.memref_slice %arg5[%dma_start3A_4, %dma_start3A_5] : memref<640x128xf32, #tpu.memory_space<hbm>> -> memref<640x64xf32, #tpu.memory_space<hbm>>
    tpu.enqueue_dma source(%dma_start3A_6 : memref<640x64xf32, #tpu.memory_space<hbm>>) target(%dma_start3A_3 : memref<640x64xf32, #tpu.memory_space<vmem_shared>>) target_semaphore(%arg14 : memref<!tpu.dma_semaphore, #tpu.memory_space<semaphore_mem>>)
    %dma_start3A_7 = arith.constant 0 : i32
    %dma_start3A_8 = arith.constant 0 : i32
    %dma_start3A_9 = tpu.memref_slice %arg3[%add3A, %dma_start3A_7, %dma_start3A_8] : memref<32x50x200xi32, #tpu.memory_space<hbm>> -> memref<1x50x200xi32, #tpu.memory_space<hbm>>
    %dma_start3A_10 = tpu.memref_squeeze %dma_start3A_9 : memref<1x50x200xi32, #tpu.memory_space<hbm>> -> memref<50x200xi32, #tpu.memory_space<hbm>>
    %dma_start3A_11 = arith.constant 0 : i32
    %dma_start3A_12 = arith.constant 0 : i32
    %dma_start3A_13 = tpu.memref_slice %arg3[%add3A, %dma_start3A_11, %dma_start3A_12] : memref<32x50x200xi32, #tpu.memory_space<hbm>> -> memref<1x50x200xi32, #tpu.memory_space<hbm>>
    %dma_start3A_14 = tpu.memref_squeeze %dma_start3A_13 : memref<1x50x200xi32, #tpu.memory_space<hbm>> -> memref<50x200xi32, #tpu.memory_space<hbm>>
    tpu.enqueue_dma source(%dma_start3A_14 : memref<50x200xi32, #tpu.memory_space<hbm>>) target(%arg7 : memref<50x200xi32, #tpu.memory_space<vmem>>) target_semaphore(%arg11 : memref<!tpu.dma_semaphore, #tpu.memory_space<semaphore_mem>>)
    %dma_start3A_15 = arith.constant 0 : i32
    %dma_start3A_16 = arith.constant 0 : i32
    %dma_start3A_17 = tpu.memref_slice %arg4[%add3A, %dma_start3A_15, %dma_start3A_16] : memref<32x50x200xi32, #tpu.memory_space<hbm>> -> memref<1x50x200xi32, #tpu.memory_space<hbm>>
    %dma_start3A_18 = tpu.memref_squeeze %dma_start3A_17 : memref<1x50x200xi32, #tpu.memory_space<hbm>> -> memref<50x200xi32, #tpu.memory_space<hbm>>
    %dma_start3A_19 = arith.constant 0 : i32
    %dma_start3A_20 = arith.constant 0 : i32
    %dma_start3A_21 = tpu.memref_slice %arg4[%add3A, %dma_start3A_19, %dma_start3A_20] : memref<32x50x200xi32, #tpu.memory_space<hbm>> -> memref<1x50x200xi32, #tpu.memory_space<hbm>>
    %dma_start3A_22 = tpu.memref_squeeze %dma_start3A_21 : memref<1x50x200xi32, #tpu.memory_space<hbm>> -> memref<50x200xi32, #tpu.memory_space<hbm>>
    tpu.enqueue_dma source(%dma_start3A_22 : memref<50x200xi32, #tpu.memory_space<hbm>>) target(%arg8 : memref<50x200xi32, #tpu.memory_space<vmem>>) target_semaphore(%arg12 : memref<!tpu.dma_semaphore, #tpu.memory_space<semaphore_mem>>)
    %dma_wait3A = arith.constant 0 : i32
    %dma_wait3A_23 = arith.constant 0 : i32
    %dma_wait3A_24 = tpu.memref_slice %arg3[%add3A, %dma_wait3A, %dma_wait3A_23] : memref<32x50x200xi32, #tpu.memory_space<hbm>> -> memref<1x50x200xi32, #tpu.memory_space<hbm>>
    %dma_wait3A_25 = tpu.memref_squeeze %dma_wait3A_24 : memref<1x50x200xi32, #tpu.memory_space<hbm>> -> memref<50x200xi32, #tpu.memory_space<hbm>>
    %dma_wait3A_26 = arith.constant 0 : i32
    %dma_wait3A_27 = arith.constant 0 : i32
    %dma_wait3A_28 = tpu.memref_slice %arg3[%add3A, %dma_wait3A_26, %dma_wait3A_27] : memref<32x50x200xi32, #tpu.memory_space<hbm>> -> memref<1x50x200xi32, #tpu.memory_space<hbm>>
    %dma_wait3A_29 = tpu.memref_squeeze %dma_wait3A_28 : memref<1x50x200xi32, #tpu.memory_space<hbm>> -> memref<50x200xi32, #tpu.memory_space<hbm>>
    tpu.wait_dma2 semaphore(%arg11 : memref<!tpu.dma_semaphore, #tpu.memory_space<semaphore_mem>>) src(%dma_wait3A_29 : memref<50x200xi32, #tpu.memory_space<hbm>>) dst(%arg7 : memref<50x200xi32, #tpu.memory_space<vmem>>)
    %dma_wait3A_30 = arith.constant 0 : i32
    %dma_wait3A_31 = arith.constant 0 : i32
    %dma_wait3A_32 = tpu.memref_slice %arg4[%add3A, %dma_wait3A_30, %dma_wait3A_31] : memref<32x50x200xi32, #tpu.memory_space<hbm>> -> memref<1x50x200xi32, #tpu.memory_space<hbm>>
    %dma_wait3A_33 = tpu.memref_squeeze %dma_wait3A_32 : memref<1x50x200xi32, #tpu.memory_space<hbm>> -> memref<50x200xi32, #tpu.memory_space<hbm>>
    %dma_wait3A_34 = arith.constant 0 : i32
    %dma_wait3A_35 = arith.constant 0 : i32
    %dma_wait3A_36 = tpu.memref_slice %arg4[%add3A, %dma_wait3A_34, %dma_wait3A_35] : memref<32x50x200xi32, #tpu.memory_space<hbm>> -> memref<1x50x200xi32, #tpu.memory_space<hbm>>
    %dma_wait3A_37 = tpu.memref_squeeze %dma_wait3A_36 : memref<1x50x200xi32, #tpu.memory_space<hbm>> -> memref<50x200xi32, #tpu.memory_space<hbm>>
    tpu.wait_dma2 semaphore(%arg12 : memref<!tpu.dma_semaphore, #tpu.memory_space<semaphore_mem>>) src(%dma_wait3A_37 : memref<50x200xi32, #tpu.memory_space<hbm>>) dst(%arg8 : memref<50x200xi32, #tpu.memory_space<vmem>>)
    %dma_start3A_38 = arith.constant 0 : i32
    %dma_start3A_39 = arith.constant 0 : i32
    %dma_start3A_40 = arith.constant 0 : i32
    %dma_start3A_41 = arith.constant 0 : i32
    %dma_start3A_42 = tpu.memref_slice %arg9[%dma_start3A_39, %dma_start3A_40, %dma_start3A_41] : memref<3x200x64xf32, #tpu.memory_space<vmem>> -> memref<1x200x64xf32, #tpu.memory_space<vmem>>
    %dma_start3A_43 = tpu.memref_squeeze %dma_start3A_42 : memref<1x200x64xf32, #tpu.memory_space<vmem>> -> memref<200x64xf32, #tpu.memory_space<vmem>>
    %dma_start3A_44 = arith.constant 0 : i32
    %dma_start3A_45 = tpu.memref_slice %arg7[%dma_start3A_38, %dma_start3A_44] : memref<50x200xi32, #tpu.memory_space<vmem>> -> memref<1x200xi32, #tpu.memory_space<vmem>>
    %dma_start3A_46 = tpu.memref_squeeze %dma_start3A_45 : memref<1x200xi32, #tpu.memory_space<vmem>> -> memref<200xi32, #tpu.memory_space<vmem>>
    %dma_start3A_47 = arith.constant 0 : i32
    %dma_start3A_48 = arith.constant 0 : i32
    %dma_start3A_49 = tpu.memref_slice %arg2[%dma_start3A_47, %dma_start3A_48] : memref<10000x64xf32, #tpu.memory_space<hbm>> -> memref<10000x64xf32, #tpu.memory_space<hbm>>
    tpu.enqueue_indirect_dma source(%dma_start3A_49 : memref<10000x64xf32, #tpu.memory_space<hbm>>) target(%dma_start3A_43 : memref<200x64xf32, #tpu.memory_space<vmem>>) offsets(%dma_start3A_46 : memref<200xi32, #tpu.memory_space<vmem>>) semaphore(%arg11 : memref<!tpu.dma_semaphore, #tpu.memory_space<semaphore_mem>>)
    %dma_start3A_50 = arith.constant 1 : i32
    %dma_start3A_51 = arith.constant 1 : i32
    %dma_start3A_52 = arith.constant 0 : i32
    %dma_start3A_53 = arith.constant 0 : i32
    %dma_start3A_54 = tpu.memref_slice %arg9[%dma_start3A_51, %dma_start3A_52, %dma_start3A_53] : memref<3x200x64xf32, #tpu.memory_space<vmem>> -> memref<1x200x64xf32, #tpu.memory_space<vmem>>
    %dma_start3A_55 = tpu.memref_squeeze %dma_start3A_54 : memref<1x200x64xf32, #tpu.memory_space<vmem>> -> memref<200x64xf32, #tpu.memory_space<vmem>>
    %dma_start3A_56 = arith.constant 0 : i32
    %dma_start3A_57 = tpu.memref_slice %arg7[%dma_start3A_50, %dma_start3A_56] : memref<50x200xi32, #tpu.memory_space<vmem>> -> memref<1x200xi32, #tpu.memory_space<vmem>>
    %dma_start3A_58 = tpu.memref_squeeze %dma_start3A_57 : memref<1x200xi32, #tpu.memory_space<vmem>> -> memref<200xi32, #tpu.memory_space<vmem>>
    %dma_start3A_59 = arith.constant 0 : i32
    %dma_start3A_60 = arith.constant 0 : i32
    %dma_start3A_61 = tpu.memref_slice %arg2[%dma_start3A_59, %dma_start3A_60] : memref<10000x64xf32, #tpu.memory_space<hbm>> -> memref<10000x64xf32, #tpu.memory_space<hbm>>
    tpu.enqueue_indirect_dma source(%dma_start3A_61 : memref<10000x64xf32, #tpu.memory_space<hbm>>) target(%dma_start3A_55 : memref<200x64xf32, #tpu.memory_space<vmem>>) offsets(%dma_start3A_58 : memref<200xi32, #tpu.memory_space<vmem>>) semaphore(%arg12 : memref<!tpu.dma_semaphore, #tpu.memory_space<semaphore_mem>>)
    %dma_wait3A_62 = arith.constant 0 : i32
    %dma_wait3A_63 = tpu.memref_slice %arg10[%mul3A_2, %dma_wait3A_62] : memref<10240x64xf32, #tpu.memory_space<vmem_shared>> -> memref<640x64xf32, #tpu.memory_space<vmem_shared>>
    %dma_wait3A_64 = arith.constant 0 : i32
    %dma_wait3A_65 = arith.constant 0 : i32
    %dma_wait3A_66 = tpu.memref_slice %arg5[%dma_wait3A_64, %dma_wait3A_65] : memref<640x128xf32, #tpu.memory_space<hbm>> -> memref<640x64xf32, #tpu.memory_space<hbm>>
    tpu.wait_dma2 semaphore(%arg14 : memref<!tpu.dma_semaphore, #tpu.memory_space<semaphore_mem>>) src(%dma_wait3A_66 : memref<640x64xf32, #tpu.memory_space<hbm>>) dst(%dma_wait3A_63 : memref<640x64xf32, #tpu.memory_space<vmem_shared>>)
    %barrier3A = arith.constant 0 : index
    tpu.barrier barrier_id(%barrier3A)
    %scan3A = arith.constant 0 : i32
    %scan3A_67 = arith.constant 16 : i32
    %scan3A_68 = arith.addi %scan3A, %scan3A_67 : i32
    %scan3A_69 = arith.constant 1 : i32
    scf.for %scan3A_158 = %scan3A to %scan3A_68 step %scan3A_69  : i32 {
      %mul3A_159 = arith.constant 1 : i32
      %mul3A_160 = arith.muli %scan3A_158, %mul3A_159 : i32
      %add3A_161 = arith.constant 0 : i32
      %add3A_162 = arith.addi %add3A_161, %mul3A_160 : i32
      %mul3A_163 = arith.constant 3 : i32
      %mul3A_164 = arith.muli %mul3A_163, %add3A_162 : i32
      %add3A_165 = arith.constant 0 : i32
      %add3A_166 = arith.addi %mul3A_164, %add3A_165 : i32
      %dma_wait3A_167 = arith.constant 0 : i32
      %dma_wait3A_168 = arith.constant 0 : i32
      %dma_wait3A_169 = arith.constant 0 : i32
      %dma_wait3A_170 = tpu.memref_slice %arg9[%dma_wait3A_167, %dma_wait3A_168, %dma_wait3A_169] : memref<3x200x64xf32, #tpu.memory_space<vmem>> -> memref<1x200x64xf32, #tpu.memory_space<vmem>>
      %dma_wait3A_171 = tpu.memref_squeeze %dma_wait3A_170 : memref<1x200x64xf32, #tpu.memory_space<vmem>> -> memref<200x64xf32, #tpu.memory_space<vmem>>
      %dma_wait3A_172 = arith.constant 0 : i32
      %dma_wait3A_173 = tpu.memref_slice %arg7[%add3A_166, %dma_wait3A_172] : memref<50x200xi32, #tpu.memory_space<vmem>> -> memref<1x200xi32, #tpu.memory_space<vmem>>
      %dma_wait3A_174 = tpu.memref_squeeze %dma_wait3A_173 : memref<1x200xi32, #tpu.memory_space<vmem>> -> memref<200xi32, #tpu.memory_space<vmem>>
      %dma_wait3A_175 = arith.constant 0 : i32
      %dma_wait3A_176 = arith.constant 0 : i32
      %dma_wait3A_177 = tpu.memref_slice %arg2[%dma_wait3A_175, %dma_wait3A_176] : memref<10000x64xf32, #tpu.memory_space<hbm>> -> memref<10000x64xf32, #tpu.memory_space<hbm>>
      tpu.wait_indirect_dma semaphore(%arg11 : memref<!tpu.dma_semaphore, #tpu.memory_space<semaphore_mem>>) src(%dma_wait3A_177 : memref<10000x64xf32, #tpu.memory_space<hbm>>) dst(%dma_wait3A_171 : memref<200x64xf32, #tpu.memory_space<vmem>>)
      %dma_start3A_178 = arith.constant 0 : i32
      %dma_start3A_179 = arith.constant 0 : i32
      %dma_start3A_180 = arith.constant 0 : i32
      %dma_start3A_181 = tpu.memref_slice %arg9[%dma_start3A_178, %dma_start3A_179, %dma_start3A_180] : memref<3x200x64xf32, #tpu.memory_space<vmem>> -> memref<1x200x64xf32, #tpu.memory_space<vmem>>
      %dma_start3A_182 = tpu.memref_squeeze %dma_start3A_181 : memref<1x200x64xf32, #tpu.memory_space<vmem>> -> memref<200x64xf32, #tpu.memory_space<vmem>>
      %dma_start3A_183 = arith.constant 0 : i32
      %dma_start3A_184 = tpu.memref_slice %arg8[%add3A_166, %dma_start3A_183] : memref<50x200xi32, #tpu.memory_space<vmem>> -> memref<1x200xi32, #tpu.memory_space<vmem>>
      %dma_start3A_185 = tpu.memref_squeeze %dma_start3A_184 : memref<1x200xi32, #tpu.memory_space<vmem>> -> memref<200xi32, #tpu.memory_space<vmem>>
      %dma_start3A_186 = arith.constant 0 : i32
      %dma_start3A_187 = arith.constant 0 : i32
      %dma_start3A_188 = tpu.memref_slice %arg10[%dma_start3A_186, %dma_start3A_187] : memref<10240x64xf32, #tpu.memory_space<vmem_shared>> -> memref<10240x64xf32, #tpu.memory_space<vmem_shared>>
      tpu.enqueue_indirect_dma source(%dma_start3A_182 : memref<200x64xf32, #tpu.memory_space<vmem>>) target(%dma_start3A_188 : memref<10240x64xf32, #tpu.memory_space<vmem_shared>>) offsets(%dma_start3A_185 : memref<200xi32, #tpu.memory_space<vmem>>) semaphore(%arg14 : memref<!tpu.dma_semaphore, #tpu.memory_space<semaphore_mem>>) {add = true}
      %add3A_189 = arith.constant 2 : i32
      %add3A_190 = arith.addi %add3A_166, %add3A_189 : i32
      %lt3A = arith.constant 50 : i32
      %lt3A_191 = arith.cmpi slt, %add3A_190, %lt3A : i32
      %convert_element_type3A = arith.extui %lt3A_191 : i1 to i32
      %cond3A = arith.constant 0 : i32
      %cond3A_192 = arith.cmpi ne, %convert_element_type3A, %cond3A : i32
      scf.if %cond3A_192 {
        %ge3A = arith.constant 1 : i32
        %ge3A_255 = arith.cmpi sge, %add3A_166, %ge3A : i32
        %convert_element_type3A_256 = arith.extui %ge3A_255 : i1 to i32
        %cond3A_257 = arith.constant 0 : i32
        %cond3A_258 = arith.cmpi ne, %convert_element_type3A_256, %cond3A_257 : i32
        scf.if %cond3A_258 {
          %dma_wait3A_272 = arith.constant 2 : i32
          %dma_wait3A_273 = arith.constant 0 : i32
          %dma_wait3A_274 = arith.constant 0 : i32
          %dma_wait3A_275 = tpu.memref_slice %arg9[%dma_wait3A_272, %dma_wait3A_273, %dma_wait3A_274] : memref<3x200x64xf32, #tpu.memory_space<vmem>> -> memref<1x200x64xf32, #tpu.memory_space<vmem>>
          %dma_wait3A_276 = tpu.memref_squeeze %dma_wait3A_275 : memref<1x200x64xf32, #tpu.memory_space<vmem>> -> memref<200x64xf32, #tpu.memory_space<vmem>>
          %dma_wait3A_277 = arith.constant 0 : i32
          %dma_wait3A_278 = tpu.memref_slice %arg8[%add3A_166, %dma_wait3A_277] : memref<50x200xi32, #tpu.memory_space<vmem>> -> memref<1x200xi32, #tpu.memory_space<vmem>>
          %dma_wait3A_279 = tpu.memref_squeeze %dma_wait3A_278 : memref<1x200xi32, #tpu.memory_space<vmem>> -> memref<200xi32, #tpu.memory_space<vmem>>
          %dma_wait3A_280 = arith.constant 0 : i32
          %dma_wait3A_281 = arith.constant 0 : i32
          %dma_wait3A_282 = tpu.memref_slice %arg10[%dma_wait3A_280, %dma_wait3A_281] : memref<10240x64xf32, #tpu.memory_space<vmem_shared>> -> memref<10240x64xf32, #tpu.memory_space<vmem_shared>>
          tpu.wait_indirect_dma semaphore(%arg16 : memref<!tpu.dma_semaphore, #tpu.memory_space<semaphore_mem>>) src(%dma_wait3A_276 : memref<200x64xf32, #tpu.memory_space<vmem>>) dst(%dma_wait3A_282 : memref<10240x64xf32, #tpu.memory_space<vmem_shared>>)
        } else {
        }
        %add3A_259 = arith.constant 2 : i32
        %add3A_260 = arith.addi %add3A_166, %add3A_259 : i32
        %dma_start3A_261 = arith.constant 2 : i32
        %dma_start3A_262 = arith.constant 0 : i32
        %dma_start3A_263 = arith.constant 0 : i32
        %dma_start3A_264 = tpu.memref_slice %arg9[%dma_start3A_261, %dma_start3A_262, %dma_start3A_263] : memref<3x200x64xf32, #tpu.memory_space<vmem>> -> memref<1x200x64xf32, #tpu.memory_space<vmem>>
        %dma_start3A_265 = tpu.memref_squeeze %dma_start3A_264 : memref<1x200x64xf32, #tpu.memory_space<vmem>> -> memref<200x64xf32, #tpu.memory_space<vmem>>
        %dma_start3A_266 = arith.constant 0 : i32
        %dma_start3A_267 = tpu.memref_slice %arg7[%add3A_260, %dma_start3A_266] : memref<50x200xi32, #tpu.memory_space<vmem>> -> memref<1x200xi32, #tpu.memory_space<vmem>>
        %dma_start3A_268 = tpu.memref_squeeze %dma_start3A_267 : memref<1x200xi32, #tpu.memory_space<vmem>> -> memref<200xi32, #tpu.memory_space<vmem>>
        %dma_start3A_269 = arith.constant 0 : i32
        %dma_start3A_270 = arith.constant 0 : i32
        %dma_start3A_271 = tpu.memref_slice %arg2[%dma_start3A_269, %dma_start3A_270] : memref<10000x64xf32, #tpu.memory_space<hbm>> -> memref<10000x64xf32, #tpu.memory_space<hbm>>
        tpu.enqueue_indirect_dma source(%dma_start3A_271 : memref<10000x64xf32, #tpu.memory_space<hbm>>) target(%dma_start3A_265 : memref<200x64xf32, #tpu.memory_space<vmem>>) offsets(%dma_start3A_268 : memref<200xi32, #tpu.memory_space<vmem>>) semaphore(%arg13 : memref<!tpu.dma_semaphore, #tpu.memory_space<semaphore_mem>>)
      } else {
      }
      %add3A_193 = arith.constant 1 : i32
      %add3A_194 = arith.addi %mul3A_164, %add3A_193 : i32
      %dma_wait3A_195 = arith.constant 1 : i32
      %dma_wait3A_196 = arith.constant 0 : i32
      %dma_wait3A_197 = arith.constant 0 : i32
      %dma_wait3A_198 = tpu.memref_slice %arg9[%dma_wait3A_195, %dma_wait3A_196, %dma_wait3A_197] : memref<3x200x64xf32, #tpu.memory_space<vmem>> -> memref<1x200x64xf32, #tpu.memory_space<vmem>>
      %dma_wait3A_199 = tpu.memref_squeeze %dma_wait3A_198 : memref<1x200x64xf32, #tpu.memory_space<vmem>> -> memref<200x64xf32, #tpu.memory_space<vmem>>
      %dma_wait3A_200 = arith.constant 0 : i32
      %dma_wait3A_201 = tpu.memref_slice %arg7[%add3A_194, %dma_wait3A_200] : memref<50x200xi32, #tpu.memory_space<vmem>> -> memref<1x200xi32, #tpu.memory_space<vmem>>
      %dma_wait3A_202 = tpu.memref_squeeze %dma_wait3A_201 : memref<1x200xi32, #tpu.memory_space<vmem>> -> memref<200xi32, #tpu.memory_space<vmem>>
      %dma_wait3A_203 = arith.constant 0 : i32
      %dma_wait3A_204 = arith.constant 0 : i32
      %dma_wait3A_205 = tpu.memref_slice %arg2[%dma_wait3A_203, %dma_wait3A_204] : memref<10000x64xf32, #tpu.memory_space<hbm>> -> memref<10000x64xf32, #tpu.memory_space<hbm>>
      tpu.wait_indirect_dma semaphore(%arg12 : memref<!tpu.dma_semaphore, #tpu.memory_space<semaphore_mem>>) src(%dma_wait3A_205 : memref<10000x64xf32, #tpu.memory_space<hbm>>) dst(%dma_wait3A_199 : memref<200x64xf32, #tpu.memory_space<vmem>>)
      %dma_start3A_206 = arith.constant 1 : i32
      %dma_start3A_207 = arith.constant 0 : i32
      %dma_start3A_208 = arith.constant 0 : i32
      %dma_start3A_209 = tpu.memref_slice %arg9[%dma_start3A_206, %dma_start3A_207, %dma_start3A_208] : memref<3x200x64xf32, #tpu.memory_space<vmem>> -> memref<1x200x64xf32, #tpu.memory_space<vmem>>
      %dma_start3A_210 = tpu.memref_squeeze %dma_start3A_209 : memref<1x200x64xf32, #tpu.memory_space<vmem>> -> memref<200x64xf32, #tpu.memory_space<vmem>>
      %dma_start3A_211 = arith.constant 0 : i32
      %dma_start3A_212 = tpu.memref_slice %arg8[%add3A_194, %dma_start3A_211] : memref<50x200xi32, #tpu.memory_space<vmem>> -> memref<1x200xi32, #tpu.memory_space<vmem>>
      %dma_start3A_213 = tpu.memref_squeeze %dma_start3A_212 : memref<1x200xi32, #tpu.memory_space<vmem>> -> memref<200xi32, #tpu.memory_space<vmem>>
      %dma_start3A_214 = arith.constant 0 : i32
      %dma_start3A_215 = arith.constant 0 : i32
      %dma_start3A_216 = tpu.memref_slice %arg10[%dma_start3A_214, %dma_start3A_215] : memref<10240x64xf32, #tpu.memory_space<vmem_shared>> -> memref<10240x64xf32, #tpu.memory_space<vmem_shared>>
      tpu.enqueue_indirect_dma source(%dma_start3A_210 : memref<200x64xf32, #tpu.memory_space<vmem>>) target(%dma_start3A_216 : memref<10240x64xf32, #tpu.memory_space<vmem_shared>>) offsets(%dma_start3A_213 : memref<200xi32, #tpu.memory_space<vmem>>) semaphore(%arg15 : memref<!tpu.dma_semaphore, #tpu.memory_space<semaphore_mem>>) {add = true}
      %add3A_217 = arith.constant 2 : i32
      %add3A_218 = arith.addi %add3A_194, %add3A_217 : i32
      %lt3A_219 = arith.constant 50 : i32
      %lt3A_220 = arith.cmpi slt, %add3A_218, %lt3A_219 : i32
      %convert_element_type3A_221 = arith.extui %lt3A_220 : i1 to i32
      %cond3A_222 = arith.constant 0 : i32
      %cond3A_223 = arith.cmpi ne, %convert_element_type3A_221, %cond3A_222 : i32
      scf.if %cond3A_223 {
        %ge3A = arith.constant 1 : i32
        %ge3A_255 = arith.cmpi sge, %add3A_194, %ge3A : i32
        %convert_element_type3A_256 = arith.extui %ge3A_255 : i1 to i32
        %cond3A_257 = arith.constant 0 : i32
        %cond3A_258 = arith.cmpi ne, %convert_element_type3A_256, %cond3A_257 : i32
        scf.if %cond3A_258 {
          %dma_wait3A_272 = arith.constant 0 : i32
          %dma_wait3A_273 = arith.constant 0 : i32
          %dma_wait3A_274 = arith.constant 0 : i32
          %dma_wait3A_275 = tpu.memref_slice %arg9[%dma_wait3A_272, %dma_wait3A_273, %dma_wait3A_274] : memref<3x200x64xf32, #tpu.memory_space<vmem>> -> memref<1x200x64xf32, #tpu.memory_space<vmem>>
          %dma_wait3A_276 = tpu.memref_squeeze %dma_wait3A_275 : memref<1x200x64xf32, #tpu.memory_space<vmem>> -> memref<200x64xf32, #tpu.memory_space<vmem>>
          %dma_wait3A_277 = arith.constant 0 : i32
          %dma_wait3A_278 = tpu.memref_slice %arg8[%add3A_194, %dma_wait3A_277] : memref<50x200xi32, #tpu.memory_space<vmem>> -> memref<1x200xi32, #tpu.memory_space<vmem>>
          %dma_wait3A_279 = tpu.memref_squeeze %dma_wait3A_278 : memref<1x200xi32, #tpu.memory_space<vmem>> -> memref<200xi32, #tpu.memory_space<vmem>>
          %dma_wait3A_280 = arith.constant 0 : i32
          %dma_wait3A_281 = arith.constant 0 : i32
          %dma_wait3A_282 = tpu.memref_slice %arg10[%dma_wait3A_280, %dma_wait3A_281] : memref<10240x64xf32, #tpu.memory_space<vmem_shared>> -> memref<10240x64xf32, #tpu.memory_space<vmem_shared>>
          tpu.wait_indirect_dma semaphore(%arg14 : memref<!tpu.dma_semaphore, #tpu.memory_space<semaphore_mem>>) src(%dma_wait3A_276 : memref<200x64xf32, #tpu.memory_space<vmem>>) dst(%dma_wait3A_282 : memref<10240x64xf32, #tpu.memory_space<vmem_shared>>)
        } else {
        }
        %add3A_259 = arith.constant 2 : i32
        %add3A_260 = arith.addi %add3A_194, %add3A_259 : i32
        %dma_start3A_261 = arith.constant 0 : i32
        %dma_start3A_262 = arith.constant 0 : i32
        %dma_start3A_263 = arith.constant 0 : i32
        %dma_start3A_264 = tpu.memref_slice %arg9[%dma_start3A_261, %dma_start3A_262, %dma_start3A_263] : memref<3x200x64xf32, #tpu.memory_space<vmem>> -> memref<1x200x64xf32, #tpu.memory_space<vmem>>
        %dma_start3A_265 = tpu.memref_squeeze %dma_start3A_264 : memref<1x200x64xf32, #tpu.memory_space<vmem>> -> memref<200x64xf32, #tpu.memory_space<vmem>>
        %dma_start3A_266 = arith.constant 0 : i32
        %dma_start3A_267 = tpu.memref_slice %arg7[%add3A_260, %dma_start3A_266] : memref<50x200xi32, #tpu.memory_space<vmem>> -> memref<1x200xi32, #tpu.memory_space<vmem>>
        %dma_start3A_268 = tpu.memref_squeeze %dma_start3A_267 : memref<1x200xi32, #tpu.memory_space<vmem>> -> memref<200xi32, #tpu.memory_space<vmem>>
        %dma_start3A_269 = arith.constant 0 : i32
        %dma_start3A_270 = arith.constant 0 : i32
        %dma_start3A_271 = tpu.memref_slice %arg2[%dma_start3A_269, %dma_start3A_270] : memref<10000x64xf32, #tpu.memory_space<hbm>> -> memref<10000x64xf32, #tpu.memory_space<hbm>>
        tpu.enqueue_indirect_dma source(%dma_start3A_271 : memref<10000x64xf32, #tpu.memory_space<hbm>>) target(%dma_start3A_265 : memref<200x64xf32, #tpu.memory_space<vmem>>) offsets(%dma_start3A_268 : memref<200xi32, #tpu.memory_space<vmem>>) semaphore(%arg11 : memref<!tpu.dma_semaphore, #tpu.memory_space<semaphore_mem>>)
      } else {
      }
      %add3A_224 = arith.constant 2 : i32
      %add3A_225 = arith.addi %mul3A_164, %add3A_224 : i32
      %dma_wait3A_226 = arith.constant 2 : i32
      %dma_wait3A_227 = arith.constant 0 : i32
      %dma_wait3A_228 = arith.constant 0 : i32
      %dma_wait3A_229 = tpu.memref_slice %arg9[%dma_wait3A_226, %dma_wait3A_227, %dma_wait3A_228] : memref<3x200x64xf32, #tpu.memory_space<vmem>> -> memref<1x200x64xf32, #tpu.memory_space<vmem>>
      %dma_wait3A_230 = tpu.memref_squeeze %dma_wait3A_229 : memref<1x200x64xf32, #tpu.memory_space<vmem>> -> memref<200x64xf32, #tpu.memory_space<vmem>>
      %dma_wait3A_231 = arith.constant 0 : i32
      %dma_wait3A_232 = tpu.memref_slice %arg7[%add3A_225, %dma_wait3A_231] : memref<50x200xi32, #tpu.memory_space<vmem>> -> memref<1x200xi32, #tpu.memory_space<vmem>>
      %dma_wait3A_233 = tpu.memref_squeeze %dma_wait3A_232 : memref<1x200xi32, #tpu.memory_space<vmem>> -> memref<200xi32, #tpu.memory_space<vmem>>
      %dma_wait3A_234 = arith.constant 0 : i32
      %dma_wait3A_235 = arith.constant 0 : i32
      %dma_wait3A_236 = tpu.memref_slice %arg2[%dma_wait3A_234, %dma_wait3A_235] : memref<10000x64xf32, #tpu.memory_space<hbm>> -> memref<10000x64xf32, #tpu.memory_space<hbm>>
      tpu.wait_indirect_dma semaphore(%arg13 : memref<!tpu.dma_semaphore, #tpu.memory_space<semaphore_mem>>) src(%dma_wait3A_236 : memref<10000x64xf32, #tpu.memory_space<hbm>>) dst(%dma_wait3A_230 : memref<200x64xf32, #tpu.memory_space<vmem>>)
      %dma_start3A_237 = arith.constant 2 : i32
      %dma_start3A_238 = arith.constant 0 : i32
      %dma_start3A_239 = arith.constant 0 : i32
      %dma_start3A_240 = tpu.memref_slice %arg9[%dma_start3A_237, %dma_start3A_238, %dma_start3A_239] : memref<3x200x64xf32, #tpu.memory_space<vmem>> -> memref<1x200x64xf32, #tpu.memory_space<vmem>>
      %dma_start3A_241 = tpu.memref_squeeze %dma_start3A_240 : memref<1x200x64xf32, #tpu.memory_space<vmem>> -> memref<200x64xf32, #tpu.memory_space<vmem>>
      %dma_start3A_242 = arith.constant 0 : i32
      %dma_start3A_243 = tpu.memref_slice %arg8[%add3A_225, %dma_start3A_242] : memref<50x200xi32, #tpu.memory_space<vmem>> -> memref<1x200xi32, #tpu.memory_space<vmem>>
      %dma_start3A_244 = tpu.memref_squeeze %dma_start3A_243 : memref<1x200xi32, #tpu.memory_space<vmem>> -> memref<200xi32, #tpu.memory_space<vmem>>
      %dma_start3A_245 = arith.constant 0 : i32
      %dma_start3A_246 = arith.constant 0 : i32
      %dma_start3A_247 = tpu.memref_slice %arg10[%dma_start3A_245, %dma_start3A_246] : memref<10240x64xf32, #tpu.memory_space<vmem_shared>> -> memref<10240x64xf32, #tpu.memory_space<vmem_shared>>
      tpu.enqueue_indirect_dma source(%dma_start3A_241 : memref<200x64xf32, #tpu.memory_space<vmem>>) target(%dma_start3A_247 : memref<10240x64xf32, #tpu.memory_space<vmem_shared>>) offsets(%dma_start3A_244 : memref<200xi32, #tpu.memory_space<vmem>>) semaphore(%arg16 : memref<!tpu.dma_semaphore, #tpu.memory_space<semaphore_mem>>) {add = true}
      %add3A_248 = arith.constant 2 : i32
      %add3A_249 = arith.addi %add3A_225, %add3A_248 : i32
      %lt3A_250 = arith.constant 50 : i32
      %lt3A_251 = arith.cmpi slt, %add3A_249, %lt3A_250 : i32
      %convert_element_type3A_252 = arith.extui %lt3A_251 : i1 to i32
      %cond3A_253 = arith.constant 0 : i32
      %cond3A_254 = arith.cmpi ne, %convert_element_type3A_252, %cond3A_253 : i32
      scf.if %cond3A_254 {
        %ge3A = arith.constant 1 : i32
        %ge3A_255 = arith.cmpi sge, %add3A_225, %ge3A : i32
        %convert_element_type3A_256 = arith.extui %ge3A_255 : i1 to i32
        %cond3A_257 = arith.constant 0 : i32
        %cond3A_258 = arith.cmpi ne, %convert_element_type3A_256, %cond3A_257 : i32
        scf.if %cond3A_258 {
          %dma_wait3A_272 = arith.constant 1 : i32
          %dma_wait3A_273 = arith.constant 0 : i32
          %dma_wait3A_274 = arith.constant 0 : i32
          %dma_wait3A_275 = tpu.memref_slice %arg9[%dma_wait3A_272, %dma_wait3A_273, %dma_wait3A_274] : memref<3x200x64xf32, #tpu.memory_space<vmem>> -> memref<1x200x64xf32, #tpu.memory_space<vmem>>
          %dma_wait3A_276 = tpu.memref_squeeze %dma_wait3A_275 : memref<1x200x64xf32, #tpu.memory_space<vmem>> -> memref<200x64xf32, #tpu.memory_space<vmem>>
          %dma_wait3A_277 = arith.constant 0 : i32
          %dma_wait3A_278 = tpu.memref_slice %arg8[%add3A_225, %dma_wait3A_277] : memref<50x200xi32, #tpu.memory_space<vmem>> -> memref<1x200xi32, #tpu.memory_space<vmem>>
          %dma_wait3A_279 = tpu.memref_squeeze %dma_wait3A_278 : memref<1x200xi32, #tpu.memory_space<vmem>> -> memref<200xi32, #tpu.memory_space<vmem>>
          %dma_wait3A_280 = arith.constant 0 : i32
          %dma_wait3A_281 = arith.constant 0 : i32
          %dma_wait3A_282 = tpu.memref_slice %arg10[%dma_wait3A_280, %dma_wait3A_281] : memref<10240x64xf32, #tpu.memory_space<vmem_shared>> -> memref<10240x64xf32, #tpu.memory_space<vmem_shared>>
          tpu.wait_indirect_dma semaphore(%arg15 : memref<!tpu.dma_semaphore, #tpu.memory_space<semaphore_mem>>) src(%dma_wait3A_276 : memref<200x64xf32, #tpu.memory_space<vmem>>) dst(%dma_wait3A_282 : memref<10240x64xf32, #tpu.memory_space<vmem_shared>>)
        } else {
        }
        %add3A_259 = arith.constant 2 : i32
        %add3A_260 = arith.addi %add3A_225, %add3A_259 : i32
        %dma_start3A_261 = arith.constant 1 : i32
        %dma_start3A_262 = arith.constant 0 : i32
        %dma_start3A_263 = arith.constant 0 : i32
        %dma_start3A_264 = tpu.memref_slice %arg9[%dma_start3A_261, %dma_start3A_262, %dma_start3A_263] : memref<3x200x64xf32, #tpu.memory_space<vmem>> -> memref<1x200x64xf32, #tpu.memory_space<vmem>>
        %dma_start3A_265 = tpu.memref_squeeze %dma_start3A_264 : memref<1x200x64xf32, #tpu.memory_space<vmem>> -> memref<200x64xf32, #tpu.memory_space<vmem>>
        %dma_start3A_266 = arith.constant 0 : i32
        %dma_start3A_267 = tpu.memref_slice %arg7[%add3A_260, %dma_start3A_266] : memref<50x200xi32, #tpu.memory_space<vmem>> -> memref<1x200xi32, #tpu.memory_space<vmem>>
        %dma_start3A_268 = tpu.memref_squeeze %dma_start3A_267 : memref<1x200xi32, #tpu.memory_space<vmem>> -> memref<200xi32, #tpu.memory_space<vmem>>
        %dma_start3A_269 = arith.constant 0 : i32
        %dma_start3A_270 = arith.constant 0 : i32
        %dma_start3A_271 = tpu.memref_slice %arg2[%dma_start3A_269, %dma_start3A_270] : memref<10000x64xf32, #tpu.memory_space<hbm>> -> memref<10000x64xf32, #tpu.memory_space<hbm>>
        tpu.enqueue_indirect_dma source(%dma_start3A_271 : memref<10000x64xf32, #tpu.memory_space<hbm>>) target(%dma_start3A_265 : memref<200x64xf32, #tpu.memory_space<vmem>>) offsets(%dma_start3A_268 : memref<200xi32, #tpu.memory_space<vmem>>) semaphore(%arg12 : memref<!tpu.dma_semaphore, #tpu.memory_space<semaphore_mem>>)
      } else {
      }
    }
    %scan3A_70 = arith.constant 16 : i32
    %dma_wait3A_71 = arith.constant 48 : i32
    %dma_wait3A_72 = arith.constant 0 : i32
    %dma_wait3A_73 = arith.constant 0 : i32
    %dma_wait3A_74 = arith.constant 0 : i32
    %dma_wait3A_75 = tpu.memref_slice %arg9[%dma_wait3A_72, %dma_wait3A_73, %dma_wait3A_74] : memref<3x200x64xf32, #tpu.memory_space<vmem>> -> memref<1x200x64xf32, #tpu.memory_space<vmem>>
    %dma_wait3A_76 = tpu.memref_squeeze %dma_wait3A_75 : memref<1x200x64xf32, #tpu.memory_space<vmem>> -> memref<200x64xf32, #tpu.memory_space<vmem>>
    %dma_wait3A_77 = arith.constant 0 : i32
    %dma_wait3A_78 = tpu.memref_slice %arg7[%dma_wait3A_71, %dma_wait3A_77] : memref<50x200xi32, #tpu.memory_space<vmem>> -> memref<1x200xi32, #tpu.memory_space<vmem>>
    %dma_wait3A_79 = tpu.memref_squeeze %dma_wait3A_78 : memref<1x200xi32, #tpu.memory_space<vmem>> -> memref<200xi32, #tpu.memory_space<vmem>>
    %dma_wait3A_80 = arith.constant 0 : i32
    %dma_wait3A_81 = arith.constant 0 : i32
    %dma_wait3A_82 = tpu.memref_slice %arg2[%dma_wait3A_80, %dma_wait3A_81] : memref<10000x64xf32, #tpu.memory_space<hbm>> -> memref<10000x64xf32, #tpu.memory_space<hbm>>
    tpu.wait_indirect_dma semaphore(%arg11 : memref<!tpu.dma_semaphore, #tpu.memory_space<semaphore_mem>>) src(%dma_wait3A_82 : memref<10000x64xf32, #tpu.memory_space<hbm>>) dst(%dma_wait3A_76 : memref<200x64xf32, #tpu.memory_space<vmem>>)
    %dma_start3A_83 = arith.constant 0 : i32
    %dma_start3A_84 = arith.constant 48 : i32
    %dma_start3A_85 = arith.constant 0 : i32
    %dma_start3A_86 = arith.constant 0 : i32
    %dma_start3A_87 = tpu.memref_slice %arg9[%dma_start3A_83, %dma_start3A_85, %dma_start3A_86] : memref<3x200x64xf32, #tpu.memory_space<vmem>> -> memref<1x200x64xf32, #tpu.memory_space<vmem>>
    %dma_start3A_88 = tpu.memref_squeeze %dma_start3A_87 : memref<1x200x64xf32, #tpu.memory_space<vmem>> -> memref<200x64xf32, #tpu.memory_space<vmem>>
    %dma_start3A_89 = arith.constant 0 : i32
    %dma_start3A_90 = tpu.memref_slice %arg8[%dma_start3A_84, %dma_start3A_89] : memref<50x200xi32, #tpu.memory_space<vmem>> -> memref<1x200xi32, #tpu.memory_space<vmem>>
    %dma_start3A_91 = tpu.memref_squeeze %dma_start3A_90 : memref<1x200xi32, #tpu.memory_space<vmem>> -> memref<200xi32, #tpu.memory_space<vmem>>
    %dma_start3A_92 = arith.constant 0 : i32
    %dma_start3A_93 = arith.constant 0 : i32
    %dma_start3A_94 = tpu.memref_slice %arg10[%dma_start3A_92, %dma_start3A_93] : memref<10240x64xf32, #tpu.memory_space<vmem_shared>> -> memref<10240x64xf32, #tpu.memory_space<vmem_shared>>
    tpu.enqueue_indirect_dma source(%dma_start3A_88 : memref<200x64xf32, #tpu.memory_space<vmem>>) target(%dma_start3A_94 : memref<10240x64xf32, #tpu.memory_space<vmem_shared>>) offsets(%dma_start3A_91 : memref<200xi32, #tpu.memory_space<vmem>>) semaphore(%arg14 : memref<!tpu.dma_semaphore, #tpu.memory_space<semaphore_mem>>) {add = true}
    %dma_wait3A_95 = arith.constant 49 : i32
    %dma_wait3A_96 = arith.constant 1 : i32
    %dma_wait3A_97 = arith.constant 0 : i32
    %dma_wait3A_98 = arith.constant 0 : i32
    %dma_wait3A_99 = tpu.memref_slice %arg9[%dma_wait3A_96, %dma_wait3A_97, %dma_wait3A_98] : memref<3x200x64xf32, #tpu.memory_space<vmem>> -> memref<1x200x64xf32, #tpu.memory_space<vmem>>
    %dma_wait3A_100 = tpu.memref_squeeze %dma_wait3A_99 : memref<1x200x64xf32, #tpu.memory_space<vmem>> -> memref<200x64xf32, #tpu.memory_space<vmem>>
    %dma_wait3A_101 = arith.constant 0 : i32
    %dma_wait3A_102 = tpu.memref_slice %arg7[%dma_wait3A_95, %dma_wait3A_101] : memref<50x200xi32, #tpu.memory_space<vmem>> -> memref<1x200xi32, #tpu.memory_space<vmem>>
    %dma_wait3A_103 = tpu.memref_squeeze %dma_wait3A_102 : memref<1x200xi32, #tpu.memory_space<vmem>> -> memref<200xi32, #tpu.memory_space<vmem>>
    %dma_wait3A_104 = arith.constant 0 : i32
    %dma_wait3A_105 = arith.constant 0 : i32
    %dma_wait3A_106 = tpu.memref_slice %arg2[%dma_wait3A_104, %dma_wait3A_105] : memref<10000x64xf32, #tpu.memory_space<hbm>> -> memref<10000x64xf32, #tpu.memory_space<hbm>>
    tpu.wait_indirect_dma semaphore(%arg12 : memref<!tpu.dma_semaphore, #tpu.memory_space<semaphore_mem>>) src(%dma_wait3A_106 : memref<10000x64xf32, #tpu.memory_space<hbm>>) dst(%dma_wait3A_100 : memref<200x64xf32, #tpu.memory_space<vmem>>)
    %dma_start3A_107 = arith.constant 1 : i32
    %dma_start3A_108 = arith.constant 49 : i32
    %dma_start3A_109 = arith.constant 0 : i32
    %dma_start3A_110 = arith.constant 0 : i32
    %dma_start3A_111 = tpu.memref_slice %arg9[%dma_start3A_107, %dma_start3A_109, %dma_start3A_110] : memref<3x200x64xf32, #tpu.memory_space<vmem>> -> memref<1x200x64xf32, #tpu.memory_space<vmem>>
    %dma_start3A_112 = tpu.memref_squeeze %dma_start3A_111 : memref<1x200x64xf32, #tpu.memory_space<vmem>> -> memref<200x64xf32, #tpu.memory_space<vmem>>
    %dma_start3A_113 = arith.constant 0 : i32
    %dma_start3A_114 = tpu.memref_slice %arg8[%dma_start3A_108, %dma_start3A_113] : memref<50x200xi32, #tpu.memory_space<vmem>> -> memref<1x200xi32, #tpu.memory_space<vmem>>
    %dma_start3A_115 = tpu.memref_squeeze %dma_start3A_114 : memref<1x200xi32, #tpu.memory_space<vmem>> -> memref<200xi32, #tpu.memory_space<vmem>>
    %dma_start3A_116 = arith.constant 0 : i32
    %dma_start3A_117 = arith.constant 0 : i32
    %dma_start3A_118 = tpu.memref_slice %arg10[%dma_start3A_116, %dma_start3A_117] : memref<10240x64xf32, #tpu.memory_space<vmem_shared>> -> memref<10240x64xf32, #tpu.memory_space<vmem_shared>>
    tpu.enqueue_indirect_dma source(%dma_start3A_112 : memref<200x64xf32, #tpu.memory_space<vmem>>) target(%dma_start3A_118 : memref<10240x64xf32, #tpu.memory_space<vmem_shared>>) offsets(%dma_start3A_115 : memref<200xi32, #tpu.memory_space<vmem>>) semaphore(%arg15 : memref<!tpu.dma_semaphore, #tpu.memory_space<semaphore_mem>>) {add = true}
    %dma_wait3A_119 = arith.constant 0 : i32
    %dma_wait3A_120 = arith.constant 0 : i32
    %dma_wait3A_121 = arith.constant 0 : i32
    %dma_wait3A_122 = arith.constant 0 : i32
    %dma_wait3A_123 = tpu.memref_slice %arg9[%dma_wait3A_119, %dma_wait3A_121, %dma_wait3A_122] : memref<3x200x64xf32, #tpu.memory_space<vmem>> -> memref<1x200x64xf32, #tpu.memory_space<vmem>>
    %dma_wait3A_124 = tpu.memref_squeeze %dma_wait3A_123 : memref<1x200x64xf32, #tpu.memory_space<vmem>> -> memref<200x64xf32, #tpu.memory_space<vmem>>
    %dma_wait3A_125 = arith.constant 0 : i32
    %dma_wait3A_126 = tpu.memref_slice %arg8[%dma_wait3A_120, %dma_wait3A_125] : memref<50x200xi32, #tpu.memory_space<vmem>> -> memref<1x200xi32, #tpu.memory_space<vmem>>
    %dma_wait3A_127 = tpu.memref_squeeze %dma_wait3A_126 : memref<1x200xi32, #tpu.memory_space<vmem>> -> memref<200xi32, #tpu.memory_space<vmem>>
    %dma_wait3A_128 = arith.constant 0 : i32
    %dma_wait3A_129 = arith.constant 0 : i32
    %dma_wait3A_130 = tpu.memref_slice %arg10[%dma_wait3A_128, %dma_wait3A_129] : memref<10240x64xf32, #tpu.memory_space<vmem_shared>> -> memref<10240x64xf32, #tpu.memory_space<vmem_shared>>
    tpu.wait_indirect_dma semaphore(%arg14 : memref<!tpu.dma_semaphore, #tpu.memory_space<semaphore_mem>>) src(%dma_wait3A_124 : memref<200x64xf32, #tpu.memory_space<vmem>>) dst(%dma_wait3A_130 : memref<10240x64xf32, #tpu.memory_space<vmem_shared>>)
    %dma_wait3A_131 = arith.constant 1 : i32
    %dma_wait3A_132 = arith.constant 0 : i32
    %dma_wait3A_133 = arith.constant 0 : i32
    %dma_wait3A_134 = arith.constant 0 : i32
    %dma_wait3A_135 = tpu.memref_slice %arg9[%dma_wait3A_131, %dma_wait3A_133, %dma_wait3A_134] : memref<3x200x64xf32, #tpu.memory_space<vmem>> -> memref<1x200x64xf32, #tpu.memory_space<vmem>>
    %dma_wait3A_136 = tpu.memref_squeeze %dma_wait3A_135 : memref<1x200x64xf32, #tpu.memory_space<vmem>> -> memref<200x64xf32, #tpu.memory_space<vmem>>
    %dma_wait3A_137 = arith.constant 0 : i32
    %dma_wait3A_138 = tpu.memref_slice %arg8[%dma_wait3A_132, %dma_wait3A_137] : memref<50x200xi32, #tpu.memory_space<vmem>> -> memref<1x200xi32, #tpu.memory_space<vmem>>
    %dma_wait3A_139 = tpu.memref_squeeze %dma_wait3A_138 : memref<1x200xi32, #tpu.memory_space<vmem>> -> memref<200xi32, #tpu.memory_space<vmem>>
    %dma_wait3A_140 = arith.constant 0 : i32
    %dma_wait3A_141 = arith.constant 0 : i32
    %dma_wait3A_142 = tpu.memref_slice %arg10[%dma_wait3A_140, %dma_wait3A_141] : memref<10240x64xf32, #tpu.memory_space<vmem_shared>> -> memref<10240x64xf32, #tpu.memory_space<vmem_shared>>
    tpu.wait_indirect_dma semaphore(%arg15 : memref<!tpu.dma_semaphore, #tpu.memory_space<semaphore_mem>>) src(%dma_wait3A_136 : memref<200x64xf32, #tpu.memory_space<vmem>>) dst(%dma_wait3A_142 : memref<10240x64xf32, #tpu.memory_space<vmem_shared>>)
    %dma_wait3A_143 = arith.constant 2 : i32
    %dma_wait3A_144 = arith.constant 0 : i32
    %dma_wait3A_145 = arith.constant 0 : i32
    %dma_wait3A_146 = arith.constant 0 : i32
    %dma_wait3A_147 = tpu.memref_slice %arg9[%dma_wait3A_143, %dma_wait3A_145, %dma_wait3A_146] : memref<3x200x64xf32, #tpu.memory_space<vmem>> -> memref<1x200x64xf32, #tpu.memory_space<vmem>>
    %dma_wait3A_148 = tpu.memref_squeeze %dma_wait3A_147 : memref<1x200x64xf32, #tpu.memory_space<vmem>> -> memref<200x64xf32, #tpu.memory_space<vmem>>
    %dma_wait3A_149 = arith.constant 0 : i32
    %dma_wait3A_150 = tpu.memref_slice %arg8[%dma_wait3A_144, %dma_wait3A_149] : memref<50x200xi32, #tpu.memory_space<vmem>> -> memref<1x200xi32, #tpu.memory_space<vmem>>
    %dma_wait3A_151 = tpu.memref_squeeze %dma_wait3A_150 : memref<1x200xi32, #tpu.memory_space<vmem>> -> memref<200xi32, #tpu.memory_space<vmem>>
    %dma_wait3A_152 = arith.constant 0 : i32
    %dma_wait3A_153 = arith.constant 0 : i32
    %dma_wait3A_154 = tpu.memref_slice %arg10[%dma_wait3A_152, %dma_wait3A_153] : memref<10240x64xf32, #tpu.memory_space<vmem_shared>> -> memref<10240x64xf32, #tpu.memory_space<vmem_shared>>
    tpu.wait_indirect_dma semaphore(%arg16 : memref<!tpu.dma_semaphore, #tpu.memory_space<semaphore_mem>>) src(%dma_wait3A_148 : memref<200x64xf32, #tpu.memory_space<vmem>>) dst(%dma_wait3A_154 : memref<10240x64xf32, #tpu.memory_space<vmem_shared>>)
    %barrier3A_155 = arith.constant 0 : index
    tpu.barrier barrier_id(%barrier3A_155)
    %mul3A_156 = arith.constant 64 : i32
    %mul3A_157 = arith.muli %arg0, %mul3A_156 : i32
    "tpu.region"() ({
      %run_scoped3A = tpu.sem_alloc : memref<!tpu.dma_semaphore, #tpu.memory_space<semaphore_mem>>
      %dma_start3A_158 = tpu.memref_slice %arg6[%mul3A_2, %mul3A_157] : memref<10240x128xf32, #tpu.memory_space<hbm>> -> memref<640x64xf32, #tpu.memory_space<hbm>>
      %dma_start3A_159 = arith.constant 0 : i32
      %dma_start3A_160 = tpu.memref_slice %arg10[%mul3A_2, %dma_start3A_159] : memref<10240x64xf32, #tpu.memory_space<vmem_shared>> -> memref<640x64xf32, #tpu.memory_space<vmem_shared>>
      tpu.enqueue_dma source(%dma_start3A_160 : memref<640x64xf32, #tpu.memory_space<vmem_shared>>) target(%dma_start3A_158 : memref<640x64xf32, #tpu.memory_space<hbm>>) target_semaphore(%run_scoped3A : memref<!tpu.dma_semaphore, #tpu.memory_space<semaphore_mem>>)
      %dma_wait3A_161 = tpu.memref_slice %arg6[%mul3A_2, %mul3A_157] : memref<10240x128xf32, #tpu.memory_space<hbm>> -> memref<640x64xf32, #tpu.memory_space<hbm>>
      %dma_wait3A_162 = arith.constant 0 : i32
      %dma_wait3A_163 = tpu.memref_slice %arg10[%mul3A_2, %dma_wait3A_162] : memref<10240x64xf32, #tpu.memory_space<vmem_shared>> -> memref<640x64xf32, #tpu.memory_space<vmem_shared>>
      tpu.wait_dma2 semaphore(%run_scoped3A : memref<!tpu.dma_semaphore, #tpu.memory_space<semaphore_mem>>) src(%dma_wait3A_163 : memref<640x64xf32, #tpu.memory_space<vmem_shared>>) dst(%dma_wait3A_161 : memref<640x64xf32, #tpu.memory_space<hbm>>)
      tpu.yield
    }) : () -> ()
    return
  }
}

module attributes {stable_mosaic.version = 14 : i64} {
  func.func @body(%arg0: i32, %arg1: memref<5000x128xf32, #tpu.memory_space<vmem>>, %arg2: memref<128x16xf32, #tpu.memory_space<vmem>>, %arg3: memref<5000x16xf32, #tpu.memory_space<vmem>>) attributes {dimension_semantics = [#tpu.dimension_semantics<arbitrary>], iteration_bounds = array<i64: 2>, scalar_prefetch = 0 : i64, scratch_operands = 0 : i64, tpu.core_type = #tpu.core_type<tc>, window_params = [{transform_indices = @transform_0, window_bounds = array<i64: 5000, 128>}, {pipeline_mode = #tpu.pipeline_mode<synchronous>, transform_indices = @transform_1, window_bounds = array<i64: 128, 16>}, {transform_indices = @transform_2, window_bounds = array<i64: 5000, 16>}]} {
    %get3A = arith.constant 0 : index
    %get3A_0 = arith.constant 0 : index
    %get3A_1 = vector.load %arg1[%get3A, %get3A_0] : memref<5000x128xf32, #tpu.memory_space<vmem>>, vector<5000x128xf32>
    %get3A_2 = arith.constant 0 : index
    %get3A_3 = arith.constant 0 : index
    %get3A_4 = vector.load %arg2[%get3A_2, %get3A_3] : memref<128x16xf32, #tpu.memory_space<vmem>>, vector<128x16xf32>
    %dot_general3A = arith.constant dense<0.000000e+00> : vector<5000x16xf32>
    %dot_general3A_5 = tpu.matmul %get3A_1, %get3A_4, %dot_general3A {dimension_numbers = #tpu.dot_dimension_numbers<[1], [0], [0], [1], [0, 0, 1, 1], [], []>, transpose_lhs_hint = false} : vector<5000x128xf32>, vector<128x16xf32>, vector<5000x16xf32> -> vector<5000x16xf32>
    %swap3A = arith.constant 0 : index
    %swap3A_6 = arith.constant 0 : index
    %swap3A_7 = vector.load %arg3[%swap3A, %swap3A_6] : memref<5000x16xf32, #tpu.memory_space<vmem>>, vector<5000x16xf32>
    tpu.vector_store %arg3[%swap3A, %swap3A_6], %dot_general3A_5 {strides = array<i32>} : memref<5000x16xf32, #tpu.memory_space<vmem>>, vector<5000x16xf32>,
    return
  }
  func.func @transform_0(%arg0: i32) -> (i32, i32) {
    %c0_i32 = arith.constant 0 : i32
    %c0_i32_0 = arith.constant 0 : i32
    return %arg0, %c0_i32 : i32, i32
  }
  func.func @transform_1(%arg0: i32) -> (i32, i32) {
    %c0_i32 = arith.constant 0 : i32
    %c0_i32_0 = arith.constant 0 : i32
    %c0_i32_1 = arith.constant 0 : i32
    return %c0_i32, %c0_i32_0 : i32, i32
  }
  func.func @transform_2(%arg0: i32) -> (i32, i32) {
    %c0_i32 = arith.constant 0 : i32
    %c0_i32_0 = arith.constant 0 : i32
    return %arg0, %c0_i32 : i32, i32
  }
}

module attributes {stable_mosaic.version = 14 : i64} {
  func.func @body(%arg0: i32, %arg1: memref<5000x128xf32, #tpu.memory_space<vmem>>, %arg2: memref<5000x16xf32, #tpu.memory_space<vmem>>, %arg3: memref<1x8xf32, #tpu.memory_space<vmem>>, %arg4: memref<5000x8xf32, #tpu.memory_space<vmem>>) attributes {dimension_semantics = [#tpu.dimension_semantics<arbitrary>], iteration_bounds = array<i64: 2>, scalar_prefetch = 0 : i64, scratch_operands = 0 : i64, tpu.core_type = #tpu.core_type<tc>, window_params = [{transform_indices = @transform_0, window_bounds = array<i64: 5000, 128>}, {transform_indices = @transform_1, window_bounds = array<i64: 5000, 16>}, {pipeline_mode = #tpu.pipeline_mode<synchronous>, transform_indices = @transform_2, window_bounds = array<i64: 1, 8>}, {transform_indices = @transform_3, window_bounds = array<i64: 5000, 8>}]} {
    %get3A = arith.constant 0 : index
    %get3A_0 = arith.constant 0 : index
    %get3A_1 = vector.load %arg1[%get3A, %get3A_0] : memref<5000x128xf32, #tpu.memory_space<vmem>>, vector<5000x8xf32>
    %get3A_2 = arith.constant 0 : index
    %get3A_3 = arith.constant 8 : index
    %get3A_4 = vector.load %arg1[%get3A_2, %get3A_3] : memref<5000x128xf32, #tpu.memory_space<vmem>>, vector<5000x8xf32>
    %add3A = arith.addf %get3A_1, %get3A_4 : vector<5000x8xf32>
    %get3A_5 = arith.constant 0 : index
    %get3A_6 = arith.constant 8 : index
    %get3A_7 = vector.load %arg2[%get3A_5, %get3A_6] : memref<5000x16xf32, #tpu.memory_space<vmem>>, vector<5000x8xf32>
    %add3A_8 = arith.addf %add3A, %get3A_7 : vector<5000x8xf32>
    %get3A_9 = arith.constant 0 : index
    %get3A_10 = arith.constant 0 : index
    %get3A_11 = vector.load %arg3[%get3A_9, %get3A_10] : memref<1x8xf32, #tpu.memory_space<vmem>>, vector<1x8xf32>
    %add3A_12 = vector.broadcast %get3A_11 : vector<1x8xf32> to vector<5000x8xf32>
    %add3A_13 = arith.addf %add3A_8, %add3A_12 : vector<5000x8xf32>
    %swap3A = arith.constant 0 : index
    %swap3A_14 = arith.constant 0 : index
    %swap3A_15 = vector.load %arg4[%swap3A, %swap3A_14] : memref<5000x8xf32, #tpu.memory_space<vmem>>, vector<5000x8xf32>
    tpu.vector_store %arg4[%swap3A, %swap3A_14], %add3A_13 {strides = array<i32>} : memref<5000x8xf32, #tpu.memory_space<vmem>>, vector<5000x8xf32>,
    return
  }
  func.func @transform_0(%arg0: i32) -> (i32, i32) {
    %c0_i32 = arith.constant 0 : i32
    %c0_i32_0 = arith.constant 0 : i32
    return %arg0, %c0_i32 : i32, i32
  }
  func.func @transform_1(%arg0: i32) -> (i32, i32) {
    %c0_i32 = arith.constant 0 : i32
    %c0_i32_0 = arith.constant 0 : i32
    return %arg0, %c0_i32 : i32, i32
  }
  func.func @transform_2(%arg0: i32) -> (i32, i32) {
    %c0_i32 = arith.constant 0 : i32
    %c0_i32_0 = arith.constant 0 : i32
    %c0_i32_1 = arith.constant 0 : i32
    return %c0_i32, %c0_i32_0 : i32, i32
  }
  func.func @transform_3(%arg0: i32) -> (i32, i32) {
    %c0_i32 = arith.constant 0 : i32
    %c0_i32_0 = arith.constant 0 : i32
    return %arg0, %c0_i32 : i32, i32
  }
}

module attributes {stable_mosaic.version = 14 : i64} {
  func.func @body(%arg0: i32, %arg1: memref<5000x128xf32, #tpu.memory_space<vmem>>, %arg2: memref<5000x8xf32, #tpu.memory_space<vmem>>, %arg3: memref<16x16xf32, #tpu.memory_space<vmem>>, %arg4: memref<8x16xf32, #tpu.memory_space<vmem>>, %arg5: memref<1x16xf32, #tpu.memory_space<vmem>>, %arg6: memref<5000x16xf32, #tpu.memory_space<vmem>>) attributes {dimension_semantics = [#tpu.dimension_semantics<arbitrary>], iteration_bounds = array<i64: 2>, scalar_prefetch = 0 : i64, scratch_operands = 0 : i64, tpu.core_type = #tpu.core_type<tc>, window_params = [{transform_indices = @transform_0, window_bounds = array<i64: 5000, 128>}, {transform_indices = @transform_1, window_bounds = array<i64: 5000, 8>}, {pipeline_mode = #tpu.pipeline_mode<synchronous>, transform_indices = @transform_2, window_bounds = array<i64: 16, 16>}, {pipeline_mode = #tpu.pipeline_mode<synchronous>, transform_indices = @transform_3, window_bounds = array<i64: 8, 16>}, {pipeline_mode = #tpu.pipeline_mode<synchronous>, transform_indices = @transform_4, window_bounds = array<i64: 1, 16>}, {transform_indices = @transform_5, window_bounds = array<i64: 5000, 16>}]} {
    %get3A = arith.constant 0 : index
    %get3A_0 = arith.constant 0 : index
    %get3A_1 = vector.load %arg1[%get3A, %get3A_0] : memref<5000x128xf32, #tpu.memory_space<vmem>>, vector<5000x16xf32>
    %get3A_2 = arith.constant 0 : index
    %get3A_3 = arith.constant 0 : index
    %get3A_4 = vector.load %arg3[%get3A_2, %get3A_3] : memref<16x16xf32, #tpu.memory_space<vmem>>, vector<16x16xf32>
    %dot_general3A = arith.constant dense<0.000000e+00> : vector<5000x16xf32>
    %dot_general3A_5 = tpu.matmul %get3A_1, %get3A_4, %dot_general3A {dimension_numbers = #tpu.dot_dimension_numbers<[1], [0], [0], [1], [0, 0, 1, 1], [], []>, transpose_lhs_hint = false} : vector<5000x16xf32>, vector<16x16xf32>, vector<5000x16xf32> -> vector<5000x16xf32>
    %get3A_6 = arith.constant 0 : index
    %get3A_7 = arith.constant 0 : index
    %get3A_8 = vector.load %arg2[%get3A_6, %get3A_7] : memref<5000x8xf32, #tpu.memory_space<vmem>>, vector<5000x8xf32>
    %get3A_9 = arith.constant 0 : index
    %get3A_10 = arith.constant 0 : index
    %get3A_11 = vector.load %arg4[%get3A_9, %get3A_10] : memref<8x16xf32, #tpu.memory_space<vmem>>, vector<8x16xf32>
    %dot_general3A_12 = arith.constant dense<0.000000e+00> : vector<5000x16xf32>
    %dot_general3A_13 = tpu.matmul %get3A_8, %get3A_11, %dot_general3A_12 {dimension_numbers = #tpu.dot_dimension_numbers<[1], [0], [0], [1], [0, 0, 1, 1], [], []>, transpose_lhs_hint = false} : vector<5000x8xf32>, vector<8x16xf32>, vector<5000x16xf32> -> vector<5000x16xf32>
    %add3A = arith.addf %dot_general3A_5, %dot_general3A_13 : vector<5000x16xf32>
    %get3A_14 = arith.constant 0 : index
    %get3A_15 = arith.constant 0 : index
    %get3A_16 = vector.load %arg5[%get3A_14, %get3A_15] : memref<1x16xf32, #tpu.memory_space<vmem>>, vector<1x16xf32>
    %add3A_17 = vector.broadcast %get3A_16 : vector<1x16xf32> to vector<5000x16xf32>
    %add3A_18 = arith.addf %add3A, %add3A_17 : vector<5000x16xf32>
    %swap3A = arith.constant 0 : index
    %swap3A_19 = arith.constant 0 : index
    %swap3A_20 = vector.load %arg6[%swap3A, %swap3A_19] : memref<5000x16xf32, #tpu.memory_space<vmem>>, vector<5000x16xf32>
    tpu.vector_store %arg6[%swap3A, %swap3A_19], %add3A_18 {strides = array<i32>} : memref<5000x16xf32, #tpu.memory_space<vmem>>, vector<5000x16xf32>,
    return
  }
  func.func @transform_0(%arg0: i32) -> (i32, i32) {
    %c0_i32 = arith.constant 0 : i32
    %c0_i32_0 = arith.constant 0 : i32
    return %arg0, %c0_i32 : i32, i32
  }
  func.func @transform_1(%arg0: i32) -> (i32, i32) {
    %c0_i32 = arith.constant 0 : i32
    %c0_i32_0 = arith.constant 0 : i32
    return %arg0, %c0_i32 : i32, i32
  }
  func.func @transform_2(%arg0: i32) -> (i32, i32) {
    %c0_i32 = arith.constant 0 : i32
    %c0_i32_0 = arith.constant 0 : i32
    %c0_i32_1 = arith.constant 0 : i32
    return %c0_i32, %c0_i32_0 : i32, i32
  }
  func.func @transform_3(%arg0: i32) -> (i32, i32) {
    %c0_i32 = arith.constant 0 : i32
    %c0_i32_0 = arith.constant 0 : i32
    %c0_i32_1 = arith.constant 0 : i32
    return %c0_i32, %c0_i32_0 : i32, i32
  }
  func.func @transform_4(%arg0: i32) -> (i32, i32) {
    %c0_i32 = arith.constant 0 : i32
    %c0_i32_0 = arith.constant 0 : i32
    %c0_i32_1 = arith.constant 0 : i32
    return %c0_i32, %c0_i32_0 : i32, i32
  }
  func.func @transform_5(%arg0: i32) -> (i32, i32) {
    %c0_i32 = arith.constant 0 : i32
    %c0_i32_0 = arith.constant 0 : i32
    return %arg0, %c0_i32 : i32, i32
  }
}

module attributes {stable_mosaic.version = 14 : i64} {
  func.func @body(%arg0: i32, %arg1: memref<5000x128xf32, #tpu.memory_space<vmem>>, %arg2: memref<5000x16xf32, #tpu.memory_space<vmem>>, %arg3: memref<32x32xf32, #tpu.memory_space<vmem>>, %arg4: memref<16x32xf32, #tpu.memory_space<vmem>>, %arg5: memref<1x32xf32, #tpu.memory_space<vmem>>, %arg6: memref<5000x32xf32, #tpu.memory_space<vmem>>) attributes {dimension_semantics = [#tpu.dimension_semantics<arbitrary>], iteration_bounds = array<i64: 2>, scalar_prefetch = 0 : i64, scratch_operands = 0 : i64, tpu.core_type = #tpu.core_type<tc>, window_params = [{transform_indices = @transform_0, window_bounds = array<i64: 5000, 128>}, {transform_indices = @transform_1, window_bounds = array<i64: 5000, 16>}, {pipeline_mode = #tpu.pipeline_mode<synchronous>, transform_indices = @transform_2, window_bounds = array<i64: 32, 32>}, {pipeline_mode = #tpu.pipeline_mode<synchronous>, transform_indices = @transform_3, window_bounds = array<i64: 16, 32>}, {pipeline_mode = #tpu.pipeline_mode<synchronous>, transform_indices = @transform_4, window_bounds = array<i64: 1, 32>}, {transform_indices = @transform_5, window_bounds = array<i64: 5000, 32>}]} {
    %get3A = arith.constant 0 : index
    %get3A_0 = arith.constant 0 : index
    %get3A_1 = vector.load %arg1[%get3A, %get3A_0] : memref<5000x128xf32, #tpu.memory_space<vmem>>, vector<5000x32xf32>
    %get3A_2 = arith.constant 0 : index
    %get3A_3 = arith.constant 0 : index
    %get3A_4 = vector.load %arg3[%get3A_2, %get3A_3] : memref<32x32xf32, #tpu.memory_space<vmem>>, vector<32x32xf32>
    %dot_general3A = arith.constant dense<0.000000e+00> : vector<5000x32xf32>
    %dot_general3A_5 = tpu.matmul %get3A_1, %get3A_4, %dot_general3A {dimension_numbers = #tpu.dot_dimension_numbers<[1], [0], [0], [1], [0, 0, 1, 1], [], []>, transpose_lhs_hint = false} : vector<5000x32xf32>, vector<32x32xf32>, vector<5000x32xf32> -> vector<5000x32xf32>
    %get3A_6 = arith.constant 0 : index
    %get3A_7 = arith.constant 0 : index
    %get3A_8 = vector.load %arg2[%get3A_6, %get3A_7] : memref<5000x16xf32, #tpu.memory_space<vmem>>, vector<5000x16xf32>
    %get3A_9 = arith.constant 0 : index
    %get3A_10 = arith.constant 0 : index
    %get3A_11 = vector.load %arg4[%get3A_9, %get3A_10] : memref<16x32xf32, #tpu.memory_space<vmem>>, vector<16x32xf32>
    %dot_general3A_12 = arith.constant dense<0.000000e+00> : vector<5000x32xf32>
    %dot_general3A_13 = tpu.matmul %get3A_8, %get3A_11, %dot_general3A_12 {dimension_numbers = #tpu.dot_dimension_numbers<[1], [0], [0], [1], [0, 0, 1, 1], [], []>, transpose_lhs_hint = false} : vector<5000x16xf32>, vector<16x32xf32>, vector<5000x32xf32> -> vector<5000x32xf32>
    %add3A = arith.addf %dot_general3A_5, %dot_general3A_13 : vector<5000x32xf32>
    %get3A_14 = arith.constant 0 : index
    %get3A_15 = arith.constant 0 : index
    %get3A_16 = vector.load %arg5[%get3A_14, %get3A_15] : memref<1x32xf32, #tpu.memory_space<vmem>>, vector<1x32xf32>
    %add3A_17 = vector.broadcast %get3A_16 : vector<1x32xf32> to vector<5000x32xf32>
    %add3A_18 = arith.addf %add3A, %add3A_17 : vector<5000x32xf32>
    %swap3A = arith.constant 0 : index
    %swap3A_19 = arith.constant 0 : index
    %swap3A_20 = vector.load %arg6[%swap3A, %swap3A_19] : memref<5000x32xf32, #tpu.memory_space<vmem>>, vector<5000x32xf32>
    tpu.vector_store %arg6[%swap3A, %swap3A_19], %add3A_18 {strides = array<i32>} : memref<5000x32xf32, #tpu.memory_space<vmem>>, vector<5000x32xf32>,
    return
  }
  func.func @transform_0(%arg0: i32) -> (i32, i32) {
    %c0_i32 = arith.constant 0 : i32
    %c0_i32_0 = arith.constant 0 : i32
    return %arg0, %c0_i32 : i32, i32
  }
  func.func @transform_1(%arg0: i32) -> (i32, i32) {
    %c0_i32 = arith.constant 0 : i32
    %c0_i32_0 = arith.constant 0 : i32
    return %arg0, %c0_i32 : i32, i32
  }
  func.func @transform_2(%arg0: i32) -> (i32, i32) {
    %c0_i32 = arith.constant 0 : i32
    %c0_i32_0 = arith.constant 0 : i32
    %c0_i32_1 = arith.constant 0 : i32
    return %c0_i32, %c0_i32_0 : i32, i32
  }
  func.func @transform_3(%arg0: i32) -> (i32, i32) {
    %c0_i32 = arith.constant 0 : i32
    %c0_i32_0 = arith.constant 0 : i32
    %c0_i32_1 = arith.constant 0 : i32
    return %c0_i32, %c0_i32_0 : i32, i32
  }
  func.func @transform_4(%arg0: i32) -> (i32, i32) {
    %c0_i32 = arith.constant 0 : i32
    %c0_i32_0 = arith.constant 0 : i32
    %c0_i32_1 = arith.constant 0 : i32
    return %c0_i32, %c0_i32_0 : i32, i32
  }
  func.func @transform_5(%arg0: i32) -> (i32, i32) {
    %c0_i32 = arith.constant 0 : i32
    %c0_i32_0 = arith.constant 0 : i32
    return %arg0, %c0_i32 : i32, i32
  }
}

module attributes {stable_mosaic.version = 14 : i64} {
  func.func @body(%arg0: i32, %arg1: memref<5000x128xf32, #tpu.memory_space<vmem>>, %arg2: memref<5000x32xf32, #tpu.memory_space<vmem>>, %arg3: memref<64x64xf32, #tpu.memory_space<vmem>>, %arg4: memref<32x64xf32, #tpu.memory_space<vmem>>, %arg5: memref<1x64xf32, #tpu.memory_space<vmem>>, %arg6: memref<5000x64xf32, #tpu.memory_space<vmem>>) attributes {dimension_semantics = [#tpu.dimension_semantics<arbitrary>], iteration_bounds = array<i64: 2>, scalar_prefetch = 0 : i64, scratch_operands = 0 : i64, tpu.core_type = #tpu.core_type<tc>, window_params = [{transform_indices = @transform_0, window_bounds = array<i64: 5000, 128>}, {transform_indices = @transform_1, window_bounds = array<i64: 5000, 32>}, {pipeline_mode = #tpu.pipeline_mode<synchronous>, transform_indices = @transform_2, window_bounds = array<i64: 64, 64>}, {pipeline_mode = #tpu.pipeline_mode<synchronous>, transform_indices = @transform_3, window_bounds = array<i64: 32, 64>}, {pipeline_mode = #tpu.pipeline_mode<synchronous>, transform_indices = @transform_4, window_bounds = array<i64: 1, 64>}, {transform_indices = @transform_5, window_bounds = array<i64: 5000, 64>}]} {
    %get3A = arith.constant 0 : index
    %get3A_0 = arith.constant 0 : index
    %get3A_1 = vector.load %arg1[%get3A, %get3A_0] : memref<5000x128xf32, #tpu.memory_space<vmem>>, vector<5000x64xf32>
    %get3A_2 = arith.constant 0 : index
    %get3A_3 = arith.constant 0 : index
    %get3A_4 = vector.load %arg3[%get3A_2, %get3A_3] : memref<64x64xf32, #tpu.memory_space<vmem>>, vector<64x64xf32>
    %dot_general3A = arith.constant dense<0.000000e+00> : vector<5000x64xf32>
    %dot_general3A_5 = tpu.matmul %get3A_1, %get3A_4, %dot_general3A {dimension_numbers = #tpu.dot_dimension_numbers<[1], [0], [0], [1], [0, 0, 1, 1], [], []>, transpose_lhs_hint = false} : vector<5000x64xf32>, vector<64x64xf32>, vector<5000x64xf32> -> vector<5000x64xf32>
    %get3A_6 = arith.constant 0 : index
    %get3A_7 = arith.constant 0 : index
    %get3A_8 = vector.load %arg2[%get3A_6, %get3A_7] : memref<5000x32xf32, #tpu.memory_space<vmem>>, vector<5000x32xf32>
    %get3A_9 = arith.constant 0 : index
    %get3A_10 = arith.constant 0 : index
    %get3A_11 = vector.load %arg4[%get3A_9, %get3A_10] : memref<32x64xf32, #tpu.memory_space<vmem>>, vector<32x64xf32>
    %dot_general3A_12 = arith.constant dense<0.000000e+00> : vector<5000x64xf32>
    %dot_general3A_13 = tpu.matmul %get3A_8, %get3A_11, %dot_general3A_12 {dimension_numbers = #tpu.dot_dimension_numbers<[1], [0], [0], [1], [0, 0, 1, 1], [], []>, transpose_lhs_hint = false} : vector<5000x32xf32>, vector<32x64xf32>, vector<5000x64xf32> -> vector<5000x64xf32>
    %add3A = arith.addf %dot_general3A_5, %dot_general3A_13 : vector<5000x64xf32>
    %get3A_14 = arith.constant 0 : index
    %get3A_15 = arith.constant 0 : index
    %get3A_16 = vector.load %arg5[%get3A_14, %get3A_15] : memref<1x64xf32, #tpu.memory_space<vmem>>, vector<1x64xf32>
    %add3A_17 = vector.broadcast %get3A_16 : vector<1x64xf32> to vector<5000x64xf32>
    %add3A_18 = arith.addf %add3A, %add3A_17 : vector<5000x64xf32>
    %swap3A = arith.constant 0 : index
    %swap3A_19 = arith.constant 0 : index
    %swap3A_20 = vector.load %arg6[%swap3A, %swap3A_19] : memref<5000x64xf32, #tpu.memory_space<vmem>>, vector<5000x64xf32>
    tpu.vector_store %arg6[%swap3A, %swap3A_19], %add3A_18 {strides = array<i32>} : memref<5000x64xf32, #tpu.memory_space<vmem>>, vector<5000x64xf32>,
    return
  }
  func.func @transform_0(%arg0: i32) -> (i32, i32) {
    %c0_i32 = arith.constant 0 : i32
    %c0_i32_0 = arith.constant 0 : i32
    return %arg0, %c0_i32 : i32, i32
  }
  func.func @transform_1(%arg0: i32) -> (i32, i32) {
    %c0_i32 = arith.constant 0 : i32
    %c0_i32_0 = arith.constant 0 : i32
    return %arg0, %c0_i32 : i32, i32
  }
  func.func @transform_2(%arg0: i32) -> (i32, i32) {
    %c0_i32 = arith.constant 0 : i32
    %c0_i32_0 = arith.constant 0 : i32
    %c0_i32_1 = arith.constant 0 : i32
    return %c0_i32, %c0_i32_0 : i32, i32
  }
  func.func @transform_3(%arg0: i32) -> (i32, i32) {
    %c0_i32 = arith.constant 0 : i32
    %c0_i32_0 = arith.constant 0 : i32
    %c0_i32_1 = arith.constant 0 : i32
    return %c0_i32, %c0_i32_0 : i32, i32
  }
  func.func @transform_4(%arg0: i32) -> (i32, i32) {
    %c0_i32 = arith.constant 0 : i32
    %c0_i32_0 = arith.constant 0 : i32
    %c0_i32_1 = arith.constant 0 : i32
    return %c0_i32, %c0_i32_0 : i32, i32
  }
  func.func @transform_5(%arg0: i32) -> (i32, i32) {
    %c0_i32 = arith.constant 0 : i32
    %c0_i32_0 = arith.constant 0 : i32
    return %arg0, %c0_i32 : i32, i32
  }
}

module attributes {stable_mosaic.version = 14 : i64} {
  func.func @body(%arg0: i32, %arg1: memref<5000x128xf32, #tpu.memory_space<vmem>>, %arg2: memref<5000x64xf32, #tpu.memory_space<vmem>>, %arg3: memref<128x128xf32, #tpu.memory_space<vmem>>, %arg4: memref<64x128xf32, #tpu.memory_space<vmem>>, %arg5: memref<1x128xf32, #tpu.memory_space<vmem>>, %arg6: memref<1x1x5000xi32, #tpu.memory_space<vmem>>, %arg7: memref<128x10xf32, #tpu.memory_space<vmem>>, %arg8: memref<1x10xf32, #tpu.memory_space<vmem>>, %arg9: memref<256x10xf32, #tpu.memory_space<vmem>>, %arg10: memref<256x128xf32, #tpu.memory_space<vmem>>) attributes {dimension_semantics = [#tpu.dimension_semantics<arbitrary>], iteration_bounds = array<i64: 2>, scalar_prefetch = 0 : i64, scratch_operands = 1 : i64, tpu.core_type = #tpu.core_type<tc>, window_params = [{transform_indices = @transform_0, window_bounds = array<i64: 5000, 128>}, {transform_indices = @transform_1, window_bounds = array<i64: 5000, 64>}, {pipeline_mode = #tpu.pipeline_mode<synchronous>, transform_indices = @transform_2, window_bounds = array<i64: 128, 128>}, {pipeline_mode = #tpu.pipeline_mode<synchronous>, transform_indices = @transform_3, window_bounds = array<i64: 64, 128>}, {pipeline_mode = #tpu.pipeline_mode<synchronous>, transform_indices = @transform_4, window_bounds = array<i64: 1, 128>}, {transform_indices = @transform_5, window_bounds = array<i64: 1, 1, 5000>}, {pipeline_mode = #tpu.pipeline_mode<synchronous>, transform_indices = @transform_6, window_bounds = array<i64: 128, 10>}, {pipeline_mode = #tpu.pipeline_mode<synchronous>, transform_indices = @transform_7, window_bounds = array<i64: 1, 10>}, {pipeline_mode = #tpu.pipeline_mode<synchronous>, transform_indices = @transform_8, window_bounds = array<i64: 256, 10>}]} {
    %eq3A = arith.constant 0 : i32
    %eq3A_0 = arith.cmpi eq, %arg0, %eq3A : i32
    %convert_element_type3A = arith.extui %eq3A_0 : i1 to i32
    %cond3A = arith.constant 0 : i32
    %cond3A_1 = arith.cmpi ne, %convert_element_type3A, %cond3A : i32
    scf.if %cond3A_1 {
      %broadcast_in_dim3A = arith.constant 0.000000e+00 : f32
      %broadcast_in_dim3A_43 = vector.broadcast %broadcast_in_dim3A : f32 to vector<256x128xf32>
      %swap3A_44 = arith.constant 0 : index
      %swap3A_45 = arith.constant 0 : index
      %swap3A_46 = vector.load %arg10[%swap3A_44, %swap3A_45] : memref<256x128xf32, #tpu.memory_space<vmem>>, vector<256x128xf32>
      tpu.vector_store %arg10[%swap3A_44, %swap3A_45], %broadcast_in_dim3A_43 {strides = array<i32>} : memref<256x128xf32, #tpu.memory_space<vmem>>, vector<256x128xf32>,
    } else {
    }
    %get3A = arith.constant 0 : index
    %get3A_2 = arith.constant 0 : index
    %get3A_3 = vector.load %arg1[%get3A, %get3A_2] : memref<5000x128xf32, #tpu.memory_space<vmem>>, vector<5000x128xf32>
    %get3A_4 = arith.constant 0 : index
    %get3A_5 = arith.constant 0 : index
    %get3A_6 = vector.load %arg3[%get3A_4, %get3A_5] : memref<128x128xf32, #tpu.memory_space<vmem>>, vector<128x128xf32>
    %dot_general3A = arith.constant dense<0.000000e+00> : vector<5000x128xf32>
    %dot_general3A_7 = tpu.matmul %get3A_3, %get3A_6, %dot_general3A {dimension_numbers = #tpu.dot_dimension_numbers<[1], [0], [0], [1], [0, 0, 1, 1], [], []>, transpose_lhs_hint = false} : vector<5000x128xf32>, vector<128x128xf32>, vector<5000x128xf32> -> vector<5000x128xf32>
    %get3A_8 = arith.constant 0 : index
    %get3A_9 = arith.constant 0 : index
    %get3A_10 = vector.load %arg2[%get3A_8, %get3A_9] : memref<5000x64xf32, #tpu.memory_space<vmem>>, vector<5000x64xf32>
    %get3A_11 = arith.constant 0 : index
    %get3A_12 = arith.constant 0 : index
    %get3A_13 = vector.load %arg4[%get3A_11, %get3A_12] : memref<64x128xf32, #tpu.memory_space<vmem>>, vector<64x128xf32>
    %dot_general3A_14 = arith.constant dense<0.000000e+00> : vector<5000x128xf32>
    %dot_general3A_15 = tpu.matmul %get3A_10, %get3A_13, %dot_general3A_14 {dimension_numbers = #tpu.dot_dimension_numbers<[1], [0], [0], [1], [0, 0, 1, 1], [], []>, transpose_lhs_hint = false} : vector<5000x64xf32>, vector<64x128xf32>, vector<5000x128xf32> -> vector<5000x128xf32>
    %add3A = arith.addf %dot_general3A_7, %dot_general3A_15 : vector<5000x128xf32>
    %get3A_16 = arith.constant 0 : index
    %get3A_17 = arith.constant 0 : index
    %get3A_18 = vector.load %arg5[%get3A_16, %get3A_17] : memref<1x128xf32, #tpu.memory_space<vmem>>, vector<1x128xf32>
    %add3A_19 = vector.broadcast %get3A_18 : vector<1x128xf32> to vector<5000x128xf32>
    %add3A_20 = arith.addf %add3A, %add3A_19 : vector<5000x128xf32>
    %iota3A = tpu.iota {dimensions = array<i32: 0>} : vector<256x5000xi32>
    %get3A_21 = arith.constant 0 : index
    %get3A_22 = arith.constant 0 : index
    %get3A_23 = arith.constant 0 : index
    %get3A_24 = vector.load %arg6[%get3A_21, %get3A_22, %get3A_23] : memref<1x1x5000xi32, #tpu.memory_space<vmem>>, vector<1x1x5000xi32>
    %get3A_25 = vector.shape_cast %get3A_24 : vector<1x1x5000xi32> to vector<1x5000xi32>
    %eq3A_26 = vector.broadcast %get3A_25 : vector<1x5000xi32> to vector<256x5000xi32>
    %eq3A_27 = arith.cmpi eq, %iota3A, %eq3A_26 : vector<256x5000xi32>
    %convert_element_type3A_28 = arith.extui %eq3A_27 : vector<256x5000xi1> to vector<256x5000xi32>
    %convert_element_type3A_29 = arith.sitofp %convert_element_type3A_28 : vector<256x5000xi32> to vector<256x5000xf32>
    %get3A_30 = arith.constant 0 : index
    %get3A_31 = arith.constant 0 : index
    %get3A_32 = vector.load %arg10[%get3A_30, %get3A_31] : memref<256x128xf32, #tpu.memory_space<vmem>>, vector<256x128xf32>
    %dot_general3A_33 = arith.constant dense<0.000000e+00> : vector<256x128xf32>
    %dot_general3A_34 = tpu.matmul %convert_element_type3A_29, %add3A_20, %dot_general3A_33 {dimension_numbers = #tpu.dot_dimension_numbers<[1], [0], [0], [1], [0, 0, 1, 1], [], []>, transpose_lhs_hint = false} : vector<256x5000xf32>, vector<5000x128xf32>, vector<256x128xf32> -> vector<256x128xf32>
    %add3A_35 = arith.addf %get3A_32, %dot_general3A_34 : vector<256x128xf32>
    %swap3A = arith.constant 0 : index
    %swap3A_36 = arith.constant 0 : index
    %swap3A_37 = vector.load %arg10[%swap3A, %swap3A_36] : memref<256x128xf32, #tpu.memory_space<vmem>>, vector<256x128xf32>
    tpu.vector_store %arg10[%swap3A, %swap3A_36], %add3A_35 {strides = array<i32>} : memref<256x128xf32, #tpu.memory_space<vmem>>, vector<256x128xf32>,
    %eq3A_38 = arith.constant 1 : i32
    %eq3A_39 = arith.cmpi eq, %arg0, %eq3A_38 : i32
    %convert_element_type3A_40 = arith.extui %eq3A_39 : i1 to i32
    %cond3A_41 = arith.constant 0 : i32
    %cond3A_42 = arith.cmpi ne, %convert_element_type3A_40, %cond3A_41 : i32
    scf.if %cond3A_42 {
      %get3A_43 = arith.constant 0 : index
      %get3A_44 = arith.constant 0 : index
      %get3A_45 = vector.load %arg10[%get3A_43, %get3A_44] : memref<256x128xf32, #tpu.memory_space<vmem>>, vector<256x128xf32>
      %get3A_46 = arith.constant 0 : index
      %get3A_47 = arith.constant 0 : index
      %get3A_48 = vector.load %arg7[%get3A_46, %get3A_47] : memref<128x10xf32, #tpu.memory_space<vmem>>, vector<128x10xf32>
      %dot_general3A_49 = arith.constant dense<0.000000e+00> : vector<256x10xf32>
      %dot_general3A_50 = tpu.matmul %get3A_45, %get3A_48, %dot_general3A_49 {dimension_numbers = #tpu.dot_dimension_numbers<[1], [0], [0], [1], [0, 0, 1, 1], [], []>, transpose_lhs_hint = false} : vector<256x128xf32>, vector<128x10xf32>, vector<256x10xf32> -> vector<256x10xf32>
      %get3A_51 = arith.constant 0 : index
      %get3A_52 = arith.constant 0 : index
      %get3A_53 = vector.load %arg8[%get3A_51, %get3A_52] : memref<1x10xf32, #tpu.memory_space<vmem>>, vector<1x10xf32>
      %add3A_54 = vector.broadcast %get3A_53 : vector<1x10xf32> to vector<256x10xf32>
      %add3A_55 = arith.addf %dot_general3A_50, %add3A_54 : vector<256x10xf32>
      %swap3A_56 = arith.constant 0 : index
      %swap3A_57 = arith.constant 0 : index
      %swap3A_58 = vector.load %arg9[%swap3A_56, %swap3A_57] : memref<256x10xf32, #tpu.memory_space<vmem>>, vector<256x10xf32>
      tpu.vector_store %arg9[%swap3A_56, %swap3A_57], %add3A_55 {strides = array<i32>} : memref<256x10xf32, #tpu.memory_space<vmem>>, vector<256x10xf32>,
    } else {
    }
    return
  }
  func.func @transform_0(%arg0: i32) -> (i32, i32) {
    %c0_i32 = arith.constant 0 : i32
    %c0_i32_0 = arith.constant 0 : i32
    return %arg0, %c0_i32 : i32, i32
  }
  func.func @transform_1(%arg0: i32) -> (i32, i32) {
    %c0_i32 = arith.constant 0 : i32
    %c0_i32_0 = arith.constant 0 : i32
    return %arg0, %c0_i32 : i32, i32
  }
  func.func @transform_2(%arg0: i32) -> (i32, i32) {
    %c0_i32 = arith.constant 0 : i32
    %c0_i32_0 = arith.constant 0 : i32
    %c0_i32_1 = arith.constant 0 : i32
    return %c0_i32, %c0_i32_0 : i32, i32
  }
  func.func @transform_3(%arg0: i32) -> (i32, i32) {
    %c0_i32 = arith.constant 0 : i32
    %c0_i32_0 = arith.constant 0 : i32
    %c0_i32_1 = arith.constant 0 : i32
    return %c0_i32, %c0_i32_0 : i32, i32
  }
  func.func @transform_4(%arg0: i32) -> (i32, i32) {
    %c0_i32 = arith.constant 0 : i32
    %c0_i32_0 = arith.constant 0 : i32
    %c0_i32_1 = arith.constant 0 : i32
    return %c0_i32, %c0_i32_0 : i32, i32
  }
  func.func @transform_5(%arg0: i32) -> (i32, i32, i32) {
    %c0_i32 = arith.constant 0 : i32
    %c0_i32_0 = arith.constant 0 : i32
    %c0_i32_1 = arith.constant 0 : i32
    return %arg0, %c0_i32, %c0_i32_0 : i32, i32, i32
  }
  func.func @transform_6(%arg0: i32) -> (i32, i32) {
    %c0_i32 = arith.constant 0 : i32
    %c0_i32_0 = arith.constant 0 : i32
    %c0_i32_1 = arith.constant 0 : i32
    return %c0_i32, %c0_i32_0 : i32, i32
  }
  func.func @transform_7(%arg0: i32) -> (i32, i32) {
    %c0_i32 = arith.constant 0 : i32
    %c0_i32_0 = arith.constant 0 : i32
    %c0_i32_1 = arith.constant 0 : i32
    return %c0_i32, %c0_i32_0 : i32, i32
  }
  func.func @transform_8(%arg0: i32) -> (i32, i32) {
    %c0_i32 = arith.constant 0 : i32
    %c0_i32_0 = arith.constant 0 : i32
    %c0_i32_1 = arith.constant 0 : i32
    return %c0_i32, %c0_i32_0 : i32, i32
  }
}

</mosaic_0001>

<sc_bundles>
// kernel: kernel.13.cloned.1.call-start
scs
__scs_entry_jumppad:
0x0: {  	(pc) =	sbr.rel $0x88, $3  }
0x1: {  	(tag) =	ssettag $0x0;
	lr =	simm.s32 $0x1  }
0x2: {  	[smem:$0x3F8D] =	sst lr;
	_ =	strace $0xD0000000  }
0x3: {  	_ = 	snop  }
0x4: {  	_ = 	snop  }
0x5: {  	_ = 	snop  }
0x6: {  	_ = 	snop  }
0x7: {  	_ = 	snop  }
__scs_overlays_trampoline_lowered:
0x8: {  	[smem:$0x3F9C] =	sst s0  }
0x9: {  	[smem:$0x3F9D] =	sst s1  }
0xa: {  	[smem:$0x3F9E] =	sst s2  }
0xb: {  	[smem:$0x3F9F] =	sst s3  }
0xc: {  	[smem:$0x3FA0] =	sst s4  }
0xd: {  	[smem:$0x3FA1] =	sst s5  }
0xe: {  	[smem:$0x3FA2] =	sst s6  }
0xf: {  	[smem:$0x3FA3] =	sst s7  }
0x10: {  	[smem:$0x3FA4] =	sst s8  }
0x11: {  	[smem:$0x3FA5] =	sst s9;
	s0 =	simm.s32 @!p0 $0x0  }
0x12: {  	s1 =	sld [smem:$0x3F8B];
	s0 =	simm.s32 @p0 $0x1  }
0x13: {  	[smem:$0x3FA6] =	sst s0;
	s0 =	simm.s32 @!p1 $0x0  }
0x14: {  	s2 =	sld [smem:$0x3F8A];
	s0 =	simm.s32 @p1 $0x1  }
0x15: {  	[smem:$0x3FA7] =	sst s0;
	s0 =	simm.s32 @!p2 $0x0  }
0x16: {  	s3 =	sld [smem:$0x3FDB];
	s0 =	simm.s32 @p2 $0x1  }
0x17: {  	s4 =	simm.s32 $0x1BF5;
	[smem:$0x3FA9] =	sst s0  }
0x18: {  	s0 =	sld [smem:$0x3F8C];
	_ =	swait.ge [sflag:s4], $0x0  }
0x19: {  	s7 =	sld [smem:$0x3F8D]  }
0x1a: {  	s8 =	sadd.s32 $0xFFFFE003, lr  }
0x1b: {  	s9 =	sadd.s32 $0xFFFFFEF7, lr;
	s5 =	simm.s32 $0xFFFFFFFF;
	p2 =	slt.u32 s8, $0xFFFFF086  }
0x1c: {  	p1 =	slt.u32 s9, $0xF7A;
	s5 =	simm.s32 @!p2 $0x0  }
0x1d: {  	s5 =	simm.s32 @p1 $0x1;
	p0 =	seq.s32 s7, s2  }
0x1e: {  	s7 =	smul.u32 @!p0 $0xF7A, s2;
	p2 =	seq.s32 @!p0 s5, $0x0  }
0x1f: {  	s9 =	smul.u32 $0xF7A, s1;
	s8 =	simm.s32 @!p0 $0x1BF5;
	p2 =	por !p2, p0  }
0x20: {  	[sflag:s8] =	ssyncset.s32 @!p0 $0xFFFFF086;
	s6 =	sadd.s32 @!p0 s3, s7;
	s7 =	simm.s32 @!p0 $0x108  }
0x21: {  	s3 =	sadd.s32 s3, s9;
	s6 =	sadd.s32 @!p0 $0x88, s6;
	s7 =	simm.s32 @p2 $0x1082  }
0x22: {  	[simem:s7], [sflag:s8] =	dma.local @!p0 [hbm:s6], $0xF7A  }
0x23: {  	s9 =	sor.u32 $0xD0000000, s2;
	s6 =	simm.s32 $0x108;
	_ =	swait.ge @!p0 [sflag:s8], $0x0  }
0x24: {  	s3 =	sadd.s32 $0x88, s3;
	s6 =	simm.s32 @!p1 $0x1082;
	[sflag:s4] =	ssyncset.s32 $0xFFFFF086  }
0x25: {  	[simem:s6], [sflag:s4] =	dma.local [hbm:s3], $0xF7A  }
0x26: {  	[smem:$0x3F8D] =	sst s1;
	(tag) =	ssettag s2;
	_ =	strace s9  }
0x27: {  	s1 =	sld [smem:$0x3F9D]  }
0x28: {  	s2 =	sld [smem:$0x3F9E]  }
0x29: {  	s4 =	sld [smem:$0x3FA0]  }
0x2a: {  	p0 =	seq.s32 s5, $0x0;
	s5 =	sld [smem:$0x3FA1]  }
0x2b: {  	s6 =	sld [smem:$0x3FA2]  }
0x2c: {  	s7 =	sld [smem:$0x3FA3]  }
0x2d: {  	s3 =	simm.s32 $0x108;
	s8 =	sld [smem:$0x3FA4]  }
0x2e: {  	s3 =	simm.s32 @!p0 $0x1082;
	s9 =	sld [smem:$0x3FA5]  }
0x2f: {  	lr =	sadd.s32 s0, s3;
	s0 =	sld [smem:$0x3F9C]  }
0x30: {  	s3 =	sld [smem:$0x3F9F]  }
0x31: {  	[smem:$0x3FA8] =	sst s10  }
0x32: {  	s10 =	sld [smem:$0x3FA6];
	_ =	sdelay $0x3  }
0x33: {  	p0 =	seq.s32 s10, $0x1;
	s10 =	sld [smem:$0x3FA8];
	_ =	sdelay $0x3  }
0x34: {  	[smem:$0x3FA8] =	sst s10  }
0x35: {  	s10 =	sld [smem:$0x3FA7];
	_ =	sdelay $0x3  }
0x36: {  	p1 =	seq.s32 s10, $0x1;
	s10 =	sld [smem:$0x3FA8];
	_ =	sdelay $0x3  }
0x37: {  	[smem:$0x3FA8] =	sst s10  }
0x38: {  	s10 =	sld [smem:$0x3FA9]  }
0x39: {  	_ = 	snop;
	(pc) =	sbr.ind lr, $3  }
0x3a: {  	_ = 	snop  }
0x3b: {  	_ = 	snop  }
0x3c: {  	p2 =	seq.s32 s10, $0x1;
	s10 =	sld [smem:$0x3FA8]  }
0x3d: {  	_ =	shalt  }
0x3e: {  	_ =	shalt  }
0x3f: {  	_ =	shalt  }
0x40: {  	_ =	shalt  }
0x41: {  	_ =	shalt  }
0x42: {  	_ =	shalt  }
0x43: {  	_ =	shalt  }
0x44: {  	_ =	shalt  }
0x45: {  	_ =	shalt  }
0x46: {  	_ =	shalt  }
0x47: {  	_ =	shalt  }
0x48: {  	_ =	shalt  }
0x49: {  	_ =	shalt  }
0x4a: {  	_ =	shalt  }
0x4b: {  	_ =	shalt  }
0x4c: {  	_ =	shalt  }
0x4d: {  	_ =	shalt  }
0x4e: {  	_ =	shalt  }
0x4f: {  	_ =	shalt  }
0x50: {  	_ =	shalt  }
0x51: {  	_ =	shalt  }
0x52: {  	_ =	shalt  }
0x53: {  	_ =	shalt  }
0x54: {  	_ =	shalt  }
0x55: {  	_ =	shalt  }
0x56: {  	_ =	shalt  }
0x57: {  	_ =	shalt  }
0x58: {  	_ =	shalt  }
0x59: {  	_ =	shalt  }
0x5a: {  	_ =	shalt  }
0x5b: {  	_ =	shalt  }
0x5c: {  	_ =	shalt  }
0x5d: {  	_ =	shalt  }
0x5e: {  	_ =	shalt  }
0x5f: {  	_ =	shalt  }
0x60: {  	_ =	shalt  }
0x61: {  	_ =	shalt  }
0x62: {  	_ =	shalt  }
0x63: {  	_ =	shalt  }
0x64: {  	_ =	shalt  }
0x65: {  	_ =	shalt  }
0x66: {  	_ =	shalt  }
0x67: {  	_ =	shalt  }
0x68: {  	_ =	shalt  }
0x69: {  	_ =	shalt  }
0x6a: {  	_ =	shalt  }
0x6b: {  	_ =	shalt  }
0x6c: {  	_ =	shalt  }
0x6d: {  	_ =	shalt  }
0x6e: {  	_ =	shalt  }
0x6f: {  	_ =	shalt  }
0x70: {  	_ =	shalt  }
0x71: {  	_ =	shalt  }
0x72: {  	_ =	shalt  }
0x73: {  	_ =	shalt  }
0x74: {  	_ =	shalt  }
0x75: {  	_ =	shalt  }
0x76: {  	_ =	shalt  }
0x77: {  	_ =	shalt  }
0x78: {  	_ =	shalt  }
0x79: {  	_ =	shalt  }
0x7a: {  	_ =	shalt  }
0x7b: {  	_ =	shalt  }
0x7c: {  	_ =	shalt  }
0x7d: {  	_ =	shalt  }
0x7e: {  	_ =	shalt  }
0x7f: {  	_ =	shalt  }
0x80: {  	_ =	shalt  }
0x81: {  	_ =	shalt  }
0x82: {  	_ =	shalt  }
0x83: {  	_ =	shalt  }
0x84: {  	_ =	shalt  }
0x85: {  	_ =	shalt  }
0x86: {  	_ =	shalt  }
0x87: {  	_ =	shalt  }
.Lfunc_end0:
.L_simem_size_0:
called_computation_lowered:
.L_overlay_start_0:
0x88: {  	s2 =	sld [smem:$0x3FD9]  }
0x89: {  	s3 =	sld [smem:$0x3FFE];
	_ =	sdelay $0x1  }
0x8a: {  	s1 =	srdreg.scid  }
0x8b: {  	s0 =	sand.u32 $0x1, s1  }
0x8c: {  	s16 =	sshll.u32 s0, $0xA;
	s2 =	sadd.s32 s3, s2  }
0x8d: {  	s2 =	sadd.s32 s2, s16  }
0x8e: {  	[smem:$0x3FB4] =	sst s2  }
0x8f: {  	_ = 	snop  }
0x90: {  	(tm) =	ssettm $0x1  }
0x91: {  	s17 =	sld [smem:$0x3FFB];
	_ =	sdelay $0x3  }
0x92: {  	_ =	strace s17  }
0x93: {  	s2 =	sld [smem:$0x3FFC];
	_ =	sdelay $0x3  }
0x94: {  	_ =	strace s2  }
0x95: {  	s2 =	sld [smem:$0x3FFD];
	_ =	sdelay $0x3  }
0x96: {  	_ =	strace s2  }
0x97: {  	_ =	strace $0x8FFFFFFF  }
0x98: {  	s18 =	sld [smem:$0x3FDB];
	_ =	sdelay $0x1  }
0x99: {  	s19 =	simm.s32 $_scs_section_size  }
0x9a: {  	s4 =	simm.s32 $_size__tile_overlayer_lowered;
	s5 =	simm.s32 $_tile_overlayer_lowered  }
0x9b: {  	s22 =	simm.s32 $0x1BFF;
	s21 =	sshll.u32 s5, $0x1;
	s2 =	sadd.s32 s19, s18  }
0x9c: {  	s6 =	simm.s32 $0x0;
	s20 =	sshll.u32 s4, $0x1;
	s4 =	sadd.s32 s21, s2  }
0x9d: {  	[timem:s6], [sflag:s22] =	dma.local [hbm:s4], s20  }
0x9e: {  	_ =	swait.ge [sflag:s22], s20  }
0x9f: {  	s3 =	ssub.s32 $0x0, s20;
	[sflag:s22] =	ssyncset.done $0x0  }
0xa0: {  	[sflag:s22] =	ssyncadd.s32 s3;
	_ =	sdelay $0x1  }
0xa1: {  	s23 =	simm.s32 $0x1B8B  }
0xa2: {  	_ =	swait.ge [sflag:s23], $0x1  }
0xa3: {  	[sflag:s23] =	ssyncset.done $0x0  }
0xa4: {  	s25 =	simm.s32 $0x1B8E;
	s24 =	sld [smem:$0x3FFE];
	[sflag:s23] =	ssyncadd.s32 $0xFFFFFFFF  }
0xa5: {  	s26 =	simm.s32 $execute0_lowered;
	[smem:$0x3FD2] =	sst s25  }
0xa6: {  	s4 =	sshll.u32 s26, $0x1;
	_ =	strace $0x80000046;
	[dreg:$0x1] =	wrdreg $0xFFFFFFFF  }
0xa7: {  	s28 =	simm.s32 $_size_execute0_lowered;
	s2 =	sadd.s32 s2, s4;
	[dreg:$0x0] =	wrdreg $0x0  }
0xa8: {  	s4 =	sshll.u32 s28, $0x1;
	[dreg:$0x2] =	wrdreg s2  }
0xa9: {  	[dreg:$0x3] =	wrdreg s4  }
0xaa: {  	[dreg:$0x4] =	wrdreg $0xC0  }
0xab: {  	_ =	task [dreg:s6], $0x5FFFF  }
0xac: {  	[dreg:$0x1] =	wrdreg $0xFFFFFFFF  }
0xad: {  	[dreg:$0x0] =	wrdreg $0x60  }
0xae: {  	[dreg:$0x2] =	wrdreg s24  }
0xaf: {  	[dreg:$0x3] =	wrdreg $0xCB200  }
0xb0: {  	[dreg:$0x4] =	wrdreg $0x9  }
0xb1: {  	_ =	task.clear_ibuf [dreg:s6], $0x5FFFF;
	_ =	strace $0x90000046  }
0xb2: {  	s29 =	simm.s32 $0x9;
	_ =	strace $0x80000048  }
0xb3: {  	_ =	swait.ge [sflag:s29], $0x1  }
0xb4: {  	[sflag:s29] =	ssyncadd.s32 $0xFFFFFFFF  }
0xb5: {  	_ =	strace $0x90000048  }
0xb6: {  	_ =	sfence  }
0xb7: {  	s30 =	sld [smem:$0x0];
	_ =	sdelay $0x2  }
0xb8: {  	s31 =	sshll.u32 s1, $0xD;
	s1 =	sshrl.u32 s1, $0x2  }
0xb9: {  	s3 =	sand.u32 $0x4000, s31;
	s1 =	sadd.s32 s1, s30  }
0xba: {  	s0 =	sor.u32 s3, s0;
	s1 =	sshll.u32 s1, $0x11  }
0xbb: {  	s0 =	sor.u32 s1, s0  }
0xbc: {  	s0 =	sadd.s32 $0x8F2B, s0  }
0xbd: {  	[sflag:s0] =	ssyncadd.remote.s32 $0x1  }
0xbe: {  	_ =	sfence.sel $0xFFFF  }
0xbf: {  	[dreg:$0x0] =	wrdreg $0xFFFFFFFF;
	(pc) =	sbr.abs _section_cstart, $3  }
0xc0: {  	[dreg:$0x1] =	wrdreg $0xFFFFFFFF  }
0xc1: {  	_ =	task.clear_ibuf [dreg:s6], $0x2FFFF;
	_ =	strace $0x9FFFFFFF  }
0xc2: {  	(tm) =	ssettm $0x7FFFFFFF  }
0xc3: {  	_ =	shalt  }
tec
execute0_lowered:
.L_overlay_start_1:
0x0: {  	(tag) =	ssettag $0x1  }
0x1: {  	s0 =	srdreg.scid;
	s28 =	rddreg [dreg:$0x0]  }
0x2: {  	s2 =	rddreg [dreg:$0x1];
	s3 =	simm.s32 $0x0;
	s26 =	sand.u32 $0x1, s0  }
0x3: {  	s8 =	simm.s32 $0x1;
	s0 =	stileid.u32;
	s1 =	sshll.u32 s26, $0x4  }
0x4: {  	s9 =	simm.s32 $0x10;
	s5 =	smul.u32 $0x5000, s0;
	s4 =	sor.u32 s0, s1  }
0x5: {  	[smem:$0x7FF] =	sst s3;
	s29 =	sshll.u32 s0, $0x6;
	s4 =	smul.u32 $0x4E2, s4  }
0x6: {  	s1 =	rddreg [dreg:$0x2];
	_ =	strace $0x80000047;
	s5 =	sshrl.u32 s5, $0x2  }
0x7: {  	s7 =	sadd.s32 s5, s2;
	s5 =	sor.u32 $0x1C03, s29;
	s10 =	sadd.s32 s4, s28  }
0x8: {  	s4 =	sadd.s32 $0x1A000, s28;
	s7 =	sshrl.u32 s7, $0x3;
	s6 =	sadd.s32 $0xDA00, s10  }
0x9: {  	[spmem:s7@s8], [sflag:s5] =	dma.strided [hbm:s4@s9], $0x280, s8, $0x1   }
0xa: {  	[tilespmem:s3], [sflag:$0x1] =	stream.linear.gather [hbm4b:s6+s3], $0x2710, $0x38;
	[tilespmem:$0xDF20] =	vst v63  }
0xb: {  	s11 =	simm.s32 $0x2710;
	s10 =	sadd.s32 $0x3C00, s10  }
0xc: {  	[tilespmem:s11], [sflag:$0x2] =	stream.linear.gather [hbm4b:s10+s3], $0x2710, $0x38;
	[tilespmem:$0xDF20] =	vst v63  }
0xd: {  	_ =	swait.ge [sflag:s8], $0x2710  }
0xe: {  	[sflag:s8] =	ssyncset.done $0x0  }
0xf: {  	s12 =	simm.s32 $0x2;
	[sflag:s8] =	ssyncadd.s32 $0xFFFFD8F0  }
0x10: {  	_ =	swait.ge [sflag:s12], $0x2710  }
0x11: {  	s14 =	simm.s32 $0x7D0;
	[sflag:s12] =	ssyncset.done $0x0  }
0x12: {  	s15 =	simm.s32 $0x4E20;
	s13 =	sadd.s32 $0x17800, s28;
	[sflag:s12] =	ssyncadd.s32 $0xFFFFD8F0  }
0x13: {  	[tilespmem:s15], [sflag:$0x1] =	stream.indirect.gather [hbm4b:s13+s14], $0x8, s3, s14, $0xb8;
	[tilespmem:$0xDF20] =	vst v63  }
0x14: {  	s16 =	simm.s32 $0x8CA0;
	s17 =	simm.s32 $0x3  }
0x15: {  	[tilespmem:s16], [sflag:$0x2] =	stream.indirect.gather [hbm4b:s13+s14], $0x8, s14, s14, $0xb8;
	[tilespmem:$0xDF20] =	vst v63  }
0x16: {  	_ =	swait.ge [sflag:s17], $0x280  }
0x17: {  	[sflag:s17] =	ssyncset.done $0x0  }
0x18: {  	[sflag:s17] =	ssyncadd.s32 $0xFFFFFD80  }
0x19: {  	[bflag:$0x0] =	sbarrier.arrive $0xFFFF  }
0x1a: {  	_ =	swait.ge [sflag:s8], $0x3E80  }
0x1b: {  	[sflag:s8] =	ssyncset.done $0x0  }
0x1c: {  	[sflag:s8] =	ssyncadd.s32 $0xFFFFC180  }
0x1d: {  	[spmem:s2] =	stream.indirect.scatter.add.f32 [tilespmem:s15], [sflag:$0x3], $0x8, s11, s14, $0xb8;
	[tilespmem:$0xDF20] =	vst v63  }
0x1e: {  	_ =	swait.ge [sflag:s17], $0x3E80  }
0x1f: {  	[sflag:s17] =	ssyncset.done $0x0  }
0x20: {  	s18 =	simm.s32 $0xFA0;
	[sflag:s17] =	ssyncadd.s32 $0xFFFFC180  }
0x21: {  	[tilespmem:s15], [sflag:$0x1] =	stream.indirect.gather [hbm4b:s13+s14], $0x8, s18, s14, $0xb8;
	[tilespmem:$0xDF20] =	vst v63  }
0x22: {  	_ =	swait.ge [sflag:s12], $0x3E80  }
0x23: {  	[sflag:s12] =	ssyncset.done $0x0  }
0x24: {  	s19 =	simm.s32 $0x2EE0;
	s20 =	simm.s32 $0x4;
	[sflag:s12] =	ssyncadd.s32 $0xFFFFC180  }
0x25: {  	[spmem:s2] =	stream.indirect.scatter.add.f32 [tilespmem:s16], [sflag:$0x4], $0x8, s19, s14, $0xb8;
	[tilespmem:$0xDF20] =	vst v63  }
0x26: {  	_ =	swait.ge [sflag:s20], $0x3E80  }
0x27: {  	[sflag:s20] =	ssyncset.done $0x0  }
0x28: {  	s21 =	simm.s32 $0x1770;
	[sflag:s20] =	ssyncadd.s32 $0xFFFFC180  }
0x29: {  	[tilespmem:s16], [sflag:$0x2] =	stream.indirect.gather [hbm4b:s13+s14], $0x8, s21, s14, $0xb8;
	[tilespmem:$0xDF20] =	vst v63  }
0x2a: {  	_ =	swait.ge [sflag:s8], $0x3E80  }
0x2b: {  	[sflag:s8] =	ssyncset.done $0x0  }
0x2c: {  	s22 =	simm.s32 $0x36B0;
	[sflag:s8] =	ssyncadd.s32 $0xFFFFC180  }
0x2d: {  	[spmem:s2] =	stream.indirect.scatter.add.f32 [tilespmem:s15], [sflag:$0x3], $0x8, s22, s14, $0xb8;
	[tilespmem:$0xDF20] =	vst v63  }
0x2e: {  	_ =	swait.ge [sflag:s17], $0x3E80  }
0x2f: {  	[sflag:s17] =	ssyncset.done $0x0  }
0x30: {  	s23 =	simm.s32 $0x1F40;
	[sflag:s17] =	ssyncadd.s32 $0xFFFFC180  }
0x31: {  	[tilespmem:s15], [sflag:$0x1] =	stream.indirect.gather [hbm4b:s13+s14], $0x8, s23, s14, $0xb8;
	[tilespmem:$0xDF20] =	vst v63  }
0x32: {  	_ =	swait.ge [sflag:s12], $0x3E80  }
0x33: {  	[sflag:s12] =	ssyncset.done $0x0  }
0x34: {  	s24 =	simm.s32 $0x3E80;
	[sflag:s12] =	ssyncadd.s32 $0xFFFFC180  }
0x35: {  	[spmem:s2] =	stream.indirect.scatter.add.f32 [tilespmem:s16], [sflag:$0x4], $0x8, s24, s14, $0xb8;
	[tilespmem:$0xDF20] =	vst v63  }
0x36: {  	_ =	swait.ge [sflag:s8], $0x3E80  }
0x37: {  	[sflag:s8] =	ssyncset.done $0x0  }
0x38: {  	s25 =	simm.s32 $0x4650;
	[sflag:s8] =	ssyncadd.s32 $0xFFFFC180  }
0x39: {  	[spmem:s2] =	stream.indirect.scatter.add.f32 [tilespmem:s15], [sflag:$0x3], $0x8, s25, s14, $0xb8;
	[tilespmem:$0xDF20] =	vst v63  }
0x3a: {  	s30 =	ssub.s32 $0x2, s26;
	_ =	swait.ge [sflag:s17], $0x3E80  }
0x3b: {  	s26 =	sadd.s32 s26, s28;
	s28 =	sshrl.u32 s30, $0x1;
	[sflag:s17] =	ssyncset.done $0x0  }
0x3c: {  	s31 =	smul.u32 $0x2800, s0;
	s30 =	ssub.s32 s30, s28;
	[sflag:s17] =	ssyncadd.s32 $0xFFFFC180  }
0x3d: {  	s30 =	smax.u32 s30, $0x1;
	_ =	swait.ge [sflag:s20], $0x3E80  }
0x3e: {  	s26 =	sadd.s32 s31, s26;
	p0 =	sne.s32 s30, $0x1;
	[sflag:s20] =	ssyncset.done $0x0  }
.Ltmp0:
0x3f: {  	s26 =	sadd.s32 $0x1C800, s26;
	[sflag:s20] =	ssyncadd.s32 $0xFFFFC180;
	(pc) =	sbr.rel @!p0 .LBB2_2-.Ltmp0, $4  }
0x40: {  	s28 =	sor.u32 $0x1C05, s29;
	s29 =	simm.s32 $0x5;
	[bflag:$0x0] =	sbarrier.arrive $0xFFFF  }
0x41: {  	[hbm:s26@s9], [sflag:s28] =	dma.strided [spmem:s7@s8], $0x280, s8, $0x1   }
0x42: {  	_ =	swait.ge [sflag:s29], $0x280  }
0x43: {  	s30 =	sadd.s32 $0xFFFFFFFF, s30;
	[sflag:s29] =	ssyncset.done $0x0  }
.LBB2_1:
0x44: {  	p0 =	sne.s32 s30, $0x1;
	s30 =	sadd.s32 $0xFFFFFFFF, s30;
	[sflag:s29] =	ssyncadd.s32 $0xFFFFFD80  }
0x45: {  	[spmem:s7@s8], [sflag:s5] =	dma.strided [hbm:s4@s9], $0x280, s8, $0x1   }
0x46: {  	[tilespmem:s3], [sflag:$0x1] =	stream.linear.gather [hbm4b:s6+s3], $0x2710, $0x38;
	[tilespmem:$0xDF20] =	vst v63  }
0x47: {  	_ = 	snop  }
0x48: {  	[tilespmem:s11], [sflag:$0x2] =	stream.linear.gather [hbm4b:s10+s3], $0x2710, $0x38;
	[tilespmem:$0xDF20] =	vst v63  }
0x49: {  	_ =	swait.ge [sflag:s8], $0x2710  }
0x4a: {  	[sflag:s8] =	ssyncset.done $0x0  }
0x4b: {  	[sflag:s8] =	ssyncadd.s32 $0xFFFFD8F0  }
0x4c: {  	_ =	swait.ge [sflag:s12], $0x2710  }
0x4d: {  	[sflag:s12] =	ssyncset.done $0x0  }
0x4e: {  	[sflag:s12] =	ssyncadd.s32 $0xFFFFD8F0  }
0x4f: {  	[tilespmem:s15], [sflag:$0x1] =	stream.indirect.gather [hbm4b:s13+s14], $0x8, s3, s14, $0xb8;
	[tilespmem:$0xDF20] =	vst v63  }
0x50: {  	_ = 	snop  }
0x51: {  	[tilespmem:s16], [sflag:$0x2] =	stream.indirect.gather [hbm4b:s13+s14], $0x8, s14, s14, $0xb8;
	[tilespmem:$0xDF20] =	vst v63  }
0x52: {  	_ =	swait.ge [sflag:s17], $0x280  }
0x53: {  	[sflag:s17] =	ssyncset.done $0x0  }
0x54: {  	[sflag:s17] =	ssyncadd.s32 $0xFFFFFD80  }
0x55: {  	[bflag:$0x0] =	sbarrier.arrive $0xFFFF  }
0x56: {  	_ =	swait.ge [sflag:s8], $0x3E80  }
0x57: {  	[sflag:s8] =	ssyncset.done $0x0  }
0x58: {  	[sflag:s8] =	ssyncadd.s32 $0xFFFFC180  }
0x59: {  	[spmem:s2] =	stream.indirect.scatter.add.f32 [tilespmem:s15], [sflag:$0x3], $0x8, s11, s14, $0xb8;
	[tilespmem:$0xDF20] =	vst v63  }
0x5a: {  	_ =	swait.ge [sflag:s17], $0x3E80  }
0x5b: {  	[sflag:s17] =	ssyncset.done $0x0  }
0x5c: {  	[sflag:s17] =	ssyncadd.s32 $0xFFFFC180  }
0x5d: {  	[tilespmem:s15], [sflag:$0x1] =	stream.indirect.gather [hbm4b:s13+s14], $0x8, s18, s14, $0xb8;
	[tilespmem:$0xDF20] =	vst v63  }
0x5e: {  	_ =	swait.ge [sflag:s12], $0x3E80  }
0x5f: {  	[sflag:s12] =	ssyncset.done $0x0  }
0x60: {  	[sflag:s12] =	ssyncadd.s32 $0xFFFFC180  }
0x61: {  	[spmem:s2] =	stream.indirect.scatter.add.f32 [tilespmem:s16], [sflag:$0x4], $0x8, s19, s14, $0xb8;
	[tilespmem:$0xDF20] =	vst v63  }
0x62: {  	_ =	swait.ge [sflag:s20], $0x3E80  }
0x63: {  	[sflag:s20] =	ssyncset.done $0x0  }
0x64: {  	[sflag:s20] =	ssyncadd.s32 $0xFFFFC180  }
0x65: {  	[tilespmem:s16], [sflag:$0x2] =	stream.indirect.gather [hbm4b:s13+s14], $0x8, s21, s14, $0xb8;
	[tilespmem:$0xDF20] =	vst v63  }
0x66: {  	_ =	swait.ge [sflag:s8], $0x3E80  }
0x67: {  	[sflag:s8] =	ssyncset.done $0x0  }
0x68: {  	[sflag:s8] =	ssyncadd.s32 $0xFFFFC180  }
0x69: {  	[spmem:s2] =	stream.indirect.scatter.add.f32 [tilespmem:s15], [sflag:$0x3], $0x8, s22, s14, $0xb8;
	[tilespmem:$0xDF20] =	vst v63  }
0x6a: {  	_ =	swait.ge [sflag:s17], $0x3E80  }
0x6b: {  	[sflag:s17] =	ssyncset.done $0x0  }
0x6c: {  	[sflag:s17] =	ssyncadd.s32 $0xFFFFC180  }
0x6d: {  	[tilespmem:s15], [sflag:$0x1] =	stream.indirect.gather [hbm4b:s13+s14], $0x8, s23, s14, $0xb8;
	[tilespmem:$0xDF20] =	vst v63  }
0x6e: {  	_ =	swait.ge [sflag:s12], $0x3E80  }
0x6f: {  	[sflag:s12] =	ssyncset.done $0x0  }
0x70: {  	[sflag:s12] =	ssyncadd.s32 $0xFFFFC180  }
0x71: {  	[spmem:s2] =	stream.indirect.scatter.add.f32 [tilespmem:s16], [sflag:$0x4], $0x8, s24, s14, $0xb8;
	[tilespmem:$0xDF20] =	vst v63  }
0x72: {  	_ =	swait.ge [sflag:s8], $0x3E80  }
0x73: {  	[sflag:s8] =	ssyncset.done $0x0  }
0x74: {  	[sflag:s8] =	ssyncadd.s32 $0xFFFFC180  }
0x75: {  	[spmem:s2] =	stream.indirect.scatter.add.f32 [tilespmem:s15], [sflag:$0x3], $0x8, s25, s14, $0xb8;
	[tilespmem:$0xDF20] =	vst v63  }
0x76: {  	_ =	swait.ge [sflag:s17], $0x3E80  }
0x77: {  	[sflag:s17] =	ssyncset.done $0x0  }
0x78: {  	[sflag:s17] =	ssyncadd.s32 $0xFFFFC180  }
0x79: {  	_ =	swait.ge [sflag:s20], $0x3E80  }
0x7a: {  	[sflag:s20] =	ssyncset.done $0x0  }
.Ltmp1:
0x7b: {  	[sflag:s20] =	ssyncadd.s32 $0xFFFFC180;
	(pc) =	sbr.rel @p0 .LBB2_1-.Ltmp1, $4  }
0x7c: {  	[bflag:$0x0] =	sbarrier.arrive $0xFFFF  }
0x7d: {  	[hbm:s26@s9], [sflag:s28] =	dma.strided [spmem:s7@s8], $0x280, s8, $0x1   }
0x7e: {  	_ =	swait.ge [sflag:s29], $0x280  }
0x7f: {  	[sflag:s29] =	ssyncset.done $0x0  }
.LBB2_2:
0x80: {  	[sflag:s29] =	ssyncadd.s32 $0xFFFFFD80  }
0x81: {  	_ =	sfence.sel $0x180000  }
0x82: {  	[bflag:$0x0] =	sbarrier.arrive $0xFFFF  }
0x83: {  	p0 =	sne.s32 s0, $0x0;
	_ =	strace $0x90000047  }
0x84: {  	s0 =	sadd.s32 @!p0 $0x100000, s1;
	[bflag:$0x2] =	sbarrier.arrive $0xFFFF  }
0x85: {  	[sflag:s0] =	ssyncadd.tile.s32 @!p0 $0x1;
	_ =	shalt  }
.Lfunc_end2:
_tile_overlayer_lowered:
.L_overlay_start_2:
0x86: {  	(tag) =	ssettag $0x2  }
0x87: {  	s0 =	rddreg [dreg:$0x0];
	s2 =	stileid.u32  }
0x88: {  	s1 =	rddreg [dreg:$0x1];
	p0 =	sne.s32 s2, $0x0  }
0x89: {  	s3 =	rddreg [dreg:$0x2];
	[bflag:$0x3] =	sbarrier.arrive $0xFFFF;
	s2 =	simm.s32 @!p0 $0x1C05  }
0x8a: {  	[timem:s3], [sflag:s2] =	dma.local @!p0 [hbm:s0], s1  }
0x8b: {  	s0 =	simm.s32 @!p0 $0x5  }
0x8c: {  	_ =	swait.ge @!p0 [sflag:s0], s1  }
0x8d: {  	s1 =	ssub.s32 @!p0 $0x0, s1;
	[sflag:s0] =	ssyncset.done @!p0 $0x0  }
0x8e: {  	[sflag:s0] =	ssyncadd.s32 @!p0 s1  }
0x8f: {  	[bflag:$0x3] =	sbarrier.arrive $0xFFFF  }
0x90: {  	_ =	shalt  }

// kernel: kernel.16.cloned.1.call-start
scs
__scs_entry_jumppad:
0x0: {  	(pc) =	sbr.rel $0x88, $3  }
0x1: {  	(tag) =	ssettag $0x0;
	lr =	simm.s32 $0x1  }
0x2: {  	[smem:$0x3F8D] =	sst lr;
	_ =	strace $0xD0000000  }
0x3: {  	_ = 	snop  }
0x4: {  	_ = 	snop  }
0x5: {  	_ = 	snop  }
0x6: {  	_ = 	snop  }
0x7: {  	_ = 	snop  }
__scs_overlays_trampoline_lowered:
0x8: {  	[smem:$0x3F9C] =	sst s0  }
0x9: {  	[smem:$0x3F9D] =	sst s1  }
0xa: {  	[smem:$0x3F9E] =	sst s2  }
0xb: {  	[smem:$0x3F9F] =	sst s3  }
0xc: {  	[smem:$0x3FA0] =	sst s4  }
0xd: {  	[smem:$0x3FA1] =	sst s5  }
0xe: {  	[smem:$0x3FA2] =	sst s6  }
0xf: {  	[smem:$0x3FA3] =	sst s7  }
0x10: {  	[smem:$0x3FA4] =	sst s8  }
0x11: {  	[smem:$0x3FA5] =	sst s9;
	s0 =	simm.s32 @!p0 $0x0  }
0x12: {  	s1 =	sld [smem:$0x3F8B];
	s0 =	simm.s32 @p0 $0x1  }
0x13: {  	[smem:$0x3FA6] =	sst s0;
	s0 =	simm.s32 @!p1 $0x0  }
0x14: {  	s2 =	sld [smem:$0x3F8A];
	s0 =	simm.s32 @p1 $0x1  }
0x15: {  	[smem:$0x3FA7] =	sst s0;
	s0 =	simm.s32 @!p2 $0x0  }
0x16: {  	s3 =	sld [smem:$0x3FDB];
	s0 =	simm.s32 @p2 $0x1  }
0x17: {  	s4 =	simm.s32 $0x1BF5;
	[smem:$0x3FA9] =	sst s0  }
0x18: {  	s0 =	sld [smem:$0x3F8C];
	_ =	swait.ge [sflag:s4], $0x0  }
0x19: {  	s7 =	sld [smem:$0x3F8D]  }
0x1a: {  	s8 =	sadd.s32 $0xFFFFE003, lr  }
0x1b: {  	s9 =	sadd.s32 $0xFFFFFEF7, lr;
	s5 =	simm.s32 $0xFFFFFFFF;
	p2 =	slt.u32 s8, $0xFFFFF086  }
0x1c: {  	p1 =	slt.u32 s9, $0xF7A;
	s5 =	simm.s32 @!p2 $0x0  }
0x1d: {  	s5 =	simm.s32 @p1 $0x1;
	p0 =	seq.s32 s7, s2  }
0x1e: {  	s7 =	smul.u32 @!p0 $0xF7A, s2;
	p2 =	seq.s32 @!p0 s5, $0x0  }
0x1f: {  	s9 =	smul.u32 $0xF7A, s1;
	s8 =	simm.s32 @!p0 $0x1BF5;
	p2 =	por !p2, p0  }
0x20: {  	[sflag:s8] =	ssyncset.s32 @!p0 $0xFFFFF086;
	s6 =	sadd.s32 @!p0 s3, s7;
	s7 =	simm.s32 @!p0 $0x108  }
0x21: {  	s3 =	sadd.s32 s3, s9;
	s6 =	sadd.s32 @!p0 $0x88, s6;
	s7 =	simm.s32 @p2 $0x1082  }
0x22: {  	[simem:s7], [sflag:s8] =	dma.local @!p0 [hbm:s6], $0xF7A  }
0x23: {  	s9 =	sor.u32 $0xD0000000, s2;
	s6 =	simm.s32 $0x108;
	_ =	swait.ge @!p0 [sflag:s8], $0x0  }
0x24: {  	s3 =	sadd.s32 $0x88, s3;
	s6 =	simm.s32 @!p1 $0x1082;
	[sflag:s4] =	ssyncset.s32 $0xFFFFF086  }
0x25: {  	[simem:s6], [sflag:s4] =	dma.local [hbm:s3], $0xF7A  }
0x26: {  	[smem:$0x3F8D] =	sst s1;
	(tag) =	ssettag s2;
	_ =	strace s9  }
0x27: {  	s1 =	sld [smem:$0x3F9D]  }
0x28: {  	s2 =	sld [smem:$0x3F9E]  }
0x29: {  	s4 =	sld [smem:$0x3FA0]  }
0x2a: {  	p0 =	seq.s32 s5, $0x0;
	s5 =	sld [smem:$0x3FA1]  }
0x2b: {  	s6 =	sld [smem:$0x3FA2]  }
0x2c: {  	s7 =	sld [smem:$0x3FA3]  }
0x2d: {  	s3 =	simm.s32 $0x108;
	s8 =	sld [smem:$0x3FA4]  }
0x2e: {  	s3 =	simm.s32 @!p0 $0x1082;
	s9 =	sld [smem:$0x3FA5]  }
0x2f: {  	lr =	sadd.s32 s0, s3;
	s0 =	sld [smem:$0x3F9C]  }
0x30: {  	s3 =	sld [smem:$0x3F9F]  }
0x31: {  	[smem:$0x3FA8] =	sst s10  }
0x32: {  	s10 =	sld [smem:$0x3FA6];
	_ =	sdelay $0x3  }
0x33: {  	p0 =	seq.s32 s10, $0x1;
	s10 =	sld [smem:$0x3FA8];
	_ =	sdelay $0x3  }
0x34: {  	[smem:$0x3FA8] =	sst s10  }
0x35: {  	s10 =	sld [smem:$0x3FA7];
	_ =	sdelay $0x3  }
0x36: {  	p1 =	seq.s32 s10, $0x1;
	s10 =	sld [smem:$0x3FA8];
	_ =	sdelay $0x3  }
0x37: {  	[smem:$0x3FA8] =	sst s10  }
0x38: {  	s10 =	sld [smem:$0x3FA9]  }
0x39: {  	_ = 	snop;
	(pc) =	sbr.ind lr, $3  }
0x3a: {  	_ = 	snop  }
0x3b: {  	_ = 	snop  }
0x3c: {  	p2 =	seq.s32 s10, $0x1;
	s10 =	sld [smem:$0x3FA8]  }
0x3d: {  	_ =	shalt  }
0x3e: {  	_ =	shalt  }
0x3f: {  	_ =	shalt  }
0x40: {  	_ =	shalt  }
0x41: {  	_ =	shalt  }
0x42: {  	_ =	shalt  }
0x43: {  	_ =	shalt  }
0x44: {  	_ =	shalt  }
0x45: {  	_ =	shalt  }
0x46: {  	_ =	shalt  }
0x47: {  	_ =	shalt  }
0x48: {  	_ =	shalt  }
0x49: {  	_ =	shalt  }
0x4a: {  	_ =	shalt  }
0x4b: {  	_ =	shalt  }
0x4c: {  	_ =	shalt  }
0x4d: {  	_ =	shalt  }
0x4e: {  	_ =	shalt  }
0x4f: {  	_ =	shalt  }
0x50: {  	_ =	shalt  }
0x51: {  	_ =	shalt  }
0x52: {  	_ =	shalt  }
0x53: {  	_ =	shalt  }
0x54: {  	_ =	shalt  }
0x55: {  	_ =	shalt  }
0x56: {  	_ =	shalt  }
0x57: {  	_ =	shalt  }
0x58: {  	_ =	shalt  }
0x59: {  	_ =	shalt  }
0x5a: {  	_ =	shalt  }
0x5b: {  	_ =	shalt  }
0x5c: {  	_ =	shalt  }
0x5d: {  	_ =	shalt  }
0x5e: {  	_ =	shalt  }
0x5f: {  	_ =	shalt  }
0x60: {  	_ =	shalt  }
0x61: {  	_ =	shalt  }
0x62: {  	_ =	shalt  }
0x63: {  	_ =	shalt  }
0x64: {  	_ =	shalt  }
0x65: {  	_ =	shalt  }
0x66: {  	_ =	shalt  }
0x67: {  	_ =	shalt  }
0x68: {  	_ =	shalt  }
0x69: {  	_ =	shalt  }
0x6a: {  	_ =	shalt  }
0x6b: {  	_ =	shalt  }
0x6c: {  	_ =	shalt  }
0x6d: {  	_ =	shalt  }
0x6e: {  	_ =	shalt  }
0x6f: {  	_ =	shalt  }
0x70: {  	_ =	shalt  }
0x71: {  	_ =	shalt  }
0x72: {  	_ =	shalt  }
0x73: {  	_ =	shalt  }
0x74: {  	_ =	shalt  }
0x75: {  	_ =	shalt  }
0x76: {  	_ =	shalt  }
0x77: {  	_ =	shalt  }
0x78: {  	_ =	shalt  }
0x79: {  	_ =	shalt  }
0x7a: {  	_ =	shalt  }
0x7b: {  	_ =	shalt  }
0x7c: {  	_ =	shalt  }
0x7d: {  	_ =	shalt  }
0x7e: {  	_ =	shalt  }
0x7f: {  	_ =	shalt  }
0x80: {  	_ =	shalt  }
0x81: {  	_ =	shalt  }
0x82: {  	_ =	shalt  }
0x83: {  	_ =	shalt  }
0x84: {  	_ =	shalt  }
0x85: {  	_ =	shalt  }
0x86: {  	_ =	shalt  }
0x87: {  	_ =	shalt  }
.Lfunc_end0:
.L_simem_size_0:
called_computation.1_lowered:
.L_overlay_start_0:
0x88: {  	s2 =	sld [smem:$0x3FD9]  }
0x89: {  	s3 =	sld [smem:$0x3FFE];
	_ =	sdelay $0x1  }
0x8a: {  	s1 =	srdreg.scid  }
0x8b: {  	s0 =	sand.u32 $0x1, s1  }
0x8c: {  	s16 =	sshll.u32 s0, $0xA;
	s2 =	sadd.s32 s3, s2  }
0x8d: {  	s2 =	sadd.s32 s2, s16  }
0x8e: {  	[smem:$0x3FB4] =	sst s2  }
0x8f: {  	_ = 	snop  }
0x90: {  	(tm) =	ssettm $0x1  }
0x91: {  	s17 =	sld [smem:$0x3FFB];
	_ =	sdelay $0x3  }
0x92: {  	_ =	strace s17  }
0x93: {  	s2 =	sld [smem:$0x3FFC];
	_ =	sdelay $0x3  }
0x94: {  	_ =	strace s2  }
0x95: {  	s2 =	sld [smem:$0x3FFD];
	_ =	sdelay $0x3  }
0x96: {  	_ =	strace s2  }
0x97: {  	_ =	strace $0x8FFFFFFF  }
0x98: {  	s18 =	sld [smem:$0x3FDB];
	_ =	sdelay $0x1  }
0x99: {  	s19 =	simm.s32 $_scs_section_size  }
0x9a: {  	s4 =	simm.s32 $_size__tile_overlayer_lowered;
	s5 =	simm.s32 $_tile_overlayer_lowered  }
0x9b: {  	s22 =	simm.s32 $0x1BFF;
	s21 =	sshll.u32 s5, $0x1;
	s2 =	sadd.s32 s19, s18  }
0x9c: {  	s6 =	simm.s32 $0x0;
	s20 =	sshll.u32 s4, $0x1;
	s4 =	sadd.s32 s21, s2  }
0x9d: {  	[timem:s6], [sflag:s22] =	dma.local [hbm:s4], s20  }
0x9e: {  	_ =	swait.ge [sflag:s22], s20  }
0x9f: {  	s3 =	ssub.s32 $0x0, s20;
	[sflag:s22] =	ssyncset.done $0x0  }
0xa0: {  	[sflag:s22] =	ssyncadd.s32 s3;
	_ =	sdelay $0x1  }
0xa1: {  	s23 =	simm.s32 $0x1B8B  }
0xa2: {  	_ =	swait.ge [sflag:s23], $0x1  }
0xa3: {  	[sflag:s23] =	ssyncset.done $0x0  }
0xa4: {  	s25 =	simm.s32 $0x1B8E;
	s24 =	sld [smem:$0x3FFE];
	[sflag:s23] =	ssyncadd.s32 $0xFFFFFFFF  }
0xa5: {  	s26 =	simm.s32 $execute0_lowered;
	[smem:$0x3FD2] =	sst s25  }
0xa6: {  	s4 =	sshll.u32 s26, $0x1;
	_ =	strace $0x80000049;
	[dreg:$0x1] =	wrdreg $0xFFFFFFFF  }
0xa7: {  	s28 =	simm.s32 $_size_execute0_lowered;
	s2 =	sadd.s32 s2, s4;
	[dreg:$0x0] =	wrdreg $0x0  }
0xa8: {  	s4 =	sshll.u32 s28, $0x1;
	[dreg:$0x2] =	wrdreg s2  }
0xa9: {  	[dreg:$0x3] =	wrdreg s4  }
0xaa: {  	[dreg:$0x4] =	wrdreg $0xC0  }
0xab: {  	_ =	task [dreg:s6], $0x5FFFF  }
0xac: {  	[dreg:$0x1] =	wrdreg $0xFFFFFFFF  }
0xad: {  	[dreg:$0x0] =	wrdreg $0x60  }
0xae: {  	[dreg:$0x2] =	wrdreg s24  }
0xaf: {  	[dreg:$0x3] =	wrdreg $0xCB200  }
0xb0: {  	[dreg:$0x4] =	wrdreg $0x9  }
0xb1: {  	_ =	task.clear_ibuf [dreg:s6], $0x5FFFF;
	_ =	strace $0x90000049  }
0xb2: {  	s29 =	simm.s32 $0x9;
	_ =	strace $0x8000004B  }
0xb3: {  	_ =	swait.ge [sflag:s29], $0x1  }
0xb4: {  	[sflag:s29] =	ssyncadd.s32 $0xFFFFFFFF  }
0xb5: {  	_ =	strace $0x9000004B  }
0xb6: {  	_ =	sfence  }
0xb7: {  	s30 =	sld [smem:$0x0];
	_ =	sdelay $0x2  }
0xb8: {  	s31 =	sshll.u32 s1, $0xD;
	s1 =	sshrl.u32 s1, $0x2  }
0xb9: {  	s3 =	sand.u32 $0x4000, s31;
	s1 =	sadd.s32 s1, s30  }
0xba: {  	s0 =	sor.u32 s3, s0;
	s1 =	sshll.u32 s1, $0x11  }
0xbb: {  	s0 =	sor.u32 s1, s0  }
0xbc: {  	s0 =	sadd.s32 $0x8F2B, s0  }
0xbd: {  	[sflag:s0] =	ssyncadd.remote.s32 $0x1  }
0xbe: {  	_ =	sfence.sel $0xFFFF  }
0xbf: {  	[dreg:$0x0] =	wrdreg $0xFFFFFFFF;
	(pc) =	sbr.abs _section_cstart, $3  }
0xc0: {  	[dreg:$0x1] =	wrdreg $0xFFFFFFFF  }
0xc1: {  	_ =	task.clear_ibuf [dreg:s6], $0x2FFFF;
	_ =	strace $0x9FFFFFFF  }
0xc2: {  	(tm) =	ssettm $0x7FFFFFFF  }
0xc3: {  	_ =	shalt  }
tec
execute0_lowered:
.L_overlay_start_1:
0x0: {  	(tag) =	ssettag $0x1  }
0x1: {  	s0 =	srdreg.scid;
	s28 =	rddreg [dreg:$0x0]  }
0x2: {  	s2 =	rddreg [dreg:$0x1];
	s3 =	simm.s32 $0x0;
	s26 =	sand.u32 $0x1, s0  }
0x3: {  	s8 =	simm.s32 $0x1;
	s0 =	stileid.u32;
	s1 =	sshll.u32 s26, $0x4  }
0x4: {  	s9 =	simm.s32 $0x10;
	s5 =	smul.u32 $0x5000, s0;
	s4 =	sor.u32 s0, s1  }
0x5: {  	[smem:$0x7FF] =	sst s3;
	s29 =	sshll.u32 s0, $0x6;
	s4 =	smul.u32 $0x4E2, s4  }
0x6: {  	s1 =	rddreg [dreg:$0x2];
	_ =	strace $0x8000004A;
	s5 =	sshrl.u32 s5, $0x2  }
0x7: {  	s7 =	sadd.s32 s5, s2;
	s5 =	sor.u32 $0x1C03, s29;
	s10 =	sadd.s32 s4, s28  }
0x8: {  	s4 =	sadd.s32 $0x1A000, s28;
	s7 =	sshrl.u32 s7, $0x3;
	s6 =	sadd.s32 $0xDA00, s10  }
0x9: {  	[spmem:s7@s8], [sflag:s5] =	dma.strided [hbm:s4@s9], $0x280, s8, $0x1   }
0xa: {  	[tilespmem:s3], [sflag:$0x1] =	stream.linear.gather [hbm4b:s6+s3], $0x2710, $0x38;
	[tilespmem:$0xDF20] =	vst v63  }
0xb: {  	s11 =	simm.s32 $0x2710;
	s10 =	sadd.s32 $0x3C00, s10  }
0xc: {  	[tilespmem:s11], [sflag:$0x2] =	stream.linear.gather [hbm4b:s10+s3], $0x2710, $0x38;
	[tilespmem:$0xDF20] =	vst v63  }
0xd: {  	_ =	swait.ge [sflag:s8], $0x2710  }
0xe: {  	[sflag:s8] =	ssyncset.done $0x0  }
0xf: {  	s12 =	simm.s32 $0x2;
	[sflag:s8] =	ssyncadd.s32 $0xFFFFD8F0  }
0x10: {  	_ =	swait.ge [sflag:s12], $0x2710  }
0x11: {  	s14 =	simm.s32 $0x7D0;
	[sflag:s12] =	ssyncset.done $0x0  }
0x12: {  	s15 =	simm.s32 $0x4E20;
	s13 =	sadd.s32 $0x17800, s28;
	[sflag:s12] =	ssyncadd.s32 $0xFFFFD8F0  }
0x13: {  	[tilespmem:s15], [sflag:$0x1] =	stream.indirect.gather [hbm4b:s13+s14], $0x8, s3, s14, $0xb8;
	[tilespmem:$0xDF20] =	vst v63  }
0x14: {  	s16 =	simm.s32 $0x8CA0;
	s17 =	simm.s32 $0x3  }
0x15: {  	[tilespmem:s16], [sflag:$0x2] =	stream.indirect.gather [hbm4b:s13+s14], $0x8, s14, s14, $0xb8;
	[tilespmem:$0xDF20] =	vst v63  }
0x16: {  	_ =	swait.ge [sflag:s17], $0x280  }
0x17: {  	[sflag:s17] =	ssyncset.done $0x0  }
0x18: {  	[sflag:s17] =	ssyncadd.s32 $0xFFFFFD80  }
0x19: {  	[bflag:$0x0] =	sbarrier.arrive $0xFFFF  }
0x1a: {  	_ =	swait.ge [sflag:s8], $0x3E80  }
0x1b: {  	[sflag:s8] =	ssyncset.done $0x0  }
0x1c: {  	[sflag:s8] =	ssyncadd.s32 $0xFFFFC180  }
0x1d: {  	[spmem:s2] =	stream.indirect.scatter.add.f32 [tilespmem:s15], [sflag:$0x3], $0x8, s11, s14, $0xb8;
	[tilespmem:$0xDF20] =	vst v63  }
0x1e: {  	_ =	swait.ge [sflag:s17], $0x3E80  }
0x1f: {  	[sflag:s17] =	ssyncset.done $0x0  }
0x20: {  	s18 =	simm.s32 $0xFA0;
	[sflag:s17] =	ssyncadd.s32 $0xFFFFC180  }
0x21: {  	[tilespmem:s15], [sflag:$0x1] =	stream.indirect.gather [hbm4b:s13+s14], $0x8, s18, s14, $0xb8;
	[tilespmem:$0xDF20] =	vst v63  }
0x22: {  	_ =	swait.ge [sflag:s12], $0x3E80  }
0x23: {  	[sflag:s12] =	ssyncset.done $0x0  }
0x24: {  	s19 =	simm.s32 $0x2EE0;
	s20 =	simm.s32 $0x4;
	[sflag:s12] =	ssyncadd.s32 $0xFFFFC180  }
0x25: {  	[spmem:s2] =	stream.indirect.scatter.add.f32 [tilespmem:s16], [sflag:$0x4], $0x8, s19, s14, $0xb8;
	[tilespmem:$0xDF20] =	vst v63  }
0x26: {  	_ =	swait.ge [sflag:s20], $0x3E80  }
0x27: {  	[sflag:s20] =	ssyncset.done $0x0  }
0x28: {  	s21 =	simm.s32 $0x1770;
	[sflag:s20] =	ssyncadd.s32 $0xFFFFC180  }
0x29: {  	[tilespmem:s16], [sflag:$0x2] =	stream.indirect.gather [hbm4b:s13+s14], $0x8, s21, s14, $0xb8;
	[tilespmem:$0xDF20] =	vst v63  }
0x2a: {  	_ =	swait.ge [sflag:s8], $0x3E80  }
0x2b: {  	[sflag:s8] =	ssyncset.done $0x0  }
0x2c: {  	s22 =	simm.s32 $0x36B0;
	[sflag:s8] =	ssyncadd.s32 $0xFFFFC180  }
0x2d: {  	[spmem:s2] =	stream.indirect.scatter.add.f32 [tilespmem:s15], [sflag:$0x3], $0x8, s22, s14, $0xb8;
	[tilespmem:$0xDF20] =	vst v63  }
0x2e: {  	_ =	swait.ge [sflag:s17], $0x3E80  }
0x2f: {  	[sflag:s17] =	ssyncset.done $0x0  }
0x30: {  	s23 =	simm.s32 $0x1F40;
	[sflag:s17] =	ssyncadd.s32 $0xFFFFC180  }
0x31: {  	[tilespmem:s15], [sflag:$0x1] =	stream.indirect.gather [hbm4b:s13+s14], $0x8, s23, s14, $0xb8;
	[tilespmem:$0xDF20] =	vst v63  }
0x32: {  	_ =	swait.ge [sflag:s12], $0x3E80  }
0x33: {  	[sflag:s12] =	ssyncset.done $0x0  }
0x34: {  	s24 =	simm.s32 $0x3E80;
	[sflag:s12] =	ssyncadd.s32 $0xFFFFC180  }
0x35: {  	[spmem:s2] =	stream.indirect.scatter.add.f32 [tilespmem:s16], [sflag:$0x4], $0x8, s24, s14, $0xb8;
	[tilespmem:$0xDF20] =	vst v63  }
0x36: {  	_ =	swait.ge [sflag:s8], $0x3E80  }
0x37: {  	[sflag:s8] =	ssyncset.done $0x0  }
0x38: {  	s25 =	simm.s32 $0x4650;
	[sflag:s8] =	ssyncadd.s32 $0xFFFFC180  }
0x39: {  	[spmem:s2] =	stream.indirect.scatter.add.f32 [tilespmem:s15], [sflag:$0x3], $0x8, s25, s14, $0xb8;
	[tilespmem:$0xDF20] =	vst v63  }
0x3a: {  	s30 =	ssub.s32 $0x2, s26;
	_ =	swait.ge [sflag:s17], $0x3E80  }
0x3b: {  	s26 =	sadd.s32 s26, s28;
	s28 =	sshrl.u32 s30, $0x1;
	[sflag:s17] =	ssyncset.done $0x0  }
0x3c: {  	s31 =	smul.u32 $0x2800, s0;
	s30 =	ssub.s32 s30, s28;
	[sflag:s17] =	ssyncadd.s32 $0xFFFFC180  }
0x3d: {  	s30 =	smax.u32 s30, $0x1;
	_ =	swait.ge [sflag:s20], $0x3E80  }
0x3e: {  	s26 =	sadd.s32 s31, s26;
	p0 =	sne.s32 s30, $0x1;
	[sflag:s20] =	ssyncset.done $0x0  }
.Ltmp0:
0x3f: {  	s26 =	sadd.s32 $0x1C800, s26;
	[sflag:s20] =	ssyncadd.s32 $0xFFFFC180;
	(pc) =	sbr.rel @!p0 .LBB2_2-.Ltmp0, $4  }
0x40: {  	s28 =	sor.u32 $0x1C05, s29;
	s29 =	simm.s32 $0x5;
	[bflag:$0x0] =	sbarrier.arrive $0xFFFF  }
0x41: {  	[hbm:s26@s9], [sflag:s28] =	dma.strided [spmem:s7@s8], $0x280, s8, $0x1   }
0x42: {  	_ =	swait.ge [sflag:s29], $0x280  }
0x43: {  	s30 =	sadd.s32 $0xFFFFFFFF, s30;
	[sflag:s29] =	ssyncset.done $0x0  }
.LBB2_1:
0x44: {  	p0 =	sne.s32 s30, $0x1;
	s30 =	sadd.s32 $0xFFFFFFFF, s30;
	[sflag:s29] =	ssyncadd.s32 $0xFFFFFD80  }
0x45: {  	[spmem:s7@s8], [sflag:s5] =	dma.strided [hbm:s4@s9], $0x280, s8, $0x1   }
0x46: {  	[tilespmem:s3], [sflag:$0x1] =	stream.linear.gather [hbm4b:s6+s3], $0x2710, $0x38;
	[tilespmem:$0xDF20] =	vst v63  }
0x47: {  	_ = 	snop  }
0x48: {  	[tilespmem:s11], [sflag:$0x2] =	stream.linear.gather [hbm4b:s10+s3], $0x2710, $0x38;
	[tilespmem:$0xDF20] =	vst v63  }
0x49: {  	_ =	swait.ge [sflag:s8], $0x2710  }
0x4a: {  	[sflag:s8] =	ssyncset.done $0x0  }
0x4b: {  	[sflag:s8] =	ssyncadd.s32 $0xFFFFD8F0  }
0x4c: {  	_ =	swait.ge [sflag:s12], $0x2710  }
0x4d: {  	[sflag:s12] =	ssyncset.done $0x0  }
0x4e: {  	[sflag:s12] =	ssyncadd.s32 $0xFFFFD8F0  }
0x4f: {  	[tilespmem:s15], [sflag:$0x1] =	stream.indirect.gather [hbm4b:s13+s14], $0x8, s3, s14, $0xb8;
	[tilespmem:$0xDF20] =	vst v63  }
0x50: {  	_ = 	snop  }
0x51: {  	[tilespmem:s16], [sflag:$0x2] =	stream.indirect.gather [hbm4b:s13+s14], $0x8, s14, s14, $0xb8;
	[tilespmem:$0xDF20] =	vst v63  }
0x52: {  	_ =	swait.ge [sflag:s17], $0x280  }
0x53: {  	[sflag:s17] =	ssyncset.done $0x0  }
0x54: {  	[sflag:s17] =	ssyncadd.s32 $0xFFFFFD80  }
0x55: {  	[bflag:$0x0] =	sbarrier.arrive $0xFFFF  }
0x56: {  	_ =	swait.ge [sflag:s8], $0x3E80  }
0x57: {  	[sflag:s8] =	ssyncset.done $0x0  }
0x58: {  	[sflag:s8] =	ssyncadd.s32 $0xFFFFC180  }
0x59: {  	[spmem:s2] =	stream.indirect.scatter.add.f32 [tilespmem:s15], [sflag:$0x3], $0x8, s11, s14, $0xb8;
	[tilespmem:$0xDF20] =	vst v63  }
0x5a: {  	_ =	swait.ge [sflag:s17], $0x3E80  }
0x5b: {  	[sflag:s17] =	ssyncset.done $0x0  }
0x5c: {  	[sflag:s17] =	ssyncadd.s32 $0xFFFFC180  }
0x5d: {  	[tilespmem:s15], [sflag:$0x1] =	stream.indirect.gather [hbm4b:s13+s14], $0x8, s18, s14, $0xb8;
	[tilespmem:$0xDF20] =	vst v63  }
0x5e: {  	_ =	swait.ge [sflag:s12], $0x3E80  }
0x5f: {  	[sflag:s12] =	ssyncset.done $0x0  }
0x60: {  	[sflag:s12] =	ssyncadd.s32 $0xFFFFC180  }
0x61: {  	[spmem:s2] =	stream.indirect.scatter.add.f32 [tilespmem:s16], [sflag:$0x4], $0x8, s19, s14, $0xb8;
	[tilespmem:$0xDF20] =	vst v63  }
0x62: {  	_ =	swait.ge [sflag:s20], $0x3E80  }
0x63: {  	[sflag:s20] =	ssyncset.done $0x0  }
0x64: {  	[sflag:s20] =	ssyncadd.s32 $0xFFFFC180  }
0x65: {  	[tilespmem:s16], [sflag:$0x2] =	stream.indirect.gather [hbm4b:s13+s14], $0x8, s21, s14, $0xb8;
	[tilespmem:$0xDF20] =	vst v63  }
0x66: {  	_ =	swait.ge [sflag:s8], $0x3E80  }
0x67: {  	[sflag:s8] =	ssyncset.done $0x0  }
0x68: {  	[sflag:s8] =	ssyncadd.s32 $0xFFFFC180  }
0x69: {  	[spmem:s2] =	stream.indirect.scatter.add.f32 [tilespmem:s15], [sflag:$0x3], $0x8, s22, s14, $0xb8;
	[tilespmem:$0xDF20] =	vst v63  }
0x6a: {  	_ =	swait.ge [sflag:s17], $0x3E80  }
0x6b: {  	[sflag:s17] =	ssyncset.done $0x0  }
0x6c: {  	[sflag:s17] =	ssyncadd.s32 $0xFFFFC180  }
0x6d: {  	[tilespmem:s15], [sflag:$0x1] =	stream.indirect.gather [hbm4b:s13+s14], $0x8, s23, s14, $0xb8;
	[tilespmem:$0xDF20] =	vst v63  }
0x6e: {  	_ =	swait.ge [sflag:s12], $0x3E80  }
0x6f: {  	[sflag:s12] =	ssyncset.done $0x0  }
0x70: {  	[sflag:s12] =	ssyncadd.s32 $0xFFFFC180  }
0x71: {  	[spmem:s2] =	stream.indirect.scatter.add.f32 [tilespmem:s16], [sflag:$0x4], $0x8, s24, s14, $0xb8;
	[tilespmem:$0xDF20] =	vst v63  }
0x72: {  	_ =	swait.ge [sflag:s8], $0x3E80  }
0x73: {  	[sflag:s8] =	ssyncset.done $0x0  }
0x74: {  	[sflag:s8] =	ssyncadd.s32 $0xFFFFC180  }
0x75: {  	[spmem:s2] =	stream.indirect.scatter.add.f32 [tilespmem:s15], [sflag:$0x3], $0x8, s25, s14, $0xb8;
	[tilespmem:$0xDF20] =	vst v63  }
0x76: {  	_ =	swait.ge [sflag:s17], $0x3E80  }
0x77: {  	[sflag:s17] =	ssyncset.done $0x0  }
0x78: {  	[sflag:s17] =	ssyncadd.s32 $0xFFFFC180  }
0x79: {  	_ =	swait.ge [sflag:s20], $0x3E80  }
0x7a: {  	[sflag:s20] =	ssyncset.done $0x0  }
.Ltmp1:
0x7b: {  	[sflag:s20] =	ssyncadd.s32 $0xFFFFC180;
	(pc) =	sbr.rel @p0 .LBB2_1-.Ltmp1, $4  }
0x7c: {  	[bflag:$0x0] =	sbarrier.arrive $0xFFFF  }
0x7d: {  	[hbm:s26@s9], [sflag:s28] =	dma.strided [spmem:s7@s8], $0x280, s8, $0x1   }
0x7e: {  	_ =	swait.ge [sflag:s29], $0x280  }
0x7f: {  	[sflag:s29] =	ssyncset.done $0x0  }
.LBB2_2:
0x80: {  	[sflag:s29] =	ssyncadd.s32 $0xFFFFFD80  }
0x81: {  	_ =	sfence.sel $0x180000  }
0x82: {  	[bflag:$0x0] =	sbarrier.arrive $0xFFFF  }
0x83: {  	p0 =	sne.s32 s0, $0x0;
	_ =	strace $0x9000004A  }
0x84: {  	s0 =	sadd.s32 @!p0 $0x100000, s1;
	[bflag:$0x2] =	sbarrier.arrive $0xFFFF  }
0x85: {  	[sflag:s0] =	ssyncadd.tile.s32 @!p0 $0x1;
	_ =	shalt  }
.Lfunc_end2:
_tile_overlayer_lowered:
.L_overlay_start_2:
0x86: {  	(tag) =	ssettag $0x2  }
0x87: {  	s0 =	rddreg [dreg:$0x0];
	s2 =	stileid.u32  }
0x88: {  	s1 =	rddreg [dreg:$0x1];
	p0 =	sne.s32 s2, $0x0  }
0x89: {  	s3 =	rddreg [dreg:$0x2];
	[bflag:$0x3] =	sbarrier.arrive $0xFFFF;
	s2 =	simm.s32 @!p0 $0x1C05  }
0x8a: {  	[timem:s3], [sflag:s2] =	dma.local @!p0 [hbm:s0], s1  }
0x8b: {  	s0 =	simm.s32 @!p0 $0x5  }
0x8c: {  	_ =	swait.ge @!p0 [sflag:s0], s1  }
0x8d: {  	s1 =	ssub.s32 @!p0 $0x0, s1;
	[sflag:s0] =	ssyncset.done @!p0 $0x0  }
0x8e: {  	[sflag:s0] =	ssyncadd.s32 @!p0 s1  }
0x8f: {  	[bflag:$0x3] =	sbarrier.arrive $0xFFFF  }
0x90: {  	_ =	shalt  }

// kernel: kernel.19.cloned.1.call-start
scs
__scs_entry_jumppad:
0x0: {  	(pc) =	sbr.rel $0x88, $3  }
0x1: {  	(tag) =	ssettag $0x0;
	lr =	simm.s32 $0x1  }
0x2: {  	[smem:$0x3F8D] =	sst lr;
	_ =	strace $0xD0000000  }
0x3: {  	_ = 	snop  }
0x4: {  	_ = 	snop  }
0x5: {  	_ = 	snop  }
0x6: {  	_ = 	snop  }
0x7: {  	_ = 	snop  }
__scs_overlays_trampoline_lowered:
0x8: {  	[smem:$0x3F9C] =	sst s0  }
0x9: {  	[smem:$0x3F9D] =	sst s1  }
0xa: {  	[smem:$0x3F9E] =	sst s2  }
0xb: {  	[smem:$0x3F9F] =	sst s3  }
0xc: {  	[smem:$0x3FA0] =	sst s4  }
0xd: {  	[smem:$0x3FA1] =	sst s5  }
0xe: {  	[smem:$0x3FA2] =	sst s6  }
0xf: {  	[smem:$0x3FA3] =	sst s7  }
0x10: {  	[smem:$0x3FA4] =	sst s8  }
0x11: {  	[smem:$0x3FA5] =	sst s9;
	s0 =	simm.s32 @!p0 $0x0  }
0x12: {  	s1 =	sld [smem:$0x3F8B];
	s0 =	simm.s32 @p0 $0x1  }
0x13: {  	[smem:$0x3FA6] =	sst s0;
	s0 =	simm.s32 @!p1 $0x0  }
0x14: {  	s2 =	sld [smem:$0x3F8A];
	s0 =	simm.s32 @p1 $0x1  }
0x15: {  	[smem:$0x3FA7] =	sst s0;
	s0 =	simm.s32 @!p2 $0x0  }
0x16: {  	s3 =	sld [smem:$0x3FDB];
	s0 =	simm.s32 @p2 $0x1  }
0x17: {  	s4 =	simm.s32 $0x1BF5;
	[smem:$0x3FA9] =	sst s0  }
0x18: {  	s0 =	sld [smem:$0x3F8C];
	_ =	swait.ge [sflag:s4], $0x0  }
0x19: {  	s7 =	sld [smem:$0x3F8D]  }
0x1a: {  	s8 =	sadd.s32 $0xFFFFE003, lr  }
0x1b: {  	s9 =	sadd.s32 $0xFFFFFEF7, lr;
	s5 =	simm.s32 $0xFFFFFFFF;
	p2 =	slt.u32 s8, $0xFFFFF086  }
0x1c: {  	p1 =	slt.u32 s9, $0xF7A;
	s5 =	simm.s32 @!p2 $0x0  }
0x1d: {  	s5 =	simm.s32 @p1 $0x1;
	p0 =	seq.s32 s7, s2  }
0x1e: {  	s7 =	smul.u32 @!p0 $0xF7A, s2;
	p2 =	seq.s32 @!p0 s5, $0x0  }
0x1f: {  	s9 =	smul.u32 $0xF7A, s1;
	s8 =	simm.s32 @!p0 $0x1BF5;
	p2 =	por !p2, p0  }
0x20: {  	[sflag:s8] =	ssyncset.s32 @!p0 $0xFFFFF086;
	s6 =	sadd.s32 @!p0 s3, s7;
	s7 =	simm.s32 @!p0 $0x108  }
0x21: {  	s3 =	sadd.s32 s3, s9;
	s6 =	sadd.s32 @!p0 $0x88, s6;
	s7 =	simm.s32 @p2 $0x1082  }
0x22: {  	[simem:s7], [sflag:s8] =	dma.local @!p0 [hbm:s6], $0xF7A  }
0x23: {  	s9 =	sor.u32 $0xD0000000, s2;
	s6 =	simm.s32 $0x108;
	_ =	swait.ge @!p0 [sflag:s8], $0x0  }
0x24: {  	s3 =	sadd.s32 $0x88, s3;
	s6 =	simm.s32 @!p1 $0x1082;
	[sflag:s4] =	ssyncset.s32 $0xFFFFF086  }
0x25: {  	[simem:s6], [sflag:s4] =	dma.local [hbm:s3], $0xF7A  }
0x26: {  	[smem:$0x3F8D] =	sst s1;
	(tag) =	ssettag s2;
	_ =	strace s9  }
0x27: {  	s1 =	sld [smem:$0x3F9D]  }
0x28: {  	s2 =	sld [smem:$0x3F9E]  }
0x29: {  	s4 =	sld [smem:$0x3FA0]  }
0x2a: {  	p0 =	seq.s32 s5, $0x0;
	s5 =	sld [smem:$0x3FA1]  }
0x2b: {  	s6 =	sld [smem:$0x3FA2]  }
0x2c: {  	s7 =	sld [smem:$0x3FA3]  }
0x2d: {  	s3 =	simm.s32 $0x108;
	s8 =	sld [smem:$0x3FA4]  }
0x2e: {  	s3 =	simm.s32 @!p0 $0x1082;
	s9 =	sld [smem:$0x3FA5]  }
0x2f: {  	lr =	sadd.s32 s0, s3;
	s0 =	sld [smem:$0x3F9C]  }
0x30: {  	s3 =	sld [smem:$0x3F9F]  }
0x31: {  	[smem:$0x3FA8] =	sst s10  }
0x32: {  	s10 =	sld [smem:$0x3FA6];
	_ =	sdelay $0x3  }
0x33: {  	p0 =	seq.s32 s10, $0x1;
	s10 =	sld [smem:$0x3FA8];
	_ =	sdelay $0x3  }
0x34: {  	[smem:$0x3FA8] =	sst s10  }
0x35: {  	s10 =	sld [smem:$0x3FA7];
	_ =	sdelay $0x3  }
0x36: {  	p1 =	seq.s32 s10, $0x1;
	s10 =	sld [smem:$0x3FA8];
	_ =	sdelay $0x3  }
0x37: {  	[smem:$0x3FA8] =	sst s10  }
0x38: {  	s10 =	sld [smem:$0x3FA9]  }
0x39: {  	_ = 	snop;
	(pc) =	sbr.ind lr, $3  }
0x3a: {  	_ = 	snop  }
0x3b: {  	_ = 	snop  }
0x3c: {  	p2 =	seq.s32 s10, $0x1;
	s10 =	sld [smem:$0x3FA8]  }
0x3d: {  	_ =	shalt  }
0x3e: {  	_ =	shalt  }
0x3f: {  	_ =	shalt  }
0x40: {  	_ =	shalt  }
0x41: {  	_ =	shalt  }
0x42: {  	_ =	shalt  }
0x43: {  	_ =	shalt  }
0x44: {  	_ =	shalt  }
0x45: {  	_ =	shalt  }
0x46: {  	_ =	shalt  }
0x47: {  	_ =	shalt  }
0x48: {  	_ =	shalt  }
0x49: {  	_ =	shalt  }
0x4a: {  	_ =	shalt  }
0x4b: {  	_ =	shalt  }
0x4c: {  	_ =	shalt  }
0x4d: {  	_ =	shalt  }
0x4e: {  	_ =	shalt  }
0x4f: {  	_ =	shalt  }
0x50: {  	_ =	shalt  }
0x51: {  	_ =	shalt  }
0x52: {  	_ =	shalt  }
0x53: {  	_ =	shalt  }
0x54: {  	_ =	shalt  }
0x55: {  	_ =	shalt  }
0x56: {  	_ =	shalt  }
0x57: {  	_ =	shalt  }
0x58: {  	_ =	shalt  }
0x59: {  	_ =	shalt  }
0x5a: {  	_ =	shalt  }
0x5b: {  	_ =	shalt  }
0x5c: {  	_ =	shalt  }
0x5d: {  	_ =	shalt  }
0x5e: {  	_ =	shalt  }
0x5f: {  	_ =	shalt  }
0x60: {  	_ =	shalt  }
0x61: {  	_ =	shalt  }
0x62: {  	_ =	shalt  }
0x63: {  	_ =	shalt  }
0x64: {  	_ =	shalt  }
0x65: {  	_ =	shalt  }
0x66: {  	_ =	shalt  }
0x67: {  	_ =	shalt  }
0x68: {  	_ =	shalt  }
0x69: {  	_ =	shalt  }
0x6a: {  	_ =	shalt  }
0x6b: {  	_ =	shalt  }
0x6c: {  	_ =	shalt  }
0x6d: {  	_ =	shalt  }
0x6e: {  	_ =	shalt  }
0x6f: {  	_ =	shalt  }
0x70: {  	_ =	shalt  }
0x71: {  	_ =	shalt  }
0x72: {  	_ =	shalt  }
0x73: {  	_ =	shalt  }
0x74: {  	_ =	shalt  }
0x75: {  	_ =	shalt  }
0x76: {  	_ =	shalt  }
0x77: {  	_ =	shalt  }
0x78: {  	_ =	shalt  }
0x79: {  	_ =	shalt  }
0x7a: {  	_ =	shalt  }
0x7b: {  	_ =	shalt  }
0x7c: {  	_ =	shalt  }
0x7d: {  	_ =	shalt  }
0x7e: {  	_ =	shalt  }
0x7f: {  	_ =	shalt  }
0x80: {  	_ =	shalt  }
0x81: {  	_ =	shalt  }
0x82: {  	_ =	shalt  }
0x83: {  	_ =	shalt  }
0x84: {  	_ =	shalt  }
0x85: {  	_ =	shalt  }
0x86: {  	_ =	shalt  }
0x87: {  	_ =	shalt  }
.Lfunc_end0:
.L_simem_size_0:
called_computation.2_lowered:
.L_overlay_start_0:
0x88: {  	s2 =	sld [smem:$0x3FD9]  }
0x89: {  	s3 =	sld [smem:$0x3FFE];
	_ =	sdelay $0x1  }
0x8a: {  	s1 =	srdreg.scid  }
0x8b: {  	s0 =	sand.u32 $0x1, s1  }
0x8c: {  	s16 =	sshll.u32 s0, $0xA;
	s2 =	sadd.s32 s3, s2  }
0x8d: {  	s2 =	sadd.s32 s2, s16  }
0x8e: {  	[smem:$0x3FB4] =	sst s2  }
0x8f: {  	_ = 	snop  }
0x90: {  	(tm) =	ssettm $0x1  }
0x91: {  	s17 =	sld [smem:$0x3FFB];
	_ =	sdelay $0x3  }
0x92: {  	_ =	strace s17  }
0x93: {  	s2 =	sld [smem:$0x3FFC];
	_ =	sdelay $0x3  }
0x94: {  	_ =	strace s2  }
0x95: {  	s2 =	sld [smem:$0x3FFD];
	_ =	sdelay $0x3  }
0x96: {  	_ =	strace s2  }
0x97: {  	_ =	strace $0x8FFFFFFF  }
0x98: {  	s18 =	sld [smem:$0x3FDB];
	_ =	sdelay $0x1  }
0x99: {  	s19 =	simm.s32 $_scs_section_size  }
0x9a: {  	s4 =	simm.s32 $_size__tile_overlayer_lowered;
	s5 =	simm.s32 $_tile_overlayer_lowered  }
0x9b: {  	s22 =	simm.s32 $0x1BFF;
	s21 =	sshll.u32 s5, $0x1;
	s2 =	sadd.s32 s19, s18  }
0x9c: {  	s6 =	simm.s32 $0x0;
	s20 =	sshll.u32 s4, $0x1;
	s4 =	sadd.s32 s21, s2  }
0x9d: {  	[timem:s6], [sflag:s22] =	dma.local [hbm:s4], s20  }
0x9e: {  	_ =	swait.ge [sflag:s22], s20  }
0x9f: {  	s3 =	ssub.s32 $0x0, s20;
	[sflag:s22] =	ssyncset.done $0x0  }
0xa0: {  	[sflag:s22] =	ssyncadd.s32 s3;
	_ =	sdelay $0x1  }
0xa1: {  	s23 =	simm.s32 $0x1B8B  }
0xa2: {  	_ =	swait.ge [sflag:s23], $0x1  }
0xa3: {  	[sflag:s23] =	ssyncset.done $0x0  }
0xa4: {  	s25 =	simm.s32 $0x1B8E;
	s24 =	sld [smem:$0x3FFE];
	[sflag:s23] =	ssyncadd.s32 $0xFFFFFFFF  }
0xa5: {  	s26 =	simm.s32 $execute0_lowered;
	[smem:$0x3FD2] =	sst s25  }
0xa6: {  	s4 =	sshll.u32 s26, $0x1;
	_ =	strace $0x8000004C;
	[dreg:$0x1] =	wrdreg $0xFFFFFFFF  }
0xa7: {  	s28 =	simm.s32 $_size_execute0_lowered;
	s2 =	sadd.s32 s2, s4;
	[dreg:$0x0] =	wrdreg $0x0  }
0xa8: {  	s4 =	sshll.u32 s28, $0x1;
	[dreg:$0x2] =	wrdreg s2  }
0xa9: {  	[dreg:$0x3] =	wrdreg s4  }
0xaa: {  	[dreg:$0x4] =	wrdreg $0xC0  }
0xab: {  	_ =	task [dreg:s6], $0x5FFFF  }
0xac: {  	[dreg:$0x1] =	wrdreg $0xFFFFFFFF  }
0xad: {  	[dreg:$0x0] =	wrdreg $0x60  }
0xae: {  	[dreg:$0x2] =	wrdreg s24  }
0xaf: {  	[dreg:$0x3] =	wrdreg $0x148200  }
0xb0: {  	[dreg:$0x4] =	wrdreg $0x9  }
0xb1: {  	_ =	task.clear_ibuf [dreg:s6], $0x5FFFF;
	_ =	strace $0x9000004C  }
0xb2: {  	s29 =	simm.s32 $0x9;
	_ =	strace $0x8000004E  }
0xb3: {  	_ =	swait.ge [sflag:s29], $0x1  }
0xb4: {  	[sflag:s29] =	ssyncadd.s32 $0xFFFFFFFF  }
0xb5: {  	_ =	strace $0x9000004E  }
0xb6: {  	_ =	sfence  }
0xb7: {  	s30 =	sld [smem:$0x0];
	_ =	sdelay $0x2  }
0xb8: {  	s31 =	sshll.u32 s1, $0xD;
	s1 =	sshrl.u32 s1, $0x2  }
0xb9: {  	s3 =	sand.u32 $0x4000, s31;
	s1 =	sadd.s32 s1, s30  }
0xba: {  	s0 =	sor.u32 s3, s0;
	s1 =	sshll.u32 s1, $0x11  }
0xbb: {  	s0 =	sor.u32 s1, s0  }
0xbc: {  	s0 =	sadd.s32 $0x8F2B, s0  }
0xbd: {  	[sflag:s0] =	ssyncadd.remote.s32 $0x1  }
0xbe: {  	_ =	sfence.sel $0xFFFF  }
0xbf: {  	[dreg:$0x0] =	wrdreg $0xFFFFFFFF;
	(pc) =	sbr.abs _section_cstart, $3  }
0xc0: {  	[dreg:$0x1] =	wrdreg $0xFFFFFFFF  }
0xc1: {  	_ =	task.clear_ibuf [dreg:s6], $0x2FFFF;
	_ =	strace $0x9FFFFFFF  }
0xc2: {  	(tm) =	ssettm $0x7FFFFFFF  }
0xc3: {  	_ =	shalt  }
tec
execute0_lowered:
.L_overlay_start_1:
0x0: {  	(tag) =	ssettag $0x1  }
0x1: {  	s26 =	rddreg [dreg:$0x0]  }
0x2: {  	s0 =	srdreg.scid;
	s2 =	rddreg [dreg:$0x1]  }
0x3: {  	s3 =	simm.s32 $0x0;
	s8 =	simm.s32 $0x1;
	s28 =	sand.u32 $0x1, s0  }
0x4: {  	s9 =	simm.s32 $0x2;
	s0 =	stileid.u32;
	s29 =	sshll.u32 s28, $0x4  }
0x5: {  	s10 =	simm.s32 $0x10;
	s5 =	smul.u32 $0xA000, s0;
	s1 =	sor.u32 s0, s29  }
0x6: {  	[smem:$0x7FF] =	sst s3;
	s30 =	sshll.u32 s0, $0x6;
	s4 =	smul.u32 $0x4E2, s1  }
0x7: {  	s1 =	rddreg [dreg:$0x2];
	_ =	strace $0x8000004D;
	s5 =	sshrl.u32 s5, $0x2  }
0x8: {  	s7 =	sadd.s32 s5, s2;
	s5 =	sor.u32 $0x1C03, s30;
	s11 =	sadd.s32 s4, s26  }
0x9: {  	s4 =	sadd.s32 $0x1A000, s26;
	s7 =	sshrl.u32 s7, $0x3;
	s6 =	sadd.s32 $0xDA00, s11  }
0xa: {  	[spmem:s7@s9], [sflag:s5] =	dma.strided [hbm:s4@s10], $0x500, s8, $0x2   }
0xb: {  	[tilespmem:s3], [sflag:$0x1] =	stream.linear.gather [hbm4b:s6+s3], $0x2710, $0x38;
	[tilespmem:$0x17020] =	vst v63  }
0xc: {  	s12 =	simm.s32 $0x2710;
	s11 =	sadd.s32 $0x3C00, s11  }
0xd: {  	[tilespmem:s12], [sflag:$0x2] =	stream.linear.gather [hbm4b:s11+s3], $0x2710, $0x38;
	[tilespmem:$0x17020] =	vst v63  }
0xe: {  	_ =	swait.ge [sflag:s8], $0x2710  }
0xf: {  	[sflag:s8] =	ssyncset.done $0x0  }
0x10: {  	[sflag:s8] =	ssyncadd.s32 $0xFFFFD8F0  }
0x11: {  	_ =	swait.ge [sflag:s9], $0x2710  }
0x12: {  	s14 =	simm.s32 $0x7D0;
	[sflag:s9] =	ssyncset.done $0x0  }
0x13: {  	s15 =	simm.s32 $0x4E20;
	s13 =	sadd.s32 $0x1C800, s26;
	[sflag:s9] =	ssyncadd.s32 $0xFFFFD8F0  }
0x14: {  	[tilespmem:s15], [sflag:$0x1] =	stream.indirect.gather [hbm4b:s13+s14], $0x10, s3, s14, $0xb8;
	[tilespmem:$0x17020] =	vst v63  }
0x15: {  	s16 =	simm.s32 $0xCB20;
	s17 =	simm.s32 $0x3  }
0x16: {  	[tilespmem:s16], [sflag:$0x2] =	stream.indirect.gather [hbm4b:s13+s14], $0x10, s14, s14, $0xb8;
	[tilespmem:$0x17020] =	vst v63  }
0x17: {  	_ =	swait.ge [sflag:s17], $0x500  }
0x18: {  	[sflag:s17] =	ssyncset.done $0x0  }
0x19: {  	[sflag:s17] =	ssyncadd.s32 $0xFFFFFB00  }
0x1a: {  	[bflag:$0x0] =	sbarrier.arrive $0xFFFF  }
0x1b: {  	_ =	swait.ge [sflag:s8], $0x7D00  }
0x1c: {  	[sflag:s8] =	ssyncset.done $0x0  }
0x1d: {  	[sflag:s8] =	ssyncadd.s32 $0xFFFF8300  }
0x1e: {  	[spmem:s2] =	stream.indirect.scatter.add.f32 [tilespmem:s15], [sflag:$0x3], $0x10, s12, s14, $0xb8;
	[tilespmem:$0x17020] =	vst v63  }
0x1f: {  	_ =	swait.ge [sflag:s17], $0x7D00  }
0x20: {  	[sflag:s17] =	ssyncset.done $0x0  }
0x21: {  	s18 =	simm.s32 $0xFA0;
	[sflag:s17] =	ssyncadd.s32 $0xFFFF8300  }
0x22: {  	[tilespmem:s15], [sflag:$0x1] =	stream.indirect.gather [hbm4b:s13+s14], $0x10, s18, s14, $0xb8;
	[tilespmem:$0x17020] =	vst v63  }
0x23: {  	_ =	swait.ge [sflag:s9], $0x7D00  }
0x24: {  	[sflag:s9] =	ssyncset.done $0x0  }
0x25: {  	s19 =	simm.s32 $0x2EE0;
	s20 =	simm.s32 $0x4;
	[sflag:s9] =	ssyncadd.s32 $0xFFFF8300  }
0x26: {  	[spmem:s2] =	stream.indirect.scatter.add.f32 [tilespmem:s16], [sflag:$0x4], $0x10, s19, s14, $0xb8;
	[tilespmem:$0x17020] =	vst v63  }
0x27: {  	_ =	swait.ge [sflag:s20], $0x7D00  }
0x28: {  	[sflag:s20] =	ssyncset.done $0x0  }
0x29: {  	s21 =	simm.s32 $0x1770;
	[sflag:s20] =	ssyncadd.s32 $0xFFFF8300  }
0x2a: {  	[tilespmem:s16], [sflag:$0x2] =	stream.indirect.gather [hbm4b:s13+s14], $0x10, s21, s14, $0xb8;
	[tilespmem:$0x17020] =	vst v63  }
0x2b: {  	_ =	swait.ge [sflag:s8], $0x7D00  }
0x2c: {  	[sflag:s8] =	ssyncset.done $0x0  }
0x2d: {  	s22 =	simm.s32 $0x36B0;
	[sflag:s8] =	ssyncadd.s32 $0xFFFF8300  }
0x2e: {  	[spmem:s2] =	stream.indirect.scatter.add.f32 [tilespmem:s15], [sflag:$0x3], $0x10, s22, s14, $0xb8;
	[tilespmem:$0x17020] =	vst v63  }
0x2f: {  	_ =	swait.ge [sflag:s17], $0x7D00  }
0x30: {  	[sflag:s17] =	ssyncset.done $0x0  }
0x31: {  	s23 =	simm.s32 $0x1F40;
	[sflag:s17] =	ssyncadd.s32 $0xFFFF8300  }
0x32: {  	[tilespmem:s15], [sflag:$0x1] =	stream.indirect.gather [hbm4b:s13+s14], $0x10, s23, s14, $0xb8;
	[tilespmem:$0x17020] =	vst v63  }
0x33: {  	_ =	swait.ge [sflag:s9], $0x7D00  }
0x34: {  	[sflag:s9] =	ssyncset.done $0x0  }
0x35: {  	s24 =	simm.s32 $0x3E80;
	[sflag:s9] =	ssyncadd.s32 $0xFFFF8300  }
0x36: {  	[spmem:s2] =	stream.indirect.scatter.add.f32 [tilespmem:s16], [sflag:$0x4], $0x10, s24, s14, $0xb8;
	[tilespmem:$0x17020] =	vst v63  }
0x37: {  	_ =	swait.ge [sflag:s8], $0x7D00  }
0x38: {  	[sflag:s8] =	ssyncset.done $0x0  }
0x39: {  	s25 =	simm.s32 $0x4650;
	s31 =	smul.u32 $0x14000, s0;
	[sflag:s8] =	ssyncadd.s32 $0xFFFF8300  }
0x3a: {  	[spmem:s2] =	stream.indirect.scatter.add.f32 [tilespmem:s15], [sflag:$0x3], $0x10, s25, s14, $0xb8;
	[tilespmem:$0x17020] =	vst v63  }
0x3b: {  	s28 =	ssub.s32 $0x2, s28;
	s29 =	sor.u32 s29, s31;
	_ =	swait.ge [sflag:s17], $0x7D00  }
0x3c: {  	s31 =	sshrl.u32 s28, $0x1;
	s29 =	sshrl.u32 s29, $0x3;
	[sflag:s17] =	ssyncset.done $0x0  }
0x3d: {  	s26 =	sadd.s32 s29, s26;
	s29 =	ssub.s32 s28, s31;
	[sflag:s17] =	ssyncadd.s32 $0xFFFF8300  }
0x3e: {  	s28 =	sor.u32 $0x1C05, s30;
	s30 =	smax.u32 s29, $0x1;
	_ =	swait.ge [sflag:s20], $0x7D00  }
0x3f: {  	p0 =	sne.s32 s30, $0x1;
	[sflag:s20] =	ssyncset.done $0x0  }
.Ltmp0:
0x40: {  	[sflag:s20] =	ssyncadd.s32 $0xFFFF8300;
	(pc) =	sbr.rel @!p0 .LBB2_2-.Ltmp0, $4  }
0x41: {  	s26 =	sadd.s32 $0x21800, s26;
	s29 =	simm.s32 $0x5;
	[bflag:$0x0] =	sbarrier.arrive $0xFFFF  }
0x42: {  	[hbm:s26@s10], [sflag:s28] =	dma.strided [spmem:s7@s9], $0x500, s8, $0x2   }
0x43: {  	_ =	swait.ge [sflag:s29], $0x500  }
0x44: {  	s30 =	sadd.s32 $0xFFFFFFFF, s30;
	[sflag:s29] =	ssyncset.done $0x0  }
.LBB2_1:
0x45: {  	p0 =	sne.s32 s30, $0x1;
	s30 =	sadd.s32 $0xFFFFFFFF, s30;
	[sflag:s29] =	ssyncadd.s32 $0xFFFFFB00  }
0x46: {  	[spmem:s7@s9], [sflag:s5] =	dma.strided [hbm:s4@s10], $0x500, s8, $0x2   }
0x47: {  	[tilespmem:s3], [sflag:$0x1] =	stream.linear.gather [hbm4b:s6+s3], $0x2710, $0x38;
	[tilespmem:$0x17020] =	vst v63  }
0x48: {  	_ = 	snop  }
0x49: {  	[tilespmem:s12], [sflag:$0x2] =	stream.linear.gather [hbm4b:s11+s3], $0x2710, $0x38;
	[tilespmem:$0x17020] =	vst v63  }
0x4a: {  	_ =	swait.ge [sflag:s8], $0x2710  }
0x4b: {  	[sflag:s8] =	ssyncset.done $0x0  }
0x4c: {  	[sflag:s8] =	ssyncadd.s32 $0xFFFFD8F0  }
0x4d: {  	_ =	swait.ge [sflag:s9], $0x2710  }
0x4e: {  	[sflag:s9] =	ssyncset.done $0x0  }
0x4f: {  	[sflag:s9] =	ssyncadd.s32 $0xFFFFD8F0  }
0x50: {  	[tilespmem:s15], [sflag:$0x1] =	stream.indirect.gather [hbm4b:s13+s14], $0x10, s3, s14, $0xb8;
	[tilespmem:$0x17020] =	vst v63  }
0x51: {  	_ = 	snop  }
0x52: {  	[tilespmem:s16], [sflag:$0x2] =	stream.indirect.gather [hbm4b:s13+s14], $0x10, s14, s14, $0xb8;
	[tilespmem:$0x17020] =	vst v63  }
0x53: {  	_ =	swait.ge [sflag:s17], $0x500  }
0x54: {  	[sflag:s17] =	ssyncset.done $0x0  }
0x55: {  	[sflag:s17] =	ssyncadd.s32 $0xFFFFFB00  }
0x56: {  	[bflag:$0x0] =	sbarrier.arrive $0xFFFF  }
0x57: {  	_ =	swait.ge [sflag:s8], $0x7D00  }
0x58: {  	[sflag:s8] =	ssyncset.done $0x0  }
0x59: {  	[sflag:s8] =	ssyncadd.s32 $0xFFFF8300  }
0x5a: {  	[spmem:s2] =	stream.indirect.scatter.add.f32 [tilespmem:s15], [sflag:$0x3], $0x10, s12, s14, $0xb8;
	[tilespmem:$0x17020] =	vst v63  }
0x5b: {  	_ =	swait.ge [sflag:s17], $0x7D00  }
0x5c: {  	[sflag:s17] =	ssyncset.done $0x0  }
0x5d: {  	[sflag:s17] =	ssyncadd.s32 $0xFFFF8300  }
0x5e: {  	[tilespmem:s15], [sflag:$0x1] =	stream.indirect.gather [hbm4b:s13+s14], $0x10, s18, s14, $0xb8;
	[tilespmem:$0x17020] =	vst v63  }
0x5f: {  	_ =	swait.ge [sflag:s9], $0x7D00  }
0x60: {  	[sflag:s9] =	ssyncset.done $0x0  }
0x61: {  	[sflag:s9] =	ssyncadd.s32 $0xFFFF8300  }
0x62: {  	[spmem:s2] =	stream.indirect.scatter.add.f32 [tilespmem:s16], [sflag:$0x4], $0x10, s19, s14, $0xb8;
	[tilespmem:$0x17020] =	vst v63  }
0x63: {  	_ =	swait.ge [sflag:s20], $0x7D00  }
0x64: {  	[sflag:s20] =	ssyncset.done $0x0  }
0x65: {  	[sflag:s20] =	ssyncadd.s32 $0xFFFF8300  }
0x66: {  	[tilespmem:s16], [sflag:$0x2] =	stream.indirect.gather [hbm4b:s13+s14], $0x10, s21, s14, $0xb8;
	[tilespmem:$0x17020] =	vst v63  }
0x67: {  	_ =	swait.ge [sflag:s8], $0x7D00  }
0x68: {  	[sflag:s8] =	ssyncset.done $0x0  }
0x69: {  	[sflag:s8] =	ssyncadd.s32 $0xFFFF8300  }
0x6a: {  	[spmem:s2] =	stream.indirect.scatter.add.f32 [tilespmem:s15], [sflag:$0x3], $0x10, s22, s14, $0xb8;
	[tilespmem:$0x17020] =	vst v63  }
0x6b: {  	_ =	swait.ge [sflag:s17], $0x7D00  }
0x6c: {  	[sflag:s17] =	ssyncset.done $0x0  }
0x6d: {  	[sflag:s17] =	ssyncadd.s32 $0xFFFF8300  }
0x6e: {  	[tilespmem:s15], [sflag:$0x1] =	stream.indirect.gather [hbm4b:s13+s14], $0x10, s23, s14, $0xb8;
	[tilespmem:$0x17020] =	vst v63  }
0x6f: {  	_ =	swait.ge [sflag:s9], $0x7D00  }
0x70: {  	[sflag:s9] =	ssyncset.done $0x0  }
0x71: {  	[sflag:s9] =	ssyncadd.s32 $0xFFFF8300  }
0x72: {  	[spmem:s2] =	stream.indirect.scatter.add.f32 [tilespmem:s16], [sflag:$0x4], $0x10, s24, s14, $0xb8;
	[tilespmem:$0x17020] =	vst v63  }
0x73: {  	_ =	swait.ge [sflag:s8], $0x7D00  }
0x74: {  	[sflag:s8] =	ssyncset.done $0x0  }
0x75: {  	[sflag:s8] =	ssyncadd.s32 $0xFFFF8300  }
0x76: {  	[spmem:s2] =	stream.indirect.scatter.add.f32 [tilespmem:s15], [sflag:$0x3], $0x10, s25, s14, $0xb8;
	[tilespmem:$0x17020] =	vst v63  }
0x77: {  	_ =	swait.ge [sflag:s17], $0x7D00  }
0x78: {  	[sflag:s17] =	ssyncset.done $0x0  }
0x79: {  	[sflag:s17] =	ssyncadd.s32 $0xFFFF8300  }
0x7a: {  	_ =	swait.ge [sflag:s20], $0x7D00  }
0x7b: {  	[sflag:s20] =	ssyncset.done $0x0  }
.Ltmp1:
0x7c: {  	[sflag:s20] =	ssyncadd.s32 $0xFFFF8300;
	(pc) =	sbr.rel @p0 .LBB2_1-.Ltmp1, $4  }
0x7d: {  	[bflag:$0x0] =	sbarrier.arrive $0xFFFF  }
0x7e: {  	[hbm:s26@s10], [sflag:s28] =	dma.strided [spmem:s7@s9], $0x500, s8, $0x2   }
0x7f: {  	_ =	swait.ge [sflag:s29], $0x500  }
0x80: {  	[sflag:s29] =	ssyncset.done $0x0  }
.LBB2_2:
0x81: {  	[sflag:s29] =	ssyncadd.s32 $0xFFFFFB00  }
0x82: {  	_ =	sfence.sel $0x180000  }
0x83: {  	[bflag:$0x0] =	sbarrier.arrive $0xFFFF  }
0x84: {  	p0 =	sne.s32 s0, $0x0;
	_ =	strace $0x9000004D  }
0x85: {  	s0 =	sadd.s32 @!p0 $0x100000, s1;
	[bflag:$0x2] =	sbarrier.arrive $0xFFFF  }
0x86: {  	[sflag:s0] =	ssyncadd.tile.s32 @!p0 $0x1;
	_ =	shalt  }
.Lfunc_end2:
_tile_overlayer_lowered:
.L_overlay_start_2:
0x87: {  	(tag) =	ssettag $0x2  }
0x88: {  	s0 =	rddreg [dreg:$0x0];
	s2 =	stileid.u32  }
0x89: {  	s1 =	rddreg [dreg:$0x1];
	p0 =	sne.s32 s2, $0x0  }
0x8a: {  	s3 =	rddreg [dreg:$0x2];
	[bflag:$0x3] =	sbarrier.arrive $0xFFFF;
	s2 =	simm.s32 @!p0 $0x1C05  }
0x8b: {  	[timem:s3], [sflag:s2] =	dma.local @!p0 [hbm:s0], s1  }
0x8c: {  	s0 =	simm.s32 @!p0 $0x5  }
0x8d: {  	_ =	swait.ge @!p0 [sflag:s0], s1  }
0x8e: {  	s1 =	ssub.s32 @!p0 $0x0, s1;
	[sflag:s0] =	ssyncset.done @!p0 $0x0  }
0x8f: {  	[sflag:s0] =	ssyncadd.s32 @!p0 s1  }
0x90: {  	[bflag:$0x3] =	sbarrier.arrive $0xFFFF  }
0x91: {  	_ =	shalt  }

// kernel: kernel.22.cloned.1.call-start
scs
__scs_entry_jumppad:
0x0: {  	(pc) =	sbr.rel $0x88, $3  }
0x1: {  	(tag) =	ssettag $0x0;
	lr =	simm.s32 $0x1  }
0x2: {  	[smem:$0x3F8D] =	sst lr;
	_ =	strace $0xD0000000  }
0x3: {  	_ = 	snop  }
0x4: {  	_ = 	snop  }
0x5: {  	_ = 	snop  }
0x6: {  	_ = 	snop  }
0x7: {  	_ = 	snop  }
__scs_overlays_trampoline_lowered:
0x8: {  	[smem:$0x3F9C] =	sst s0  }
0x9: {  	[smem:$0x3F9D] =	sst s1  }
0xa: {  	[smem:$0x3F9E] =	sst s2  }
0xb: {  	[smem:$0x3F9F] =	sst s3  }
0xc: {  	[smem:$0x3FA0] =	sst s4  }
0xd: {  	[smem:$0x3FA1] =	sst s5  }
0xe: {  	[smem:$0x3FA2] =	sst s6  }
0xf: {  	[smem:$0x3FA3] =	sst s7  }
0x10: {  	[smem:$0x3FA4] =	sst s8  }
0x11: {  	[smem:$0x3FA5] =	sst s9;
	s0 =	simm.s32 @!p0 $0x0  }
0x12: {  	s1 =	sld [smem:$0x3F8B];
	s0 =	simm.s32 @p0 $0x1  }
0x13: {  	[smem:$0x3FA6] =	sst s0;
	s0 =	simm.s32 @!p1 $0x0  }
0x14: {  	s2 =	sld [smem:$0x3F8A];
	s0 =	simm.s32 @p1 $0x1  }
0x15: {  	[smem:$0x3FA7] =	sst s0;
	s0 =	simm.s32 @!p2 $0x0  }
0x16: {  	s3 =	sld [smem:$0x3FDB];
	s0 =	simm.s32 @p2 $0x1  }
0x17: {  	s4 =	simm.s32 $0x1BF5;
	[smem:$0x3FA9] =	sst s0  }
0x18: {  	s0 =	sld [smem:$0x3F8C];
	_ =	swait.ge [sflag:s4], $0x0  }
0x19: {  	s7 =	sld [smem:$0x3F8D]  }
0x1a: {  	s8 =	sadd.s32 $0xFFFFE003, lr  }
0x1b: {  	s9 =	sadd.s32 $0xFFFFFEF7, lr;
	s5 =	simm.s32 $0xFFFFFFFF;
	p2 =	slt.u32 s8, $0xFFFFF086  }
0x1c: {  	p1 =	slt.u32 s9, $0xF7A;
	s5 =	simm.s32 @!p2 $0x0  }
0x1d: {  	s5 =	simm.s32 @p1 $0x1;
	p0 =	seq.s32 s7, s2  }
0x1e: {  	s7 =	smul.u32 @!p0 $0xF7A, s2;
	p2 =	seq.s32 @!p0 s5, $0x0  }
0x1f: {  	s9 =	smul.u32 $0xF7A, s1;
	s8 =	simm.s32 @!p0 $0x1BF5;
	p2 =	por !p2, p0  }
0x20: {  	[sflag:s8] =	ssyncset.s32 @!p0 $0xFFFFF086;
	s6 =	sadd.s32 @!p0 s3, s7;
	s7 =	simm.s32 @!p0 $0x108  }
0x21: {  	s3 =	sadd.s32 s3, s9;
	s6 =	sadd.s32 @!p0 $0x88, s6;
	s7 =	simm.s32 @p2 $0x1082  }
0x22: {  	[simem:s7], [sflag:s8] =	dma.local @!p0 [hbm:s6], $0xF7A  }
0x23: {  	s9 =	sor.u32 $0xD0000000, s2;
	s6 =	simm.s32 $0x108;
	_ =	swait.ge @!p0 [sflag:s8], $0x0  }
0x24: {  	s3 =	sadd.s32 $0x88, s3;
	s6 =	simm.s32 @!p1 $0x1082;
	[sflag:s4] =	ssyncset.s32 $0xFFFFF086  }
0x25: {  	[simem:s6], [sflag:s4] =	dma.local [hbm:s3], $0xF7A  }
0x26: {  	[smem:$0x3F8D] =	sst s1;
	(tag) =	ssettag s2;
	_ =	strace s9  }
0x27: {  	s1 =	sld [smem:$0x3F9D]  }
0x28: {  	s2 =	sld [smem:$0x3F9E]  }
0x29: {  	s4 =	sld [smem:$0x3FA0]  }
0x2a: {  	p0 =	seq.s32 s5, $0x0;
	s5 =	sld [smem:$0x3FA1]  }
0x2b: {  	s6 =	sld [smem:$0x3FA2]  }
0x2c: {  	s7 =	sld [smem:$0x3FA3]  }
0x2d: {  	s3 =	simm.s32 $0x108;
	s8 =	sld [smem:$0x3FA4]  }
0x2e: {  	s3 =	simm.s32 @!p0 $0x1082;
	s9 =	sld [smem:$0x3FA5]  }
0x2f: {  	lr =	sadd.s32 s0, s3;
	s0 =	sld [smem:$0x3F9C]  }
0x30: {  	s3 =	sld [smem:$0x3F9F]  }
0x31: {  	[smem:$0x3FA8] =	sst s10  }
0x32: {  	s10 =	sld [smem:$0x3FA6];
	_ =	sdelay $0x3  }
0x33: {  	p0 =	seq.s32 s10, $0x1;
	s10 =	sld [smem:$0x3FA8];
	_ =	sdelay $0x3  }
0x34: {  	[smem:$0x3FA8] =	sst s10  }
0x35: {  	s10 =	sld [smem:$0x3FA7];
	_ =	sdelay $0x3  }
0x36: {  	p1 =	seq.s32 s10, $0x1;
	s10 =	sld [smem:$0x3FA8];
	_ =	sdelay $0x3  }
0x37: {  	[smem:$0x3FA8] =	sst s10  }
0x38: {  	s10 =	sld [smem:$0x3FA9]  }
0x39: {  	_ = 	snop;
	(pc) =	sbr.ind lr, $3  }
0x3a: {  	_ = 	snop  }
0x3b: {  	_ = 	snop  }
0x3c: {  	p2 =	seq.s32 s10, $0x1;
	s10 =	sld [smem:$0x3FA8]  }
0x3d: {  	_ =	shalt  }
0x3e: {  	_ =	shalt  }
0x3f: {  	_ =	shalt  }
0x40: {  	_ =	shalt  }
0x41: {  	_ =	shalt  }
0x42: {  	_ =	shalt  }
0x43: {  	_ =	shalt  }
0x44: {  	_ =	shalt  }
0x45: {  	_ =	shalt  }
0x46: {  	_ =	shalt  }
0x47: {  	_ =	shalt  }
0x48: {  	_ =	shalt  }
0x49: {  	_ =	shalt  }
0x4a: {  	_ =	shalt  }
0x4b: {  	_ =	shalt  }
0x4c: {  	_ =	shalt  }
0x4d: {  	_ =	shalt  }
0x4e: {  	_ =	shalt  }
0x4f: {  	_ =	shalt  }
0x50: {  	_ =	shalt  }
0x51: {  	_ =	shalt  }
0x52: {  	_ =	shalt  }
0x53: {  	_ =	shalt  }
0x54: {  	_ =	shalt  }
0x55: {  	_ =	shalt  }
0x56: {  	_ =	shalt  }
0x57: {  	_ =	shalt  }
0x58: {  	_ =	shalt  }
0x59: {  	_ =	shalt  }
0x5a: {  	_ =	shalt  }
0x5b: {  	_ =	shalt  }
0x5c: {  	_ =	shalt  }
0x5d: {  	_ =	shalt  }
0x5e: {  	_ =	shalt  }
0x5f: {  	_ =	shalt  }
0x60: {  	_ =	shalt  }
0x61: {  	_ =	shalt  }
0x62: {  	_ =	shalt  }
0x63: {  	_ =	shalt  }
0x64: {  	_ =	shalt  }
0x65: {  	_ =	shalt  }
0x66: {  	_ =	shalt  }
0x67: {  	_ =	shalt  }
0x68: {  	_ =	shalt  }
0x69: {  	_ =	shalt  }
0x6a: {  	_ =	shalt  }
0x6b: {  	_ =	shalt  }
0x6c: {  	_ =	shalt  }
0x6d: {  	_ =	shalt  }
0x6e: {  	_ =	shalt  }
0x6f: {  	_ =	shalt  }
0x70: {  	_ =	shalt  }
0x71: {  	_ =	shalt  }
0x72: {  	_ =	shalt  }
0x73: {  	_ =	shalt  }
0x74: {  	_ =	shalt  }
0x75: {  	_ =	shalt  }
0x76: {  	_ =	shalt  }
0x77: {  	_ =	shalt  }
0x78: {  	_ =	shalt  }
0x79: {  	_ =	shalt  }
0x7a: {  	_ =	shalt  }
0x7b: {  	_ =	shalt  }
0x7c: {  	_ =	shalt  }
0x7d: {  	_ =	shalt  }
0x7e: {  	_ =	shalt  }
0x7f: {  	_ =	shalt  }
0x80: {  	_ =	shalt  }
0x81: {  	_ =	shalt  }
0x82: {  	_ =	shalt  }
0x83: {  	_ =	shalt  }
0x84: {  	_ =	shalt  }
0x85: {  	_ =	shalt  }
0x86: {  	_ =	shalt  }
0x87: {  	_ =	shalt  }
.Lfunc_end0:
.L_simem_size_0:
called_computation.3_lowered:
.L_overlay_start_0:
0x88: {  	s2 =	sld [smem:$0x3FD9]  }
0x89: {  	s3 =	sld [smem:$0x3FFE];
	_ =	sdelay $0x1  }
0x8a: {  	s1 =	srdreg.scid  }
0x8b: {  	s0 =	sand.u32 $0x1, s1  }
0x8c: {  	s16 =	sshll.u32 s0, $0xA;
	s2 =	sadd.s32 s3, s2  }
0x8d: {  	s2 =	sadd.s32 s2, s16  }
0x8e: {  	[smem:$0x3FB4] =	sst s2  }
0x8f: {  	_ = 	snop  }
0x90: {  	(tm) =	ssettm $0x1  }
0x91: {  	s17 =	sld [smem:$0x3FFB];
	_ =	sdelay $0x3  }
0x92: {  	_ =	strace s17  }
0x93: {  	s2 =	sld [smem:$0x3FFC];
	_ =	sdelay $0x3  }
0x94: {  	_ =	strace s2  }
0x95: {  	s2 =	sld [smem:$0x3FFD];
	_ =	sdelay $0x3  }
0x96: {  	_ =	strace s2  }
0x97: {  	_ =	strace $0x8FFFFFFF  }
0x98: {  	s18 =	sld [smem:$0x3FDB];
	_ =	sdelay $0x1  }
0x99: {  	s19 =	simm.s32 $_scs_section_size  }
0x9a: {  	s4 =	simm.s32 $_size__tile_overlayer_lowered;
	s5 =	simm.s32 $_tile_overlayer_lowered  }
0x9b: {  	s22 =	simm.s32 $0x1BFF;
	s21 =	sshll.u32 s5, $0x1;
	s2 =	sadd.s32 s19, s18  }
0x9c: {  	s6 =	simm.s32 $0x0;
	s20 =	sshll.u32 s4, $0x1;
	s4 =	sadd.s32 s21, s2  }
0x9d: {  	[timem:s6], [sflag:s22] =	dma.local [hbm:s4], s20  }
0x9e: {  	_ =	swait.ge [sflag:s22], s20  }
0x9f: {  	s3 =	ssub.s32 $0x0, s20;
	[sflag:s22] =	ssyncset.done $0x0  }
0xa0: {  	[sflag:s22] =	ssyncadd.s32 s3;
	_ =	sdelay $0x1  }
0xa1: {  	s23 =	simm.s32 $0x1B8B  }
0xa2: {  	_ =	swait.ge [sflag:s23], $0x1  }
0xa3: {  	[sflag:s23] =	ssyncset.done $0x0  }
0xa4: {  	s25 =	simm.s32 $0x1B8E;
	s24 =	sld [smem:$0x3FFE];
	[sflag:s23] =	ssyncadd.s32 $0xFFFFFFFF  }
0xa5: {  	s26 =	simm.s32 $execute0_lowered;
	[smem:$0x3FD2] =	sst s25  }
0xa6: {  	s4 =	sshll.u32 s26, $0x1;
	_ =	strace $0x8000004F;
	[dreg:$0x1] =	wrdreg $0xFFFFFFFF  }
0xa7: {  	s28 =	simm.s32 $_size_execute0_lowered;
	s2 =	sadd.s32 s2, s4;
	[dreg:$0x0] =	wrdreg $0x0  }
0xa8: {  	s4 =	sshll.u32 s28, $0x1;
	[dreg:$0x2] =	wrdreg s2  }
0xa9: {  	[dreg:$0x3] =	wrdreg s4  }
0xaa: {  	[dreg:$0x4] =	wrdreg $0xC0  }
0xab: {  	_ =	task [dreg:s6], $0x5FFFF  }
0xac: {  	[dreg:$0x1] =	wrdreg $0xFFFFFFFF  }
0xad: {  	[dreg:$0x0] =	wrdreg $0x60  }
0xae: {  	[dreg:$0x2] =	wrdreg s24  }
0xaf: {  	[dreg:$0x3] =	wrdreg $0x148200  }
0xb0: {  	[dreg:$0x4] =	wrdreg $0x9  }
0xb1: {  	_ =	task.clear_ibuf [dreg:s6], $0x5FFFF;
	_ =	strace $0x9000004F  }
0xb2: {  	s29 =	simm.s32 $0x9;
	_ =	strace $0x80000051  }
0xb3: {  	_ =	swait.ge [sflag:s29], $0x1  }
0xb4: {  	[sflag:s29] =	ssyncadd.s32 $0xFFFFFFFF  }
0xb5: {  	_ =	strace $0x90000051  }
0xb6: {  	_ =	sfence  }
0xb7: {  	s30 =	sld [smem:$0x0];
	_ =	sdelay $0x2  }
0xb8: {  	s31 =	sshll.u32 s1, $0xD;
	s1 =	sshrl.u32 s1, $0x2  }
0xb9: {  	s3 =	sand.u32 $0x4000, s31;
	s1 =	sadd.s32 s1, s30  }
0xba: {  	s0 =	sor.u32 s3, s0;
	s1 =	sshll.u32 s1, $0x11  }
0xbb: {  	s0 =	sor.u32 s1, s0  }
0xbc: {  	s0 =	sadd.s32 $0x8F2B, s0  }
0xbd: {  	[sflag:s0] =	ssyncadd.remote.s32 $0x1  }
0xbe: {  	_ =	sfence.sel $0xFFFF  }
0xbf: {  	[dreg:$0x0] =	wrdreg $0xFFFFFFFF;
	(pc) =	sbr.abs _section_cstart, $3  }
0xc0: {  	[dreg:$0x1] =	wrdreg $0xFFFFFFFF  }
0xc1: {  	_ =	task.clear_ibuf [dreg:s6], $0x2FFFF;
	_ =	strace $0x9FFFFFFF  }
0xc2: {  	(tm) =	ssettm $0x7FFFFFFF  }
0xc3: {  	_ =	shalt  }
tec
execute0_lowered:
.L_overlay_start_1:
0x0: {  	(tag) =	ssettag $0x1  }
0x1: {  	s0 =	srdreg.scid  }
0x2: {  	s1 =	rddreg [dreg:$0x0];
	s31 =	stileid.u32  }
0x3: {  	s2 =	rddreg [dreg:$0x1];
	s23 =	simm.s32 $0x0;
	s30 =	simm.s32 $0x2710  }
0x4: {  	s22 =	simm.s32 $0x7D0;
	s9 =	simm.s32 $0x2;
	s24 =	simm.s32 $0x2AF8  }
0x5: {  	s10 =	simm.s32 $0x3E8;
	s25 =	simm.s32 $0xBB8;
	s13 =	simm.s32 $0x4E20  }
0x6: {  	s26 =	simm.s32 $0x2EE0;
	s12 =	simm.s32 $0xCB20;
	s11 =	simm.s32 $0x3  }
0x7: {  	s29 =	simm.s32 $0xFA0;
	s28 =	simm.s32 $0x32C8;
	p0 =	por $0x0, $0x0  }
0x8: {  	s17 =	simm.s32 $0x2328;
	[smem:$0x7FF] =	sst s23;
	s18 =	sadd.s32 $0x1A000, s1  }
0x9: {  	s16 =	simm.s32 $0x4650;
	_ =	strace $0x80000050;
	[dreg:$0x3] =	wrdreg s18  }
0xa: {  	s15 =	simm.s32 $0x4A38;
	s14 =	simm.s32 $0x5;
	[dreg:$0x8] =	wrdreg s22  }
0xb: {  	s0 =	sand.u32 $0x1, s0;
	s5 =	smul.u32 $0x14000, s31;
	[dreg:$0x9] =	wrdreg s24  }
0xc: {  	s4 =	sadd.s32 $0x1C800, s1;
	s3 =	sshll.u32 s0, $0x4;
	[dreg:$0xa] =	wrdreg s25  }
0xd: {  	s6 =	sshll.u32 s0, $0x5;
	s0 =	ssub.s32 $0x2, s0;
	[dreg:$0xb] =	wrdreg s26  }
0xe: {  	s26 =	simm.s32 $0x1388;
	s25 =	simm.s32 $0x36B0;
	s24 =	simm.s32 $0x1770  }
0xf: {  	s22 =	simm.s32 $0x3A98;
	s18 =	simm.s32 $0x1F40;
	s3 =	sor.u32 s31, s3  }
0x10: {  	s6 =	sor.u32 s6, s5;
	s8 =	sshrl.u32 s0, $0x1;
	s5 =	sshrl.u32 s5, $0x2  }
0x11: {  	s3 =	smul.u32 $0x4E2, s3;
	s6 =	sshrl.u32 s6, $0x3;
	s0 =	ssub.s32 s0, s8  }
0x12: {  	s5 =	sadd.s32 s5, s2;
	s8 =	simm.s32 $0x10;
	s0 =	smax.u32 s0, $0x1  }
0x13: {  	s5 =	sshrl.u32 s5, $0x3;
	s7 =	sadd.s32 s3, s1;
	s3 =	sshll.u32 s31, $0x6  }
0x14: {  	s1 =	sadd.s32 s6, s1;
	p1 =	sne.s32 s0, $0x1;
	s19 =	sor.u32 $0x1C03, s3  }
.Ltmp0:
0x15: {  	s20 =	sadd.s32 $0xDA00, s7;
	[dreg:$0x4] =	wrdreg s19;
	(pc) =	sbr.rel @!p1 .LBB2_5-.Ltmp0, $4  }
0x16: {  	s6 =	simm.s32 $0x1;
	s21 =	sadd.s32 $0x3C00, s7;
	[dreg:$0x5] =	wrdreg s20  }
0x17: {  	s1 =	sadd.s32 $0x26600, s1;
	s7 =	simm.s32 $0x4;
	[dreg:$0x6] =	wrdreg s21  }
0x18: {  	[dreg:$0x7] =	wrdreg s1;
	s21 =	simm.s32 $0x1B58;
	s20 =	simm.s32 $0x3E80  }
0x19: {  	s1 =	sadd.s32 $0xFFFFFFFF, s0;
	s19 =	simm.s32 $0x4268;
	s0 =	rddreg [dreg:$0x3]  }
0x1a: {  	s31 =	rddreg [dreg:$0x4]  }
0x1b: {  	[spmem:s5@s7], [sflag:s31] =	dma.strided [hbm:s0@s8], $0xA00, s6, $0x4   }
0x1c: {  	s0 =	rddreg [dreg:$0x5]  }
0x1d: {  	[tilespmem:s23], [sflag:$0x1] =	stream.linear.gather [hbm4b:s0+s23], $0x2710, $0x38;
	[tilespmem:$0x19820] =	vst v63  }
0x1e: {  	s31 =	rddreg [dreg:$0x6]  }
0x1f: {  	[tilespmem:s30], [sflag:$0x2] =	stream.linear.gather [hbm4b:s31+s23], $0x2710, $0x38;
	[tilespmem:$0x19820] =	vst v63  }
0x20: {  	_ =	swait.ge [sflag:s6], $0x2710  }
0x21: {  	[sflag:s6] =	ssyncset.done $0x0  }
0x22: {  	[sflag:s6] =	ssyncadd.s32 $0xFFFFD8F0  }
0x23: {  	_ =	swait.ge [sflag:s9], $0x2710  }
0x24: {  	[sflag:s9] =	ssyncset.done $0x0  }
0x25: {  	[sflag:s9] =	ssyncadd.s32 $0xFFFFD8F0  }
0x26: {  	[tilespmem:s13], [sflag:$0x1] =	stream.indirect.gather [hbm4b:s4+s10], $0x20, s23, s10, $0xb8;
	[tilespmem:$0x19820] =	vst v63  }
0x27: {  	_ = 	snop  }
0x28: {  	[tilespmem:s12], [sflag:$0x2] =	stream.indirect.gather [hbm4b:s4+s10], $0x20, s10, s10, $0xb8;
	[tilespmem:$0x19820] =	vst v63  }
0x29: {  	_ =	swait.ge [sflag:s11], $0xA00  }
0x2a: {  	[sflag:s11] =	ssyncset.done $0x0  }
0x2b: {  	[sflag:s11] =	ssyncadd.s32 $0xFFFFF600  }
0x2c: {  	[bflag:$0x0] =	sbarrier.arrive $0xFFFF  }
0x2d: {  	_ =	swait.ge [sflag:s6], $0x7D00  }
0x2e: {  	[sflag:s6] =	ssyncset.done $0x0  }
0x2f: {  	[sflag:s6] =	ssyncadd.s32 $0xFFFF8300  }
0x30: {  	[spmem:s2] =	stream.indirect.scatter.add.f32 [tilespmem:s13], [sflag:$0x3], $0x20, s30, s10, $0xb8;
	[tilespmem:$0x19820] =	vst v63  }
0x31: {  	_ =	swait.ge [sflag:s11], $0x7D00  }
0x32: {  	[sflag:s11] =	ssyncset.done $0x0  }
0x33: {  	s0 =	rddreg [dreg:$0x8];
	[sflag:s11] =	ssyncadd.s32 $0xFFFF8300  }
0x34: {  	[tilespmem:s13], [sflag:$0x1] =	stream.indirect.gather [hbm4b:s4+s10], $0x20, s0, s10, $0xb8;
	[tilespmem:$0x19820] =	vst v63  }
0x35: {  	_ =	swait.ge [sflag:s9], $0x7D00  }
0x36: {  	[sflag:s9] =	ssyncset.done $0x0  }
0x37: {  	s0 =	rddreg [dreg:$0x9];
	[sflag:s9] =	ssyncadd.s32 $0xFFFF8300  }
0x38: {  	[spmem:s2] =	stream.indirect.scatter.add.f32 [tilespmem:s12], [sflag:$0x4], $0x20, s0, s10, $0xb8;
	[tilespmem:$0x19820] =	vst v63  }
0x39: {  	_ =	swait.ge [sflag:s7], $0x7D00  }
0x3a: {  	[sflag:s7] =	ssyncset.done $0x0  }
0x3b: {  	s0 =	rddreg [dreg:$0xa];
	[sflag:s7] =	ssyncadd.s32 $0xFFFF8300  }
0x3c: {  	[tilespmem:s12], [sflag:$0x2] =	stream.indirect.gather [hbm4b:s4+s10], $0x20, s0, s10, $0xb8;
	[tilespmem:$0x19820] =	vst v63  }
0x3d: {  	_ =	swait.ge [sflag:s6], $0x7D00  }
0x3e: {  	[sflag:s6] =	ssyncset.done $0x0  }
0x3f: {  	s0 =	rddreg [dreg:$0xb];
	[sflag:s6] =	ssyncadd.s32 $0xFFFF8300  }
0x40: {  	[spmem:s2] =	stream.indirect.scatter.add.f32 [tilespmem:s13], [sflag:$0x3], $0x20, s0, s10, $0xb8;
	[tilespmem:$0x19820] =	vst v63  }
0x41: {  	_ =	swait.ge [sflag:s11], $0x7D00  }
0x42: {  	[sflag:s11] =	ssyncset.done $0x0  }
0x43: {  	[sflag:s11] =	ssyncadd.s32 $0xFFFF8300  }
0x44: {  	[tilespmem:s13], [sflag:$0x1] =	stream.indirect.gather [hbm4b:s4+s10], $0x20, s29, s10, $0xb8;
	[tilespmem:$0x19820] =	vst v63  }
0x45: {  	_ =	swait.ge [sflag:s9], $0x7D00  }
0x46: {  	[sflag:s9] =	ssyncset.done $0x0  }
0x47: {  	[sflag:s9] =	ssyncadd.s32 $0xFFFF8300  }
0x48: {  	[spmem:s2] =	stream.indirect.scatter.add.f32 [tilespmem:s12], [sflag:$0x4], $0x20, s28, s10, $0xb8;
	[tilespmem:$0x19820] =	vst v63  }
0x49: {  	_ =	swait.ge [sflag:s7], $0x7D00  }
0x4a: {  	[sflag:s7] =	ssyncset.done $0x0  }
0x4b: {  	[sflag:s7] =	ssyncadd.s32 $0xFFFF8300  }
0x4c: {  	[tilespmem:s12], [sflag:$0x2] =	stream.indirect.gather [hbm4b:s4+s10], $0x20, s26, s10, $0xb8;
	[tilespmem:$0x19820] =	vst v63  }
0x4d: {  	_ =	swait.ge [sflag:s6], $0x7D00  }
0x4e: {  	[sflag:s6] =	ssyncset.done $0x0  }
0x4f: {  	[sflag:s6] =	ssyncadd.s32 $0xFFFF8300  }
0x50: {  	[spmem:s2] =	stream.indirect.scatter.add.f32 [tilespmem:s13], [sflag:$0x3], $0x20, s25, s10, $0xb8;
	[tilespmem:$0x19820] =	vst v63  }
0x51: {  	_ =	swait.ge [sflag:s11], $0x7D00  }
0x52: {  	[sflag:s11] =	ssyncset.done $0x0  }
0x53: {  	[sflag:s11] =	ssyncadd.s32 $0xFFFF8300  }
0x54: {  	[tilespmem:s13], [sflag:$0x1] =	stream.indirect.gather [hbm4b:s4+s10], $0x20, s24, s10, $0xb8;
	[tilespmem:$0x19820] =	vst v63  }
0x55: {  	_ =	swait.ge [sflag:s9], $0x7D00  }
0x56: {  	[sflag:s9] =	ssyncset.done $0x0  }
0x57: {  	[sflag:s9] =	ssyncadd.s32 $0xFFFF8300  }
0x58: {  	[spmem:s2] =	stream.indirect.scatter.add.f32 [tilespmem:s12], [sflag:$0x4], $0x20, s22, s10, $0xb8;
	[tilespmem:$0x19820] =	vst v63  }
0x59: {  	_ =	swait.ge [sflag:s7], $0x7D00  }
0x5a: {  	[sflag:s7] =	ssyncset.done $0x0  }
0x5b: {  	[sflag:s7] =	ssyncadd.s32 $0xFFFF8300  }
0x5c: {  	[tilespmem:s12], [sflag:$0x2] =	stream.indirect.gather [hbm4b:s4+s10], $0x20, s21, s10, $0xb8;
	[tilespmem:$0x19820] =	vst v63  }
0x5d: {  	_ =	swait.ge [sflag:s6], $0x7D00  }
0x5e: {  	[sflag:s6] =	ssyncset.done $0x0  }
0x5f: {  	[sflag:s6] =	ssyncadd.s32 $0xFFFF8300  }
0x60: {  	[spmem:s2] =	stream.indirect.scatter.add.f32 [tilespmem:s13], [sflag:$0x3], $0x20, s20, s10, $0xb8;
	[tilespmem:$0x19820] =	vst v63  }
0x61: {  	_ =	swait.ge [sflag:s11], $0x7D00  }
0x62: {  	[sflag:s11] =	ssyncset.done $0x0  }
0x63: {  	[sflag:s11] =	ssyncadd.s32 $0xFFFF8300  }
0x64: {  	[tilespmem:s13], [sflag:$0x1] =	stream.indirect.gather [hbm4b:s4+s10], $0x20, s18, s10, $0xb8;
	[tilespmem:$0x19820] =	vst v63  }
0x65: {  	_ =	swait.ge [sflag:s9], $0x7D00  }
0x66: {  	[sflag:s9] =	ssyncset.done $0x0  }
0x67: {  	[sflag:s9] =	ssyncadd.s32 $0xFFFF8300  }
0x68: {  	[spmem:s2] =	stream.indirect.scatter.add.f32 [tilespmem:s12], [sflag:$0x4], $0x20, s19, s10, $0xb8;
	[tilespmem:$0x19820] =	vst v63  }
0x69: {  	_ =	swait.ge [sflag:s7], $0x7D00  }
0x6a: {  	[sflag:s7] =	ssyncset.done $0x0  }
0x6b: {  	[sflag:s7] =	ssyncadd.s32 $0xFFFF8300  }
0x6c: {  	[tilespmem:s12], [sflag:$0x2] =	stream.indirect.gather [hbm4b:s4+s10], $0x20, s17, s10, $0xb8;
	[tilespmem:$0x19820] =	vst v63  }
0x6d: {  	_ =	swait.ge [sflag:s6], $0x7D00  }
0x6e: {  	[sflag:s6] =	ssyncset.done $0x0  }
0x6f: {  	[sflag:s6] =	ssyncadd.s32 $0xFFFF8300  }
0x70: {  	[spmem:s2] =	stream.indirect.scatter.add.f32 [tilespmem:s13], [sflag:$0x3], $0x20, s16, s10, $0xb8;
	[tilespmem:$0x19820] =	vst v63  }
0x71: {  	_ =	swait.ge [sflag:s9], $0x7D00  }
0x72: {  	[sflag:s9] =	ssyncset.done $0x0  }
0x73: {  	[sflag:s9] =	ssyncadd.s32 $0xFFFF8300  }
0x74: {  	[spmem:s2] =	stream.indirect.scatter.add.f32 [tilespmem:s12], [sflag:$0x4], $0x20, s15, s10, $0xb8;
	[tilespmem:$0x19820] =	vst v63  }
0x75: {  	_ =	swait.ge [sflag:s11], $0x7D00  }
0x76: {  	[sflag:s11] =	ssyncset.done $0x0  }
0x77: {  	[sflag:s11] =	ssyncadd.s32 $0xFFFF8300  }
0x78: {  	_ =	swait.ge [sflag:s7], $0x7D00  }
0x79: {  	[sflag:s7] =	ssyncset.done $0x0  }
0x7a: {  	[sflag:s7] =	ssyncadd.s32 $0xFFFF8300  }
0x7b: {  	p1 =	sne.s32 s1, $0x1;
	[bflag:$0x0] =	sbarrier.arrive $0xFFFF  }
.Ltmp1:
0x7c: {  	s0 =	rddreg [dreg:$0x7];
	(pc) =	sbr.rel @!p1 .LBB2_2-.Ltmp1, $4  }
0x7d: {  	s31 =	sor.u32 $0x1C05, s3;
	[dreg:$0xc] =	wrdreg s3  }
0x7e: {  	[hbm:s0@s8], [sflag:s31] =	dma.strided [spmem:s5@s7], $0xA00, s6, $0x4   }
0x7f: {  	s1 =	sadd.s32 $0xFFFFFFFF, s1;
	_ =	swait.ge [sflag:s14], $0xA00  }
0x80: {  	p0 =	por $0x1, $0x1;
	s0 =	rddreg [dreg:$0x3];
	[sflag:s14] =	ssyncset.done $0x0  }
.LBB2_3:
0x81: {  	s3 =	rddreg [dreg:$0x4];
	[sflag:s14] =	ssyncadd.s32 $0xFFFFF600  }
0x82: {  	[spmem:s5@s7], [sflag:s3] =	dma.strided [hbm:s0@s8], $0xA00, s6, $0x4   }
0x83: {  	s0 =	rddreg [dreg:$0x5]  }
0x84: {  	[tilespmem:s23], [sflag:$0x1] =	stream.linear.gather [hbm4b:s0+s23], $0x2710, $0x38;
	[tilespmem:$0x19820] =	vst v63  }
0x85: {  	s3 =	rddreg [dreg:$0x6]  }
0x86: {  	[tilespmem:s30], [sflag:$0x2] =	stream.linear.gather [hbm4b:s3+s23], $0x2710, $0x38;
	[tilespmem:$0x19820] =	vst v63  }
0x87: {  	_ =	swait.ge [sflag:s6], $0x2710  }
0x88: {  	[sflag:s6] =	ssyncset.done $0x0  }
0x89: {  	[sflag:s6] =	ssyncadd.s32 $0xFFFFD8F0  }
0x8a: {  	_ =	swait.ge [sflag:s9], $0x2710  }
0x8b: {  	[sflag:s9] =	ssyncset.done $0x0  }
0x8c: {  	[sflag:s9] =	ssyncadd.s32 $0xFFFFD8F0  }
0x8d: {  	[tilespmem:s13], [sflag:$0x1] =	stream.indirect.gather [hbm4b:s4+s10], $0x20, s23, s10, $0xb8;
	[tilespmem:$0x19820] =	vst v63  }
0x8e: {  	_ = 	snop  }
0x8f: {  	[tilespmem:s12], [sflag:$0x2] =	stream.indirect.gather [hbm4b:s4+s10], $0x20, s10, s10, $0xb8;
	[tilespmem:$0x19820] =	vst v63  }
0x90: {  	_ =	swait.ge [sflag:s11], $0xA00  }
0x91: {  	[sflag:s11] =	ssyncset.done $0x0  }
0x92: {  	[sflag:s11] =	ssyncadd.s32 $0xFFFFF600  }
0x93: {  	[bflag:$0x0] =	sbarrier.arrive $0xFFFF  }
0x94: {  	_ =	swait.ge [sflag:s6], $0x7D00  }
0x95: {  	[sflag:s6] =	ssyncset.done $0x0  }
0x96: {  	[sflag:s6] =	ssyncadd.s32 $0xFFFF8300  }
0x97: {  	[spmem:s2] =	stream.indirect.scatter.add.f32 [tilespmem:s13], [sflag:$0x3], $0x20, s30, s10, $0xb8;
	[tilespmem:$0x19820] =	vst v63  }
0x98: {  	_ =	swait.ge [sflag:s11], $0x7D00  }
0x99: {  	[sflag:s11] =	ssyncset.done $0x0  }
0x9a: {  	s3 =	rddreg [dreg:$0x8];
	[sflag:s11] =	ssyncadd.s32 $0xFFFF8300  }
0x9b: {  	[tilespmem:s13], [sflag:$0x1] =	stream.indirect.gather [hbm4b:s4+s10], $0x20, s3, s10, $0xb8;
	[tilespmem:$0x19820] =	vst v63  }
0x9c: {  	_ =	swait.ge [sflag:s9], $0x7D00  }
0x9d: {  	[sflag:s9] =	ssyncset.done $0x0  }
0x9e: {  	s3 =	rddreg [dreg:$0x9];
	[sflag:s9] =	ssyncadd.s32 $0xFFFF8300  }
0x9f: {  	[spmem:s2] =	stream.indirect.scatter.add.f32 [tilespmem:s12], [sflag:$0x4], $0x20, s3, s10, $0xb8;
	[tilespmem:$0x19820] =	vst v63  }
0xa0: {  	_ =	swait.ge [sflag:s7], $0x7D00  }
0xa1: {  	[sflag:s7] =	ssyncset.done $0x0  }
0xa2: {  	s3 =	rddreg [dreg:$0xa];
	[sflag:s7] =	ssyncadd.s32 $0xFFFF8300  }
0xa3: {  	[tilespmem:s12], [sflag:$0x2] =	stream.indirect.gather [hbm4b:s4+s10], $0x20, s3, s10, $0xb8;
	[tilespmem:$0x19820] =	vst v63  }
0xa4: {  	_ =	swait.ge [sflag:s6], $0x7D00  }
0xa5: {  	[sflag:s6] =	ssyncset.done $0x0  }
0xa6: {  	s3 =	rddreg [dreg:$0xb];
	[sflag:s6] =	ssyncadd.s32 $0xFFFF8300  }
0xa7: {  	[spmem:s2] =	stream.indirect.scatter.add.f32 [tilespmem:s13], [sflag:$0x3], $0x20, s3, s10, $0xb8;
	[tilespmem:$0x19820] =	vst v63  }
0xa8: {  	_ =	swait.ge [sflag:s11], $0x7D00  }
0xa9: {  	[sflag:s11] =	ssyncset.done $0x0  }
0xaa: {  	[sflag:s11] =	ssyncadd.s32 $0xFFFF8300  }
0xab: {  	[tilespmem:s13], [sflag:$0x1] =	stream.indirect.gather [hbm4b:s4+s10], $0x20, s29, s10, $0xb8;
	[tilespmem:$0x19820] =	vst v63  }
0xac: {  	_ =	swait.ge [sflag:s9], $0x7D00  }
0xad: {  	[sflag:s9] =	ssyncset.done $0x0  }
0xae: {  	[sflag:s9] =	ssyncadd.s32 $0xFFFF8300  }
0xaf: {  	[spmem:s2] =	stream.indirect.scatter.add.f32 [tilespmem:s12], [sflag:$0x4], $0x20, s28, s10, $0xb8;
	[tilespmem:$0x19820] =	vst v63  }
0xb0: {  	_ =	swait.ge [sflag:s7], $0x7D00  }
0xb1: {  	[sflag:s7] =	ssyncset.done $0x0  }
0xb2: {  	[sflag:s7] =	ssyncadd.s32 $0xFFFF8300  }
0xb3: {  	[tilespmem:s12], [sflag:$0x2] =	stream.indirect.gather [hbm4b:s4+s10], $0x20, s26, s10, $0xb8;
	[tilespmem:$0x19820] =	vst v63  }
0xb4: {  	_ =	swait.ge [sflag:s6], $0x7D00  }
0xb5: {  	[sflag:s6] =	ssyncset.done $0x0  }
0xb6: {  	[sflag:s6] =	ssyncadd.s32 $0xFFFF8300  }
0xb7: {  	[spmem:s2] =	stream.indirect.scatter.add.f32 [tilespmem:s13], [sflag:$0x3], $0x20, s25, s10, $0xb8;
	[tilespmem:$0x19820] =	vst v63  }
0xb8: {  	_ =	swait.ge [sflag:s11], $0x7D00  }
0xb9: {  	[sflag:s11] =	ssyncset.done $0x0  }
0xba: {  	[sflag:s11] =	ssyncadd.s32 $0xFFFF8300  }
0xbb: {  	[tilespmem:s13], [sflag:$0x1] =	stream.indirect.gather [hbm4b:s4+s10], $0x20, s24, s10, $0xb8;
	[tilespmem:$0x19820] =	vst v63  }
0xbc: {  	_ =	swait.ge [sflag:s9], $0x7D00  }
0xbd: {  	[sflag:s9] =	ssyncset.done $0x0  }
0xbe: {  	[sflag:s9] =	ssyncadd.s32 $0xFFFF8300  }
0xbf: {  	[spmem:s2] =	stream.indirect.scatter.add.f32 [tilespmem:s12], [sflag:$0x4], $0x20, s22, s10, $0xb8;
	[tilespmem:$0x19820] =	vst v63  }
0xc0: {  	_ =	swait.ge [sflag:s7], $0x7D00  }
0xc1: {  	[sflag:s7] =	ssyncset.done $0x0  }
0xc2: {  	[sflag:s7] =	ssyncadd.s32 $0xFFFF8300  }
0xc3: {  	[tilespmem:s12], [sflag:$0x2] =	stream.indirect.gather [hbm4b:s4+s10], $0x20, s21, s10, $0xb8;
	[tilespmem:$0x19820] =	vst v63  }
0xc4: {  	_ =	swait.ge [sflag:s6], $0x7D00  }
0xc5: {  	[sflag:s6] =	ssyncset.done $0x0  }
0xc6: {  	[sflag:s6] =	ssyncadd.s32 $0xFFFF8300  }
0xc7: {  	[spmem:s2] =	stream.indirect.scatter.add.f32 [tilespmem:s13], [sflag:$0x3], $0x20, s20, s10, $0xb8;
	[tilespmem:$0x19820] =	vst v63  }
0xc8: {  	_ =	swait.ge [sflag:s11], $0x7D00  }
0xc9: {  	[sflag:s11] =	ssyncset.done $0x0  }
0xca: {  	[sflag:s11] =	ssyncadd.s32 $0xFFFF8300  }
0xcb: {  	[tilespmem:s13], [sflag:$0x1] =	stream.indirect.gather [hbm4b:s4+s10], $0x20, s18, s10, $0xb8;
	[tilespmem:$0x19820] =	vst v63  }
0xcc: {  	_ =	swait.ge [sflag:s9], $0x7D00  }
0xcd: {  	[sflag:s9] =	ssyncset.done $0x0  }
0xce: {  	[sflag:s9] =	ssyncadd.s32 $0xFFFF8300  }
0xcf: {  	[spmem:s2] =	stream.indirect.scatter.add.f32 [tilespmem:s12], [sflag:$0x4], $0x20, s19, s10, $0xb8;
	[tilespmem:$0x19820] =	vst v63  }
0xd0: {  	_ =	swait.ge [sflag:s7], $0x7D00  }
0xd1: {  	[sflag:s7] =	ssyncset.done $0x0  }
0xd2: {  	[sflag:s7] =	ssyncadd.s32 $0xFFFF8300  }
0xd3: {  	[tilespmem:s12], [sflag:$0x2] =	stream.indirect.gather [hbm4b:s4+s10], $0x20, s17, s10, $0xb8;
	[tilespmem:$0x19820] =	vst v63  }
0xd4: {  	_ =	swait.ge [sflag:s6], $0x7D00  }
0xd5: {  	[sflag:s6] =	ssyncset.done $0x0  }
0xd6: {  	[sflag:s6] =	ssyncadd.s32 $0xFFFF8300  }
0xd7: {  	[spmem:s2] =	stream.indirect.scatter.add.f32 [tilespmem:s13], [sflag:$0x3], $0x20, s16, s10, $0xb8;
	[tilespmem:$0x19820] =	vst v63  }
0xd8: {  	_ =	swait.ge [sflag:s9], $0x7D00  }
0xd9: {  	[sflag:s9] =	ssyncset.done $0x0  }
0xda: {  	[sflag:s9] =	ssyncadd.s32 $0xFFFF8300  }
0xdb: {  	[spmem:s2] =	stream.indirect.scatter.add.f32 [tilespmem:s12], [sflag:$0x4], $0x20, s15, s10, $0xb8;
	[tilespmem:$0x19820] =	vst v63  }
0xdc: {  	_ =	swait.ge [sflag:s11], $0x7D00  }
0xdd: {  	[sflag:s11] =	ssyncset.done $0x0  }
0xde: {  	[sflag:s11] =	ssyncadd.s32 $0xFFFF8300  }
0xdf: {  	_ =	swait.ge [sflag:s7], $0x7D00  }
0xe0: {  	[sflag:s7] =	ssyncset.done $0x0  }
0xe1: {  	p1 =	sne.s32 s1, $0x1;
	[sflag:s7] =	ssyncadd.s32 $0xFFFF8300  }
.Ltmp2:
0xe2: {  	[bflag:$0x0] =	sbarrier.arrive $0xFFFF;
	(pc) =	sbr.rel @p1 .LBB2_3-.Ltmp2, $4  }
0xe3: {  	s3 =	rddreg [dreg:$0x7]  }
0xe4: {  	[hbm:s3@s8], [sflag:s31] =	dma.strided [spmem:s5@s7], $0xA00, s6, $0x4   }
0xe5: {  	_ =	swait.ge [sflag:s14], $0xA00  }
0xe6: {  	s1 =	sadd.s32 $0xFFFFFFFF, s1;
	s0 =	rddreg [dreg:$0x3];
	[sflag:s14] =	ssyncset.done $0x0  }
0xe7: {  	s31 =	stileid.u32;
	s3 =	rddreg [dreg:$0xc]  }
.LBB2_5:
0xe8: {  	s1 =	rddreg [dreg:$0x4];
	[sflag:s14] =	ssyncadd.s32 @p0 $0xFFFFF600  }
0xe9: {  	[spmem:s5@s7], [sflag:s1] =	dma.strided [hbm:s0@s8], $0xA00, s6, $0x4   }
0xea: {  	s0 =	rddreg [dreg:$0x5]  }
0xeb: {  	[tilespmem:s23], [sflag:$0x1] =	stream.linear.gather [hbm4b:s0+s23], $0x2710, $0x38;
	[tilespmem:$0x19820] =	vst v63  }
0xec: {  	s1 =	rddreg [dreg:$0x6]  }
0xed: {  	[tilespmem:s30], [sflag:$0x2] =	stream.linear.gather [hbm4b:s1+s23], $0x2710, $0x38;
	[tilespmem:$0x19820] =	vst v63  }
0xee: {  	_ =	swait.ge [sflag:s6], $0x2710  }
0xef: {  	[sflag:s6] =	ssyncset.done $0x0  }
0xf0: {  	[sflag:s6] =	ssyncadd.s32 $0xFFFFD8F0  }
0xf1: {  	_ =	swait.ge [sflag:s9], $0x2710  }
0xf2: {  	[sflag:s9] =	ssyncset.done $0x0  }
0xf3: {  	[sflag:s9] =	ssyncadd.s32 $0xFFFFD8F0  }
0xf4: {  	[tilespmem:s13], [sflag:$0x1] =	stream.indirect.gather [hbm4b:s4+s10], $0x20, s23, s10, $0xb8;
	[tilespmem:$0x19820] =	vst v63  }
0xf5: {  	_ = 	snop  }
0xf6: {  	[tilespmem:s12], [sflag:$0x2] =	stream.indirect.gather [hbm4b:s4+s10], $0x20, s10, s10, $0xb8;
	[tilespmem:$0x19820] =	vst v63  }
0xf7: {  	_ =	swait.ge [sflag:s11], $0xA00  }
0xf8: {  	[sflag:s11] =	ssyncset.done $0x0  }
0xf9: {  	[sflag:s11] =	ssyncadd.s32 $0xFFFFF600  }
0xfa: {  	[bflag:$0x0] =	sbarrier.arrive $0xFFFF  }
0xfb: {  	_ =	swait.ge [sflag:s6], $0x7D00  }
0xfc: {  	[sflag:s6] =	ssyncset.done $0x0  }
0xfd: {  	[sflag:s6] =	ssyncadd.s32 $0xFFFF8300  }
0xfe: {  	[spmem:s2] =	stream.indirect.scatter.add.f32 [tilespmem:s13], [sflag:$0x3], $0x20, s30, s10, $0xb8;
	[tilespmem:$0x19820] =	vst v63  }
0xff: {  	_ =	swait.ge [sflag:s11], $0x7D00  }
0x100: {  	[sflag:s11] =	ssyncset.done $0x0  }
0x101: {  	s23 =	rddreg [dreg:$0x8];
	[sflag:s11] =	ssyncadd.s32 $0xFFFF8300  }
0x102: {  	[tilespmem:s13], [sflag:$0x1] =	stream.indirect.gather [hbm4b:s4+s10], $0x20, s23, s10, $0xb8;
	[tilespmem:$0x19820] =	vst v63  }
0x103: {  	_ =	swait.ge [sflag:s9], $0x7D00  }
0x104: {  	[sflag:s9] =	ssyncset.done $0x0  }
0x105: {  	s30 =	rddreg [dreg:$0x9];
	[sflag:s9] =	ssyncadd.s32 $0xFFFF8300  }
0x106: {  	[spmem:s2] =	stream.indirect.scatter.add.f32 [tilespmem:s12], [sflag:$0x4], $0x20, s30, s10, $0xb8;
	[tilespmem:$0x19820] =	vst v63  }
0x107: {  	_ =	swait.ge [sflag:s7], $0x7D00  }
0x108: {  	[sflag:s7] =	ssyncset.done $0x0  }
0x109: {  	s1 =	rddreg [dreg:$0xa];
	[sflag:s7] =	ssyncadd.s32 $0xFFFF8300  }
0x10a: {  	[tilespmem:s12], [sflag:$0x2] =	stream.indirect.gather [hbm4b:s4+s10], $0x20, s1, s10, $0xb8;
	[tilespmem:$0x19820] =	vst v63  }
0x10b: {  	_ =	swait.ge [sflag:s6], $0x7D00  }
0x10c: {  	[sflag:s6] =	ssyncset.done $0x0  }
0x10d: {  	s23 =	rddreg [dreg:$0xb];
	[sflag:s6] =	ssyncadd.s32 $0xFFFF8300  }
0x10e: {  	[spmem:s2] =	stream.indirect.scatter.add.f32 [tilespmem:s13], [sflag:$0x3], $0x20, s23, s10, $0xb8;
	[tilespmem:$0x19820] =	vst v63  }
0x10f: {  	_ =	swait.ge [sflag:s11], $0x7D00  }
0x110: {  	[sflag:s11] =	ssyncset.done $0x0  }
0x111: {  	[sflag:s11] =	ssyncadd.s32 $0xFFFF8300  }
0x112: {  	[tilespmem:s13], [sflag:$0x1] =	stream.indirect.gather [hbm4b:s4+s10], $0x20, s29, s10, $0xb8;
	[tilespmem:$0x19820] =	vst v63  }
0x113: {  	_ =	swait.ge [sflag:s9], $0x7D00  }
0x114: {  	[sflag:s9] =	ssyncset.done $0x0  }
0x115: {  	[sflag:s9] =	ssyncadd.s32 $0xFFFF8300  }
0x116: {  	[spmem:s2] =	stream.indirect.scatter.add.f32 [tilespmem:s12], [sflag:$0x4], $0x20, s28, s10, $0xb8;
	[tilespmem:$0x19820] =	vst v63  }
0x117: {  	_ =	swait.ge [sflag:s7], $0x7D00  }
0x118: {  	[sflag:s7] =	ssyncset.done $0x0  }
0x119: {  	[sflag:s7] =	ssyncadd.s32 $0xFFFF8300  }
0x11a: {  	[tilespmem:s12], [sflag:$0x2] =	stream.indirect.gather [hbm4b:s4+s10], $0x20, s26, s10, $0xb8;
	[tilespmem:$0x19820] =	vst v63  }
0x11b: {  	_ =	swait.ge [sflag:s6], $0x7D00  }
0x11c: {  	[sflag:s6] =	ssyncset.done $0x0  }
0x11d: {  	[sflag:s6] =	ssyncadd.s32 $0xFFFF8300  }
0x11e: {  	[spmem:s2] =	stream.indirect.scatter.add.f32 [tilespmem:s13], [sflag:$0x3], $0x20, s25, s10, $0xb8;
	[tilespmem:$0x19820] =	vst v63  }
0x11f: {  	_ =	swait.ge [sflag:s11], $0x7D00  }
0x120: {  	[sflag:s11] =	ssyncset.done $0x0  }
0x121: {  	[sflag:s11] =	ssyncadd.s32 $0xFFFF8300  }
0x122: {  	[tilespmem:s13], [sflag:$0x1] =	stream.indirect.gather [hbm4b:s4+s10], $0x20, s24, s10, $0xb8;
	[tilespmem:$0x19820] =	vst v63  }
0x123: {  	_ =	swait.ge [sflag:s9], $0x7D00  }
0x124: {  	[sflag:s9] =	ssyncset.done $0x0  }
0x125: {  	[sflag:s9] =	ssyncadd.s32 $0xFFFF8300  }
0x126: {  	[spmem:s2] =	stream.indirect.scatter.add.f32 [tilespmem:s12], [sflag:$0x4], $0x20, s22, s10, $0xb8;
	[tilespmem:$0x19820] =	vst v63  }
0x127: {  	_ =	swait.ge [sflag:s7], $0x7D00  }
0x128: {  	[sflag:s7] =	ssyncset.done $0x0  }
0x129: {  	[sflag:s7] =	ssyncadd.s32 $0xFFFF8300  }
0x12a: {  	[tilespmem:s12], [sflag:$0x2] =	stream.indirect.gather [hbm4b:s4+s10], $0x20, s21, s10, $0xb8;
	[tilespmem:$0x19820] =	vst v63  }
0x12b: {  	_ =	swait.ge [sflag:s6], $0x7D00  }
0x12c: {  	[sflag:s6] =	ssyncset.done $0x0  }
0x12d: {  	[sflag:s6] =	ssyncadd.s32 $0xFFFF8300  }
0x12e: {  	[spmem:s2] =	stream.indirect.scatter.add.f32 [tilespmem:s13], [sflag:$0x3], $0x20, s20, s10, $0xb8;
	[tilespmem:$0x19820] =	vst v63  }
0x12f: {  	_ =	swait.ge [sflag:s11], $0x7D00  }
0x130: {  	[sflag:s11] =	ssyncset.done $0x0  }
0x131: {  	[sflag:s11] =	ssyncadd.s32 $0xFFFF8300  }
0x132: {  	[tilespmem:s13], [sflag:$0x1] =	stream.indirect.gather [hbm4b:s4+s10], $0x20, s18, s10, $0xb8;
	[tilespmem:$0x19820] =	vst v63  }
0x133: {  	_ =	swait.ge [sflag:s9], $0x7D00  }
0x134: {  	[sflag:s9] =	ssyncset.done $0x0  }
0x135: {  	[sflag:s9] =	ssyncadd.s32 $0xFFFF8300  }
0x136: {  	[spmem:s2] =	stream.indirect.scatter.add.f32 [tilespmem:s12], [sflag:$0x4], $0x20, s19, s10, $0xb8;
	[tilespmem:$0x19820] =	vst v63  }
0x137: {  	_ =	swait.ge [sflag:s7], $0x7D00  }
0x138: {  	[sflag:s7] =	ssyncset.done $0x0  }
0x139: {  	[sflag:s7] =	ssyncadd.s32 $0xFFFF8300  }
0x13a: {  	[tilespmem:s12], [sflag:$0x2] =	stream.indirect.gather [hbm4b:s4+s10], $0x20, s17, s10, $0xb8;
	[tilespmem:$0x19820] =	vst v63  }
0x13b: {  	_ =	swait.ge [sflag:s6], $0x7D00  }
0x13c: {  	[sflag:s6] =	ssyncset.done $0x0  }
0x13d: {  	[sflag:s6] =	ssyncadd.s32 $0xFFFF8300  }
0x13e: {  	[spmem:s2] =	stream.indirect.scatter.add.f32 [tilespmem:s13], [sflag:$0x3], $0x20, s16, s10, $0xb8;
	[tilespmem:$0x19820] =	vst v63  }
0x13f: {  	_ =	swait.ge [sflag:s9], $0x7D00  }
0x140: {  	[sflag:s9] =	ssyncset.done $0x0  }
0x141: {  	[sflag:s9] =	ssyncadd.s32 $0xFFFF8300  }
0x142: {  	[spmem:s2] =	stream.indirect.scatter.add.f32 [tilespmem:s12], [sflag:$0x4], $0x20, s15, s10, $0xb8;
	[tilespmem:$0x19820] =	vst v63  }
0x143: {  	_ =	swait.ge [sflag:s11], $0x7D00  }
0x144: {  	[sflag:s11] =	ssyncset.done $0x0  }
0x145: {  	[sflag:s11] =	ssyncadd.s32 $0xFFFF8300  }
0x146: {  	_ =	swait.ge [sflag:s7], $0x7D00  }
0x147: {  	[sflag:s7] =	ssyncset.done $0x0  }
0x148: {  	[sflag:s7] =	ssyncadd.s32 $0xFFFF8300  }
0x149: {  	[bflag:$0x0] =	sbarrier.arrive $0xFFFF  }
0x14a: {  	s30 =	sor.u32 $0x1C05, s3;
	s29 =	rddreg [dreg:$0x7]  }
0x14b: {  	[hbm:s29@s8], [sflag:s30] =	dma.strided [spmem:s5@s7], $0xA00, s6, $0x4   }
0x14c: {  	_ =	swait.ge [sflag:s14], $0xA00  }
0x14d: {  	[sflag:s14] =	ssyncset.done $0x0  }
0x14e: {  	[sflag:s14] =	ssyncadd.s32 $0xFFFFF600  }
0x14f: {  	_ =	sfence.sel $0x180000  }
0x150: {  	[bflag:$0x0] =	sbarrier.arrive $0xFFFF  }
0x151: {  	_ =	strace $0x90000050  }
0x152: {  	[bflag:$0x2] =	sbarrier.arrive $0xFFFF  }
0x153: {  	p0 =	sne.s32 s31, $0x0;
	s0 =	rddreg [dreg:$0x2]  }
0x154: {  	s0 =	sadd.s32 @!p0 $0x100000, s0  }
0x155: {  	[sflag:s0] =	ssyncadd.tile.s32 @!p0 $0x1;
	_ =	shalt  }
.LBB2_2:
.Ltmp3:
0x156: {  	(pc) =	sbr.rel .LBB2_5-.Ltmp3, $2  }
0x157: {  	_ =	sdelay $0x2  }
0x158: {  	s31 =	stileid.u32;
	s3 =	rddreg [dreg:$0xc]  }
.Lfunc_end2:
_tile_overlayer_lowered:
.L_overlay_start_2:
0x159: {  	(tag) =	ssettag $0x2  }
0x15a: {  	s0 =	rddreg [dreg:$0x0];
	s2 =	stileid.u32  }
0x15b: {  	s1 =	rddreg [dreg:$0x1];
	p0 =	sne.s32 s2, $0x0  }
0x15c: {  	s3 =	rddreg [dreg:$0x2];
	[bflag:$0x3] =	sbarrier.arrive $0xFFFF;
	s2 =	simm.s32 @!p0 $0x1C05  }
0x15d: {  	[timem:s3], [sflag:s2] =	dma.local @!p0 [hbm:s0], s1  }
0x15e: {  	s0 =	simm.s32 @!p0 $0x5  }
0x15f: {  	_ =	swait.ge @!p0 [sflag:s0], s1  }
0x160: {  	s1 =	ssub.s32 @!p0 $0x0, s1;
	[sflag:s0] =	ssyncset.done @!p0 $0x0  }
0x161: {  	[sflag:s0] =	ssyncadd.s32 @!p0 s1  }
0x162: {  	[bflag:$0x3] =	sbarrier.arrive $0xFFFF  }
0x163: {  	_ =	shalt  }

// kernel: kernel.25.cloned.1.call-start
scs
__scs_entry_jumppad:
0x0: {  	(pc) =	sbr.rel $0x88, $3  }
0x1: {  	(tag) =	ssettag $0x0;
	lr =	simm.s32 $0x1  }
0x2: {  	[smem:$0x3F8D] =	sst lr;
	_ =	strace $0xD0000000  }
0x3: {  	_ = 	snop  }
0x4: {  	_ = 	snop  }
0x5: {  	_ = 	snop  }
0x6: {  	_ = 	snop  }
0x7: {  	_ = 	snop  }
__scs_overlays_trampoline_lowered:
0x8: {  	[smem:$0x3F9C] =	sst s0  }
0x9: {  	[smem:$0x3F9D] =	sst s1  }
0xa: {  	[smem:$0x3F9E] =	sst s2  }
0xb: {  	[smem:$0x3F9F] =	sst s3  }
0xc: {  	[smem:$0x3FA0] =	sst s4  }
0xd: {  	[smem:$0x3FA1] =	sst s5  }
0xe: {  	[smem:$0x3FA2] =	sst s6  }
0xf: {  	[smem:$0x3FA3] =	sst s7  }
0x10: {  	[smem:$0x3FA4] =	sst s8  }
0x11: {  	[smem:$0x3FA5] =	sst s9;
	s0 =	simm.s32 @!p0 $0x0  }
0x12: {  	s1 =	sld [smem:$0x3F8B];
	s0 =	simm.s32 @p0 $0x1  }
0x13: {  	[smem:$0x3FA6] =	sst s0;
	s0 =	simm.s32 @!p1 $0x0  }
0x14: {  	s2 =	sld [smem:$0x3F8A];
	s0 =	simm.s32 @p1 $0x1  }
0x15: {  	[smem:$0x3FA7] =	sst s0;
	s0 =	simm.s32 @!p2 $0x0  }
0x16: {  	s3 =	sld [smem:$0x3FDB];
	s0 =	simm.s32 @p2 $0x1  }
0x17: {  	s4 =	simm.s32 $0x1BF5;
	[smem:$0x3FA9] =	sst s0  }
0x18: {  	s0 =	sld [smem:$0x3F8C];
	_ =	swait.ge [sflag:s4], $0x0  }
0x19: {  	s7 =	sld [smem:$0x3F8D]  }
0x1a: {  	s8 =	sadd.s32 $0xFFFFE003, lr  }
0x1b: {  	s9 =	sadd.s32 $0xFFFFFEF7, lr;
	s5 =	simm.s32 $0xFFFFFFFF;
	p2 =	slt.u32 s8, $0xFFFFF086  }
0x1c: {  	p1 =	slt.u32 s9, $0xF7A;
	s5 =	simm.s32 @!p2 $0x0  }
0x1d: {  	s5 =	simm.s32 @p1 $0x1;
	p0 =	seq.s32 s7, s2  }
0x1e: {  	s7 =	smul.u32 @!p0 $0xF7A, s2;
	p2 =	seq.s32 @!p0 s5, $0x0  }
0x1f: {  	s9 =	smul.u32 $0xF7A, s1;
	s8 =	simm.s32 @!p0 $0x1BF5;
	p2 =	por !p2, p0  }
0x20: {  	[sflag:s8] =	ssyncset.s32 @!p0 $0xFFFFF086;
	s6 =	sadd.s32 @!p0 s3, s7;
	s7 =	simm.s32 @!p0 $0x108  }
0x21: {  	s3 =	sadd.s32 s3, s9;
	s6 =	sadd.s32 @!p0 $0x88, s6;
	s7 =	simm.s32 @p2 $0x1082  }
0x22: {  	[simem:s7], [sflag:s8] =	dma.local @!p0 [hbm:s6], $0xF7A  }
0x23: {  	s9 =	sor.u32 $0xD0000000, s2;
	s6 =	simm.s32 $0x108;
	_ =	swait.ge @!p0 [sflag:s8], $0x0  }
0x24: {  	s3 =	sadd.s32 $0x88, s3;
	s6 =	simm.s32 @!p1 $0x1082;
	[sflag:s4] =	ssyncset.s32 $0xFFFFF086  }
0x25: {  	[simem:s6], [sflag:s4] =	dma.local [hbm:s3], $0xF7A  }
0x26: {  	[smem:$0x3F8D] =	sst s1;
	(tag) =	ssettag s2;
	_ =	strace s9  }
0x27: {  	s1 =	sld [smem:$0x3F9D]  }
0x28: {  	s2 =	sld [smem:$0x3F9E]  }
0x29: {  	s4 =	sld [smem:$0x3FA0]  }
0x2a: {  	p0 =	seq.s32 s5, $0x0;
	s5 =	sld [smem:$0x3FA1]  }
0x2b: {  	s6 =	sld [smem:$0x3FA2]  }
0x2c: {  	s7 =	sld [smem:$0x3FA3]  }
0x2d: {  	s3 =	simm.s32 $0x108;
	s8 =	sld [smem:$0x3FA4]  }
0x2e: {  	s3 =	simm.s32 @!p0 $0x1082;
	s9 =	sld [smem:$0x3FA5]  }
0x2f: {  	lr =	sadd.s32 s0, s3;
	s0 =	sld [smem:$0x3F9C]  }
0x30: {  	s3 =	sld [smem:$0x3F9F]  }
0x31: {  	[smem:$0x3FA8] =	sst s10  }
0x32: {  	s10 =	sld [smem:$0x3FA6];
	_ =	sdelay $0x3  }
0x33: {  	p0 =	seq.s32 s10, $0x1;
	s10 =	sld [smem:$0x3FA8];
	_ =	sdelay $0x3  }
0x34: {  	[smem:$0x3FA8] =	sst s10  }
0x35: {  	s10 =	sld [smem:$0x3FA7];
	_ =	sdelay $0x3  }
0x36: {  	p1 =	seq.s32 s10, $0x1;
	s10 =	sld [smem:$0x3FA8];
	_ =	sdelay $0x3  }
0x37: {  	[smem:$0x3FA8] =	sst s10  }
0x38: {  	s10 =	sld [smem:$0x3FA9]  }
0x39: {  	_ = 	snop;
	(pc) =	sbr.ind lr, $3  }
0x3a: {  	_ = 	snop  }
0x3b: {  	_ = 	snop  }
0x3c: {  	p2 =	seq.s32 s10, $0x1;
	s10 =	sld [smem:$0x3FA8]  }
0x3d: {  	_ =	shalt  }
0x3e: {  	_ =	shalt  }
0x3f: {  	_ =	shalt  }
0x40: {  	_ =	shalt  }
0x41: {  	_ =	shalt  }
0x42: {  	_ =	shalt  }
0x43: {  	_ =	shalt  }
0x44: {  	_ =	shalt  }
0x45: {  	_ =	shalt  }
0x46: {  	_ =	shalt  }
0x47: {  	_ =	shalt  }
0x48: {  	_ =	shalt  }
0x49: {  	_ =	shalt  }
0x4a: {  	_ =	shalt  }
0x4b: {  	_ =	shalt  }
0x4c: {  	_ =	shalt  }
0x4d: {  	_ =	shalt  }
0x4e: {  	_ =	shalt  }
0x4f: {  	_ =	shalt  }
0x50: {  	_ =	shalt  }
0x51: {  	_ =	shalt  }
0x52: {  	_ =	shalt  }
0x53: {  	_ =	shalt  }
0x54: {  	_ =	shalt  }
0x55: {  	_ =	shalt  }
0x56: {  	_ =	shalt  }
0x57: {  	_ =	shalt  }
0x58: {  	_ =	shalt  }
0x59: {  	_ =	shalt  }
0x5a: {  	_ =	shalt  }
0x5b: {  	_ =	shalt  }
0x5c: {  	_ =	shalt  }
0x5d: {  	_ =	shalt  }
0x5e: {  	_ =	shalt  }
0x5f: {  	_ =	shalt  }
0x60: {  	_ =	shalt  }
0x61: {  	_ =	shalt  }
0x62: {  	_ =	shalt  }
0x63: {  	_ =	shalt  }
0x64: {  	_ =	shalt  }
0x65: {  	_ =	shalt  }
0x66: {  	_ =	shalt  }
0x67: {  	_ =	shalt  }
0x68: {  	_ =	shalt  }
0x69: {  	_ =	shalt  }
0x6a: {  	_ =	shalt  }
0x6b: {  	_ =	shalt  }
0x6c: {  	_ =	shalt  }
0x6d: {  	_ =	shalt  }
0x6e: {  	_ =	shalt  }
0x6f: {  	_ =	shalt  }
0x70: {  	_ =	shalt  }
0x71: {  	_ =	shalt  }
0x72: {  	_ =	shalt  }
0x73: {  	_ =	shalt  }
0x74: {  	_ =	shalt  }
0x75: {  	_ =	shalt  }
0x76: {  	_ =	shalt  }
0x77: {  	_ =	shalt  }
0x78: {  	_ =	shalt  }
0x79: {  	_ =	shalt  }
0x7a: {  	_ =	shalt  }
0x7b: {  	_ =	shalt  }
0x7c: {  	_ =	shalt  }
0x7d: {  	_ =	shalt  }
0x7e: {  	_ =	shalt  }
0x7f: {  	_ =	shalt  }
0x80: {  	_ =	shalt  }
0x81: {  	_ =	shalt  }
0x82: {  	_ =	shalt  }
0x83: {  	_ =	shalt  }
0x84: {  	_ =	shalt  }
0x85: {  	_ =	shalt  }
0x86: {  	_ =	shalt  }
0x87: {  	_ =	shalt  }
.Lfunc_end0:
.L_simem_size_0:
called_computation.4_lowered:
.L_overlay_start_0:
0x88: {  	s2 =	sld [smem:$0x3FD9]  }
0x89: {  	s3 =	sld [smem:$0x3FFE];
	_ =	sdelay $0x1  }
0x8a: {  	s1 =	srdreg.scid  }
0x8b: {  	s0 =	sand.u32 $0x1, s1  }
0x8c: {  	s16 =	sshll.u32 s0, $0xA;
	s2 =	sadd.s32 s3, s2  }
0x8d: {  	s2 =	sadd.s32 s2, s16  }
0x8e: {  	[smem:$0x3FB4] =	sst s2  }
0x8f: {  	_ = 	snop  }
0x90: {  	(tm) =	ssettm $0x1  }
0x91: {  	s17 =	sld [smem:$0x3FFB];
	_ =	sdelay $0x3  }
0x92: {  	_ =	strace s17  }
0x93: {  	s2 =	sld [smem:$0x3FFC];
	_ =	sdelay $0x3  }
0x94: {  	_ =	strace s2  }
0x95: {  	s2 =	sld [smem:$0x3FFD];
	_ =	sdelay $0x3  }
0x96: {  	_ =	strace s2  }
0x97: {  	_ =	strace $0x8FFFFFFF  }
0x98: {  	s18 =	sld [smem:$0x3FDB];
	_ =	sdelay $0x1  }
0x99: {  	s19 =	simm.s32 $_scs_section_size  }
0x9a: {  	s4 =	simm.s32 $_size__tile_overlayer_lowered;
	s5 =	simm.s32 $_tile_overlayer_lowered  }
0x9b: {  	s22 =	simm.s32 $0x1BFF;
	s21 =	sshll.u32 s5, $0x1;
	s2 =	sadd.s32 s19, s18  }
0x9c: {  	s6 =	simm.s32 $0x0;
	s20 =	sshll.u32 s4, $0x1;
	s4 =	sadd.s32 s21, s2  }
0x9d: {  	[timem:s6], [sflag:s22] =	dma.local [hbm:s4], s20  }
0x9e: {  	_ =	swait.ge [sflag:s22], s20  }
0x9f: {  	s3 =	ssub.s32 $0x0, s20;
	[sflag:s22] =	ssyncset.done $0x0  }
0xa0: {  	[sflag:s22] =	ssyncadd.s32 s3;
	_ =	sdelay $0x1  }
0xa1: {  	s23 =	simm.s32 $0x1B8B  }
0xa2: {  	_ =	swait.ge [sflag:s23], $0x1  }
0xa3: {  	[sflag:s23] =	ssyncset.done $0x0  }
0xa4: {  	s25 =	simm.s32 $0x1B8E;
	s24 =	sld [smem:$0x3FFE];
	[sflag:s23] =	ssyncadd.s32 $0xFFFFFFFF  }
0xa5: {  	s26 =	simm.s32 $execute0_lowered;
	[smem:$0x3FD2] =	sst s25  }
0xa6: {  	s4 =	sshll.u32 s26, $0x1;
	_ =	strace $0x80000052;
	[dreg:$0x1] =	wrdreg $0xFFFFFFFF  }
0xa7: {  	s28 =	simm.s32 $_size_execute0_lowered;
	s2 =	sadd.s32 s2, s4;
	[dreg:$0x0] =	wrdreg $0x0  }
0xa8: {  	s4 =	sshll.u32 s28, $0x1;
	[dreg:$0x2] =	wrdreg s2  }
0xa9: {  	[dreg:$0x3] =	wrdreg s4  }
0xaa: {  	[dreg:$0x4] =	wrdreg $0xC0  }
0xab: {  	_ =	task [dreg:s6], $0x5FFFF  }
0xac: {  	[dreg:$0x1] =	wrdreg $0xFFFFFFFF  }
0xad: {  	[dreg:$0x0] =	wrdreg $0x60  }
0xae: {  	[dreg:$0x2] =	wrdreg s24  }
0xaf: {  	[dreg:$0x3] =	wrdreg $0xE4200  }
0xb0: {  	[dreg:$0x4] =	wrdreg $0x9  }
0xb1: {  	_ =	task.clear_ibuf [dreg:s6], $0x5FFFF;
	_ =	strace $0x90000052  }
0xb2: {  	s29 =	simm.s32 $0x9;
	_ =	strace $0x80000054  }
0xb3: {  	_ =	swait.ge [sflag:s29], $0x1  }
0xb4: {  	[sflag:s29] =	ssyncadd.s32 $0xFFFFFFFF  }
0xb5: {  	_ =	strace $0x90000054  }
0xb6: {  	_ =	sfence  }
0xb7: {  	s30 =	sld [smem:$0x0];
	_ =	sdelay $0x2  }
0xb8: {  	s31 =	sshll.u32 s1, $0xD;
	s1 =	sshrl.u32 s1, $0x2  }
0xb9: {  	s3 =	sand.u32 $0x4000, s31;
	s1 =	sadd.s32 s1, s30  }
0xba: {  	s0 =	sor.u32 s3, s0;
	s1 =	sshll.u32 s1, $0x11  }
0xbb: {  	s0 =	sor.u32 s1, s0  }
0xbc: {  	s0 =	sadd.s32 $0x8F2B, s0  }
0xbd: {  	[sflag:s0] =	ssyncadd.remote.s32 $0x1  }
0xbe: {  	_ =	sfence.sel $0xFFFF  }
0xbf: {  	[dreg:$0x0] =	wrdreg $0xFFFFFFFF;
	(pc) =	sbr.abs _section_cstart, $3  }
0xc0: {  	[dreg:$0x1] =	wrdreg $0xFFFFFFFF  }
0xc1: {  	_ =	task.clear_ibuf [dreg:s6], $0x2FFFF;
	_ =	strace $0x9FFFFFFF  }
0xc2: {  	(tm) =	ssettm $0x7FFFFFFF  }
0xc3: {  	_ =	shalt  }
tec
execute0_lowered:
.L_overlay_start_1:
0x0: {  	(tag) =	ssettag $0x1  }
0x1: {  	s0 =	rddreg [dreg:$0x0];
	s1 =	srdreg.scid  }
0x2: {  	s2 =	rddreg [dreg:$0x1];
	s10 =	stileid.u32  }
0x3: {  	s3 =	simm.s32 $0x0;
	s13 =	simm.s32 $0x1;
	s14 =	simm.s32 $0x8  }
0x4: {  	s15 =	simm.s32 $0x10;
	s16 =	simm.s32 $0x2710;
	s17 =	simm.s32 $0x2  }
0x5: {  	s18 =	simm.s32 $0xC8;
	s19 =	simm.s32 $0x4E20;
	s20 =	simm.s32 $0x8020  }
0x6: {  	s21 =	simm.s32 $0x4;
	s23 =	simm.s32 $0xB220;
	s26 =	simm.s32 $0x3  }
0x7: {  	s29 =	simm.s32 $0x5;
	s31 =	simm.s32 $0x6;
	s22 =	simm.s32 $0x7  }
0x8: {  	s24 =	simm.s32 $0x0;
	s1 =	sand.u32 $0x1, s1;
	s5 =	smul.u32 $0x14000, s10  }
0x9: {  	[smem:$0x7FF] =	sst s3;
	s30 =	smul.u32 $0x28000, s10;
	s4 =	sshll.u32 s1, $0x4  }
0xa: {  	s7 =	sshll.u32 s1, $0x6;
	_ =	strace $0x80000053;
	s1 =	ssub.s32 $0x2, s1  }
0xb: {  	s4 =	sor.u32 s10, s4;
	s5 =	sor.u32 s7, s5;
	s8 =	sshrl.u32 s1, $0x1  }
0xc: {  	s7 =	sshrl.u32 s30, $0x2;
	s6 =	smul.u32 $0x4E2, s4;
	s4 =	sadd.s32 $0x1C800, s0  }
0xd: {  	s28 =	sshrl.u32 s5, $0x3;
	s1 =	ssub.s32 s1, s8;
	s12 =	sadd.s32 s7, s2  }
0xe: {  	s5 =	sadd.s32 $0x1A000, s0;
	s11 =	smax.u32 s1, $0x1;
	s12 =	sshrl.u32 s12, $0x3  }
0xf: {  	s1 =	simm.s32 $0x4D58;
	s9 =	sadd.s32 s6, s0;
	s6 =	sshll.u32 s10, $0x6  }
0x10: {  	s0 =	sadd.s32 s28, s0;
	s7 =	sor.u32 $0x1C04, s6;
	s8 =	sadd.s32 $0xDA00, s9  }
0x11: {  	s9 =	sadd.s32 $0x3C00, s9;
	s10 =	sadd.s32 $0x30200, s0;
	s0 =	simm.s32 $0x4C90  }
.LBB2_1:
0x12: {  	[spmem:s12@s14], [sflag:s7] =	dma.strided [hbm:s5@s15], $0x1400, s13, $0x8   }
0x13: {  	[tilespmem:s3], [sflag:$0x1] =	stream.linear.gather [hbm4b:s8+s3], $0x2710, $0x38;
	[tilespmem:$0x18420] =	vst v63  }
0x14: {  	_ = 	snop  }
0x15: {  	[tilespmem:s16], [sflag:$0x2] =	stream.linear.gather [hbm4b:s9+s3], $0x2710, $0x38;
	[tilespmem:$0x18420] =	vst v63  }
0x16: {  	_ =	swait.ge [sflag:s13], $0x2710  }
0x17: {  	[sflag:s13] =	ssyncset.done $0x0  }
0x18: {  	[sflag:s13] =	ssyncadd.s32 $0xFFFFD8F0  }
0x19: {  	_ =	swait.ge [sflag:s17], $0x2710  }
0x1a: {  	[sflag:s17] =	ssyncset.done $0x0  }
0x1b: {  	[sflag:s17] =	ssyncadd.s32 $0xFFFFD8F0  }
0x1c: {  	[tilespmem:s19], [sflag:$0x1] =	stream.indirect.gather [hbm4b:s4+s18], $0x40, s3, s18, $0xb8;
	[tilespmem:$0x18420] =	vst v63  }
0x1d: {  	_ = 	snop  }
0x1e: {  	[tilespmem:s20], [sflag:$0x2] =	stream.indirect.gather [hbm4b:s4+s18], $0x40, s18, s18, $0xb8;
	[tilespmem:$0x18420] =	vst v63  }
0x1f: {  	_ =	swait.ge [sflag:s21], $0x1400  }
0x20: {  	[sflag:s21] =	ssyncset.done $0x0  }
0x21: {  	[sflag:s21] =	ssyncadd.s32 $0xFFFFEC00  }
0x22: {  	[bflag:$0x0] =	sbarrier.arrive $0xFFFF  }
0x23: {  	_ =	swait.ge [sflag:s13], $0x3200  }
0x24: {  	[sflag:s13] =	ssyncset.done $0x0  }
0x25: {  	[sflag:s13] =	ssyncadd.s32 $0xFFFFCE00  }
0x26: {  	[spmem:s2] =	stream.indirect.scatter.add.f32 [tilespmem:s19], [sflag:$0x4], $0x40, s16, s18, $0xb8;
	[tilespmem:$0x18420] =	vst v63  }
0x27: {  	s25 =	simm.s32 $0x190  }
0x28: {  	[tilespmem:s23], [sflag:$0x3] =	stream.indirect.gather [hbm4b:s4+s18], $0x40, s25, s18, $0xb8;
	[tilespmem:$0x18420] =	vst v63  }
0x29: {  	_ =	swait.ge [sflag:s17], $0x3200  }
0x2a: {  	[sflag:s17] =	ssyncset.done $0x0  }
0x2b: {  	s30 =	simm.s32 $0x27D8;
	[sflag:s17] =	ssyncadd.s32 $0xFFFFCE00  }
0x2c: {  	[spmem:s2] =	stream.indirect.scatter.add.f32 [tilespmem:s20], [sflag:$0x5], $0x40, s30, s18, $0xb8;
	[tilespmem:$0x18420] =	vst v63  }
0x2d: {  	_ =	swait.ge [sflag:s21], $0x3200  }
0x2e: {  	[sflag:s21] =	ssyncset.done $0x0  }
0x2f: {  	s30 =	simm.s32 $0x258;
	[sflag:s21] =	ssyncadd.s32 $0xFFFFCE00  }
0x30: {  	[tilespmem:s19], [sflag:$0x1] =	stream.indirect.gather [hbm4b:s4+s18], $0x40, s30, s18, $0xb8;
	[tilespmem:$0x18420] =	vst v63  }
0x31: {  	_ =	swait.ge [sflag:s26], $0x3200  }
0x32: {  	[sflag:s26] =	ssyncset.done $0x0  }
0x33: {  	s30 =	simm.s32 $0x28A0;
	[sflag:s26] =	ssyncadd.s32 $0xFFFFCE00  }
0x34: {  	[spmem:s2] =	stream.indirect.scatter.add.f32 [tilespmem:s23], [sflag:$0x6], $0x40, s30, s18, $0xb8;
	[tilespmem:$0x18420] =	vst v63  }
0x35: {  	_ =	swait.ge [sflag:s29], $0x3200  }
0x36: {  	[sflag:s29] =	ssyncset.done $0x0  }
0x37: {  	s30 =	simm.s32 $0x320;
	[sflag:s29] =	ssyncadd.s32 $0xFFFFCE00  }
0x38: {  	[tilespmem:s20], [sflag:$0x2] =	stream.indirect.gather [hbm4b:s4+s18], $0x40, s30, s18, $0xb8;
	[tilespmem:$0x18420] =	vst v63  }
0x39: {  	_ =	swait.ge [sflag:s13], $0x3200  }
0x3a: {  	[sflag:s13] =	ssyncset.done $0x0  }
0x3b: {  	s30 =	simm.s32 $0x2968;
	[sflag:s13] =	ssyncadd.s32 $0xFFFFCE00  }
0x3c: {  	[spmem:s2] =	stream.indirect.scatter.add.f32 [tilespmem:s19], [sflag:$0x4], $0x40, s30, s18, $0xb8;
	[tilespmem:$0x18420] =	vst v63  }
0x3d: {  	_ =	swait.ge [sflag:s31], $0x3200  }
0x3e: {  	[sflag:s31] =	ssyncset.done $0x0  }
0x3f: {  	s30 =	simm.s32 $0x3E8;
	[sflag:s31] =	ssyncadd.s32 $0xFFFFCE00  }
0x40: {  	[tilespmem:s23], [sflag:$0x3] =	stream.indirect.gather [hbm4b:s4+s18], $0x40, s30, s18, $0xb8;
	[tilespmem:$0x18420] =	vst v63  }
0x41: {  	_ =	swait.ge [sflag:s17], $0x3200  }
0x42: {  	[sflag:s17] =	ssyncset.done $0x0  }
0x43: {  	s30 =	simm.s32 $0x2A30;
	[sflag:s17] =	ssyncadd.s32 $0xFFFFCE00  }
0x44: {  	[spmem:s2] =	stream.indirect.scatter.add.f32 [tilespmem:s20], [sflag:$0x5], $0x40, s30, s18, $0xb8;
	[tilespmem:$0x18420] =	vst v63  }
0x45: {  	_ =	swait.ge [sflag:s21], $0x3200  }
0x46: {  	[sflag:s21] =	ssyncset.done $0x0  }
0x47: {  	s30 =	simm.s32 $0x4B0;
	[sflag:s21] =	ssyncadd.s32 $0xFFFFCE00  }
0x48: {  	[tilespmem:s19], [sflag:$0x1] =	stream.indirect.gather [hbm4b:s4+s18], $0x40, s30, s18, $0xb8;
	[tilespmem:$0x18420] =	vst v63  }
0x49: {  	_ =	swait.ge [sflag:s26], $0x3200  }
0x4a: {  	[sflag:s26] =	ssyncset.done $0x0  }
0x4b: {  	s30 =	simm.s32 $0x2AF8;
	[sflag:s26] =	ssyncadd.s32 $0xFFFFCE00  }
0x4c: {  	[spmem:s2] =	stream.indirect.scatter.add.f32 [tilespmem:s23], [sflag:$0x6], $0x40, s30, s18, $0xb8;
	[tilespmem:$0x18420] =	vst v63  }
0x4d: {  	_ =	swait.ge [sflag:s29], $0x3200  }
0x4e: {  	[sflag:s29] =	ssyncset.done $0x0  }
0x4f: {  	s28 =	simm.s32 $0x578;
	s25 =	simm.s32 $0x960;
	[sflag:s29] =	ssyncadd.s32 $0xFFFFCE00  }
.LBB2_2:
0x50: {  	[tilespmem:s20], [sflag:$0x2] =	stream.indirect.gather [hbm4b:s4+s18], $0x40, s28, s18, $0xb8;
	[tilespmem:$0x18420] =	vst v63  }
0x51: {  	s28 =	smov.u32 s25  }
0x52: {  	p0 =	sne.s32 s25, $0x8340;
	s25 =	sadd.s32 $0x960, s25;
	_ =	swait.ge [sflag:s13], $0x3200  }
0x53: {  	s28 =	sshra.s32 s28, $0x2;
	[sflag:s13] =	ssyncset.done $0x0  }
0x54: {  	s30 =	sadd.s32 $0x2968, s28;
	[sflag:s13] =	ssyncadd.s32 $0xFFFFCE00  }
0x55: {  	[spmem:s2] =	stream.indirect.scatter.add.f32 [tilespmem:s19], [sflag:$0x4], $0x40, s30, s18, $0xb8;
	[tilespmem:$0x18420] =	vst v63  }
0x56: {  	_ =	swait.ge [sflag:s31], $0x3200  }
0x57: {  	[sflag:s31] =	ssyncset.done $0x0  }
0x58: {  	s30 =	sadd.s32 $0x3E8, s28;
	[sflag:s31] =	ssyncadd.s32 $0xFFFFCE00  }
0x59: {  	[tilespmem:s23], [sflag:$0x3] =	stream.indirect.gather [hbm4b:s4+s18], $0x40, s30, s18, $0xb8;
	[tilespmem:$0x18420] =	vst v63  }
0x5a: {  	_ =	swait.ge [sflag:s17], $0x3200  }
0x5b: {  	[sflag:s17] =	ssyncset.done $0x0  }
0x5c: {  	s30 =	sadd.s32 $0x2A30, s28;
	[sflag:s17] =	ssyncadd.s32 $0xFFFFCE00  }
0x5d: {  	[spmem:s2] =	stream.indirect.scatter.add.f32 [tilespmem:s20], [sflag:$0x5], $0x40, s30, s18, $0xb8;
	[tilespmem:$0x18420] =	vst v63  }
0x5e: {  	_ =	swait.ge [sflag:s21], $0x3200  }
0x5f: {  	[sflag:s21] =	ssyncset.done $0x0  }
0x60: {  	s30 =	sadd.s32 $0x4B0, s28;
	[sflag:s21] =	ssyncadd.s32 $0xFFFFCE00  }
0x61: {  	[tilespmem:s19], [sflag:$0x1] =	stream.indirect.gather [hbm4b:s4+s18], $0x40, s30, s18, $0xb8;
	[tilespmem:$0x18420] =	vst v63  }
0x62: {  	_ =	swait.ge [sflag:s26], $0x3200  }
0x63: {  	[sflag:s26] =	ssyncset.done $0x0  }
.Ltmp0:
0x64: {  	s30 =	sadd.s32 $0x2AF8, s28;
	[sflag:s26] =	ssyncadd.s32 $0xFFFFCE00;
	(pc) =	sbr.rel @p0 .LBB2_2-.Ltmp0, $4  }
0x65: {  	[spmem:s2] =	stream.indirect.scatter.add.f32 [tilespmem:s23], [sflag:$0x6], $0x40, s30, s18, $0xb8;
	[tilespmem:$0x18420] =	vst v63  }
0x66: {  	_ =	swait.ge [sflag:s29], $0x3200  }
0x67: {  	[sflag:s29] =	ssyncset.done $0x0  }
0x68: {  	s28 =	sadd.s32 $0x578, s28;
	[sflag:s29] =	ssyncadd.s32 $0xFFFFCE00  }
0x69: {  	[tilespmem:s20], [sflag:$0x2] =	stream.indirect.gather [hbm4b:s4+s18], $0x40, s28, s18, $0xb8;
	[tilespmem:$0x18420] =	vst v63  }
0x6a: {  	_ =	swait.ge [sflag:s13], $0x3200  }
0x6b: {  	[sflag:s13] =	ssyncset.done $0x0  }
0x6c: {  	[sflag:s13] =	ssyncadd.s32 $0xFFFFCE00  }
0x6d: {  	[spmem:s2] =	stream.indirect.scatter.add.f32 [tilespmem:s19], [sflag:$0x4], $0x40, s0, s18, $0xb8;
	[tilespmem:$0x18420] =	vst v63  }
0x6e: {  	_ =	swait.ge [sflag:s17], $0x3200  }
0x6f: {  	[sflag:s17] =	ssyncset.done $0x0  }
0x70: {  	[sflag:s17] =	ssyncadd.s32 $0xFFFFCE00  }
0x71: {  	[spmem:s2] =	stream.indirect.scatter.add.f32 [tilespmem:s20], [sflag:$0x5], $0x40, s1, s18, $0xb8;
	[tilespmem:$0x18420] =	vst v63  }
0x72: {  	_ =	swait.ge [sflag:s21], $0x3200  }
0x73: {  	[sflag:s21] =	ssyncset.done $0x0  }
0x74: {  	[sflag:s21] =	ssyncadd.s32 $0xFFFFCE00  }
0x75: {  	_ =	swait.ge [sflag:s29], $0x3200  }
0x76: {  	[sflag:s29] =	ssyncset.done $0x0  }
0x77: {  	[sflag:s29] =	ssyncadd.s32 $0xFFFFCE00  }
0x78: {  	_ =	swait.ge [sflag:s31], $0x3200  }
0x79: {  	s24 =	sadd.s32 $0x1, s24;
	[sflag:s31] =	ssyncset.done $0x0  }
0x7a: {  	p0 =	sne.s32 s24, s11;
	[sflag:s31] =	ssyncadd.s32 $0xFFFFCE00  }
.Ltmp1:
0x7b: {  	s25 =	sor.u32 $0x1C07, s6;
	[bflag:$0x0] =	sbarrier.arrive $0xFFFF;
	(pc) =	sbr.rel @p0 .LBB2_1-.Ltmp1, $4  }
0x7c: {  	[hbm:s10@s15], [sflag:s25] =	dma.strided [spmem:s12@s14], $0x1400, s13, $0x8   }
0x7d: {  	_ =	swait.ge [sflag:s22], $0x1400  }
0x7e: {  	[sflag:s22] =	ssyncset.done $0x0  }
0x7f: {  	[sflag:s22] =	ssyncadd.s32 $0xFFFFEC00  }
0x80: {  	_ =	sfence.sel $0x180000  }
0x81: {  	[bflag:$0x0] =	sbarrier.arrive $0xFFFF  }
0x82: {  	_ =	strace $0x90000053  }
0x83: {  	s0 =	stileid.u32;
	[bflag:$0x2] =	sbarrier.arrive $0xFFFF  }
0x84: {  	p0 =	sne.s32 s0, $0x0;
	s0 =	rddreg [dreg:$0x2]  }
0x85: {  	s0 =	sadd.s32 @!p0 $0x100000, s0  }
0x86: {  	[sflag:s0] =	ssyncadd.tile.s32 @!p0 $0x1;
	_ =	shalt  }
.Lfunc_end2:
_tile_overlayer_lowered:
.L_overlay_start_2:
0x87: {  	(tag) =	ssettag $0x2  }
0x88: {  	s0 =	rddreg [dreg:$0x0];
	s2 =	stileid.u32  }
0x89: {  	s1 =	rddreg [dreg:$0x1];
	p0 =	sne.s32 s2, $0x0  }
0x8a: {  	s3 =	rddreg [dreg:$0x2];
	[bflag:$0x3] =	sbarrier.arrive $0xFFFF;
	s2 =	simm.s32 @!p0 $0x1C07  }
0x8b: {  	[timem:s3], [sflag:s2] =	dma.local @!p0 [hbm:s0], s1  }
0x8c: {  	s0 =	simm.s32 @!p0 $0x7  }
0x8d: {  	_ =	swait.ge @!p0 [sflag:s0], s1  }
0x8e: {  	s1 =	ssub.s32 @!p0 $0x0, s1;
	[sflag:s0] =	ssyncset.done @!p0 $0x0  }
0x8f: {  	[sflag:s0] =	ssyncadd.s32 @!p0 s1  }
0x90: {  	[bflag:$0x3] =	sbarrier.arrive $0xFFFF  }
0x91: {  	_ =	shalt  }

</sc_bundles>
